<compile_context>
chip_gen: v7x
topology: tpu7x:2x2x1
jax: 0.10.2.dev20260603
libtpu: 0.0.44.dev20260713+nightly
codegen_flags: <defaults>
</compile_context>

<pallas_src>
import functools

import jax
import jax.numpy as jnp
from jax import lax
from jax.experimental import pallas as pl
from jax.experimental.pallas import tpu as pltpu
from jax.experimental.pallas import tpu_sc as plsc

N_NODES = 10000
D = 128
E = 320000
R = 2.0
T = 1.0
EPS = 1e-6

NC = 2
NS = 16
NW = NC * NS
E_PER_W = E // NW
CB = 80
NCHUNK = E_PER_W // CB
NG = CB // 16
GE = 16
NPAIR = (NCHUNK + 1) // 2


def _sc_body(h_hbm, idx0_hbm, idx1_hbm, out_hbm,
             idx0_w, idx1_w, rows0_v, rows1_v, out_w,
             s00, s10, s01, s11):
    c = lax.axis_index("c")
    s = lax.axis_index("s")
    wid = s * NC + c
    lane = lax.iota(jnp.int32, 16)
    two_e0 = jnp.where(lane == 0, 2.0, 0.0).astype(jnp.float32)
    sems = ((s00, s10), (s01, s11))

    pltpu.sync_copy(idx0_hbm.at[wid], idx0_w)
    pltpu.sync_copy(idx1_hbm.at[wid], idx1_w)

    def fire(ci, b):
        pltpu.make_async_copy(
            h_hbm.at[idx0_w.at[ci]], rows0_v.at[b], sems[b][0]).start()
        pltpu.make_async_copy(
            h_hbm.at[idx1_w.at[ci]], rows1_v.at[b], sems[b][1]).start()

    def wait(b):
        pltpu.make_async_copy(
            h_hbm.at[idx0_w.at[0]], rows0_v.at[b], sems[b][0]).wait()
        pltpu.make_async_copy(
            h_hbm.at[idx1_w.at[0]], rows1_v.at[b], sems[b][1]).wait()

    lane15 = lane == 15

    def compute(ci, b):
        r0 = rows0_v.at[b]
        r1 = rows1_v.at[b]
        ci_v = jnp.full((16,), 0, jnp.int32) + ci

        def group_body(g, gcarry):
            base_e = g * GE
            base_v = jnp.full((16,), 0, jnp.int32) + base_e

            def load(e):
                ei = base_e + e
                return ([r0[ei, pl.ds(16 * j, 16)] for j in range(8)],
                        [r1[ei, pl.ds(16 * j, 16)] for j in range(8)])

            def emit(e, ab):
                a, b = ab
                p = [a[j] * b[j] for j in range(8)]
                t = ((p[0] + p[1]) + (p[2] + p[3])) \
                    + ((p[4] + p[5]) + (p[6] + p[7]))
                cs = plsc.cumsum(p[0] * two_e0 - t)
                plsc.store_scatter(out_w, [ci_v, base_v + e], cs,
                                   mask=lane15)

            b0 = load(0)
            b1 = load(1)
            for e in range(2, GE):
                b2 = load(e)
                emit(e - 2, b0)
                b0, b1 = b1, b2
            emit(GE - 2, b0)
            emit(GE - 1, b1)
            return gcarry

        lax.fori_loop(0, CB // GE, group_body, 0)

    fire(0, 0)

    def pair_body(k, carry):
        for b in range(2):
            ci = 2 * k + b

            @pl.when(ci < NCHUNK)
            def _():
                wait(b)

                @pl.when(ci + 1 < NCHUNK)
                def _():
                    fire(ci + 1, 1 - b)

                compute(ci, b)
        return carry

    lax.fori_loop(0, NPAIR, pair_body, 0)
    pltpu.sync_copy(out_w, out_hbm.at[wid])


_sc_neg_ldot = functools.partial(
    pl.kernel,
    mesh=plsc.VectorSubcoreMesh(core_axis_name="c", subcore_axis_name="s"),
    out_type=jax.ShapeDtypeStruct((NW, NCHUNK, CB), jnp.float32),
    compiler_params=pltpu.CompilerParams(needs_layout_passes=False),
    scratch_types=[
        pltpu.VMEM((NCHUNK, CB), jnp.int32),
        pltpu.VMEM((NCHUNK, CB), jnp.int32),
        pltpu.VMEM((2, CB, D), jnp.float32),
        pltpu.VMEM((2, CB, D), jnp.float32),
        pltpu.VMEM((NCHUNK, CB), jnp.float32),
        pltpu.SemaphoreType.DMA,
        pltpu.SemaphoreType.DMA,
        pltpu.SemaphoreType.DMA,
        pltpu.SemaphoreType.DMA,
    ],
)(_sc_body)


def _tail_body(x_ref, o_ref):
    x = jnp.maximum(x_ref[...], 1.0 + EPS)
    d = jnp.log(x + jnp.sqrt((x - 1.0) * (x + 1.0)))
    sq = d * d
    o_ref[...] = 1.0 / (jnp.exp((sq - R) / T) + 1.0)


_tail = pl.pallas_call(
    _tail_body,
    out_shape=jax.ShapeDtypeStruct((E // D, D), jnp.float32),
)


@jax.jit
def kernel(h, idx):
    idx0 = idx[:, 0].reshape(NW, NCHUNK, CB)
    idx1 = idx[:, 1].reshape(NW, NCHUNK, CB)
    neg_ldot = _sc_neg_ldot(h, idx0, idx1)
    probs = _tail(neg_ldot.reshape(E // D, D))
    return probs.reshape(E)

# --- scband reference (transcript-rebuilt; emitter-appended) ---
"""Pipeline reference for scband-lpmodel-40767829574240 (READ-ONLY COPY).

The authoritative reference and input builder live on the scoring server;
editing this copy changes nothing except your own understanding.
"""

import jax, jax.numpy as jnp
import numpy as np

N_NODES = 10000
D_FEAT = 128
N_EDGES = 320000
R = 2.0
T = 1.0
EPS = 1e-6


def setup_inputs(seed: int = 0):
    key = jax.random.key(seed)
    k1, k2 = jax.random.split(key)
    h = jax.random.normal(k1, (N_NODES, D_FEAT), dtype=jnp.float32)
    idx = jax.random.randint(k2, (N_EDGES, 2), 0, N_NODES, dtype=jnp.int32)
    return {"h": h, "idx": idx}


def _ldot(u, v):
    # Lorentzian inner product: -u0*v0 + sum_{i>0} ui*vi
    prod = u * v
    prod = prod.at[..., 0].multiply(-1.0)
    return jnp.sum(prod, axis=-1)


def reference(h, idx):
    # LPModel.decode: gather endpoint embeddings
    emb_in = jnp.take(h, idx[:, 0], axis=0)
    emb_out = jnp.take(h, idx[:, 1], axis=0)
    # LorentzManifold.sqdist (c = 1): d = arcosh(clamp(-<x,y>_L, 1+eps)); sqdist = d^2
    neg_ldot = -_ldot(emb_in, emb_out)
    x = jnp.clip(neg_ldot, 1.0 + EPS, None)
    d = jnp.arccosh(x)
    sqdist = d * d
    # FermiDiracDecoder: probs = 1 / (exp((dist - r) / t) + 1)
    probs = 1.0 / (jnp.exp((sqdist - R) / T) + 1.0)
    return probs

if __name__ == "__main__":
    import jax
    _d = setup_inputs()
    print(jax.jit(kernel)(*tuple(_d.values())))

</pallas_src>

<mosaic_0001>
#map = affine_map<(d0, d1) -> (0, 0)>
#map1 = affine_map<(d0, d1) -> (0, 0, 0)>
module attributes {stable_mosaic.version = 14 : i64} {
  func.func @_sc_body(%arg0: i32, %arg1: i32, %arg2: memref<10000x128xf32, #tpu.memory_space<hbm>>, %arg3: memref<32x125x80xi32, #tpu.memory_space<hbm>>, %arg4: memref<32x125x80xi32, #tpu.memory_space<hbm>>, %arg5: memref<32x125x80xf32, #tpu.memory_space<hbm>>, %arg6: memref<125x80xi32, #tpu.memory_space<vmem>>, %arg7: memref<125x80xi32, #tpu.memory_space<vmem>>, %arg8: memref<2x80x128xf32, #tpu.memory_space<vmem>>, %arg9: memref<2x80x128xf32, #tpu.memory_space<vmem>>, %arg10: memref<125x80xf32, #tpu.memory_space<vmem>>, %arg11: memref<!tpu.dma_semaphore, #tpu.memory_space<semaphore_mem>>, %arg12: memref<!tpu.dma_semaphore, #tpu.memory_space<semaphore_mem>>, %arg13: memref<!tpu.dma_semaphore, #tpu.memory_space<semaphore_mem>>, %arg14: memref<!tpu.dma_semaphore, #tpu.memory_space<semaphore_mem>>) attributes {dimension_semantics = [#tpu.dimension_semantics<core_parallel>, #tpu.dimension_semantics<subcore_parallel>], iteration_bounds = array<i64: 2, 16>, scalar_prefetch = 0 : i64, scratch_operands = 9 : i64, tpu.core_type = #tpu.core_type<sc_vector_subcore>, window_params = [{transform_indices = #map}, {transform_indices = #map1}, {transform_indices = #map1}, {transform_indices = #map1}]} {
    %mul3A = arith.constant 2 : i32
    %mul3A_0 = arith.muli %arg1, %mul3A : i32
    %add3A = arith.addi %mul3A_0, %arg0 : i32
    %iota3A = tpu.iota {dimensions = array<i32: 0>} : vector<16xi32>
    %eq3A = arith.constant 0 : i32
    %eq3A_1 = vector.broadcast %eq3A : i32 to vector<16xi32>
    %eq3A_2 = arith.cmpi eq, %iota3A, %eq3A_1 : vector<16xi32>
    %jit3A = arith.constant 2.000000e+00 : f32
    %jit3A_3 = arith.constant 0.000000e+00 : f32
    %broadcast_in_dim3A = vector.broadcast %jit3A : f32 to vector<16xf32>
    %broadcast_in_dim3A_4 = vector.broadcast %jit3A_3 : f32 to vector<16xf32>
    %select_n3A = arith.select %eq3A_2, %broadcast_in_dim3A, %broadcast_in_dim3A_4 : vector<16xi1>, vector<16xf32>
    "tpu.region"() ({
      %run_scoped3A = tpu.sem_alloc : memref<!tpu.dma_semaphore, #tpu.memory_space<semaphore_mem>>
      %dma_start3A_36 = arith.constant 0 : i32
      %dma_start3A_37 = arith.constant 0 : i32
      %dma_start3A_38 = tpu.memref_slice %arg3[%add3A, %dma_start3A_36, %dma_start3A_37] : memref<32x125x80xi32, #tpu.memory_space<hbm>> -> memref<1x125x80xi32, #tpu.memory_space<hbm>>
      %dma_start3A_39 = tpu.memref_squeeze %dma_start3A_38 : memref<1x125x80xi32, #tpu.memory_space<hbm>> -> memref<125x80xi32, #tpu.memory_space<hbm>>
      %dma_start3A_40 = arith.constant 0 : i32
      %dma_start3A_41 = arith.constant 0 : i32
      %dma_start3A_42 = tpu.memref_slice %arg3[%add3A, %dma_start3A_40, %dma_start3A_41] : memref<32x125x80xi32, #tpu.memory_space<hbm>> -> memref<1x125x80xi32, #tpu.memory_space<hbm>>
      %dma_start3A_43 = tpu.memref_squeeze %dma_start3A_42 : memref<1x125x80xi32, #tpu.memory_space<hbm>> -> memref<125x80xi32, #tpu.memory_space<hbm>>
      tpu.enqueue_dma source(%dma_start3A_43 : memref<125x80xi32, #tpu.memory_space<hbm>>) target(%arg6 : memref<125x80xi32, #tpu.memory_space<vmem>>) target_semaphore(%run_scoped3A : memref<!tpu.dma_semaphore, #tpu.memory_space<semaphore_mem>>)
      %dma_wait3A = arith.constant 0 : i32
      %dma_wait3A_44 = arith.constant 0 : i32
      %dma_wait3A_45 = tpu.memref_slice %arg3[%add3A, %dma_wait3A, %dma_wait3A_44] : memref<32x125x80xi32, #tpu.memory_space<hbm>> -> memref<1x125x80xi32, #tpu.memory_space<hbm>>
      %dma_wait3A_46 = tpu.memref_squeeze %dma_wait3A_45 : memref<1x125x80xi32, #tpu.memory_space<hbm>> -> memref<125x80xi32, #tpu.memory_space<hbm>>
      %dma_wait3A_47 = arith.constant 0 : i32
      %dma_wait3A_48 = arith.constant 0 : i32
      %dma_wait3A_49 = tpu.memref_slice %arg3[%add3A, %dma_wait3A_47, %dma_wait3A_48] : memref<32x125x80xi32, #tpu.memory_space<hbm>> -> memref<1x125x80xi32, #tpu.memory_space<hbm>>
      %dma_wait3A_50 = tpu.memref_squeeze %dma_wait3A_49 : memref<1x125x80xi32, #tpu.memory_space<hbm>> -> memref<125x80xi32, #tpu.memory_space<hbm>>
      tpu.wait_dma2 semaphore(%run_scoped3A : memref<!tpu.dma_semaphore, #tpu.memory_space<semaphore_mem>>) src(%dma_wait3A_50 : memref<125x80xi32, #tpu.memory_space<hbm>>) dst(%arg6 : memref<125x80xi32, #tpu.memory_space<vmem>>)
      tpu.yield
    }) : () -> ()
    "tpu.region"() ({
      %run_scoped3A = tpu.sem_alloc : memref<!tpu.dma_semaphore, #tpu.memory_space<semaphore_mem>>
      %dma_start3A_36 = arith.constant 0 : i32
      %dma_start3A_37 = arith.constant 0 : i32
      %dma_start3A_38 = tpu.memref_slice %arg4[%add3A, %dma_start3A_36, %dma_start3A_37] : memref<32x125x80xi32, #tpu.memory_space<hbm>> -> memref<1x125x80xi32, #tpu.memory_space<hbm>>
      %dma_start3A_39 = tpu.memref_squeeze %dma_start3A_38 : memref<1x125x80xi32, #tpu.memory_space<hbm>> -> memref<125x80xi32, #tpu.memory_space<hbm>>
      %dma_start3A_40 = arith.constant 0 : i32
      %dma_start3A_41 = arith.constant 0 : i32
      %dma_start3A_42 = tpu.memref_slice %arg4[%add3A, %dma_start3A_40, %dma_start3A_41] : memref<32x125x80xi32, #tpu.memory_space<hbm>> -> memref<1x125x80xi32, #tpu.memory_space<hbm>>
      %dma_start3A_43 = tpu.memref_squeeze %dma_start3A_42 : memref<1x125x80xi32, #tpu.memory_space<hbm>> -> memref<125x80xi32, #tpu.memory_space<hbm>>
      tpu.enqueue_dma source(%dma_start3A_43 : memref<125x80xi32, #tpu.memory_space<hbm>>) target(%arg7 : memref<125x80xi32, #tpu.memory_space<vmem>>) target_semaphore(%run_scoped3A : memref<!tpu.dma_semaphore, #tpu.memory_space<semaphore_mem>>)
      %dma_wait3A = arith.constant 0 : i32
      %dma_wait3A_44 = arith.constant 0 : i32
      %dma_wait3A_45 = tpu.memref_slice %arg4[%add3A, %dma_wait3A, %dma_wait3A_44] : memref<32x125x80xi32, #tpu.memory_space<hbm>> -> memref<1x125x80xi32, #tpu.memory_space<hbm>>
      %dma_wait3A_46 = tpu.memref_squeeze %dma_wait3A_45 : memref<1x125x80xi32, #tpu.memory_space<hbm>> -> memref<125x80xi32, #tpu.memory_space<hbm>>
      %dma_wait3A_47 = arith.constant 0 : i32
      %dma_wait3A_48 = arith.constant 0 : i32
      %dma_wait3A_49 = tpu.memref_slice %arg4[%add3A, %dma_wait3A_47, %dma_wait3A_48] : memref<32x125x80xi32, #tpu.memory_space<hbm>> -> memref<1x125x80xi32, #tpu.memory_space<hbm>>
      %dma_wait3A_50 = tpu.memref_squeeze %dma_wait3A_49 : memref<1x125x80xi32, #tpu.memory_space<hbm>> -> memref<125x80xi32, #tpu.memory_space<hbm>>
      tpu.wait_dma2 semaphore(%run_scoped3A : memref<!tpu.dma_semaphore, #tpu.memory_space<semaphore_mem>>) src(%dma_wait3A_50 : memref<125x80xi32, #tpu.memory_space<hbm>>) dst(%arg7 : memref<125x80xi32, #tpu.memory_space<vmem>>)
      tpu.yield
    }) : () -> ()
    %eq3A_5 = arith.constant 15 : i32
    %eq3A_6 = vector.broadcast %eq3A_5 : i32 to vector<16xi32>
    %eq3A_7 = arith.cmpi eq, %iota3A, %eq3A_6 : vector<16xi32>
    %dma_start3A = arith.constant 0 : i32
    %dma_start3A_8 = arith.constant 0 : i32
    %dma_start3A_9 = arith.constant 0 : i32
    %dma_start3A_10 = arith.constant 0 : i32
    %dma_start3A_11 = tpu.memref_slice %arg8[%dma_start3A_8, %dma_start3A_9, %dma_start3A_10] : memref<2x80x128xf32, #tpu.memory_space<vmem>> -> memref<1x80x128xf32, #tpu.memory_space<vmem>>
    %dma_start3A_12 = tpu.memref_squeeze %dma_start3A_11 : memref<1x80x128xf32, #tpu.memory_space<vmem>> -> memref<80x128xf32, #tpu.memory_space<vmem>>
    %dma_start3A_13 = arith.constant 0 : i32
    %dma_start3A_14 = tpu.memref_slice %arg6[%dma_start3A, %dma_start3A_13] : memref<125x80xi32, #tpu.memory_space<vmem>> -> memref<1x80xi32, #tpu.memory_space<vmem>>
    %dma_start3A_15 = tpu.memref_squeeze %dma_start3A_14 : memref<1x80xi32, #tpu.memory_space<vmem>> -> memref<80xi32, #tpu.memory_space<vmem>>
    %dma_start3A_16 = arith.constant 0 : i32
    %dma_start3A_17 = arith.constant 0 : i32
    %dma_start3A_18 = tpu.memref_slice %arg2[%dma_start3A_16, %dma_start3A_17] : memref<10000x128xf32, #tpu.memory_space<hbm>> -> memref<10000x128xf32, #tpu.memory_space<hbm>>
    tpu.enqueue_indirect_dma source(%dma_start3A_18 : memref<10000x128xf32, #tpu.memory_space<hbm>>) target(%dma_start3A_12 : memref<80x128xf32, #tpu.memory_space<vmem>>) offsets(%dma_start3A_15 : memref<80xi32, #tpu.memory_space<vmem>>) semaphore(%arg11 : memref<!tpu.dma_semaphore, #tpu.memory_space<semaphore_mem>>)
    %dma_start3A_19 = arith.constant 0 : i32
    %dma_start3A_20 = arith.constant 0 : i32
    %dma_start3A_21 = arith.constant 0 : i32
    %dma_start3A_22 = arith.constant 0 : i32
    %dma_start3A_23 = tpu.memref_slice %arg9[%dma_start3A_20, %dma_start3A_21, %dma_start3A_22] : memref<2x80x128xf32, #tpu.memory_space<vmem>> -> memref<1x80x128xf32, #tpu.memory_space<vmem>>
    %dma_start3A_24 = tpu.memref_squeeze %dma_start3A_23 : memref<1x80x128xf32, #tpu.memory_space<vmem>> -> memref<80x128xf32, #tpu.memory_space<vmem>>
    %dma_start3A_25 = arith.constant 0 : i32
    %dma_start3A_26 = tpu.memref_slice %arg7[%dma_start3A_19, %dma_start3A_25] : memref<125x80xi32, #tpu.memory_space<vmem>> -> memref<1x80xi32, #tpu.memory_space<vmem>>
    %dma_start3A_27 = tpu.memref_squeeze %dma_start3A_26 : memref<1x80xi32, #tpu.memory_space<vmem>> -> memref<80xi32, #tpu.memory_space<vmem>>
    %dma_start3A_28 = arith.constant 0 : i32
    %dma_start3A_29 = arith.constant 0 : i32
    %dma_start3A_30 = tpu.memref_slice %arg2[%dma_start3A_28, %dma_start3A_29] : memref<10000x128xf32, #tpu.memory_space<hbm>> -> memref<10000x128xf32, #tpu.memory_space<hbm>>
    tpu.enqueue_indirect_dma source(%dma_start3A_30 : memref<10000x128xf32, #tpu.memory_space<hbm>>) target(%dma_start3A_24 : memref<80x128xf32, #tpu.memory_space<vmem>>) offsets(%dma_start3A_27 : memref<80xi32, #tpu.memory_space<vmem>>) semaphore(%arg12 : memref<!tpu.dma_semaphore, #tpu.memory_space<semaphore_mem>>)
    %scan3A = arith.constant 0 : i32
    %scan3A_31 = arith.constant 0 : i32
    %scan3A_32 = arith.constant 63 : i32
    %scan3A_33 = arith.addi %scan3A_31, %scan3A_32 : i32
    %scan3A_34 = arith.constant 1 : i32
    scf.for %scan3A_36 = %scan3A_31 to %scan3A_33 step %scan3A_34  : i32 {
      %mul3A_37 = arith.constant 2 : i32
      %mul3A_38 = arith.muli %mul3A_37, %scan3A_36 : i32
      %add3A_39 = arith.constant 0 : i32
      %add3A_40 = arith.addi %mul3A_38, %add3A_39 : i32
      %lt3A = arith.constant 125 : i32
      %lt3A_41 = arith.cmpi slt, %add3A_40, %lt3A : i32
      %convert_element_type3A = arith.extui %lt3A_41 : i1 to i32
      %cond3A = arith.constant 0 : i32
      %cond3A_42 = arith.cmpi ne, %convert_element_type3A, %cond3A : i32
      scf.if %cond3A_42 {
        %dma_wait3A = arith.constant 0 : i32
        %dma_wait3A_52 = arith.constant 0 : i32
        %dma_wait3A_53 = arith.constant 0 : i32
        %dma_wait3A_54 = arith.constant 0 : i32
        %dma_wait3A_55 = tpu.memref_slice %arg8[%dma_wait3A_52, %dma_wait3A_53, %dma_wait3A_54] : memref<2x80x128xf32, #tpu.memory_space<vmem>> -> memref<1x80x128xf32, #tpu.memory_space<vmem>>
        %dma_wait3A_56 = tpu.memref_squeeze %dma_wait3A_55 : memref<1x80x128xf32, #tpu.memory_space<vmem>> -> memref<80x128xf32, #tpu.memory_space<vmem>>
        %dma_wait3A_57 = arith.constant 0 : i32
        %dma_wait3A_58 = tpu.memref_slice %arg6[%dma_wait3A, %dma_wait3A_57] : memref<125x80xi32, #tpu.memory_space<vmem>> -> memref<1x80xi32, #tpu.memory_space<vmem>>
        %dma_wait3A_59 = tpu.memref_squeeze %dma_wait3A_58 : memref<1x80xi32, #tpu.memory_space<vmem>> -> memref<80xi32, #tpu.memory_space<vmem>>
        %dma_wait3A_60 = arith.constant 0 : i32
        %dma_wait3A_61 = arith.constant 0 : i32
        %dma_wait3A_62 = tpu.memref_slice %arg2[%dma_wait3A_60, %dma_wait3A_61] : memref<10000x128xf32, #tpu.memory_space<hbm>> -> memref<10000x128xf32, #tpu.memory_space<hbm>>
        tpu.wait_indirect_dma semaphore(%arg11 : memref<!tpu.dma_semaphore, #tpu.memory_space<semaphore_mem>>) src(%dma_wait3A_62 : memref<10000x128xf32, #tpu.memory_space<hbm>>) dst(%dma_wait3A_56 : memref<80x128xf32, #tpu.memory_space<vmem>>)
        %dma_wait3A_63 = arith.constant 0 : i32
        %dma_wait3A_64 = arith.constant 0 : i32
        %dma_wait3A_65 = arith.constant 0 : i32
        %dma_wait3A_66 = arith.constant 0 : i32
        %dma_wait3A_67 = tpu.memref_slice %arg9[%dma_wait3A_64, %dma_wait3A_65, %dma_wait3A_66] : memref<2x80x128xf32, #tpu.memory_space<vmem>> -> memref<1x80x128xf32, #tpu.memory_space<vmem>>
        %dma_wait3A_68 = tpu.memref_squeeze %dma_wait3A_67 : memref<1x80x128xf32, #tpu.memory_space<vmem>> -> memref<80x128xf32, #tpu.memory_space<vmem>>
        %dma_wait3A_69 = arith.constant 0 : i32
        %dma_wait3A_70 = tpu.memref_slice %arg7[%dma_wait3A_63, %dma_wait3A_69] : memref<125x80xi32, #tpu.memory_space<vmem>> -> memref<1x80xi32, #tpu.memory_space<vmem>>
        %dma_wait3A_71 = tpu.memref_squeeze %dma_wait3A_70 : memref<1x80xi32, #tpu.memory_space<vmem>> -> memref<80xi32, #tpu.memory_space<vmem>>
        %dma_wait3A_72 = arith.constant 0 : i32
        %dma_wait3A_73 = arith.constant 0 : i32
        %dma_wait3A_74 = tpu.memref_slice %arg2[%dma_wait3A_72, %dma_wait3A_73] : memref<10000x128xf32, #tpu.memory_space<hbm>> -> memref<10000x128xf32, #tpu.memory_space<hbm>>
        tpu.wait_indirect_dma semaphore(%arg12 : memref<!tpu.dma_semaphore, #tpu.memory_space<semaphore_mem>>) src(%dma_wait3A_74 : memref<10000x128xf32, #tpu.memory_space<hbm>>) dst(%dma_wait3A_68 : memref<80x128xf32, #tpu.memory_space<vmem>>)
        %add3A_75 = arith.constant 1 : i32
        %add3A_76 = arith.addi %add3A_40, %add3A_75 : i32
        %lt3A_77 = arith.constant 125 : i32
        %lt3A_78 = arith.cmpi slt, %add3A_76, %lt3A_77 : i32
        %convert_element_type3A_79 = arith.extui %lt3A_78 : i1 to i32
        %cond3A_80 = arith.constant 0 : i32
        %cond3A_81 = arith.cmpi ne, %convert_element_type3A_79, %cond3A_80 : i32
        scf.if %cond3A_81 {
          %add3A_94 = arith.constant 1 : i32
          %add3A_95 = arith.addi %add3A_40, %add3A_94 : i32
          %dma_start3A_96 = arith.constant 1 : i32
          %dma_start3A_97 = arith.constant 0 : i32
          %dma_start3A_98 = arith.constant 0 : i32
          %dma_start3A_99 = tpu.memref_slice %arg8[%dma_start3A_96, %dma_start3A_97, %dma_start3A_98] : memref<2x80x128xf32, #tpu.memory_space<vmem>> -> memref<1x80x128xf32, #tpu.memory_space<vmem>>
          %dma_start3A_100 = tpu.memref_squeeze %dma_start3A_99 : memref<1x80x128xf32, #tpu.memory_space<vmem>> -> memref<80x128xf32, #tpu.memory_space<vmem>>
          %dma_start3A_101 = arith.constant 0 : i32
          %dma_start3A_102 = tpu.memref_slice %arg6[%add3A_95, %dma_start3A_101] : memref<125x80xi32, #tpu.memory_space<vmem>> -> memref<1x80xi32, #tpu.memory_space<vmem>>
          %dma_start3A_103 = tpu.memref_squeeze %dma_start3A_102 : memref<1x80xi32, #tpu.memory_space<vmem>> -> memref<80xi32, #tpu.memory_space<vmem>>
          %dma_start3A_104 = arith.constant 0 : i32
          %dma_start3A_105 = arith.constant 0 : i32
          %dma_start3A_106 = tpu.memref_slice %arg2[%dma_start3A_104, %dma_start3A_105] : memref<10000x128xf32, #tpu.memory_space<hbm>> -> memref<10000x128xf32, #tpu.memory_space<hbm>>
          tpu.enqueue_indirect_dma source(%dma_start3A_106 : memref<10000x128xf32, #tpu.memory_space<hbm>>) target(%dma_start3A_100 : memref<80x128xf32, #tpu.memory_space<vmem>>) offsets(%dma_start3A_103 : memref<80xi32, #tpu.memory_space<vmem>>) semaphore(%arg13 : memref<!tpu.dma_semaphore, #tpu.memory_space<semaphore_mem>>)
          %dma_start3A_107 = arith.constant 1 : i32
          %dma_start3A_108 = arith.constant 0 : i32
          %dma_start3A_109 = arith.constant 0 : i32
          %dma_start3A_110 = tpu.memref_slice %arg9[%dma_start3A_107, %dma_start3A_108, %dma_start3A_109] : memref<2x80x128xf32, #tpu.memory_space<vmem>> -> memref<1x80x128xf32, #tpu.memory_space<vmem>>
          %dma_start3A_111 = tpu.memref_squeeze %dma_start3A_110 : memref<1x80x128xf32, #tpu.memory_space<vmem>> -> memref<80x128xf32, #tpu.memory_space<vmem>>
          %dma_start3A_112 = arith.constant 0 : i32
          %dma_start3A_113 = tpu.memref_slice %arg7[%add3A_95, %dma_start3A_112] : memref<125x80xi32, #tpu.memory_space<vmem>> -> memref<1x80xi32, #tpu.memory_space<vmem>>
          %dma_start3A_114 = tpu.memref_squeeze %dma_start3A_113 : memref<1x80xi32, #tpu.memory_space<vmem>> -> memref<80xi32, #tpu.memory_space<vmem>>
          %dma_start3A_115 = arith.constant 0 : i32
          %dma_start3A_116 = arith.constant 0 : i32
          %dma_start3A_117 = tpu.memref_slice %arg2[%dma_start3A_115, %dma_start3A_116] : memref<10000x128xf32, #tpu.memory_space<hbm>> -> memref<10000x128xf32, #tpu.memory_space<hbm>>
          tpu.enqueue_indirect_dma source(%dma_start3A_117 : memref<10000x128xf32, #tpu.memory_space<hbm>>) target(%dma_start3A_111 : memref<80x128xf32, #tpu.memory_space<vmem>>) offsets(%dma_start3A_114 : memref<80xi32, #tpu.memory_space<vmem>>) semaphore(%arg14 : memref<!tpu.dma_semaphore, #tpu.memory_space<semaphore_mem>>)
        } else {
        }
        %broadcast_in_dim3A_82 = arith.constant 0 : i32
        %broadcast_in_dim3A_83 = vector.broadcast %broadcast_in_dim3A_82 : i32 to vector<16xi32>
        %add3A_84 = vector.broadcast %add3A_40 : i32 to vector<16xi32>
        %add3A_85 = arith.addi %broadcast_in_dim3A_83, %add3A_84 : vector<16xi32>
        %scan3A_86 = arith.constant 0 : i32
        %scan3A_87 = arith.constant 0 : i32
        %scan3A_88 = arith.constant 0 : i32
        %scan3A_89 = arith.constant 0 : i32
        %scan3A_90 = arith.constant 5 : i32
        %scan3A_91 = arith.addi %scan3A_89, %scan3A_90 : i32
        %scan3A_92 = arith.constant 1 : i32
        scf.for %scan3A_94 = %scan3A_89 to %scan3A_91 step %scan3A_92  : i32 {
          %mul3A_95 = arith.constant 16 : i32
          %mul3A_96 = arith.muli %scan3A_94, %mul3A_95 : i32
          %broadcast_in_dim3A_97 = arith.constant 0 : i32
          %broadcast_in_dim3A_98 = vector.broadcast %broadcast_in_dim3A_97 : i32 to vector<16xi32>
          %add3A_99 = vector.broadcast %mul3A_96 : i32 to vector<16xi32>
          %add3A_100 = arith.addi %broadcast_in_dim3A_98, %add3A_99 : vector<16xi32>
          %add3A_101 = arith.constant 0 : i32
          %add3A_102 = arith.addi %mul3A_96, %add3A_101 : i32
          %get3A = arith.constant 0 : i32
          %get3A_103 = arith.constant 0 : i32
          %get3A_104 = tpu.memref_slice %arg8[%scan3A_87, %get3A, %get3A_103] : memref<2x80x128xf32, #tpu.memory_space<vmem>> -> memref<1x80x128xf32, #tpu.memory_space<vmem>>
          %get3A_105 = tpu.memref_squeeze %get3A_104 : memref<1x80x128xf32, #tpu.memory_space<vmem>> -> memref<80x128xf32, #tpu.memory_space<vmem>>
          %get3A_106 = arith.index_cast %add3A_102 : i32 to index
          %get3A_107 = arith.constant 0 : index
          %get3A_108 = tpu.vector_load %get3A_105[%get3A_106, %get3A_107] {strides = array<i32>} : memref<80x128xf32, #tpu.memory_space<vmem>>, vector<16xf32>,
          %get3A_109 = arith.constant 0 : i32
          %get3A_110 = arith.constant 0 : i32
          %get3A_111 = tpu.memref_slice %arg8[%scan3A_87, %get3A_109, %get3A_110] : memref<2x80x128xf32, #tpu.memory_space<vmem>> -> memref<1x80x128xf32, #tpu.memory_space<vmem>>
          %get3A_112 = tpu.memref_squeeze %get3A_111 : memref<1x80x128xf32, #tpu.memory_space<vmem>> -> memref<80x128xf32, #tpu.memory_space<vmem>>
          %get3A_113 = arith.index_cast %add3A_102 : i32 to index
          %get3A_114 = arith.constant 16 : index
          %get3A_115 = tpu.vector_load %get3A_112[%get3A_113, %get3A_114] {strides = array<i32>} : memref<80x128xf32, #tpu.memory_space<vmem>>, vector<16xf32>,
          %get3A_116 = arith.constant 0 : i32
          %get3A_117 = arith.constant 0 : i32
          %get3A_118 = tpu.memref_slice %arg8[%scan3A_87, %get3A_116, %get3A_117] : memref<2x80x128xf32, #tpu.memory_space<vmem>> -> memref<1x80x128xf32, #tpu.memory_space<vmem>>
          %get3A_119 = tpu.memref_squeeze %get3A_118 : memref<1x80x128xf32, #tpu.memory_space<vmem>> -> memref<80x128xf32, #tpu.memory_space<vmem>>
          %get3A_120 = arith.index_cast %add3A_102 : i32 to index
          %get3A_121 = arith.constant 32 : index
          %get3A_122 = tpu.vector_load %get3A_119[%get3A_120, %get3A_121] {strides = array<i32>} : memref<80x128xf32, #tpu.memory_space<vmem>>, vector<16xf32>,
          %get3A_123 = arith.constant 0 : i32
          %get3A_124 = arith.constant 0 : i32
          %get3A_125 = tpu.memref_slice %arg8[%scan3A_87, %get3A_123, %get3A_124] : memref<2x80x128xf32, #tpu.memory_space<vmem>> -> memref<1x80x128xf32, #tpu.memory_space<vmem>>
          %get3A_126 = tpu.memref_squeeze %get3A_125 : memref<1x80x128xf32, #tpu.memory_space<vmem>> -> memref<80x128xf32, #tpu.memory_space<vmem>>
          %get3A_127 = arith.index_cast %add3A_102 : i32 to index
          %get3A_128 = arith.constant 48 : index
          %get3A_129 = tpu.vector_load %get3A_126[%get3A_127, %get3A_128] {strides = array<i32>} : memref<80x128xf32, #tpu.memory_space<vmem>>, vector<16xf32>,
          %get3A_130 = arith.constant 0 : i32
          %get3A_131 = arith.constant 0 : i32
          %get3A_132 = tpu.memref_slice %arg8[%scan3A_87, %get3A_130, %get3A_131] : memref<2x80x128xf32, #tpu.memory_space<vmem>> -> memref<1x80x128xf32, #tpu.memory_space<vmem>>
          %get3A_133 = tpu.memref_squeeze %get3A_132 : memref<1x80x128xf32, #tpu.memory_space<vmem>> -> memref<80x128xf32, #tpu.memory_space<vmem>>
          %get3A_134 = arith.index_cast %add3A_102 : i32 to index
          %get3A_135 = arith.constant 64 : index
          %get3A_136 = tpu.vector_load %get3A_133[%get3A_134, %get3A_135] {strides = array<i32>} : memref<80x128xf32, #tpu.memory_space<vmem>>, vector<16xf32>,
          %get3A_137 = arith.constant 0 : i32
          %get3A_138 = arith.constant 0 : i32
          %get3A_139 = tpu.memref_slice %arg8[%scan3A_87, %get3A_137, %get3A_138] : memref<2x80x128xf32, #tpu.memory_space<vmem>> -> memref<1x80x128xf32, #tpu.memory_space<vmem>>
          %get3A_140 = tpu.memref_squeeze %get3A_139 : memref<1x80x128xf32, #tpu.memory_space<vmem>> -> memref<80x128xf32, #tpu.memory_space<vmem>>
          %get3A_141 = arith.index_cast %add3A_102 : i32 to index
          %get3A_142 = arith.constant 80 : index
          %get3A_143 = tpu.vector_load %get3A_140[%get3A_141, %get3A_142] {strides = array<i32>} : memref<80x128xf32, #tpu.memory_space<vmem>>, vector<16xf32>,
          %get3A_144 = arith.constant 0 : i32
          %get3A_145 = arith.constant 0 : i32
          %get3A_146 = tpu.memref_slice %arg8[%scan3A_87, %get3A_144, %get3A_145] : memref<2x80x128xf32, #tpu.memory_space<vmem>> -> memref<1x80x128xf32, #tpu.memory_space<vmem>>
          %get3A_147 = tpu.memref_squeeze %get3A_146 : memref<1x80x128xf32, #tpu.memory_space<vmem>> -> memref<80x128xf32, #tpu.memory_space<vmem>>
          %get3A_148 = arith.index_cast %add3A_102 : i32 to index
          %get3A_149 = arith.constant 96 : index
          %get3A_150 = tpu.vector_load %get3A_147[%get3A_148, %get3A_149] {strides = array<i32>} : memref<80x128xf32, #tpu.memory_space<vmem>>, vector<16xf32>,
          %get3A_151 = arith.constant 0 : i32
          %get3A_152 = arith.constant 0 : i32
          %get3A_153 = tpu.memref_slice %arg8[%scan3A_87, %get3A_151, %get3A_152] : memref<2x80x128xf32, #tpu.memory_space<vmem>> -> memref<1x80x128xf32, #tpu.memory_space<vmem>>
          %get3A_154 = tpu.memref_squeeze %get3A_153 : memref<1x80x128xf32, #tpu.memory_space<vmem>> -> memref<80x128xf32, #tpu.memory_space<vmem>>
          %get3A_155 = arith.index_cast %add3A_102 : i32 to index
          %get3A_156 = arith.constant 112 : index
          %get3A_157 = tpu.vector_load %get3A_154[%get3A_155, %get3A_156] {strides = array<i32>} : memref<80x128xf32, #tpu.memory_space<vmem>>, vector<16xf32>,
          %get3A_158 = arith.constant 0 : i32
          %get3A_159 = arith.constant 0 : i32
          %get3A_160 = tpu.memref_slice %arg9[%scan3A_88, %get3A_158, %get3A_159] : memref<2x80x128xf32, #tpu.memory_space<vmem>> -> memref<1x80x128xf32, #tpu.memory_space<vmem>>
          %get3A_161 = tpu.memref_squeeze %get3A_160 : memref<1x80x128xf32, #tpu.memory_space<vmem>> -> memref<80x128xf32, #tpu.memory_space<vmem>>
          %get3A_162 = arith.index_cast %add3A_102 : i32 to index
          %get3A_163 = arith.constant 0 : index
          %get3A_164 = tpu.vector_load %get3A_161[%get3A_162, %get3A_163] {strides = array<i32>} : memref<80x128xf32, #tpu.memory_space<vmem>>, vector<16xf32>,
          %get3A_165 = arith.constant 0 : i32
          %get3A_166 = arith.constant 0 : i32
          %get3A_167 = tpu.memref_slice %arg9[%scan3A_88, %get3A_165, %get3A_166] : memref<2x80x128xf32, #tpu.memory_space<vmem>> -> memref<1x80x128xf32, #tpu.memory_space<vmem>>
          %get3A_168 = tpu.memref_squeeze %get3A_167 : memref<1x80x128xf32, #tpu.memory_space<vmem>> -> memref<80x128xf32, #tpu.memory_space<vmem>>
          %get3A_169 = arith.index_cast %add3A_102 : i32 to index
          %get3A_170 = arith.constant 16 : index
          %get3A_171 = tpu.vector_load %get3A_168[%get3A_169, %get3A_170] {strides = array<i32>} : memref<80x128xf32, #tpu.memory_space<vmem>>, vector<16xf32>,
          %get3A_172 = arith.constant 0 : i32
          %get3A_173 = arith.constant 0 : i32
          %get3A_174 = tpu.memref_slice %arg9[%scan3A_88, %get3A_172, %get3A_173] : memref<2x80x128xf32, #tpu.memory_space<vmem>> -> memref<1x80x128xf32, #tpu.memory_space<vmem>>
          %get3A_175 = tpu.memref_squeeze %get3A_174 : memref<1x80x128xf32, #tpu.memory_space<vmem>> -> memref<80x128xf32, #tpu.memory_space<vmem>>
          %get3A_176 = arith.index_cast %add3A_102 : i32 to index
          %get3A_177 = arith.constant 32 : index
          %get3A_178 = tpu.vector_load %get3A_175[%get3A_176, %get3A_177] {strides = array<i32>} : memref<80x128xf32, #tpu.memory_space<vmem>>, vector<16xf32>,
          %get3A_179 = arith.constant 0 : i32
          %get3A_180 = arith.constant 0 : i32
          %get3A_181 = tpu.memref_slice %arg9[%scan3A_88, %get3A_179, %get3A_180] : memref<2x80x128xf32, #tpu.memory_space<vmem>> -> memref<1x80x128xf32, #tpu.memory_space<vmem>>
          %get3A_182 = tpu.memref_squeeze %get3A_181 : memref<1x80x128xf32, #tpu.memory_space<vmem>> -> memref<80x128xf32, #tpu.memory_space<vmem>>
          %get3A_183 = arith.index_cast %add3A_102 : i32 to index
          %get3A_184 = arith.constant 48 : index
          %get3A_185 = tpu.vector_load %get3A_182[%get3A_183, %get3A_184] {strides = array<i32>} : memref<80x128xf32, #tpu.memory_space<vmem>>, vector<16xf32>,
          %get3A_186 = arith.constant 0 : i32
          %get3A_187 = arith.constant 0 : i32
          %get3A_188 = tpu.memref_slice %arg9[%scan3A_88, %get3A_186, %get3A_187] : memref<2x80x128xf32, #tpu.memory_space<vmem>> -> memref<1x80x128xf32, #tpu.memory_space<vmem>>
          %get3A_189 = tpu.memref_squeeze %get3A_188 : memref<1x80x128xf32, #tpu.memory_space<vmem>> -> memref<80x128xf32, #tpu.memory_space<vmem>>
          %get3A_190 = arith.index_cast %add3A_102 : i32 to index
          %get3A_191 = arith.constant 64 : index
          %get3A_192 = tpu.vector_load %get3A_189[%get3A_190, %get3A_191] {strides = array<i32>} : memref<80x128xf32, #tpu.memory_space<vmem>>, vector<16xf32>,
          %get3A_193 = arith.constant 0 : i32
          %get3A_194 = arith.constant 0 : i32
          %get3A_195 = tpu.memref_slice %arg9[%scan3A_88, %get3A_193, %get3A_194] : memref<2x80x128xf32, #tpu.memory_space<vmem>> -> memref<1x80x128xf32, #tpu.memory_space<vmem>>
          %get3A_196 = tpu.memref_squeeze %get3A_195 : memref<1x80x128xf32, #tpu.memory_space<vmem>> -> memref<80x128xf32, #tpu.memory_space<vmem>>
          %get3A_197 = arith.index_cast %add3A_102 : i32 to index
          %get3A_198 = arith.constant 80 : index
          %get3A_199 = tpu.vector_load %get3A_196[%get3A_197, %get3A_198] {strides = array<i32>} : memref<80x128xf32, #tpu.memory_space<vmem>>, vector<16xf32>,
          %get3A_200 = arith.constant 0 : i32
          %get3A_201 = arith.constant 0 : i32
          %get3A_202 = tpu.memref_slice %arg9[%scan3A_88, %get3A_200, %get3A_201] : memref<2x80x128xf32, #tpu.memory_space<vmem>> -> memref<1x80x128xf32, #tpu.memory_space<vmem>>
          %get3A_203 = tpu.memref_squeeze %get3A_202 : memref<1x80x128xf32, #tpu.memory_space<vmem>> -> memref<80x128xf32, #tpu.memory_space<vmem>>
          %get3A_204 = arith.index_cast %add3A_102 : i32 to index
          %get3A_205 = arith.constant 96 : index
          %get3A_206 = tpu.vector_load %get3A_203[%get3A_204, %get3A_205] {strides = array<i32>} : memref<80x128xf32, #tpu.memory_space<vmem>>, vector<16xf32>,
          %get3A_207 = arith.constant 0 : i32
          %get3A_208 = arith.constant 0 : i32
          %get3A_209 = tpu.memref_slice %arg9[%scan3A_88, %get3A_207, %get3A_208] : memref<2x80x128xf32, #tpu.memory_space<vmem>> -> memref<1x80x128xf32, #tpu.memory_space<vmem>>
          %get3A_210 = tpu.memref_squeeze %get3A_209 : memref<1x80x128xf32, #tpu.memory_space<vmem>> -> memref<80x128xf32, #tpu.memory_space<vmem>>
          %get3A_211 = arith.index_cast %add3A_102 : i32 to index
          %get3A_212 = arith.constant 112 : index
          %get3A_213 = tpu.vector_load %get3A_210[%get3A_211, %get3A_212] {strides = array<i32>} : memref<80x128xf32, #tpu.memory_space<vmem>>, vector<16xf32>,
          %add3A_214 = arith.constant 1 : i32
          %add3A_215 = arith.addi %mul3A_96, %add3A_214 : i32
          %get3A_216 = arith.constant 0 : i32
          %get3A_217 = arith.constant 0 : i32
          %get3A_218 = tpu.memref_slice %arg8[%scan3A_87, %get3A_216, %get3A_217] : memref<2x80x128xf32, #tpu.memory_space<vmem>> -> memref<1x80x128xf32, #tpu.memory_space<vmem>>
          %get3A_219 = tpu.memref_squeeze %get3A_218 : memref<1x80x128xf32, #tpu.memory_space<vmem>> -> memref<80x128xf32, #tpu.memory_space<vmem>>
          %get3A_220 = arith.index_cast %add3A_215 : i32 to index
          %get3A_221 = arith.constant 0 : index
          %get3A_222 = tpu.vector_load %get3A_219[%get3A_220, %get3A_221] {strides = array<i32>} : memref<80x128xf32, #tpu.memory_space<vmem>>, vector<16xf32>,
          %get3A_223 = arith.constant 0 : i32
          %get3A_224 = arith.constant 0 : i32
          %get3A_225 = tpu.memref_slice %arg8[%scan3A_87, %get3A_223, %get3A_224] : memref<2x80x128xf32, #tpu.memory_space<vmem>> -> memref<1x80x128xf32, #tpu.memory_space<vmem>>
          %get3A_226 = tpu.memref_squeeze %get3A_225 : memref<1x80x128xf32, #tpu.memory_space<vmem>> -> memref<80x128xf32, #tpu.memory_space<vmem>>
          %get3A_227 = arith.index_cast %add3A_215 : i32 to index
          %get3A_228 = arith.constant 16 : index
          %get3A_229 = tpu.vector_load %get3A_226[%get3A_227, %get3A_228] {strides = array<i32>} : memref<80x128xf32, #tpu.memory_space<vmem>>, vector<16xf32>,
          %get3A_230 = arith.constant 0 : i32
          %get3A_231 = arith.constant 0 : i32
          %get3A_232 = tpu.memref_slice %arg8[%scan3A_87, %get3A_230, %get3A_231] : memref<2x80x128xf32, #tpu.memory_space<vmem>> -> memref<1x80x128xf32, #tpu.memory_space<vmem>>
          %get3A_233 = tpu.memref_squeeze %get3A_232 : memref<1x80x128xf32, #tpu.memory_space<vmem>> -> memref<80x128xf32, #tpu.memory_space<vmem>>
          %get3A_234 = arith.index_cast %add3A_215 : i32 to index
          %get3A_235 = arith.constant 32 : index
          %get3A_236 = tpu.vector_load %get3A_233[%get3A_234, %get3A_235] {strides = array<i32>} : memref<80x128xf32, #tpu.memory_space<vmem>>, vector<16xf32>,
          %get3A_237 = arith.constant 0 : i32
          %get3A_238 = arith.constant 0 : i32
          %get3A_239 = tpu.memref_slice %arg8[%scan3A_87, %get3A_237, %get3A_238] : memref<2x80x128xf32, #tpu.memory_space<vmem>> -> memref<1x80x128xf32, #tpu.memory_space<vmem>>
          %get3A_240 = tpu.memref_squeeze %get3A_239 : memref<1x80x128xf32, #tpu.memory_space<vmem>> -> memref<80x128xf32, #tpu.memory_space<vmem>>
          %get3A_241 = arith.index_cast %add3A_215 : i32 to index
          %get3A_242 = arith.constant 48 : index
          %get3A_243 = tpu.vector_load %get3A_240[%get3A_241, %get3A_242] {strides = array<i32>} : memref<80x128xf32, #tpu.memory_space<vmem>>, vector<16xf32>,
          %get3A_244 = arith.constant 0 : i32
          %get3A_245 = arith.constant 0 : i32
          %get3A_246 = tpu.memref_slice %arg8[%scan3A_87, %get3A_244, %get3A_245] : memref<2x80x128xf32, #tpu.memory_space<vmem>> -> memref<1x80x128xf32, #tpu.memory_space<vmem>>
          %get3A_247 = tpu.memref_squeeze %get3A_246 : memref<1x80x128xf32, #tpu.memory_space<vmem>> -> memref<80x128xf32, #tpu.memory_space<vmem>>
          %get3A_248 = arith.index_cast %add3A_215 : i32 to index
          %get3A_249 = arith.constant 64 : index
          %get3A_250 = tpu.vector_load %get3A_247[%get3A_248, %get3A_249] {strides = array<i32>} : memref<80x128xf32, #tpu.memory_space<vmem>>, vector<16xf32>,
          %get3A_251 = arith.constant 0 : i32
          %get3A_252 = arith.constant 0 : i32
          %get3A_253 = tpu.memref_slice %arg8[%scan3A_87, %get3A_251, %get3A_252] : memref<2x80x128xf32, #tpu.memory_space<vmem>> -> memref<1x80x128xf32, #tpu.memory_space<vmem>>
          %get3A_254 = tpu.memref_squeeze %get3A_253 : memref<1x80x128xf32, #tpu.memory_space<vmem>> -> memref<80x128xf32, #tpu.memory_space<vmem>>
          %get3A_255 = arith.index_cast %add3A_215 : i32 to index
          %get3A_256 = arith.constant 80 : index
          %get3A_257 = tpu.vector_load %get3A_254[%get3A_255, %get3A_256] {strides = array<i32>} : memref<80x128xf32, #tpu.memory_space<vmem>>, vector<16xf32>,
          %get3A_258 = arith.constant 0 : i32
          %get3A_259 = arith.constant 0 : i32
          %get3A_260 = tpu.memref_slice %arg8[%scan3A_87, %get3A_258, %get3A_259] : memref<2x80x128xf32, #tpu.memory_space<vmem>> -> memref<1x80x128xf32, #tpu.memory_space<vmem>>
          %get3A_261 = tpu.memref_squeeze %get3A_260 : memref<1x80x128xf32, #tpu.memory_space<vmem>> -> memref<80x128xf32, #tpu.memory_space<vmem>>
          %get3A_262 = arith.index_cast %add3A_215 : i32 to index
          %get3A_263 = arith.constant 96 : index
          %get3A_264 = tpu.vector_load %get3A_261[%get3A_262, %get3A_263] {strides = array<i32>} : memref<80x128xf32, #tpu.memory_space<vmem>>, vector<16xf32>,
          %get3A_265 = arith.constant 0 : i32
          %get3A_266 = arith.constant 0 : i32
          %get3A_267 = tpu.memref_slice %arg8[%scan3A_87, %get3A_265, %get3A_266] : memref<2x80x128xf32, #tpu.memory_space<vmem>> -> memref<1x80x128xf32, #tpu.memory_space<vmem>>
          %get3A_268 = tpu.memref_squeeze %get3A_267 : memref<1x80x128xf32, #tpu.memory_space<vmem>> -> memref<80x128xf32, #tpu.memory_space<vmem>>
          %get3A_269 = arith.index_cast %add3A_215 : i32 to index
          %get3A_270 = arith.constant 112 : index
          %get3A_271 = tpu.vector_load %get3A_268[%get3A_269, %get3A_270] {strides = array<i32>} : memref<80x128xf32, #tpu.memory_space<vmem>>, vector<16xf32>,
          %get3A_272 = arith.constant 0 : i32
          %get3A_273 = arith.constant 0 : i32
          %get3A_274 = tpu.memref_slice %arg9[%scan3A_88, %get3A_272, %get3A_273] : memref<2x80x128xf32, #tpu.memory_space<vmem>> -> memref<1x80x128xf32, #tpu.memory_space<vmem>>
          %get3A_275 = tpu.memref_squeeze %get3A_274 : memref<1x80x128xf32, #tpu.memory_space<vmem>> -> memref<80x128xf32, #tpu.memory_space<vmem>>
          %get3A_276 = arith.index_cast %add3A_215 : i32 to index
          %get3A_277 = arith.constant 0 : index
          %get3A_278 = tpu.vector_load %get3A_275[%get3A_276, %get3A_277] {strides = array<i32>} : memref<80x128xf32, #tpu.memory_space<vmem>>, vector<16xf32>,
          %get3A_279 = arith.constant 0 : i32
          %get3A_280 = arith.constant 0 : i32
          %get3A_281 = tpu.memref_slice %arg9[%scan3A_88, %get3A_279, %get3A_280] : memref<2x80x128xf32, #tpu.memory_space<vmem>> -> memref<1x80x128xf32, #tpu.memory_space<vmem>>
          %get3A_282 = tpu.memref_squeeze %get3A_281 : memref<1x80x128xf32, #tpu.memory_space<vmem>> -> memref<80x128xf32, #tpu.memory_space<vmem>>
          %get3A_283 = arith.index_cast %add3A_215 : i32 to index
          %get3A_284 = arith.constant 16 : index
          %get3A_285 = tpu.vector_load %get3A_282[%get3A_283, %get3A_284] {strides = array<i32>} : memref<80x128xf32, #tpu.memory_space<vmem>>, vector<16xf32>,
          %get3A_286 = arith.constant 0 : i32
          %get3A_287 = arith.constant 0 : i32
          %get3A_288 = tpu.memref_slice %arg9[%scan3A_88, %get3A_286, %get3A_287] : memref<2x80x128xf32, #tpu.memory_space<vmem>> -> memref<1x80x128xf32, #tpu.memory_space<vmem>>
          %get3A_289 = tpu.memref_squeeze %get3A_288 : memref<1x80x128xf32, #tpu.memory_space<vmem>> -> memref<80x128xf32, #tpu.memory_space<vmem>>
          %get3A_290 = arith.index_cast %add3A_215 : i32 to index
          %get3A_291 = arith.constant 32 : index
          %get3A_292 = tpu.vector_load %get3A_289[%get3A_290, %get3A_291] {strides = array<i32>} : memref<80x128xf32, #tpu.memory_space<vmem>>, vector<16xf32>,
          %get3A_293 = arith.constant 0 : i32
          %get3A_294 = arith.constant 0 : i32
          %get3A_295 = tpu.memref_slice %arg9[%scan3A_88, %get3A_293, %get3A_294] : memref<2x80x128xf32, #tpu.memory_space<vmem>> -> memref<1x80x128xf32, #tpu.memory_space<vmem>>
          %get3A_296 = tpu.memref_squeeze %get3A_295 : memref<1x80x128xf32, #tpu.memory_space<vmem>> -> memref<80x128xf32, #tpu.memory_space<vmem>>
          %get3A_297 = arith.index_cast %add3A_215 : i32 to index
          %get3A_298 = arith.constant 48 : index
          %get3A_299 = tpu.vector_load %get3A_296[%get3A_297, %get3A_298] {strides = array<i32>} : memref<80x128xf32, #tpu.memory_space<vmem>>, vector<16xf32>,
          %get3A_300 = arith.constant 0 : i32
          %get3A_301 = arith.constant 0 : i32
          %get3A_302 = tpu.memref_slice %arg9[%scan3A_88, %get3A_300, %get3A_301] : memref<2x80x128xf32, #tpu.memory_space<vmem>> -> memref<1x80x128xf32, #tpu.memory_space<vmem>>
          %get3A_303 = tpu.memref_squeeze %get3A_302 : memref<1x80x128xf32, #tpu.memory_space<vmem>> -> memref<80x128xf32, #tpu.memory_space<vmem>>
          %get3A_304 = arith.index_cast %add3A_215 : i32 to index
          %get3A_305 = arith.constant 64 : index
          %get3A_306 = tpu.vector_load %get3A_303[%get3A_304, %get3A_305] {strides = array<i32>} : memref<80x128xf32, #tpu.memory_space<vmem>>, vector<16xf32>,
          %get3A_307 = arith.constant 0 : i32
          %get3A_308 = arith.constant 0 : i32
          %get3A_309 = tpu.memref_slice %arg9[%scan3A_88, %get3A_307, %get3A_308] : memref<2x80x128xf32, #tpu.memory_space<vmem>> -> memref<1x80x128xf32, #tpu.memory_space<vmem>>
          %get3A_310 = tpu.memref_squeeze %get3A_309 : memref<1x80x128xf32, #tpu.memory_space<vmem>> -> memref<80x128xf32, #tpu.memory_space<vmem>>
          %get3A_311 = arith.index_cast %add3A_215 : i32 to index
          %get3A_312 = arith.constant 80 : index
          %get3A_313 = tpu.vector_load %get3A_310[%get3A_311, %get3A_312] {strides = array<i32>} : memref<80x128xf32, #tpu.memory_space<vmem>>, vector<16xf32>,
          %get3A_314 = arith.constant 0 : i32
          %get3A_315 = arith.constant 0 : i32
          %get3A_316 = tpu.memref_slice %arg9[%scan3A_88, %get3A_314, %get3A_315] : memref<2x80x128xf32, #tpu.memory_space<vmem>> -> memref<1x80x128xf32, #tpu.memory_space<vmem>>
          %get3A_317 = tpu.memref_squeeze %get3A_316 : memref<1x80x128xf32, #tpu.memory_space<vmem>> -> memref<80x128xf32, #tpu.memory_space<vmem>>
          %get3A_318 = arith.index_cast %add3A_215 : i32 to index
          %get3A_319 = arith.constant 96 : index
          %get3A_320 = tpu.vector_load %get3A_317[%get3A_318, %get3A_319] {strides = array<i32>} : memref<80x128xf32, #tpu.memory_space<vmem>>, vector<16xf32>,
          %get3A_321 = arith.constant 0 : i32
          %get3A_322 = arith.constant 0 : i32
          %get3A_323 = tpu.memref_slice %arg9[%scan3A_88, %get3A_321, %get3A_322] : memref<2x80x128xf32, #tpu.memory_space<vmem>> -> memref<1x80x128xf32, #tpu.memory_space<vmem>>
          %get3A_324 = tpu.memref_squeeze %get3A_323 : memref<1x80x128xf32, #tpu.memory_space<vmem>> -> memref<80x128xf32, #tpu.memory_space<vmem>>
          %get3A_325 = arith.index_cast %add3A_215 : i32 to index
          %get3A_326 = arith.constant 112 : index
          %get3A_327 = tpu.vector_load %get3A_324[%get3A_325, %get3A_326] {strides = array<i32>} : memref<80x128xf32, #tpu.memory_space<vmem>>, vector<16xf32>,
          %add3A_328 = arith.constant 2 : i32
          %add3A_329 = arith.addi %mul3A_96, %add3A_328 : i32
          %get3A_330 = arith.constant 0 : i32
          %get3A_331 = arith.constant 0 : i32
          %get3A_332 = tpu.memref_slice %arg8[%scan3A_87, %get3A_330, %get3A_331] : memref<2x80x128xf32, #tpu.memory_space<vmem>> -> memref<1x80x128xf32, #tpu.memory_space<vmem>>
          %get3A_333 = tpu.memref_squeeze %get3A_332 : memref<1x80x128xf32, #tpu.memory_space<vmem>> -> memref<80x128xf32, #tpu.memory_space<vmem>>
          %get3A_334 = arith.index_cast %add3A_329 : i32 to index
          %get3A_335 = arith.constant 0 : index
          %get3A_336 = tpu.vector_load %get3A_333[%get3A_334, %get3A_335] {strides = array<i32>} : memref<80x128xf32, #tpu.memory_space<vmem>>, vector<16xf32>,
          %get3A_337 = arith.constant 0 : i32
          %get3A_338 = arith.constant 0 : i32
          %get3A_339 = tpu.memref_slice %arg8[%scan3A_87, %get3A_337, %get3A_338] : memref<2x80x128xf32, #tpu.memory_space<vmem>> -> memref<1x80x128xf32, #tpu.memory_space<vmem>>
          %get3A_340 = tpu.memref_squeeze %get3A_339 : memref<1x80x128xf32, #tpu.memory_space<vmem>> -> memref<80x128xf32, #tpu.memory_space<vmem>>
          %get3A_341 = arith.index_cast %add3A_329 : i32 to index
          %get3A_342 = arith.constant 16 : index
          %get3A_343 = tpu.vector_load %get3A_340[%get3A_341, %get3A_342] {strides = array<i32>} : memref<80x128xf32, #tpu.memory_space<vmem>>, vector<16xf32>,
          %get3A_344 = arith.constant 0 : i32
          %get3A_345 = arith.constant 0 : i32
          %get3A_346 = tpu.memref_slice %arg8[%scan3A_87, %get3A_344, %get3A_345] : memref<2x80x128xf32, #tpu.memory_space<vmem>> -> memref<1x80x128xf32, #tpu.memory_space<vmem>>
          %get3A_347 = tpu.memref_squeeze %get3A_346 : memref<1x80x128xf32, #tpu.memory_space<vmem>> -> memref<80x128xf32, #tpu.memory_space<vmem>>
          %get3A_348 = arith.index_cast %add3A_329 : i32 to index
          %get3A_349 = arith.constant 32 : index
          %get3A_350 = tpu.vector_load %get3A_347[%get3A_348, %get3A_349] {strides = array<i32>} : memref<80x128xf32, #tpu.memory_space<vmem>>, vector<16xf32>,
          %get3A_351 = arith.constant 0 : i32
          %get3A_352 = arith.constant 0 : i32
          %get3A_353 = tpu.memref_slice %arg8[%scan3A_87, %get3A_351, %get3A_352] : memref<2x80x128xf32, #tpu.memory_space<vmem>> -> memref<1x80x128xf32, #tpu.memory_space<vmem>>
          %get3A_354 = tpu.memref_squeeze %get3A_353 : memref<1x80x128xf32, #tpu.memory_space<vmem>> -> memref<80x128xf32, #tpu.memory_space<vmem>>
          %get3A_355 = arith.index_cast %add3A_329 : i32 to index
          %get3A_356 = arith.constant 48 : index
          %get3A_357 = tpu.vector_load %get3A_354[%get3A_355, %get3A_356] {strides = array<i32>} : memref<80x128xf32, #tpu.memory_space<vmem>>, vector<16xf32>,
          %get3A_358 = arith.constant 0 : i32
          %get3A_359 = arith.constant 0 : i32
          %get3A_360 = tpu.memref_slice %arg8[%scan3A_87, %get3A_358, %get3A_359] : memref<2x80x128xf32, #tpu.memory_space<vmem>> -> memref<1x80x128xf32, #tpu.memory_space<vmem>>
          %get3A_361 = tpu.memref_squeeze %get3A_360 : memref<1x80x128xf32, #tpu.memory_space<vmem>> -> memref<80x128xf32, #tpu.memory_space<vmem>>
          %get3A_362 = arith.index_cast %add3A_329 : i32 to index
          %get3A_363 = arith.constant 64 : index
          %get3A_364 = tpu.vector_load %get3A_361[%get3A_362, %get3A_363] {strides = array<i32>} : memref<80x128xf32, #tpu.memory_space<vmem>>, vector<16xf32>,
          %get3A_365 = arith.constant 0 : i32
          %get3A_366 = arith.constant 0 : i32
          %get3A_367 = tpu.memref_slice %arg8[%scan3A_87, %get3A_365, %get3A_366] : memref<2x80x128xf32, #tpu.memory_space<vmem>> -> memref<1x80x128xf32, #tpu.memory_space<vmem>>
          %get3A_368 = tpu.memref_squeeze %get3A_367 : memref<1x80x128xf32, #tpu.memory_space<vmem>> -> memref<80x128xf32, #tpu.memory_space<vmem>>
          %get3A_369 = arith.index_cast %add3A_329 : i32 to index
          %get3A_370 = arith.constant 80 : index
          %get3A_371 = tpu.vector_load %get3A_368[%get3A_369, %get3A_370] {strides = array<i32>} : memref<80x128xf32, #tpu.memory_space<vmem>>, vector<16xf32>,
          %get3A_372 = arith.constant 0 : i32
          %get3A_373 = arith.constant 0 : i32
          %get3A_374 = tpu.memref_slice %arg8[%scan3A_87, %get3A_372, %get3A_373] : memref<2x80x128xf32, #tpu.memory_space<vmem>> -> memref<1x80x128xf32, #tpu.memory_space<vmem>>
          %get3A_375 = tpu.memref_squeeze %get3A_374 : memref<1x80x128xf32, #tpu.memory_space<vmem>> -> memref<80x128xf32, #tpu.memory_space<vmem>>
          %get3A_376 = arith.index_cast %add3A_329 : i32 to index
          %get3A_377 = arith.constant 96 : index
          %get3A_378 = tpu.vector_load %get3A_375[%get3A_376, %get3A_377] {strides = array<i32>} : memref<80x128xf32, #tpu.memory_space<vmem>>, vector<16xf32>,
          %get3A_379 = arith.constant 0 : i32
          %get3A_380 = arith.constant 0 : i32
          %get3A_381 = tpu.memref_slice %arg8[%scan3A_87, %get3A_379, %get3A_380] : memref<2x80x128xf32, #tpu.memory_space<vmem>> -> memref<1x80x128xf32, #tpu.memory_space<vmem>>
          %get3A_382 = tpu.memref_squeeze %get3A_381 : memref<1x80x128xf32, #tpu.memory_space<vmem>> -> memref<80x128xf32, #tpu.memory_space<vmem>>
          %get3A_383 = arith.index_cast %add3A_329 : i32 to index
          %get3A_384 = arith.constant 112 : index
          %get3A_385 = tpu.vector_load %get3A_382[%get3A_383, %get3A_384] {strides = array<i32>} : memref<80x128xf32, #tpu.memory_space<vmem>>, vector<16xf32>,
          %get3A_386 = arith.constant 0 : i32
          %get3A_387 = arith.constant 0 : i32
          %get3A_388 = tpu.memref_slice %arg9[%scan3A_88, %get3A_386, %get3A_387] : memref<2x80x128xf32, #tpu.memory_space<vmem>> -> memref<1x80x128xf32, #tpu.memory_space<vmem>>
          %get3A_389 = tpu.memref_squeeze %get3A_388 : memref<1x80x128xf32, #tpu.memory_space<vmem>> -> memref<80x128xf32, #tpu.memory_space<vmem>>
          %get3A_390 = arith.index_cast %add3A_329 : i32 to index
          %get3A_391 = arith.constant 0 : index
          %get3A_392 = tpu.vector_load %get3A_389[%get3A_390, %get3A_391] {strides = array<i32>} : memref<80x128xf32, #tpu.memory_space<vmem>>, vector<16xf32>,
          %get3A_393 = arith.constant 0 : i32
          %get3A_394 = arith.constant 0 : i32
          %get3A_395 = tpu.memref_slice %arg9[%scan3A_88, %get3A_393, %get3A_394] : memref<2x80x128xf32, #tpu.memory_space<vmem>> -> memref<1x80x128xf32, #tpu.memory_space<vmem>>
          %get3A_396 = tpu.memref_squeeze %get3A_395 : memref<1x80x128xf32, #tpu.memory_space<vmem>> -> memref<80x128xf32, #tpu.memory_space<vmem>>
          %get3A_397 = arith.index_cast %add3A_329 : i32 to index
          %get3A_398 = arith.constant 16 : index
          %get3A_399 = tpu.vector_load %get3A_396[%get3A_397, %get3A_398] {strides = array<i32>} : memref<80x128xf32, #tpu.memory_space<vmem>>, vector<16xf32>,
          %get3A_400 = arith.constant 0 : i32
          %get3A_401 = arith.constant 0 : i32
          %get3A_402 = tpu.memref_slice %arg9[%scan3A_88, %get3A_400, %get3A_401] : memref<2x80x128xf32, #tpu.memory_space<vmem>> -> memref<1x80x128xf32, #tpu.memory_space<vmem>>
          %get3A_403 = tpu.memref_squeeze %get3A_402 : memref<1x80x128xf32, #tpu.memory_space<vmem>> -> memref<80x128xf32, #tpu.memory_space<vmem>>
          %get3A_404 = arith.index_cast %add3A_329 : i32 to index
          %get3A_405 = arith.constant 32 : index
          %get3A_406 = tpu.vector_load %get3A_403[%get3A_404, %get3A_405] {strides = array<i32>} : memref<80x128xf32, #tpu.memory_space<vmem>>, vector<16xf32>,
          %get3A_407 = arith.constant 0 : i32
          %get3A_408 = arith.constant 0 : i32
          %get3A_409 = tpu.memref_slice %arg9[%scan3A_88, %get3A_407, %get3A_408] : memref<2x80x128xf32, #tpu.memory_space<vmem>> -> memref<1x80x128xf32, #tpu.memory_space<vmem>>
          %get3A_410 = tpu.memref_squeeze %get3A_409 : memref<1x80x128xf32, #tpu.memory_space<vmem>> -> memref<80x128xf32, #tpu.memory_space<vmem>>
          %get3A_411 = arith.index_cast %add3A_329 : i32 to index
          %get3A_412 = arith.constant 48 : index
          %get3A_413 = tpu.vector_load %get3A_410[%get3A_411, %get3A_412] {strides = array<i32>} : memref<80x128xf32, #tpu.memory_space<vmem>>, vector<16xf32>,
          %get3A_414 = arith.constant 0 : i32
          %get3A_415 = arith.constant 0 : i32
          %get3A_416 = tpu.memref_slice %arg9[%scan3A_88, %get3A_414, %get3A_415] : memref<2x80x128xf32, #tpu.memory_space<vmem>> -> memref<1x80x128xf32, #tpu.memory_space<vmem>>
          %get3A_417 = tpu.memref_squeeze %get3A_416 : memref<1x80x128xf32, #tpu.memory_space<vmem>> -> memref<80x128xf32, #tpu.memory_space<vmem>>
          %get3A_418 = arith.index_cast %add3A_329 : i32 to index
          %get3A_419 = arith.constant 64 : index
          %get3A_420 = tpu.vector_load %get3A_417[%get3A_418, %get3A_419] {strides = array<i32>} : memref<80x128xf32, #tpu.memory_space<vmem>>, vector<16xf32>,
          %get3A_421 = arith.constant 0 : i32
          %get3A_422 = arith.constant 0 : i32
          %get3A_423 = tpu.memref_slice %arg9[%scan3A_88, %get3A_421, %get3A_422] : memref<2x80x128xf32, #tpu.memory_space<vmem>> -> memref<1x80x128xf32, #tpu.memory_space<vmem>>
          %get3A_424 = tpu.memref_squeeze %get3A_423 : memref<1x80x128xf32, #tpu.memory_space<vmem>> -> memref<80x128xf32, #tpu.memory_space<vmem>>
          %get3A_425 = arith.index_cast %add3A_329 : i32 to index
          %get3A_426 = arith.constant 80 : index
          %get3A_427 = tpu.vector_load %get3A_424[%get3A_425, %get3A_426] {strides = array<i32>} : memref<80x128xf32, #tpu.memory_space<vmem>>, vector<16xf32>,
          %get3A_428 = arith.constant 0 : i32
          %get3A_429 = arith.constant 0 : i32
          %get3A_430 = tpu.memref_slice %arg9[%scan3A_88, %get3A_428, %get3A_429] : memref<2x80x128xf32, #tpu.memory_space<vmem>> -> memref<1x80x128xf32, #tpu.memory_space<vmem>>
          %get3A_431 = tpu.memref_squeeze %get3A_430 : memref<1x80x128xf32, #tpu.memory_space<vmem>> -> memref<80x128xf32, #tpu.memory_space<vmem>>
          %get3A_432 = arith.index_cast %add3A_329 : i32 to index
          %get3A_433 = arith.constant 96 : index
          %get3A_434 = tpu.vector_load %get3A_431[%get3A_432, %get3A_433] {strides = array<i32>} : memref<80x128xf32, #tpu.memory_space<vmem>>, vector<16xf32>,
          %get3A_435 = arith.constant 0 : i32
          %get3A_436 = arith.constant 0 : i32
          %get3A_437 = tpu.memref_slice %arg9[%scan3A_88, %get3A_435, %get3A_436] : memref<2x80x128xf32, #tpu.memory_space<vmem>> -> memref<1x80x128xf32, #tpu.memory_space<vmem>>
          %get3A_438 = tpu.memref_squeeze %get3A_437 : memref<1x80x128xf32, #tpu.memory_space<vmem>> -> memref<80x128xf32, #tpu.memory_space<vmem>>
          %get3A_439 = arith.index_cast %add3A_329 : i32 to index
          %get3A_440 = arith.constant 112 : index
          %get3A_441 = tpu.vector_load %get3A_438[%get3A_439, %get3A_440] {strides = array<i32>} : memref<80x128xf32, #tpu.memory_space<vmem>>, vector<16xf32>,
          %mul3A_442 = arith.mulf %get3A_108, %get3A_164 : vector<16xf32>
          %mul3A_443 = arith.mulf %get3A_115, %get3A_171 : vector<16xf32>
          %mul3A_444 = arith.mulf %get3A_122, %get3A_178 : vector<16xf32>
          %mul3A_445 = arith.mulf %get3A_129, %get3A_185 : vector<16xf32>
          %mul3A_446 = arith.mulf %get3A_136, %get3A_192 : vector<16xf32>
          %mul3A_447 = arith.mulf %get3A_143, %get3A_199 : vector<16xf32>
          %mul3A_448 = arith.mulf %get3A_150, %get3A_206 : vector<16xf32>
          %mul3A_449 = arith.mulf %get3A_157, %get3A_213 : vector<16xf32>
          %add3A_450 = arith.addf %mul3A_442, %mul3A_443 : vector<16xf32>
          %add3A_451 = arith.addf %mul3A_444, %mul3A_445 : vector<16xf32>
          %add3A_452 = arith.addf %add3A_450, %add3A_451 : vector<16xf32>
          %add3A_453 = arith.addf %mul3A_446, %mul3A_447 : vector<16xf32>
          %add3A_454 = arith.addf %mul3A_448, %mul3A_449 : vector<16xf32>
          %add3A_455 = arith.addf %add3A_453, %add3A_454 : vector<16xf32>
          %add3A_456 = arith.addf %add3A_452, %add3A_455 : vector<16xf32>
          %mul3A_457 = arith.mulf %mul3A_442, %select_n3A : vector<16xf32>
          %sub3A = arith.subf %mul3A_457, %add3A_456 : vector<16xf32>
          %broadcast_in_dim3A_458 = arith.constant true
          %broadcast_in_dim3A_459 = vector.broadcast %broadcast_in_dim3A_458 : i1 to vector<16xi1>
          %masked_cumsum3A = tpu.scan <sum>, %sub3A masked %broadcast_in_dim3A_459 : vector<16xf32>, vector<16xi1> -> vector<16xf32>
          %add3A_460 = arith.constant 0 : i32
          %add3A_461 = vector.broadcast %add3A_460 : i32 to vector<16xi32>
          %add3A_462 = arith.addi %add3A_100, %add3A_461 : vector<16xi32>
          tpu.vector_store_idx %arg10[%add3A_85, %add3A_462], %masked_cumsum3A masked %eq3A_7 : memref<125x80xf32, #tpu.memory_space<vmem>>[vector<16xi32>, vector<16xi32>], vector<16xf32>, vector<16xi1>
          %add3A_463 = arith.constant 3 : i32
          %add3A_464 = arith.addi %mul3A_96, %add3A_463 : i32
          %get3A_465 = arith.constant 0 : i32
          %get3A_466 = arith.constant 0 : i32
          %get3A_467 = tpu.memref_slice %arg8[%scan3A_87, %get3A_465, %get3A_466] : memref<2x80x128xf32, #tpu.memory_space<vmem>> -> memref<1x80x128xf32, #tpu.memory_space<vmem>>
          %get3A_468 = tpu.memref_squeeze %get3A_467 : memref<1x80x128xf32, #tpu.memory_space<vmem>> -> memref<80x128xf32, #tpu.memory_space<vmem>>
          %get3A_469 = arith.index_cast %add3A_464 : i32 to index
          %get3A_470 = arith.constant 0 : index
          %get3A_471 = tpu.vector_load %get3A_468[%get3A_469, %get3A_470] {strides = array<i32>} : memref<80x128xf32, #tpu.memory_space<vmem>>, vector<16xf32>,
          %get3A_472 = arith.constant 0 : i32
          %get3A_473 = arith.constant 0 : i32
          %get3A_474 = tpu.memref_slice %arg8[%scan3A_87, %get3A_472, %get3A_473] : memref<2x80x128xf32, #tpu.memory_space<vmem>> -> memref<1x80x128xf32, #tpu.memory_space<vmem>>
          %get3A_475 = tpu.memref_squeeze %get3A_474 : memref<1x80x128xf32, #tpu.memory_space<vmem>> -> memref<80x128xf32, #tpu.memory_space<vmem>>
          %get3A_476 = arith.index_cast %add3A_464 : i32 to index
          %get3A_477 = arith.constant 16 : index
          %get3A_478 = tpu.vector_load %get3A_475[%get3A_476, %get3A_477] {strides = array<i32>} : memref<80x128xf32, #tpu.memory_space<vmem>>, vector<16xf32>,
          %get3A_479 = arith.constant 0 : i32
          %get3A_480 = arith.constant 0 : i32
          %get3A_481 = tpu.memref_slice %arg8[%scan3A_87, %get3A_479, %get3A_480] : memref<2x80x128xf32, #tpu.memory_space<vmem>> -> memref<1x80x128xf32, #tpu.memory_space<vmem>>
          %get3A_482 = tpu.memref_squeeze %get3A_481 : memref<1x80x128xf32, #tpu.memory_space<vmem>> -> memref<80x128xf32, #tpu.memory_space<vmem>>
          %get3A_483 = arith.index_cast %add3A_464 : i32 to index
          %get3A_484 = arith.constant 32 : index
          %get3A_485 = tpu.vector_load %get3A_482[%get3A_483, %get3A_484] {strides = array<i32>} : memref<80x128xf32, #tpu.memory_space<vmem>>, vector<16xf32>,
          %get3A_486 = arith.constant 0 : i32
          %get3A_487 = arith.constant 0 : i32
          %get3A_488 = tpu.memref_slice %arg8[%scan3A_87, %get3A_486, %get3A_487] : memref<2x80x128xf32, #tpu.memory_space<vmem>> -> memref<1x80x128xf32, #tpu.memory_space<vmem>>
          %get3A_489 = tpu.memref_squeeze %get3A_488 : memref<1x80x128xf32, #tpu.memory_space<vmem>> -> memref<80x128xf32, #tpu.memory_space<vmem>>
          %get3A_490 = arith.index_cast %add3A_464 : i32 to index
          %get3A_491 = arith.constant 48 : index
          %get3A_492 = tpu.vector_load %get3A_489[%get3A_490, %get3A_491] {strides = array<i32>} : memref<80x128xf32, #tpu.memory_space<vmem>>, vector<16xf32>,
          %get3A_493 = arith.constant 0 : i32
          %get3A_494 = arith.constant 0 : i32
          %get3A_495 = tpu.memref_slice %arg8[%scan3A_87, %get3A_493, %get3A_494] : memref<2x80x128xf32, #tpu.memory_space<vmem>> -> memref<1x80x128xf32, #tpu.memory_space<vmem>>
          %get3A_496 = tpu.memref_squeeze %get3A_495 : memref<1x80x128xf32, #tpu.memory_space<vmem>> -> memref<80x128xf32, #tpu.memory_space<vmem>>
          %get3A_497 = arith.index_cast %add3A_464 : i32 to index
          %get3A_498 = arith.constant 64 : index
          %get3A_499 = tpu.vector_load %get3A_496[%get3A_497, %get3A_498] {strides = array<i32>} : memref<80x128xf32, #tpu.memory_space<vmem>>, vector<16xf32>,
          %get3A_500 = arith.constant 0 : i32
          %get3A_501 = arith.constant 0 : i32
          %get3A_502 = tpu.memref_slice %arg8[%scan3A_87, %get3A_500, %get3A_501] : memref<2x80x128xf32, #tpu.memory_space<vmem>> -> memref<1x80x128xf32, #tpu.memory_space<vmem>>
          %get3A_503 = tpu.memref_squeeze %get3A_502 : memref<1x80x128xf32, #tpu.memory_space<vmem>> -> memref<80x128xf32, #tpu.memory_space<vmem>>
          %get3A_504 = arith.index_cast %add3A_464 : i32 to index
          %get3A_505 = arith.constant 80 : index
          %get3A_506 = tpu.vector_load %get3A_503[%get3A_504, %get3A_505] {strides = array<i32>} : memref<80x128xf32, #tpu.memory_space<vmem>>, vector<16xf32>,
          %get3A_507 = arith.constant 0 : i32
          %get3A_508 = arith.constant 0 : i32
          %get3A_509 = tpu.memref_slice %arg8[%scan3A_87, %get3A_507, %get3A_508] : memref<2x80x128xf32, #tpu.memory_space<vmem>> -> memref<1x80x128xf32, #tpu.memory_space<vmem>>
          %get3A_510 = tpu.memref_squeeze %get3A_509 : memref<1x80x128xf32, #tpu.memory_space<vmem>> -> memref<80x128xf32, #tpu.memory_space<vmem>>
          %get3A_511 = arith.index_cast %add3A_464 : i32 to index
          %get3A_512 = arith.constant 96 : index
          %get3A_513 = tpu.vector_load %get3A_510[%get3A_511, %get3A_512] {strides = array<i32>} : memref<80x128xf32, #tpu.memory_space<vmem>>, vector<16xf32>,
          %get3A_514 = arith.constant 0 : i32
          %get3A_515 = arith.constant 0 : i32
          %get3A_516 = tpu.memref_slice %arg8[%scan3A_87, %get3A_514, %get3A_515] : memref<2x80x128xf32, #tpu.memory_space<vmem>> -> memref<1x80x128xf32, #tpu.memory_space<vmem>>
          %get3A_517 = tpu.memref_squeeze %get3A_516 : memref<1x80x128xf32, #tpu.memory_space<vmem>> -> memref<80x128xf32, #tpu.memory_space<vmem>>
          %get3A_518 = arith.index_cast %add3A_464 : i32 to index
          %get3A_519 = arith.constant 112 : index
          %get3A_520 = tpu.vector_load %get3A_517[%get3A_518, %get3A_519] {strides = array<i32>} : memref<80x128xf32, #tpu.memory_space<vmem>>, vector<16xf32>,
          %get3A_521 = arith.constant 0 : i32
          %get3A_522 = arith.constant 0 : i32
          %get3A_523 = tpu.memref_slice %arg9[%scan3A_88, %get3A_521, %get3A_522] : memref<2x80x128xf32, #tpu.memory_space<vmem>> -> memref<1x80x128xf32, #tpu.memory_space<vmem>>
          %get3A_524 = tpu.memref_squeeze %get3A_523 : memref<1x80x128xf32, #tpu.memory_space<vmem>> -> memref<80x128xf32, #tpu.memory_space<vmem>>
          %get3A_525 = arith.index_cast %add3A_464 : i32 to index
          %get3A_526 = arith.constant 0 : index
          %get3A_527 = tpu.vector_load %get3A_524[%get3A_525, %get3A_526] {strides = array<i32>} : memref<80x128xf32, #tpu.memory_space<vmem>>, vector<16xf32>,
          %get3A_528 = arith.constant 0 : i32
          %get3A_529 = arith.constant 0 : i32
          %get3A_530 = tpu.memref_slice %arg9[%scan3A_88, %get3A_528, %get3A_529] : memref<2x80x128xf32, #tpu.memory_space<vmem>> -> memref<1x80x128xf32, #tpu.memory_space<vmem>>
          %get3A_531 = tpu.memref_squeeze %get3A_530 : memref<1x80x128xf32, #tpu.memory_space<vmem>> -> memref<80x128xf32, #tpu.memory_space<vmem>>
          %get3A_532 = arith.index_cast %add3A_464 : i32 to index
          %get3A_533 = arith.constant 16 : index
          %get3A_534 = tpu.vector_load %get3A_531[%get3A_532, %get3A_533] {strides = array<i32>} : memref<80x128xf32, #tpu.memory_space<vmem>>, vector<16xf32>,
          %get3A_535 = arith.constant 0 : i32
          %get3A_536 = arith.constant 0 : i32
          %get3A_537 = tpu.memref_slice %arg9[%scan3A_88, %get3A_535, %get3A_536] : memref<2x80x128xf32, #tpu.memory_space<vmem>> -> memref<1x80x128xf32, #tpu.memory_space<vmem>>
          %get3A_538 = tpu.memref_squeeze %get3A_537 : memref<1x80x128xf32, #tpu.memory_space<vmem>> -> memref<80x128xf32, #tpu.memory_space<vmem>>
          %get3A_539 = arith.index_cast %add3A_464 : i32 to index
          %get3A_540 = arith.constant 32 : index
          %get3A_541 = tpu.vector_load %get3A_538[%get3A_539, %get3A_540] {strides = array<i32>} : memref<80x128xf32, #tpu.memory_space<vmem>>, vector<16xf32>,
          %get3A_542 = arith.constant 0 : i32
          %get3A_543 = arith.constant 0 : i32
          %get3A_544 = tpu.memref_slice %arg9[%scan3A_88, %get3A_542, %get3A_543] : memref<2x80x128xf32, #tpu.memory_space<vmem>> -> memref<1x80x128xf32, #tpu.memory_space<vmem>>
          %get3A_545 = tpu.memref_squeeze %get3A_544 : memref<1x80x128xf32, #tpu.memory_space<vmem>> -> memref<80x128xf32, #tpu.memory_space<vmem>>
          %get3A_546 = arith.index_cast %add3A_464 : i32 to index
          %get3A_547 = arith.constant 48 : index
          %get3A_548 = tpu.vector_load %get3A_545[%get3A_546, %get3A_547] {strides = array<i32>} : memref<80x128xf32, #tpu.memory_space<vmem>>, vector<16xf32>,
          %get3A_549 = arith.constant 0 : i32
          %get3A_550 = arith.constant 0 : i32
          %get3A_551 = tpu.memref_slice %arg9[%scan3A_88, %get3A_549, %get3A_550] : memref<2x80x128xf32, #tpu.memory_space<vmem>> -> memref<1x80x128xf32, #tpu.memory_space<vmem>>
          %get3A_552 = tpu.memref_squeeze %get3A_551 : memref<1x80x128xf32, #tpu.memory_space<vmem>> -> memref<80x128xf32, #tpu.memory_space<vmem>>
          %get3A_553 = arith.index_cast %add3A_464 : i32 to index
          %get3A_554 = arith.constant 64 : index
          %get3A_555 = tpu.vector_load %get3A_552[%get3A_553, %get3A_554] {strides = array<i32>} : memref<80x128xf32, #tpu.memory_space<vmem>>, vector<16xf32>,
          %get3A_556 = arith.constant 0 : i32
          %get3A_557 = arith.constant 0 : i32
          %get3A_558 = tpu.memref_slice %arg9[%scan3A_88, %get3A_556, %get3A_557] : memref<2x80x128xf32, #tpu.memory_space<vmem>> -> memref<1x80x128xf32, #tpu.memory_space<vmem>>
          %get3A_559 = tpu.memref_squeeze %get3A_558 : memref<1x80x128xf32, #tpu.memory_space<vmem>> -> memref<80x128xf32, #tpu.memory_space<vmem>>
          %get3A_560 = arith.index_cast %add3A_464 : i32 to index
          %get3A_561 = arith.constant 80 : index
          %get3A_562 = tpu.vector_load %get3A_559[%get3A_560, %get3A_561] {strides = array<i32>} : memref<80x128xf32, #tpu.memory_space<vmem>>, vector<16xf32>,
          %get3A_563 = arith.constant 0 : i32
          %get3A_564 = arith.constant 0 : i32
          %get3A_565 = tpu.memref_slice %arg9[%scan3A_88, %get3A_563, %get3A_564] : memref<2x80x128xf32, #tpu.memory_space<vmem>> -> memref<1x80x128xf32, #tpu.memory_space<vmem>>
          %get3A_566 = tpu.memref_squeeze %get3A_565 : memref<1x80x128xf32, #tpu.memory_space<vmem>> -> memref<80x128xf32, #tpu.memory_space<vmem>>
          %get3A_567 = arith.index_cast %add3A_464 : i32 to index
          %get3A_568 = arith.constant 96 : index
          %get3A_569 = tpu.vector_load %get3A_566[%get3A_567, %get3A_568] {strides = array<i32>} : memref<80x128xf32, #tpu.memory_space<vmem>>, vector<16xf32>,
          %get3A_570 = arith.constant 0 : i32
          %get3A_571 = arith.constant 0 : i32
          %get3A_572 = tpu.memref_slice %arg9[%scan3A_88, %get3A_570, %get3A_571] : memref<2x80x128xf32, #tpu.memory_space<vmem>> -> memref<1x80x128xf32, #tpu.memory_space<vmem>>
          %get3A_573 = tpu.memref_squeeze %get3A_572 : memref<1x80x128xf32, #tpu.memory_space<vmem>> -> memref<80x128xf32, #tpu.memory_space<vmem>>
          %get3A_574 = arith.index_cast %add3A_464 : i32 to index
          %get3A_575 = arith.constant 112 : index
          %get3A_576 = tpu.vector_load %get3A_573[%get3A_574, %get3A_575] {strides = array<i32>} : memref<80x128xf32, #tpu.memory_space<vmem>>, vector<16xf32>,
          %mul3A_577 = arith.mulf %get3A_222, %get3A_278 : vector<16xf32>
          %mul3A_578 = arith.mulf %get3A_229, %get3A_285 : vector<16xf32>
          %mul3A_579 = arith.mulf %get3A_236, %get3A_292 : vector<16xf32>
          %mul3A_580 = arith.mulf %get3A_243, %get3A_299 : vector<16xf32>
          %mul3A_581 = arith.mulf %get3A_250, %get3A_306 : vector<16xf32>
          %mul3A_582 = arith.mulf %get3A_257, %get3A_313 : vector<16xf32>
          %mul3A_583 = arith.mulf %get3A_264, %get3A_320 : vector<16xf32>
          %mul3A_584 = arith.mulf %get3A_271, %get3A_327 : vector<16xf32>
          %add3A_585 = arith.addf %mul3A_577, %mul3A_578 : vector<16xf32>
          %add3A_586 = arith.addf %mul3A_579, %mul3A_580 : vector<16xf32>
          %add3A_587 = arith.addf %add3A_585, %add3A_586 : vector<16xf32>
          %add3A_588 = arith.addf %mul3A_581, %mul3A_582 : vector<16xf32>
          %add3A_589 = arith.addf %mul3A_583, %mul3A_584 : vector<16xf32>
          %add3A_590 = arith.addf %add3A_588, %add3A_589 : vector<16xf32>
          %add3A_591 = arith.addf %add3A_587, %add3A_590 : vector<16xf32>
          %mul3A_592 = arith.mulf %mul3A_577, %select_n3A : vector<16xf32>
          %sub3A_593 = arith.subf %mul3A_592, %add3A_591 : vector<16xf32>
          %broadcast_in_dim3A_594 = arith.constant true
          %broadcast_in_dim3A_595 = vector.broadcast %broadcast_in_dim3A_594 : i1 to vector<16xi1>
          %masked_cumsum3A_596 = tpu.scan <sum>, %sub3A_593 masked %broadcast_in_dim3A_595 : vector<16xf32>, vector<16xi1> -> vector<16xf32>
          %add3A_597 = arith.constant 1 : i32
          %add3A_598 = vector.broadcast %add3A_597 : i32 to vector<16xi32>
          %add3A_599 = arith.addi %add3A_100, %add3A_598 : vector<16xi32>
          tpu.vector_store_idx %arg10[%add3A_85, %add3A_599], %masked_cumsum3A_596 masked %eq3A_7 : memref<125x80xf32, #tpu.memory_space<vmem>>[vector<16xi32>, vector<16xi32>], vector<16xf32>, vector<16xi1>
          %add3A_600 = arith.constant 4 : i32
          %add3A_601 = arith.addi %mul3A_96, %add3A_600 : i32
          %get3A_602 = arith.constant 0 : i32
          %get3A_603 = arith.constant 0 : i32
          %get3A_604 = tpu.memref_slice %arg8[%scan3A_87, %get3A_602, %get3A_603] : memref<2x80x128xf32, #tpu.memory_space<vmem>> -> memref<1x80x128xf32, #tpu.memory_space<vmem>>
          %get3A_605 = tpu.memref_squeeze %get3A_604 : memref<1x80x128xf32, #tpu.memory_space<vmem>> -> memref<80x128xf32, #tpu.memory_space<vmem>>
          %get3A_606 = arith.index_cast %add3A_601 : i32 to index
          %get3A_607 = arith.constant 0 : index
          %get3A_608 = tpu.vector_load %get3A_605[%get3A_606, %get3A_607] {strides = array<i32>} : memref<80x128xf32, #tpu.memory_space<vmem>>, vector<16xf32>,
          %get3A_609 = arith.constant 0 : i32
          %get3A_610 = arith.constant 0 : i32
          %get3A_611 = tpu.memref_slice %arg8[%scan3A_87, %get3A_609, %get3A_610] : memref<2x80x128xf32, #tpu.memory_space<vmem>> -> memref<1x80x128xf32, #tpu.memory_space<vmem>>
          %get3A_612 = tpu.memref_squeeze %get3A_611 : memref<1x80x128xf32, #tpu.memory_space<vmem>> -> memref<80x128xf32, #tpu.memory_space<vmem>>
          %get3A_613 = arith.index_cast %add3A_601 : i32 to index
          %get3A_614 = arith.constant 16 : index
          %get3A_615 = tpu.vector_load %get3A_612[%get3A_613, %get3A_614] {strides = array<i32>} : memref<80x128xf32, #tpu.memory_space<vmem>>, vector<16xf32>,
          %get3A_616 = arith.constant 0 : i32
          %get3A_617 = arith.constant 0 : i32
          %get3A_618 = tpu.memref_slice %arg8[%scan3A_87, %get3A_616, %get3A_617] : memref<2x80x128xf32, #tpu.memory_space<vmem>> -> memref<1x80x128xf32, #tpu.memory_space<vmem>>
          %get3A_619 = tpu.memref_squeeze %get3A_618 : memref<1x80x128xf32, #tpu.memory_space<vmem>> -> memref<80x128xf32, #tpu.memory_space<vmem>>
          %get3A_620 = arith.index_cast %add3A_601 : i32 to index
          %get3A_621 = arith.constant 32 : index
          %get3A_622 = tpu.vector_load %get3A_619[%get3A_620, %get3A_621] {strides = array<i32>} : memref<80x128xf32, #tpu.memory_space<vmem>>, vector<16xf32>,
          %get3A_623 = arith.constant 0 : i32
          %get3A_624 = arith.constant 0 : i32
          %get3A_625 = tpu.memref_slice %arg8[%scan3A_87, %get3A_623, %get3A_624] : memref<2x80x128xf32, #tpu.memory_space<vmem>> -> memref<1x80x128xf32, #tpu.memory_space<vmem>>
          %get3A_626 = tpu.memref_squeeze %get3A_625 : memref<1x80x128xf32, #tpu.memory_space<vmem>> -> memref<80x128xf32, #tpu.memory_space<vmem>>
          %get3A_627 = arith.index_cast %add3A_601 : i32 to index
          %get3A_628 = arith.constant 48 : index
          %get3A_629 = tpu.vector_load %get3A_626[%get3A_627, %get3A_628] {strides = array<i32>} : memref<80x128xf32, #tpu.memory_space<vmem>>, vector<16xf32>,
          %get3A_630 = arith.constant 0 : i32
          %get3A_631 = arith.constant 0 : i32
          %get3A_632 = tpu.memref_slice %arg8[%scan3A_87, %get3A_630, %get3A_631] : memref<2x80x128xf32, #tpu.memory_space<vmem>> -> memref<1x80x128xf32, #tpu.memory_space<vmem>>
          %get3A_633 = tpu.memref_squeeze %get3A_632 : memref<1x80x128xf32, #tpu.memory_space<vmem>> -> memref<80x128xf32, #tpu.memory_space<vmem>>
          %get3A_634 = arith.index_cast %add3A_601 : i32 to index
          %get3A_635 = arith.constant 64 : index
          %get3A_636 = tpu.vector_load %get3A_633[%get3A_634, %get3A_635] {strides = array<i32>} : memref<80x128xf32, #tpu.memory_space<vmem>>, vector<16xf32>,
          %get3A_637 = arith.constant 0 : i32
          %get3A_638 = arith.constant 0 : i32
          %get3A_639 = tpu.memref_slice %arg8[%scan3A_87, %get3A_637, %get3A_638] : memref<2x80x128xf32, #tpu.memory_space<vmem>> -> memref<1x80x128xf32, #tpu.memory_space<vmem>>
          %get3A_640 = tpu.memref_squeeze %get3A_639 : memref<1x80x128xf32, #tpu.memory_space<vmem>> -> memref<80x128xf32, #tpu.memory_space<vmem>>
          %get3A_641 = arith.index_cast %add3A_601 : i32 to index
          %get3A_642 = arith.constant 80 : index
          %get3A_643 = tpu.vector_load %get3A_640[%get3A_641, %get3A_642] {strides = array<i32>} : memref<80x128xf32, #tpu.memory_space<vmem>>, vector<16xf32>,
          %get3A_644 = arith.constant 0 : i32
          %get3A_645 = arith.constant 0 : i32
          %get3A_646 = tpu.memref_slice %arg8[%scan3A_87, %get3A_644, %get3A_645] : memref<2x80x128xf32, #tpu.memory_space<vmem>> -> memref<1x80x128xf32, #tpu.memory_space<vmem>>
          %get3A_647 = tpu.memref_squeeze %get3A_646 : memref<1x80x128xf32, #tpu.memory_space<vmem>> -> memref<80x128xf32, #tpu.memory_space<vmem>>
          %get3A_648 = arith.index_cast %add3A_601 : i32 to index
          %get3A_649 = arith.constant 96 : index
          %get3A_650 = tpu.vector_load %get3A_647[%get3A_648, %get3A_649] {strides = array<i32>} : memref<80x128xf32, #tpu.memory_space<vmem>>, vector<16xf32>,
          %get3A_651 = arith.constant 0 : i32
          %get3A_652 = arith.constant 0 : i32
          %get3A_653 = tpu.memref_slice %arg8[%scan3A_87, %get3A_651, %get3A_652] : memref<2x80x128xf32, #tpu.memory_space<vmem>> -> memref<1x80x128xf32, #tpu.memory_space<vmem>>
          %get3A_654 = tpu.memref_squeeze %get3A_653 : memref<1x80x128xf32, #tpu.memory_space<vmem>> -> memref<80x128xf32, #tpu.memory_space<vmem>>
          %get3A_655 = arith.index_cast %add3A_601 : i32 to index
          %get3A_656 = arith.constant 112 : index
          %get3A_657 = tpu.vector_load %get3A_654[%get3A_655, %get3A_656] {strides = array<i32>} : memref<80x128xf32, #tpu.memory_space<vmem>>, vector<16xf32>,
          %get3A_658 = arith.constant 0 : i32
          %get3A_659 = arith.constant 0 : i32
          %get3A_660 = tpu.memref_slice %arg9[%scan3A_88, %get3A_658, %get3A_659] : memref<2x80x128xf32, #tpu.memory_space<vmem>> -> memref<1x80x128xf32, #tpu.memory_space<vmem>>
          %get3A_661 = tpu.memref_squeeze %get3A_660 : memref<1x80x128xf32, #tpu.memory_space<vmem>> -> memref<80x128xf32, #tpu.memory_space<vmem>>
          %get3A_662 = arith.index_cast %add3A_601 : i32 to index
          %get3A_663 = arith.constant 0 : index
          %get3A_664 = tpu.vector_load %get3A_661[%get3A_662, %get3A_663] {strides = array<i32>} : memref<80x128xf32, #tpu.memory_space<vmem>>, vector<16xf32>,
          %get3A_665 = arith.constant 0 : i32
          %get3A_666 = arith.constant 0 : i32
          %get3A_667 = tpu.memref_slice %arg9[%scan3A_88, %get3A_665, %get3A_666] : memref<2x80x128xf32, #tpu.memory_space<vmem>> -> memref<1x80x128xf32, #tpu.memory_space<vmem>>
          %get3A_668 = tpu.memref_squeeze %get3A_667 : memref<1x80x128xf32, #tpu.memory_space<vmem>> -> memref<80x128xf32, #tpu.memory_space<vmem>>
          %get3A_669 = arith.index_cast %add3A_601 : i32 to index
          %get3A_670 = arith.constant 16 : index
          %get3A_671 = tpu.vector_load %get3A_668[%get3A_669, %get3A_670] {strides = array<i32>} : memref<80x128xf32, #tpu.memory_space<vmem>>, vector<16xf32>,
          %get3A_672 = arith.constant 0 : i32
          %get3A_673 = arith.constant 0 : i32
          %get3A_674 = tpu.memref_slice %arg9[%scan3A_88, %get3A_672, %get3A_673] : memref<2x80x128xf32, #tpu.memory_space<vmem>> -> memref<1x80x128xf32, #tpu.memory_space<vmem>>
          %get3A_675 = tpu.memref_squeeze %get3A_674 : memref<1x80x128xf32, #tpu.memory_space<vmem>> -> memref<80x128xf32, #tpu.memory_space<vmem>>
          %get3A_676 = arith.index_cast %add3A_601 : i32 to index
          %get3A_677 = arith.constant 32 : index
          %get3A_678 = tpu.vector_load %get3A_675[%get3A_676, %get3A_677] {strides = array<i32>} : memref<80x128xf32, #tpu.memory_space<vmem>>, vector<16xf32>,
          %get3A_679 = arith.constant 0 : i32
          %get3A_680 = arith.constant 0 : i32
          %get3A_681 = tpu.memref_slice %arg9[%scan3A_88, %get3A_679, %get3A_680] : memref<2x80x128xf32, #tpu.memory_space<vmem>> -> memref<1x80x128xf32, #tpu.memory_space<vmem>>
          %get3A_682 = tpu.memref_squeeze %get3A_681 : memref<1x80x128xf32, #tpu.memory_space<vmem>> -> memref<80x128xf32, #tpu.memory_space<vmem>>
          %get3A_683 = arith.index_cast %add3A_601 : i32 to index
          %get3A_684 = arith.constant 48 : index
          %get3A_685 = tpu.vector_load %get3A_682[%get3A_683, %get3A_684] {strides = array<i32>} : memref<80x128xf32, #tpu.memory_space<vmem>>, vector<16xf32>,
          %get3A_686 = arith.constant 0 : i32
          %get3A_687 = arith.constant 0 : i32
          %get3A_688 = tpu.memref_slice %arg9[%scan3A_88, %get3A_686, %get3A_687] : memref<2x80x128xf32, #tpu.memory_space<vmem>> -> memref<1x80x128xf32, #tpu.memory_space<vmem>>
          %get3A_689 = tpu.memref_squeeze %get3A_688 : memref<1x80x128xf32, #tpu.memory_space<vmem>> -> memref<80x128xf32, #tpu.memory_space<vmem>>
          %get3A_690 = arith.index_cast %add3A_601 : i32 to index
          %get3A_691 = arith.constant 64 : index
          %get3A_692 = tpu.vector_load %get3A_689[%get3A_690, %get3A_691] {strides = array<i32>} : memref<80x128xf32, #tpu.memory_space<vmem>>, vector<16xf32>,
          %get3A_693 = arith.constant 0 : i32
          %get3A_694 = arith.constant 0 : i32
          %get3A_695 = tpu.memref_slice %arg9[%scan3A_88, %get3A_693, %get3A_694] : memref<2x80x128xf32, #tpu.memory_space<vmem>> -> memref<1x80x128xf32, #tpu.memory_space<vmem>>
          %get3A_696 = tpu.memref_squeeze %get3A_695 : memref<1x80x128xf32, #tpu.memory_space<vmem>> -> memref<80x128xf32, #tpu.memory_space<vmem>>
          %get3A_697 = arith.index_cast %add3A_601 : i32 to index
          %get3A_698 = arith.constant 80 : index
          %get3A_699 = tpu.vector_load %get3A_696[%get3A_697, %get3A_698] {strides = array<i32>} : memref<80x128xf32, #tpu.memory_space<vmem>>, vector<16xf32>,
          %get3A_700 = arith.constant 0 : i32
          %get3A_701 = arith.constant 0 : i32
          %get3A_702 = tpu.memref_slice %arg9[%scan3A_88, %get3A_700, %get3A_701] : memref<2x80x128xf32, #tpu.memory_space<vmem>> -> memref<1x80x128xf32, #tpu.memory_space<vmem>>
          %get3A_703 = tpu.memref_squeeze %get3A_702 : memref<1x80x128xf32, #tpu.memory_space<vmem>> -> memref<80x128xf32, #tpu.memory_space<vmem>>
          %get3A_704 = arith.index_cast %add3A_601 : i32 to index
          %get3A_705 = arith.constant 96 : index
          %get3A_706 = tpu.vector_load %get3A_703[%get3A_704, %get3A_705] {strides = array<i32>} : memref<80x128xf32, #tpu.memory_space<vmem>>, vector<16xf32>,
          %get3A_707 = arith.constant 0 : i32
          %get3A_708 = arith.constant 0 : i32
          %get3A_709 = tpu.memref_slice %arg9[%scan3A_88, %get3A_707, %get3A_708] : memref<2x80x128xf32, #tpu.memory_space<vmem>> -> memref<1x80x128xf32, #tpu.memory_space<vmem>>
          %get3A_710 = tpu.memref_squeeze %get3A_709 : memref<1x80x128xf32, #tpu.memory_space<vmem>> -> memref<80x128xf32, #tpu.memory_space<vmem>>
          %get3A_711 = arith.index_cast %add3A_601 : i32 to index
          %get3A_712 = arith.constant 112 : index
          %get3A_713 = tpu.vector_load %get3A_710[%get3A_711, %get3A_712] {strides = array<i32>} : memref<80x128xf32, #tpu.memory_space<vmem>>, vector<16xf32>,
          %mul3A_714 = arith.mulf %get3A_336, %get3A_392 : vector<16xf32>
          %mul3A_715 = arith.mulf %get3A_343, %get3A_399 : vector<16xf32>
          %mul3A_716 = arith.mulf %get3A_350, %get3A_406 : vector<16xf32>
          %mul3A_717 = arith.mulf %get3A_357, %get3A_413 : vector<16xf32>
          %mul3A_718 = arith.mulf %get3A_364, %get3A_420 : vector<16xf32>
          %mul3A_719 = arith.mulf %get3A_371, %get3A_427 : vector<16xf32>
          %mul3A_720 = arith.mulf %get3A_378, %get3A_434 : vector<16xf32>
          %mul3A_721 = arith.mulf %get3A_385, %get3A_441 : vector<16xf32>
          %add3A_722 = arith.addf %mul3A_714, %mul3A_715 : vector<16xf32>
          %add3A_723 = arith.addf %mul3A_716, %mul3A_717 : vector<16xf32>
          %add3A_724 = arith.addf %add3A_722, %add3A_723 : vector<16xf32>
          %add3A_725 = arith.addf %mul3A_718, %mul3A_719 : vector<16xf32>
          %add3A_726 = arith.addf %mul3A_720, %mul3A_721 : vector<16xf32>
          %add3A_727 = arith.addf %add3A_725, %add3A_726 : vector<16xf32>
          %add3A_728 = arith.addf %add3A_724, %add3A_727 : vector<16xf32>
          %mul3A_729 = arith.mulf %mul3A_714, %select_n3A : vector<16xf32>
          %sub3A_730 = arith.subf %mul3A_729, %add3A_728 : vector<16xf32>
          %broadcast_in_dim3A_731 = arith.constant true
          %broadcast_in_dim3A_732 = vector.broadcast %broadcast_in_dim3A_731 : i1 to vector<16xi1>
          %masked_cumsum3A_733 = tpu.scan <sum>, %sub3A_730 masked %broadcast_in_dim3A_732 : vector<16xf32>, vector<16xi1> -> vector<16xf32>
          %add3A_734 = arith.constant 2 : i32
          %add3A_735 = vector.broadcast %add3A_734 : i32 to vector<16xi32>
          %add3A_736 = arith.addi %add3A_100, %add3A_735 : vector<16xi32>
          tpu.vector_store_idx %arg10[%add3A_85, %add3A_736], %masked_cumsum3A_733 masked %eq3A_7 : memref<125x80xf32, #tpu.memory_space<vmem>>[vector<16xi32>, vector<16xi32>], vector<16xf32>, vector<16xi1>
          %add3A_737 = arith.constant 5 : i32
          %add3A_738 = arith.addi %mul3A_96, %add3A_737 : i32
          %get3A_739 = arith.constant 0 : i32
          %get3A_740 = arith.constant 0 : i32
          %get3A_741 = tpu.memref_slice %arg8[%scan3A_87, %get3A_739, %get3A_740] : memref<2x80x128xf32, #tpu.memory_space<vmem>> -> memref<1x80x128xf32, #tpu.memory_space<vmem>>
          %get3A_742 = tpu.memref_squeeze %get3A_741 : memref<1x80x128xf32, #tpu.memory_space<vmem>> -> memref<80x128xf32, #tpu.memory_space<vmem>>
          %get3A_743 = arith.index_cast %add3A_738 : i32 to index
          %get3A_744 = arith.constant 0 : index
          %get3A_745 = tpu.vector_load %get3A_742[%get3A_743, %get3A_744] {strides = array<i32>} : memref<80x128xf32, #tpu.memory_space<vmem>>, vector<16xf32>,
          %get3A_746 = arith.constant 0 : i32
          %get3A_747 = arith.constant 0 : i32
          %get3A_748 = tpu.memref_slice %arg8[%scan3A_87, %get3A_746, %get3A_747] : memref<2x80x128xf32, #tpu.memory_space<vmem>> -> memref<1x80x128xf32, #tpu.memory_space<vmem>>
          %get3A_749 = tpu.memref_squeeze %get3A_748 : memref<1x80x128xf32, #tpu.memory_space<vmem>> -> memref<80x128xf32, #tpu.memory_space<vmem>>
          %get3A_750 = arith.index_cast %add3A_738 : i32 to index
          %get3A_751 = arith.constant 16 : index
          %get3A_752 = tpu.vector_load %get3A_749[%get3A_750, %get3A_751] {strides = array<i32>} : memref<80x128xf32, #tpu.memory_space<vmem>>, vector<16xf32>,
          %get3A_753 = arith.constant 0 : i32
          %get3A_754 = arith.constant 0 : i32
          %get3A_755 = tpu.memref_slice %arg8[%scan3A_87, %get3A_753, %get3A_754] : memref<2x80x128xf32, #tpu.memory_space<vmem>> -> memref<1x80x128xf32, #tpu.memory_space<vmem>>
          %get3A_756 = tpu.memref_squeeze %get3A_755 : memref<1x80x128xf32, #tpu.memory_space<vmem>> -> memref<80x128xf32, #tpu.memory_space<vmem>>
          %get3A_757 = arith.index_cast %add3A_738 : i32 to index
          %get3A_758 = arith.constant 32 : index
          %get3A_759 = tpu.vector_load %get3A_756[%get3A_757, %get3A_758] {strides = array<i32>} : memref<80x128xf32, #tpu.memory_space<vmem>>, vector<16xf32>,
          %get3A_760 = arith.constant 0 : i32
          %get3A_761 = arith.constant 0 : i32
          %get3A_762 = tpu.memref_slice %arg8[%scan3A_87, %get3A_760, %get3A_761] : memref<2x80x128xf32, #tpu.memory_space<vmem>> -> memref<1x80x128xf32, #tpu.memory_space<vmem>>
          %get3A_763 = tpu.memref_squeeze %get3A_762 : memref<1x80x128xf32, #tpu.memory_space<vmem>> -> memref<80x128xf32, #tpu.memory_space<vmem>>
          %get3A_764 = arith.index_cast %add3A_738 : i32 to index
          %get3A_765 = arith.constant 48 : index
          %get3A_766 = tpu.vector_load %get3A_763[%get3A_764, %get3A_765] {strides = array<i32>} : memref<80x128xf32, #tpu.memory_space<vmem>>, vector<16xf32>,
          %get3A_767 = arith.constant 0 : i32
          %get3A_768 = arith.constant 0 : i32
          %get3A_769 = tpu.memref_slice %arg8[%scan3A_87, %get3A_767, %get3A_768] : memref<2x80x128xf32, #tpu.memory_space<vmem>> -> memref<1x80x128xf32, #tpu.memory_space<vmem>>
          %get3A_770 = tpu.memref_squeeze %get3A_769 : memref<1x80x128xf32, #tpu.memory_space<vmem>> -> memref<80x128xf32, #tpu.memory_space<vmem>>
          %get3A_771 = arith.index_cast %add3A_738 : i32 to index
          %get3A_772 = arith.constant 64 : index
          %get3A_773 = tpu.vector_load %get3A_770[%get3A_771, %get3A_772] {strides = array<i32>} : memref<80x128xf32, #tpu.memory_space<vmem>>, vector<16xf32>,
          %get3A_774 = arith.constant 0 : i32
          %get3A_775 = arith.constant 0 : i32
          %get3A_776 = tpu.memref_slice %arg8[%scan3A_87, %get3A_774, %get3A_775] : memref<2x80x128xf32, #tpu.memory_space<vmem>> -> memref<1x80x128xf32, #tpu.memory_space<vmem>>
          %get3A_777 = tpu.memref_squeeze %get3A_776 : memref<1x80x128xf32, #tpu.memory_space<vmem>> -> memref<80x128xf32, #tpu.memory_space<vmem>>
          %get3A_778 = arith.index_cast %add3A_738 : i32 to index
          %get3A_779 = arith.constant 80 : index
          %get3A_780 = tpu.vector_load %get3A_777[%get3A_778, %get3A_779] {strides = array<i32>} : memref<80x128xf32, #tpu.memory_space<vmem>>, vector<16xf32>,
          %get3A_781 = arith.constant 0 : i32
          %get3A_782 = arith.constant 0 : i32
          %get3A_783 = tpu.memref_slice %arg8[%scan3A_87, %get3A_781, %get3A_782] : memref<2x80x128xf32, #tpu.memory_space<vmem>> -> memref<1x80x128xf32, #tpu.memory_space<vmem>>
          %get3A_784 = tpu.memref_squeeze %get3A_783 : memref<1x80x128xf32, #tpu.memory_space<vmem>> -> memref<80x128xf32, #tpu.memory_space<vmem>>
          %get3A_785 = arith.index_cast %add3A_738 : i32 to index
          %get3A_786 = arith.constant 96 : index
          %get3A_787 = tpu.vector_load %get3A_784[%get3A_785, %get3A_786] {strides = array<i32>} : memref<80x128xf32, #tpu.memory_space<vmem>>, vector<16xf32>,
          %get3A_788 = arith.constant 0 : i32
          %get3A_789 = arith.constant 0 : i32
          %get3A_790 = tpu.memref_slice %arg8[%scan3A_87, %get3A_788, %get3A_789] : memref<2x80x128xf32, #tpu.memory_space<vmem>> -> memref<1x80x128xf32, #tpu.memory_space<vmem>>
          %get3A_791 = tpu.memref_squeeze %get3A_790 : memref<1x80x128xf32, #tpu.memory_space<vmem>> -> memref<80x128xf32, #tpu.memory_space<vmem>>
          %get3A_792 = arith.index_cast %add3A_738 : i32 to index
          %get3A_793 = arith.constant 112 : index
          %get3A_794 = tpu.vector_load %get3A_791[%get3A_792, %get3A_793] {strides = array<i32>} : memref<80x128xf32, #tpu.memory_space<vmem>>, vector<16xf32>,
          %get3A_795 = arith.constant 0 : i32
          %get3A_796 = arith.constant 0 : i32
          %get3A_797 = tpu.memref_slice %arg9[%scan3A_88, %get3A_795, %get3A_796] : memref<2x80x128xf32, #tpu.memory_space<vmem>> -> memref<1x80x128xf32, #tpu.memory_space<vmem>>
          %get3A_798 = tpu.memref_squeeze %get3A_797 : memref<1x80x128xf32, #tpu.memory_space<vmem>> -> memref<80x128xf32, #tpu.memory_space<vmem>>
          %get3A_799 = arith.index_cast %add3A_738 : i32 to index
          %get3A_800 = arith.constant 0 : index
          %get3A_801 = tpu.vector_load %get3A_798[%get3A_799, %get3A_800] {strides = array<i32>} : memref<80x128xf32, #tpu.memory_space<vmem>>, vector<16xf32>,
          %get3A_802 = arith.constant 0 : i32
          %get3A_803 = arith.constant 0 : i32
          %get3A_804 = tpu.memref_slice %arg9[%scan3A_88, %get3A_802, %get3A_803] : memref<2x80x128xf32, #tpu.memory_space<vmem>> -> memref<1x80x128xf32, #tpu.memory_space<vmem>>
          %get3A_805 = tpu.memref_squeeze %get3A_804 : memref<1x80x128xf32, #tpu.memory_space<vmem>> -> memref<80x128xf32, #tpu.memory_space<vmem>>
          %get3A_806 = arith.index_cast %add3A_738 : i32 to index
          %get3A_807 = arith.constant 16 : index
          %get3A_808 = tpu.vector_load %get3A_805[%get3A_806, %get3A_807] {strides = array<i32>} : memref<80x128xf32, #tpu.memory_space<vmem>>, vector<16xf32>,
          %get3A_809 = arith.constant 0 : i32
          %get3A_810 = arith.constant 0 : i32
          %get3A_811 = tpu.memref_slice %arg9[%scan3A_88, %get3A_809, %get3A_810] : memref<2x80x128xf32, #tpu.memory_space<vmem>> -> memref<1x80x128xf32, #tpu.memory_space<vmem>>
          %get3A_812 = tpu.memref_squeeze %get3A_811 : memref<1x80x128xf32, #tpu.memory_space<vmem>> -> memref<80x128xf32, #tpu.memory_space<vmem>>
          %get3A_813 = arith.index_cast %add3A_738 : i32 to index
          %get3A_814 = arith.constant 32 : index
          %get3A_815 = tpu.vector_load %get3A_812[%get3A_813, %get3A_814] {strides = array<i32>} : memref<80x128xf32, #tpu.memory_space<vmem>>, vector<16xf32>,
          %get3A_816 = arith.constant 0 : i32
          %get3A_817 = arith.constant 0 : i32
          %get3A_818 = tpu.memref_slice %arg9[%scan3A_88, %get3A_816, %get3A_817] : memref<2x80x128xf32, #tpu.memory_space<vmem>> -> memref<1x80x128xf32, #tpu.memory_space<vmem>>
          %get3A_819 = tpu.memref_squeeze %get3A_818 : memref<1x80x128xf32, #tpu.memory_space<vmem>> -> memref<80x128xf32, #tpu.memory_space<vmem>>
          %get3A_820 = arith.index_cast %add3A_738 : i32 to index
          %get3A_821 = arith.constant 48 : index
          %get3A_822 = tpu.vector_load %get3A_819[%get3A_820, %get3A_821] {strides = array<i32>} : memref<80x128xf32, #tpu.memory_space<vmem>>, vector<16xf32>,
          %get3A_823 = arith.constant 0 : i32
          %get3A_824 = arith.constant 0 : i32
          %get3A_825 = tpu.memref_slice %arg9[%scan3A_88, %get3A_823, %get3A_824] : memref<2x80x128xf32, #tpu.memory_space<vmem>> -> memref<1x80x128xf32, #tpu.memory_space<vmem>>
          %get3A_826 = tpu.memref_squeeze %get3A_825 : memref<1x80x128xf32, #tpu.memory_space<vmem>> -> memref<80x128xf32, #tpu.memory_space<vmem>>
          %get3A_827 = arith.index_cast %add3A_738 : i32 to index
          %get3A_828 = arith.constant 64 : index
          %get3A_829 = tpu.vector_load %get3A_826[%get3A_827, %get3A_828] {strides = array<i32>} : memref<80x128xf32, #tpu.memory_space<vmem>>, vector<16xf32>,
          %get3A_830 = arith.constant 0 : i32
          %get3A_831 = arith.constant 0 : i32
          %get3A_832 = tpu.memref_slice %arg9[%scan3A_88, %get3A_830, %get3A_831] : memref<2x80x128xf32, #tpu.memory_space<vmem>> -> memref<1x80x128xf32, #tpu.memory_space<vmem>>
          %get3A_833 = tpu.memref_squeeze %get3A_832 : memref<1x80x128xf32, #tpu.memory_space<vmem>> -> memref<80x128xf32, #tpu.memory_space<vmem>>
          %get3A_834 = arith.index_cast %add3A_738 : i32 to index
          %get3A_835 = arith.constant 80 : index
          %get3A_836 = tpu.vector_load %get3A_833[%get3A_834, %get3A_835] {strides = array<i32>} : memref<80x128xf32, #tpu.memory_space<vmem>>, vector<16xf32>,
          %get3A_837 = arith.constant 0 : i32
          %get3A_838 = arith.constant 0 : i32
          %get3A_839 = tpu.memref_slice %arg9[%scan3A_88, %get3A_837, %get3A_838] : memref<2x80x128xf32, #tpu.memory_space<vmem>> -> memref<1x80x128xf32, #tpu.memory_space<vmem>>
          %get3A_840 = tpu.memref_squeeze %get3A_839 : memref<1x80x128xf32, #tpu.memory_space<vmem>> -> memref<80x128xf32, #tpu.memory_space<vmem>>
          %get3A_841 = arith.index_cast %add3A_738 : i32 to index
          %get3A_842 = arith.constant 96 : index
          %get3A_843 = tpu.vector_load %get3A_840[%get3A_841, %get3A_842] {strides = array<i32>} : memref<80x128xf32, #tpu.memory_space<vmem>>, vector<16xf32>,
          %get3A_844 = arith.constant 0 : i32
          %get3A_845 = arith.constant 0 : i32
          %get3A_846 = tpu.memref_slice %arg9[%scan3A_88, %get3A_844, %get3A_845] : memref<2x80x128xf32, #tpu.memory_space<vmem>> -> memref<1x80x128xf32, #tpu.memory_space<vmem>>
          %get3A_847 = tpu.memref_squeeze %get3A_846 : memref<1x80x128xf32, #tpu.memory_space<vmem>> -> memref<80x128xf32, #tpu.memory_space<vmem>>
          %get3A_848 = arith.index_cast %add3A_738 : i32 to index
          %get3A_849 = arith.constant 112 : index
          %get3A_850 = tpu.vector_load %get3A_847[%get3A_848, %get3A_849] {strides = array<i32>} : memref<80x128xf32, #tpu.memory_space<vmem>>, vector<16xf32>,
          %mul3A_851 = arith.mulf %get3A_471, %get3A_527 : vector<16xf32>
          %mul3A_852 = arith.mulf %get3A_478, %get3A_534 : vector<16xf32>
          %mul3A_853 = arith.mulf %get3A_485, %get3A_541 : vector<16xf32>
          %mul3A_854 = arith.mulf %get3A_492, %get3A_548 : vector<16xf32>
          %mul3A_855 = arith.mulf %get3A_499, %get3A_555 : vector<16xf32>
          %mul3A_856 = arith.mulf %get3A_506, %get3A_562 : vector<16xf32>
          %mul3A_857 = arith.mulf %get3A_513, %get3A_569 : vector<16xf32>
          %mul3A_858 = arith.mulf %get3A_520, %get3A_576 : vector<16xf32>
          %add3A_859 = arith.addf %mul3A_851, %mul3A_852 : vector<16xf32>
          %add3A_860 = arith.addf %mul3A_853, %mul3A_854 : vector<16xf32>
          %add3A_861 = arith.addf %add3A_859, %add3A_860 : vector<16xf32>
          %add3A_862 = arith.addf %mul3A_855, %mul3A_856 : vector<16xf32>
          %add3A_863 = arith.addf %mul3A_857, %mul3A_858 : vector<16xf32>
          %add3A_864 = arith.addf %add3A_862, %add3A_863 : vector<16xf32>
          %add3A_865 = arith.addf %add3A_861, %add3A_864 : vector<16xf32>
          %mul3A_866 = arith.mulf %mul3A_851, %select_n3A : vector<16xf32>
          %sub3A_867 = arith.subf %mul3A_866, %add3A_865 : vector<16xf32>
          %broadcast_in_dim3A_868 = arith.constant true
          %broadcast_in_dim3A_869 = vector.broadcast %broadcast_in_dim3A_868 : i1 to vector<16xi1>
          %masked_cumsum3A_870 = tpu.scan <sum>, %sub3A_867 masked %broadcast_in_dim3A_869 : vector<16xf32>, vector<16xi1> -> vector<16xf32>
          %add3A_871 = arith.constant 3 : i32
          %add3A_872 = vector.broadcast %add3A_871 : i32 to vector<16xi32>
          %add3A_873 = arith.addi %add3A_100, %add3A_872 : vector<16xi32>
          tpu.vector_store_idx %arg10[%add3A_85, %add3A_873], %masked_cumsum3A_870 masked %eq3A_7 : memref<125x80xf32, #tpu.memory_space<vmem>>[vector<16xi32>, vector<16xi32>], vector<16xf32>, vector<16xi1>
          %add3A_874 = arith.constant 6 : i32
          %add3A_875 = arith.addi %mul3A_96, %add3A_874 : i32
          %get3A_876 = arith.constant 0 : i32
          %get3A_877 = arith.constant 0 : i32
          %get3A_878 = tpu.memref_slice %arg8[%scan3A_87, %get3A_876, %get3A_877] : memref<2x80x128xf32, #tpu.memory_space<vmem>> -> memref<1x80x128xf32, #tpu.memory_space<vmem>>
          %get3A_879 = tpu.memref_squeeze %get3A_878 : memref<1x80x128xf32, #tpu.memory_space<vmem>> -> memref<80x128xf32, #tpu.memory_space<vmem>>
          %get3A_880 = arith.index_cast %add3A_875 : i32 to index
          %get3A_881 = arith.constant 0 : index
          %get3A_882 = tpu.vector_load %get3A_879[%get3A_880, %get3A_881] {strides = array<i32>} : memref<80x128xf32, #tpu.memory_space<vmem>>, vector<16xf32>,
          %get3A_883 = arith.constant 0 : i32
          %get3A_884 = arith.constant 0 : i32
          %get3A_885 = tpu.memref_slice %arg8[%scan3A_87, %get3A_883, %get3A_884] : memref<2x80x128xf32, #tpu.memory_space<vmem>> -> memref<1x80x128xf32, #tpu.memory_space<vmem>>
          %get3A_886 = tpu.memref_squeeze %get3A_885 : memref<1x80x128xf32, #tpu.memory_space<vmem>> -> memref<80x128xf32, #tpu.memory_space<vmem>>
          %get3A_887 = arith.index_cast %add3A_875 : i32 to index
          %get3A_888 = arith.constant 16 : index
          %get3A_889 = tpu.vector_load %get3A_886[%get3A_887, %get3A_888] {strides = array<i32>} : memref<80x128xf32, #tpu.memory_space<vmem>>, vector<16xf32>,
          %get3A_890 = arith.constant 0 : i32
          %get3A_891 = arith.constant 0 : i32
          %get3A_892 = tpu.memref_slice %arg8[%scan3A_87, %get3A_890, %get3A_891] : memref<2x80x128xf32, #tpu.memory_space<vmem>> -> memref<1x80x128xf32, #tpu.memory_space<vmem>>
          %get3A_893 = tpu.memref_squeeze %get3A_892 : memref<1x80x128xf32, #tpu.memory_space<vmem>> -> memref<80x128xf32, #tpu.memory_space<vmem>>
          %get3A_894 = arith.index_cast %add3A_875 : i32 to index
          %get3A_895 = arith.constant 32 : index
          %get3A_896 = tpu.vector_load %get3A_893[%get3A_894, %get3A_895] {strides = array<i32>} : memref<80x128xf32, #tpu.memory_space<vmem>>, vector<16xf32>,
          %get3A_897 = arith.constant 0 : i32
          %get3A_898 = arith.constant 0 : i32
          %get3A_899 = tpu.memref_slice %arg8[%scan3A_87, %get3A_897, %get3A_898] : memref<2x80x128xf32, #tpu.memory_space<vmem>> -> memref<1x80x128xf32, #tpu.memory_space<vmem>>
          %get3A_900 = tpu.memref_squeeze %get3A_899 : memref<1x80x128xf32, #tpu.memory_space<vmem>> -> memref<80x128xf32, #tpu.memory_space<vmem>>
          %get3A_901 = arith.index_cast %add3A_875 : i32 to index
          %get3A_902 = arith.constant 48 : index
          %get3A_903 = tpu.vector_load %get3A_900[%get3A_901, %get3A_902] {strides = array<i32>} : memref<80x128xf32, #tpu.memory_space<vmem>>, vector<16xf32>,
          %get3A_904 = arith.constant 0 : i32
          %get3A_905 = arith.constant 0 : i32
          %get3A_906 = tpu.memref_slice %arg8[%scan3A_87, %get3A_904, %get3A_905] : memref<2x80x128xf32, #tpu.memory_space<vmem>> -> memref<1x80x128xf32, #tpu.memory_space<vmem>>
          %get3A_907 = tpu.memref_squeeze %get3A_906 : memref<1x80x128xf32, #tpu.memory_space<vmem>> -> memref<80x128xf32, #tpu.memory_space<vmem>>
          %get3A_908 = arith.index_cast %add3A_875 : i32 to index
          %get3A_909 = arith.constant 64 : index
          %get3A_910 = tpu.vector_load %get3A_907[%get3A_908, %get3A_909] {strides = array<i32>} : memref<80x128xf32, #tpu.memory_space<vmem>>, vector<16xf32>,
          %get3A_911 = arith.constant 0 : i32
          %get3A_912 = arith.constant 0 : i32
          %get3A_913 = tpu.memref_slice %arg8[%scan3A_87, %get3A_911, %get3A_912] : memref<2x80x128xf32, #tpu.memory_space<vmem>> -> memref<1x80x128xf32, #tpu.memory_space<vmem>>
          %get3A_914 = tpu.memref_squeeze %get3A_913 : memref<1x80x128xf32, #tpu.memory_space<vmem>> -> memref<80x128xf32, #tpu.memory_space<vmem>>
          %get3A_915 = arith.index_cast %add3A_875 : i32 to index
          %get3A_916 = arith.constant 80 : index
          %get3A_917 = tpu.vector_load %get3A_914[%get3A_915, %get3A_916] {strides = array<i32>} : memref<80x128xf32, #tpu.memory_space<vmem>>, vector<16xf32>,
          %get3A_918 = arith.constant 0 : i32
          %get3A_919 = arith.constant 0 : i32
          %get3A_920 = tpu.memref_slice %arg8[%scan3A_87, %get3A_918, %get3A_919] : memref<2x80x128xf32, #tpu.memory_space<vmem>> -> memref<1x80x128xf32, #tpu.memory_space<vmem>>
          %get3A_921 = tpu.memref_squeeze %get3A_920 : memref<1x80x128xf32, #tpu.memory_space<vmem>> -> memref<80x128xf32, #tpu.memory_space<vmem>>
          %get3A_922 = arith.index_cast %add3A_875 : i32 to index
          %get3A_923 = arith.constant 96 : index
          %get3A_924 = tpu.vector_load %get3A_921[%get3A_922, %get3A_923] {strides = array<i32>} : memref<80x128xf32, #tpu.memory_space<vmem>>, vector<16xf32>,
          %get3A_925 = arith.constant 0 : i32
          %get3A_926 = arith.constant 0 : i32
          %get3A_927 = tpu.memref_slice %arg8[%scan3A_87, %get3A_925, %get3A_926] : memref<2x80x128xf32, #tpu.memory_space<vmem>> -> memref<1x80x128xf32, #tpu.memory_space<vmem>>
          %get3A_928 = tpu.memref_squeeze %get3A_927 : memref<1x80x128xf32, #tpu.memory_space<vmem>> -> memref<80x128xf32, #tpu.memory_space<vmem>>
          %get3A_929 = arith.index_cast %add3A_875 : i32 to index
          %get3A_930 = arith.constant 112 : index
          %get3A_931 = tpu.vector_load %get3A_928[%get3A_929, %get3A_930] {strides = array<i32>} : memref<80x128xf32, #tpu.memory_space<vmem>>, vector<16xf32>,
          %get3A_932 = arith.constant 0 : i32
          %get3A_933 = arith.constant 0 : i32
          %get3A_934 = tpu.memref_slice %arg9[%scan3A_88, %get3A_932, %get3A_933] : memref<2x80x128xf32, #tpu.memory_space<vmem>> -> memref<1x80x128xf32, #tpu.memory_space<vmem>>
          %get3A_935 = tpu.memref_squeeze %get3A_934 : memref<1x80x128xf32, #tpu.memory_space<vmem>> -> memref<80x128xf32, #tpu.memory_space<vmem>>
          %get3A_936 = arith.index_cast %add3A_875 : i32 to index
          %get3A_937 = arith.constant 0 : index
          %get3A_938 = tpu.vector_load %get3A_935[%get3A_936, %get3A_937] {strides = array<i32>} : memref<80x128xf32, #tpu.memory_space<vmem>>, vector<16xf32>,
          %get3A_939 = arith.constant 0 : i32
          %get3A_940 = arith.constant 0 : i32
          %get3A_941 = tpu.memref_slice %arg9[%scan3A_88, %get3A_939, %get3A_940] : memref<2x80x128xf32, #tpu.memory_space<vmem>> -> memref<1x80x128xf32, #tpu.memory_space<vmem>>
          %get3A_942 = tpu.memref_squeeze %get3A_941 : memref<1x80x128xf32, #tpu.memory_space<vmem>> -> memref<80x128xf32, #tpu.memory_space<vmem>>
          %get3A_943 = arith.index_cast %add3A_875 : i32 to index
          %get3A_944 = arith.constant 16 : index
          %get3A_945 = tpu.vector_load %get3A_942[%get3A_943, %get3A_944] {strides = array<i32>} : memref<80x128xf32, #tpu.memory_space<vmem>>, vector<16xf32>,
          %get3A_946 = arith.constant 0 : i32
          %get3A_947 = arith.constant 0 : i32
          %get3A_948 = tpu.memref_slice %arg9[%scan3A_88, %get3A_946, %get3A_947] : memref<2x80x128xf32, #tpu.memory_space<vmem>> -> memref<1x80x128xf32, #tpu.memory_space<vmem>>
          %get3A_949 = tpu.memref_squeeze %get3A_948 : memref<1x80x128xf32, #tpu.memory_space<vmem>> -> memref<80x128xf32, #tpu.memory_space<vmem>>
          %get3A_950 = arith.index_cast %add3A_875 : i32 to index
          %get3A_951 = arith.constant 32 : index
          %get3A_952 = tpu.vector_load %get3A_949[%get3A_950, %get3A_951] {strides = array<i32>} : memref<80x128xf32, #tpu.memory_space<vmem>>, vector<16xf32>,
          %get3A_953 = arith.constant 0 : i32
          %get3A_954 = arith.constant 0 : i32
          %get3A_955 = tpu.memref_slice %arg9[%scan3A_88, %get3A_953, %get3A_954] : memref<2x80x128xf32, #tpu.memory_space<vmem>> -> memref<1x80x128xf32, #tpu.memory_space<vmem>>
          %get3A_956 = tpu.memref_squeeze %get3A_955 : memref<1x80x128xf32, #tpu.memory_space<vmem>> -> memref<80x128xf32, #tpu.memory_space<vmem>>
          %get3A_957 = arith.index_cast %add3A_875 : i32 to index
          %get3A_958 = arith.constant 48 : index
          %get3A_959 = tpu.vector_load %get3A_956[%get3A_957, %get3A_958] {strides = array<i32>} : memref<80x128xf32, #tpu.memory_space<vmem>>, vector<16xf32>,
          %get3A_960 = arith.constant 0 : i32
          %get3A_961 = arith.constant 0 : i32
          %get3A_962 = tpu.memref_slice %arg9[%scan3A_88, %get3A_960, %get3A_961] : memref<2x80x128xf32, #tpu.memory_space<vmem>> -> memref<1x80x128xf32, #tpu.memory_space<vmem>>
          %get3A_963 = tpu.memref_squeeze %get3A_962 : memref<1x80x128xf32, #tpu.memory_space<vmem>> -> memref<80x128xf32, #tpu.memory_space<vmem>>
          %get3A_964 = arith.index_cast %add3A_875 : i32 to index
          %get3A_965 = arith.constant 64 : index
          %get3A_966 = tpu.vector_load %get3A_963[%get3A_964, %get3A_965] {strides = array<i32>} : memref<80x128xf32, #tpu.memory_space<vmem>>, vector<16xf32>,
          %get3A_967 = arith.constant 0 : i32
          %get3A_968 = arith.constant 0 : i32
          %get3A_969 = tpu.memref_slice %arg9[%scan3A_88, %get3A_967, %get3A_968] : memref<2x80x128xf32, #tpu.memory_space<vmem>> -> memref<1x80x128xf32, #tpu.memory_space<vmem>>
          %get3A_970 = tpu.memref_squeeze %get3A_969 : memref<1x80x128xf32, #tpu.memory_space<vmem>> -> memref<80x128xf32, #tpu.memory_space<vmem>>
          %get3A_971 = arith.index_cast %add3A_875 : i32 to index
          %get3A_972 = arith.constant 80 : index
          %get3A_973 = tpu.vector_load %get3A_970[%get3A_971, %get3A_972] {strides = array<i32>} : memref<80x128xf32, #tpu.memory_space<vmem>>, vector<16xf32>,
          %get3A_974 = arith.constant 0 : i32
          %get3A_975 = arith.constant 0 : i32
          %get3A_976 = tpu.memref_slice %arg9[%scan3A_88, %get3A_974, %get3A_975] : memref<2x80x128xf32, #tpu.memory_space<vmem>> -> memref<1x80x128xf32, #tpu.memory_space<vmem>>
          %get3A_977 = tpu.memref_squeeze %get3A_976 : memref<1x80x128xf32, #tpu.memory_space<vmem>> -> memref<80x128xf32, #tpu.memory_space<vmem>>
          %get3A_978 = arith.index_cast %add3A_875 : i32 to index
          %get3A_979 = arith.constant 96 : index
          %get3A_980 = tpu.vector_load %get3A_977[%get3A_978, %get3A_979] {strides = array<i32>} : memref<80x128xf32, #tpu.memory_space<vmem>>, vector<16xf32>,
          %get3A_981 = arith.constant 0 : i32
          %get3A_982 = arith.constant 0 : i32
          %get3A_983 = tpu.memref_slice %arg9[%scan3A_88, %get3A_981, %get3A_982] : memref<2x80x128xf32, #tpu.memory_space<vmem>> -> memref<1x80x128xf32, #tpu.memory_space<vmem>>
          %get3A_984 = tpu.memref_squeeze %get3A_983 : memref<1x80x128xf32, #tpu.memory_space<vmem>> -> memref<80x128xf32, #tpu.memory_space<vmem>>
          %get3A_985 = arith.index_cast %add3A_875 : i32 to index
          %get3A_986 = arith.constant 112 : index
          %get3A_987 = tpu.vector_load %get3A_984[%get3A_985, %get3A_986] {strides = array<i32>} : memref<80x128xf32, #tpu.memory_space<vmem>>, vector<16xf32>,
          %mul3A_988 = arith.mulf %get3A_608, %get3A_664 : vector<16xf32>
          %mul3A_989 = arith.mulf %get3A_615, %get3A_671 : vector<16xf32>
          %mul3A_990 = arith.mulf %get3A_622, %get3A_678 : vector<16xf32>
          %mul3A_991 = arith.mulf %get3A_629, %get3A_685 : vector<16xf32>
          %mul3A_992 = arith.mulf %get3A_636, %get3A_692 : vector<16xf32>
          %mul3A_993 = arith.mulf %get3A_643, %get3A_699 : vector<16xf32>
          %mul3A_994 = arith.mulf %get3A_650, %get3A_706 : vector<16xf32>
          %mul3A_995 = arith.mulf %get3A_657, %get3A_713 : vector<16xf32>
          %add3A_996 = arith.addf %mul3A_988, %mul3A_989 : vector<16xf32>
          %add3A_997 = arith.addf %mul3A_990, %mul3A_991 : vector<16xf32>
          %add3A_998 = arith.addf %add3A_996, %add3A_997 : vector<16xf32>
          %add3A_999 = arith.addf %mul3A_992, %mul3A_993 : vector<16xf32>
          %add3A_1000 = arith.addf %mul3A_994, %mul3A_995 : vector<16xf32>
          %add3A_1001 = arith.addf %add3A_999, %add3A_1000 : vector<16xf32>
          %add3A_1002 = arith.addf %add3A_998, %add3A_1001 : vector<16xf32>
          %mul3A_1003 = arith.mulf %mul3A_988, %select_n3A : vector<16xf32>
          %sub3A_1004 = arith.subf %mul3A_1003, %add3A_1002 : vector<16xf32>
          %broadcast_in_dim3A_1005 = arith.constant true
          %broadcast_in_dim3A_1006 = vector.broadcast %broadcast_in_dim3A_1005 : i1 to vector<16xi1>
          %masked_cumsum3A_1007 = tpu.scan <sum>, %sub3A_1004 masked %broadcast_in_dim3A_1006 : vector<16xf32>, vector<16xi1> -> vector<16xf32>
          %add3A_1008 = arith.constant 4 : i32
          %add3A_1009 = vector.broadcast %add3A_1008 : i32 to vector<16xi32>
          %add3A_1010 = arith.addi %add3A_100, %add3A_1009 : vector<16xi32>
          tpu.vector_store_idx %arg10[%add3A_85, %add3A_1010], %masked_cumsum3A_1007 masked %eq3A_7 : memref<125x80xf32, #tpu.memory_space<vmem>>[vector<16xi32>, vector<16xi32>], vector<16xf32>, vector<16xi1>
          %add3A_1011 = arith.constant 7 : i32
          %add3A_1012 = arith.addi %mul3A_96, %add3A_1011 : i32
          %get3A_1013 = arith.constant 0 : i32
          %get3A_1014 = arith.constant 0 : i32
          %get3A_1015 = tpu.memref_slice %arg8[%scan3A_87, %get3A_1013, %get3A_1014] : memref<2x80x128xf32, #tpu.memory_space<vmem>> -> memref<1x80x128xf32, #tpu.memory_space<vmem>>
          %get3A_1016 = tpu.memref_squeeze %get3A_1015 : memref<1x80x128xf32, #tpu.memory_space<vmem>> -> memref<80x128xf32, #tpu.memory_space<vmem>>
          %get3A_1017 = arith.index_cast %add3A_1012 : i32 to index
          %get3A_1018 = arith.constant 0 : index
          %get3A_1019 = tpu.vector_load %get3A_1016[%get3A_1017, %get3A_1018] {strides = array<i32>} : memref<80x128xf32, #tpu.memory_space<vmem>>, vector<16xf32>,
          %get3A_1020 = arith.constant 0 : i32
          %get3A_1021 = arith.constant 0 : i32
          %get3A_1022 = tpu.memref_slice %arg8[%scan3A_87, %get3A_1020, %get3A_1021] : memref<2x80x128xf32, #tpu.memory_space<vmem>> -> memref<1x80x128xf32, #tpu.memory_space<vmem>>
          %get3A_1023 = tpu.memref_squeeze %get3A_1022 : memref<1x80x128xf32, #tpu.memory_space<vmem>> -> memref<80x128xf32, #tpu.memory_space<vmem>>
          %get3A_1024 = arith.index_cast %add3A_1012 : i32 to index
          %get3A_1025 = arith.constant 16 : index
          %get3A_1026 = tpu.vector_load %get3A_1023[%get3A_1024, %get3A_1025] {strides = array<i32>} : memref<80x128xf32, #tpu.memory_space<vmem>>, vector<16xf32>,
          %get3A_1027 = arith.constant 0 : i32
          %get3A_1028 = arith.constant 0 : i32
          %get3A_1029 = tpu.memref_slice %arg8[%scan3A_87, %get3A_1027, %get3A_1028] : memref<2x80x128xf32, #tpu.memory_space<vmem>> -> memref<1x80x128xf32, #tpu.memory_space<vmem>>
          %get3A_1030 = tpu.memref_squeeze %get3A_1029 : memref<1x80x128xf32, #tpu.memory_space<vmem>> -> memref<80x128xf32, #tpu.memory_space<vmem>>
          %get3A_1031 = arith.index_cast %add3A_1012 : i32 to index
          %get3A_1032 = arith.constant 32 : index
          %get3A_1033 = tpu.vector_load %get3A_1030[%get3A_1031, %get3A_1032] {strides = array<i32>} : memref<80x128xf32, #tpu.memory_space<vmem>>, vector<16xf32>,
          %get3A_1034 = arith.constant 0 : i32
          %get3A_1035 = arith.constant 0 : i32
          %get3A_1036 = tpu.memref_slice %arg8[%scan3A_87, %get3A_1034, %get3A_1035] : memref<2x80x128xf32, #tpu.memory_space<vmem>> -> memref<1x80x128xf32, #tpu.memory_space<vmem>>
          %get3A_1037 = tpu.memref_squeeze %get3A_1036 : memref<1x80x128xf32, #tpu.memory_space<vmem>> -> memref<80x128xf32, #tpu.memory_space<vmem>>
          %get3A_1038 = arith.index_cast %add3A_1012 : i32 to index
          %get3A_1039 = arith.constant 48 : index
          %get3A_1040 = tpu.vector_load %get3A_1037[%get3A_1038, %get3A_1039] {strides = array<i32>} : memref<80x128xf32, #tpu.memory_space<vmem>>, vector<16xf32>,
          %get3A_1041 = arith.constant 0 : i32
          %get3A_1042 = arith.constant 0 : i32
          %get3A_1043 = tpu.memref_slice %arg8[%scan3A_87, %get3A_1041, %get3A_1042] : memref<2x80x128xf32, #tpu.memory_space<vmem>> -> memref<1x80x128xf32, #tpu.memory_space<vmem>>
          %get3A_1044 = tpu.memref_squeeze %get3A_1043 : memref<1x80x128xf32, #tpu.memory_space<vmem>> -> memref<80x128xf32, #tpu.memory_space<vmem>>
          %get3A_1045 = arith.index_cast %add3A_1012 : i32 to index
          %get3A_1046 = arith.constant 64 : index
          %get3A_1047 = tpu.vector_load %get3A_1044[%get3A_1045, %get3A_1046] {strides = array<i32>} : memref<80x128xf32, #tpu.memory_space<vmem>>, vector<16xf32>,
          %get3A_1048 = arith.constant 0 : i32
          %get3A_1049 = arith.constant 0 : i32
          %get3A_1050 = tpu.memref_slice %arg8[%scan3A_87, %get3A_1048, %get3A_1049] : memref<2x80x128xf32, #tpu.memory_space<vmem>> -> memref<1x80x128xf32, #tpu.memory_space<vmem>>
          %get3A_1051 = tpu.memref_squeeze %get3A_1050 : memref<1x80x128xf32, #tpu.memory_space<vmem>> -> memref<80x128xf32, #tpu.memory_space<vmem>>
          %get3A_1052 = arith.index_cast %add3A_1012 : i32 to index
          %get3A_1053 = arith.constant 80 : index
          %get3A_1054 = tpu.vector_load %get3A_1051[%get3A_1052, %get3A_1053] {strides = array<i32>} : memref<80x128xf32, #tpu.memory_space<vmem>>, vector<16xf32>,
          %get3A_1055 = arith.constant 0 : i32
          %get3A_1056 = arith.constant 0 : i32
          %get3A_1057 = tpu.memref_slice %arg8[%scan3A_87, %get3A_1055, %get3A_1056] : memref<2x80x128xf32, #tpu.memory_space<vmem>> -> memref<1x80x128xf32, #tpu.memory_space<vmem>>
          %get3A_1058 = tpu.memref_squeeze %get3A_1057 : memref<1x80x128xf32, #tpu.memory_space<vmem>> -> memref<80x128xf32, #tpu.memory_space<vmem>>
          %get3A_1059 = arith.index_cast %add3A_1012 : i32 to index
          %get3A_1060 = arith.constant 96 : index
          %get3A_1061 = tpu.vector_load %get3A_1058[%get3A_1059, %get3A_1060] {strides = array<i32>} : memref<80x128xf32, #tpu.memory_space<vmem>>, vector<16xf32>,
          %get3A_1062 = arith.constant 0 : i32
          %get3A_1063 = arith.constant 0 : i32
          %get3A_1064 = tpu.memref_slice %arg8[%scan3A_87, %get3A_1062, %get3A_1063] : memref<2x80x128xf32, #tpu.memory_space<vmem>> -> memref<1x80x128xf32, #tpu.memory_space<vmem>>
          %get3A_1065 = tpu.memref_squeeze %get3A_1064 : memref<1x80x128xf32, #tpu.memory_space<vmem>> -> memref<80x128xf32, #tpu.memory_space<vmem>>
          %get3A_1066 = arith.index_cast %add3A_1012 : i32 to index
          %get3A_1067 = arith.constant 112 : index
          %get3A_1068 = tpu.vector_load %get3A_1065[%get3A_1066, %get3A_1067] {strides = array<i32>} : memref<80x128xf32, #tpu.memory_space<vmem>>, vector<16xf32>,
          %get3A_1069 = arith.constant 0 : i32
          %get3A_1070 = arith.constant 0 : i32
          %get3A_1071 = tpu.memref_slice %arg9[%scan3A_88, %get3A_1069, %get3A_1070] : memref<2x80x128xf32, #tpu.memory_space<vmem>> -> memref<1x80x128xf32, #tpu.memory_space<vmem>>
          %get3A_1072 = tpu.memref_squeeze %get3A_1071 : memref<1x80x128xf32, #tpu.memory_space<vmem>> -> memref<80x128xf32, #tpu.memory_space<vmem>>
          %get3A_1073 = arith.index_cast %add3A_1012 : i32 to index
          %get3A_1074 = arith.constant 0 : index
          %get3A_1075 = tpu.vector_load %get3A_1072[%get3A_1073, %get3A_1074] {strides = array<i32>} : memref<80x128xf32, #tpu.memory_space<vmem>>, vector<16xf32>,
          %get3A_1076 = arith.constant 0 : i32
          %get3A_1077 = arith.constant 0 : i32
          %get3A_1078 = tpu.memref_slice %arg9[%scan3A_88, %get3A_1076, %get3A_1077] : memref<2x80x128xf32, #tpu.memory_space<vmem>> -> memref<1x80x128xf32, #tpu.memory_space<vmem>>
          %get3A_1079 = tpu.memref_squeeze %get3A_1078 : memref<1x80x128xf32, #tpu.memory_space<vmem>> -> memref<80x128xf32, #tpu.memory_space<vmem>>
          %get3A_1080 = arith.index_cast %add3A_1012 : i32 to index
          %get3A_1081 = arith.constant 16 : index
          %get3A_1082 = tpu.vector_load %get3A_1079[%get3A_1080, %get3A_1081] {strides = array<i32>} : memref<80x128xf32, #tpu.memory_space<vmem>>, vector<16xf32>,
          %get3A_1083 = arith.constant 0 : i32
          %get3A_1084 = arith.constant 0 : i32
          %get3A_1085 = tpu.memref_slice %arg9[%scan3A_88, %get3A_1083, %get3A_1084] : memref<2x80x128xf32, #tpu.memory_space<vmem>> -> memref<1x80x128xf32, #tpu.memory_space<vmem>>
          %get3A_1086 = tpu.memref_squeeze %get3A_1085 : memref<1x80x128xf32, #tpu.memory_space<vmem>> -> memref<80x128xf32, #tpu.memory_space<vmem>>
          %get3A_1087 = arith.index_cast %add3A_1012 : i32 to index
          %get3A_1088 = arith.constant 32 : index
          %get3A_1089 = tpu.vector_load %get3A_1086[%get3A_1087, %get3A_1088] {strides = array<i32>} : memref<80x128xf32, #tpu.memory_space<vmem>>, vector<16xf32>,
          %get3A_1090 = arith.constant 0 : i32
          %get3A_1091 = arith.constant 0 : i32
          %get3A_1092 = tpu.memref_slice %arg9[%scan3A_88, %get3A_1090, %get3A_1091] : memref<2x80x128xf32, #tpu.memory_space<vmem>> -> memref<1x80x128xf32, #tpu.memory_space<vmem>>
          %get3A_1093 = tpu.memref_squeeze %get3A_1092 : memref<1x80x128xf32, #tpu.memory_space<vmem>> -> memref<80x128xf32, #tpu.memory_space<vmem>>
          %get3A_1094 = arith.index_cast %add3A_1012 : i32 to index
          %get3A_1095 = arith.constant 48 : index
          %get3A_1096 = tpu.vector_load %get3A_1093[%get3A_1094, %get3A_1095] {strides = array<i32>} : memref<80x128xf32, #tpu.memory_space<vmem>>, vector<16xf32>,
          %get3A_1097 = arith.constant 0 : i32
          %get3A_1098 = arith.constant 0 : i32
          %get3A_1099 = tpu.memref_slice %arg9[%scan3A_88, %get3A_1097, %get3A_1098] : memref<2x80x128xf32, #tpu.memory_space<vmem>> -> memref<1x80x128xf32, #tpu.memory_space<vmem>>
          %get3A_1100 = tpu.memref_squeeze %get3A_1099 : memref<1x80x128xf32, #tpu.memory_space<vmem>> -> memref<80x128xf32, #tpu.memory_space<vmem>>
          %get3A_1101 = arith.index_cast %add3A_1012 : i32 to index
          %get3A_1102 = arith.constant 64 : index
          %get3A_1103 = tpu.vector_load %get3A_1100[%get3A_1101, %get3A_1102] {strides = array<i32>} : memref<80x128xf32, #tpu.memory_space<vmem>>, vector<16xf32>,
          %get3A_1104 = arith.constant 0 : i32
          %get3A_1105 = arith.constant 0 : i32
          %get3A_1106 = tpu.memref_slice %arg9[%scan3A_88, %get3A_1104, %get3A_1105] : memref<2x80x128xf32, #tpu.memory_space<vmem>> -> memref<1x80x128xf32, #tpu.memory_space<vmem>>
          %get3A_1107 = tpu.memref_squeeze %get3A_1106 : memref<1x80x128xf32, #tpu.memory_space<vmem>> -> memref<80x128xf32, #tpu.memory_space<vmem>>
          %get3A_1108 = arith.index_cast %add3A_1012 : i32 to index
          %get3A_1109 = arith.constant 80 : index
          %get3A_1110 = tpu.vector_load %get3A_1107[%get3A_1108, %get3A_1109] {strides = array<i32>} : memref<80x128xf32, #tpu.memory_space<vmem>>, vector<16xf32>,
          %get3A_1111 = arith.constant 0 : i32
          %get3A_1112 = arith.constant 0 : i32
          %get3A_1113 = tpu.memref_slice %arg9[%scan3A_88, %get3A_1111, %get3A_1112] : memref<2x80x128xf32, #tpu.memory_space<vmem>> -> memref<1x80x128xf32, #tpu.memory_space<vmem>>
          %get3A_1114 = tpu.memref_squeeze %get3A_1113 : memref<1x80x128xf32, #tpu.memory_space<vmem>> -> memref<80x128xf32, #tpu.memory_space<vmem>>
          %get3A_1115 = arith.index_cast %add3A_1012 : i32 to index
          %get3A_1116 = arith.constant 96 : index
          %get3A_1117 = tpu.vector_load %get3A_1114[%get3A_1115, %get3A_1116] {strides = array<i32>} : memref<80x128xf32, #tpu.memory_space<vmem>>, vector<16xf32>,
          %get3A_1118 = arith.constant 0 : i32
          %get3A_1119 = arith.constant 0 : i32
          %get3A_1120 = tpu.memref_slice %arg9[%scan3A_88, %get3A_1118, %get3A_1119] : memref<2x80x128xf32, #tpu.memory_space<vmem>> -> memref<1x80x128xf32, #tpu.memory_space<vmem>>
          %get3A_1121 = tpu.memref_squeeze %get3A_1120 : memref<1x80x128xf32, #tpu.memory_space<vmem>> -> memref<80x128xf32, #tpu.memory_space<vmem>>
          %get3A_1122 = arith.index_cast %add3A_1012 : i32 to index
          %get3A_1123 = arith.constant 112 : index
          %get3A_1124 = tpu.vector_load %get3A_1121[%get3A_1122, %get3A_1123] {strides = array<i32>} : memref<80x128xf32, #tpu.memory_space<vmem>>, vector<16xf32>,
          %mul3A_1125 = arith.mulf %get3A_745, %get3A_801 : vector<16xf32>
          %mul3A_1126 = arith.mulf %get3A_752, %get3A_808 : vector<16xf32>
          %mul3A_1127 = arith.mulf %get3A_759, %get3A_815 : vector<16xf32>
          %mul3A_1128 = arith.mulf %get3A_766, %get3A_822 : vector<16xf32>
          %mul3A_1129 = arith.mulf %get3A_773, %get3A_829 : vector<16xf32>
          %mul3A_1130 = arith.mulf %get3A_780, %get3A_836 : vector<16xf32>
          %mul3A_1131 = arith.mulf %get3A_787, %get3A_843 : vector<16xf32>
          %mul3A_1132 = arith.mulf %get3A_794, %get3A_850 : vector<16xf32>
          %add3A_1133 = arith.addf %mul3A_1125, %mul3A_1126 : vector<16xf32>
          %add3A_1134 = arith.addf %mul3A_1127, %mul3A_1128 : vector<16xf32>
          %add3A_1135 = arith.addf %add3A_1133, %add3A_1134 : vector<16xf32>
          %add3A_1136 = arith.addf %mul3A_1129, %mul3A_1130 : vector<16xf32>
          %add3A_1137 = arith.addf %mul3A_1131, %mul3A_1132 : vector<16xf32>
          %add3A_1138 = arith.addf %add3A_1136, %add3A_1137 : vector<16xf32>
          %add3A_1139 = arith.addf %add3A_1135, %add3A_1138 : vector<16xf32>
          %mul3A_1140 = arith.mulf %mul3A_1125, %select_n3A : vector<16xf32>
          %sub3A_1141 = arith.subf %mul3A_1140, %add3A_1139 : vector<16xf32>
          %broadcast_in_dim3A_1142 = arith.constant true
          %broadcast_in_dim3A_1143 = vector.broadcast %broadcast_in_dim3A_1142 : i1 to vector<16xi1>
          %masked_cumsum3A_1144 = tpu.scan <sum>, %sub3A_1141 masked %broadcast_in_dim3A_1143 : vector<16xf32>, vector<16xi1> -> vector<16xf32>
          %add3A_1145 = arith.constant 5 : i32
          %add3A_1146 = vector.broadcast %add3A_1145 : i32 to vector<16xi32>
          %add3A_1147 = arith.addi %add3A_100, %add3A_1146 : vector<16xi32>
          tpu.vector_store_idx %arg10[%add3A_85, %add3A_1147], %masked_cumsum3A_1144 masked %eq3A_7 : memref<125x80xf32, #tpu.memory_space<vmem>>[vector<16xi32>, vector<16xi32>], vector<16xf32>, vector<16xi1>
          %add3A_1148 = arith.constant 8 : i32
          %add3A_1149 = arith.addi %mul3A_96, %add3A_1148 : i32
          %get3A_1150 = arith.constant 0 : i32
          %get3A_1151 = arith.constant 0 : i32
          %get3A_1152 = tpu.memref_slice %arg8[%scan3A_87, %get3A_1150, %get3A_1151] : memref<2x80x128xf32, #tpu.memory_space<vmem>> -> memref<1x80x128xf32, #tpu.memory_space<vmem>>
          %get3A_1153 = tpu.memref_squeeze %get3A_1152 : memref<1x80x128xf32, #tpu.memory_space<vmem>> -> memref<80x128xf32, #tpu.memory_space<vmem>>
          %get3A_1154 = arith.index_cast %add3A_1149 : i32 to index
          %get3A_1155 = arith.constant 0 : index
          %get3A_1156 = tpu.vector_load %get3A_1153[%get3A_1154, %get3A_1155] {strides = array<i32>} : memref<80x128xf32, #tpu.memory_space<vmem>>, vector<16xf32>,
          %get3A_1157 = arith.constant 0 : i32
          %get3A_1158 = arith.constant 0 : i32
          %get3A_1159 = tpu.memref_slice %arg8[%scan3A_87, %get3A_1157, %get3A_1158] : memref<2x80x128xf32, #tpu.memory_space<vmem>> -> memref<1x80x128xf32, #tpu.memory_space<vmem>>
          %get3A_1160 = tpu.memref_squeeze %get3A_1159 : memref<1x80x128xf32, #tpu.memory_space<vmem>> -> memref<80x128xf32, #tpu.memory_space<vmem>>
          %get3A_1161 = arith.index_cast %add3A_1149 : i32 to index
          %get3A_1162 = arith.constant 16 : index
          %get3A_1163 = tpu.vector_load %get3A_1160[%get3A_1161, %get3A_1162] {strides = array<i32>} : memref<80x128xf32, #tpu.memory_space<vmem>>, vector<16xf32>,
          %get3A_1164 = arith.constant 0 : i32
          %get3A_1165 = arith.constant 0 : i32
          %get3A_1166 = tpu.memref_slice %arg8[%scan3A_87, %get3A_1164, %get3A_1165] : memref<2x80x128xf32, #tpu.memory_space<vmem>> -> memref<1x80x128xf32, #tpu.memory_space<vmem>>
          %get3A_1167 = tpu.memref_squeeze %get3A_1166 : memref<1x80x128xf32, #tpu.memory_space<vmem>> -> memref<80x128xf32, #tpu.memory_space<vmem>>
          %get3A_1168 = arith.index_cast %add3A_1149 : i32 to index
          %get3A_1169 = arith.constant 32 : index
          %get3A_1170 = tpu.vector_load %get3A_1167[%get3A_1168, %get3A_1169] {strides = array<i32>} : memref<80x128xf32, #tpu.memory_space<vmem>>, vector<16xf32>,
          %get3A_1171 = arith.constant 0 : i32
          %get3A_1172 = arith.constant 0 : i32
          %get3A_1173 = tpu.memref_slice %arg8[%scan3A_87, %get3A_1171, %get3A_1172] : memref<2x80x128xf32, #tpu.memory_space<vmem>> -> memref<1x80x128xf32, #tpu.memory_space<vmem>>
          %get3A_1174 = tpu.memref_squeeze %get3A_1173 : memref<1x80x128xf32, #tpu.memory_space<vmem>> -> memref<80x128xf32, #tpu.memory_space<vmem>>
          %get3A_1175 = arith.index_cast %add3A_1149 : i32 to index
          %get3A_1176 = arith.constant 48 : index
          %get3A_1177 = tpu.vector_load %get3A_1174[%get3A_1175, %get3A_1176] {strides = array<i32>} : memref<80x128xf32, #tpu.memory_space<vmem>>, vector<16xf32>,
          %get3A_1178 = arith.constant 0 : i32
          %get3A_1179 = arith.constant 0 : i32
          %get3A_1180 = tpu.memref_slice %arg8[%scan3A_87, %get3A_1178, %get3A_1179] : memref<2x80x128xf32, #tpu.memory_space<vmem>> -> memref<1x80x128xf32, #tpu.memory_space<vmem>>
          %get3A_1181 = tpu.memref_squeeze %get3A_1180 : memref<1x80x128xf32, #tpu.memory_space<vmem>> -> memref<80x128xf32, #tpu.memory_space<vmem>>
          %get3A_1182 = arith.index_cast %add3A_1149 : i32 to index
          %get3A_1183 = arith.constant 64 : index
          %get3A_1184 = tpu.vector_load %get3A_1181[%get3A_1182, %get3A_1183] {strides = array<i32>} : memref<80x128xf32, #tpu.memory_space<vmem>>, vector<16xf32>,
          %get3A_1185 = arith.constant 0 : i32
          %get3A_1186 = arith.constant 0 : i32
          %get3A_1187 = tpu.memref_slice %arg8[%scan3A_87, %get3A_1185, %get3A_1186] : memref<2x80x128xf32, #tpu.memory_space<vmem>> -> memref<1x80x128xf32, #tpu.memory_space<vmem>>
          %get3A_1188 = tpu.memref_squeeze %get3A_1187 : memref<1x80x128xf32, #tpu.memory_space<vmem>> -> memref<80x128xf32, #tpu.memory_space<vmem>>
          %get3A_1189 = arith.index_cast %add3A_1149 : i32 to index
          %get3A_1190 = arith.constant 80 : index
          %get3A_1191 = tpu.vector_load %get3A_1188[%get3A_1189, %get3A_1190] {strides = array<i32>} : memref<80x128xf32, #tpu.memory_space<vmem>>, vector<16xf32>,
          %get3A_1192 = arith.constant 0 : i32
          %get3A_1193 = arith.constant 0 : i32
          %get3A_1194 = tpu.memref_slice %arg8[%scan3A_87, %get3A_1192, %get3A_1193] : memref<2x80x128xf32, #tpu.memory_space<vmem>> -> memref<1x80x128xf32, #tpu.memory_space<vmem>>
          %get3A_1195 = tpu.memref_squeeze %get3A_1194 : memref<1x80x128xf32, #tpu.memory_space<vmem>> -> memref<80x128xf32, #tpu.memory_space<vmem>>
          %get3A_1196 = arith.index_cast %add3A_1149 : i32 to index
          %get3A_1197 = arith.constant 96 : index
          %get3A_1198 = tpu.vector_load %get3A_1195[%get3A_1196, %get3A_1197] {strides = array<i32>} : memref<80x128xf32, #tpu.memory_space<vmem>>, vector<16xf32>,
          %get3A_1199 = arith.constant 0 : i32
          %get3A_1200 = arith.constant 0 : i32
          %get3A_1201 = tpu.memref_slice %arg8[%scan3A_87, %get3A_1199, %get3A_1200] : memref<2x80x128xf32, #tpu.memory_space<vmem>> -> memref<1x80x128xf32, #tpu.memory_space<vmem>>
          %get3A_1202 = tpu.memref_squeeze %get3A_1201 : memref<1x80x128xf32, #tpu.memory_space<vmem>> -> memref<80x128xf32, #tpu.memory_space<vmem>>
          %get3A_1203 = arith.index_cast %add3A_1149 : i32 to index
          %get3A_1204 = arith.constant 112 : index
          %get3A_1205 = tpu.vector_load %get3A_1202[%get3A_1203, %get3A_1204] {strides = array<i32>} : memref<80x128xf32, #tpu.memory_space<vmem>>, vector<16xf32>,
          %get3A_1206 = arith.constant 0 : i32
          %get3A_1207 = arith.constant 0 : i32
          %get3A_1208 = tpu.memref_slice %arg9[%scan3A_88, %get3A_1206, %get3A_1207] : memref<2x80x128xf32, #tpu.memory_space<vmem>> -> memref<1x80x128xf32, #tpu.memory_space<vmem>>
          %get3A_1209 = tpu.memref_squeeze %get3A_1208 : memref<1x80x128xf32, #tpu.memory_space<vmem>> -> memref<80x128xf32, #tpu.memory_space<vmem>>
          %get3A_1210 = arith.index_cast %add3A_1149 : i32 to index
          %get3A_1211 = arith.constant 0 : index
          %get3A_1212 = tpu.vector_load %get3A_1209[%get3A_1210, %get3A_1211] {strides = array<i32>} : memref<80x128xf32, #tpu.memory_space<vmem>>, vector<16xf32>,
          %get3A_1213 = arith.constant 0 : i32
          %get3A_1214 = arith.constant 0 : i32
          %get3A_1215 = tpu.memref_slice %arg9[%scan3A_88, %get3A_1213, %get3A_1214] : memref<2x80x128xf32, #tpu.memory_space<vmem>> -> memref<1x80x128xf32, #tpu.memory_space<vmem>>
          %get3A_1216 = tpu.memref_squeeze %get3A_1215 : memref<1x80x128xf32, #tpu.memory_space<vmem>> -> memref<80x128xf32, #tpu.memory_space<vmem>>
          %get3A_1217 = arith.index_cast %add3A_1149 : i32 to index
          %get3A_1218 = arith.constant 16 : index
          %get3A_1219 = tpu.vector_load %get3A_1216[%get3A_1217, %get3A_1218] {strides = array<i32>} : memref<80x128xf32, #tpu.memory_space<vmem>>, vector<16xf32>,
          %get3A_1220 = arith.constant 0 : i32
          %get3A_1221 = arith.constant 0 : i32
          %get3A_1222 = tpu.memref_slice %arg9[%scan3A_88, %get3A_1220, %get3A_1221] : memref<2x80x128xf32, #tpu.memory_space<vmem>> -> memref<1x80x128xf32, #tpu.memory_space<vmem>>
          %get3A_1223 = tpu.memref_squeeze %get3A_1222 : memref<1x80x128xf32, #tpu.memory_space<vmem>> -> memref<80x128xf32, #tpu.memory_space<vmem>>
          %get3A_1224 = arith.index_cast %add3A_1149 : i32 to index
          %get3A_1225 = arith.constant 32 : index
          %get3A_1226 = tpu.vector_load %get3A_1223[%get3A_1224, %get3A_1225] {strides = array<i32>} : memref<80x128xf32, #tpu.memory_space<vmem>>, vector<16xf32>,
          %get3A_1227 = arith.constant 0 : i32
          %get3A_1228 = arith.constant 0 : i32
          %get3A_1229 = tpu.memref_slice %arg9[%scan3A_88, %get3A_1227, %get3A_1228] : memref<2x80x128xf32, #tpu.memory_space<vmem>> -> memref<1x80x128xf32, #tpu.memory_space<vmem>>
          %get3A_1230 = tpu.memref_squeeze %get3A_1229 : memref<1x80x128xf32, #tpu.memory_space<vmem>> -> memref<80x128xf32, #tpu.memory_space<vmem>>
          %get3A_1231 = arith.index_cast %add3A_1149 : i32 to index
          %get3A_1232 = arith.constant 48 : index
          %get3A_1233 = tpu.vector_load %get3A_1230[%get3A_1231, %get3A_1232] {strides = array<i32>} : memref<80x128xf32, #tpu.memory_space<vmem>>, vector<16xf32>,
          %get3A_1234 = arith.constant 0 : i32
          %get3A_1235 = arith.constant 0 : i32
          %get3A_1236 = tpu.memref_slice %arg9[%scan3A_88, %get3A_1234, %get3A_1235] : memref<2x80x128xf32, #tpu.memory_space<vmem>> -> memref<1x80x128xf32, #tpu.memory_space<vmem>>
          %get3A_1237 = tpu.memref_squeeze %get3A_1236 : memref<1x80x128xf32, #tpu.memory_space<vmem>> -> memref<80x128xf32, #tpu.memory_space<vmem>>
          %get3A_1238 = arith.index_cast %add3A_1149 : i32 to index
          %get3A_1239 = arith.constant 64 : index
          %get3A_1240 = tpu.vector_load %get3A_1237[%get3A_1238, %get3A_1239] {strides = array<i32>} : memref<80x128xf32, #tpu.memory_space<vmem>>, vector<16xf32>,
          %get3A_1241 = arith.constant 0 : i32
          %get3A_1242 = arith.constant 0 : i32
          %get3A_1243 = tpu.memref_slice %arg9[%scan3A_88, %get3A_1241, %get3A_1242] : memref<2x80x128xf32, #tpu.memory_space<vmem>> -> memref<1x80x128xf32, #tpu.memory_space<vmem>>
          %get3A_1244 = tpu.memref_squeeze %get3A_1243 : memref<1x80x128xf32, #tpu.memory_space<vmem>> -> memref<80x128xf32, #tpu.memory_space<vmem>>
          %get3A_1245 = arith.index_cast %add3A_1149 : i32 to index
          %get3A_1246 = arith.constant 80 : index
          %get3A_1247 = tpu.vector_load %get3A_1244[%get3A_1245, %get3A_1246] {strides = array<i32>} : memref<80x128xf32, #tpu.memory_space<vmem>>, vector<16xf32>,
          %get3A_1248 = arith.constant 0 : i32
          %get3A_1249 = arith.constant 0 : i32
          %get3A_1250 = tpu.memref_slice %arg9[%scan3A_88, %get3A_1248, %get3A_1249] : memref<2x80x128xf32, #tpu.memory_space<vmem>> -> memref<1x80x128xf32, #tpu.memory_space<vmem>>
          %get3A_1251 = tpu.memref_squeeze %get3A_1250 : memref<1x80x128xf32, #tpu.memory_space<vmem>> -> memref<80x128xf32, #tpu.memory_space<vmem>>
          %get3A_1252 = arith.index_cast %add3A_1149 : i32 to index
          %get3A_1253 = arith.constant 96 : index
          %get3A_1254 = tpu.vector_load %get3A_1251[%get3A_1252, %get3A_1253] {strides = array<i32>} : memref<80x128xf32, #tpu.memory_space<vmem>>, vector<16xf32>,
          %get3A_1255 = arith.constant 0 : i32
          %get3A_1256 = arith.constant 0 : i32
          %get3A_1257 = tpu.memref_slice %arg9[%scan3A_88, %get3A_1255, %get3A_1256] : memref<2x80x128xf32, #tpu.memory_space<vmem>> -> memref<1x80x128xf32, #tpu.memory_space<vmem>>
          %get3A_1258 = tpu.memref_squeeze %get3A_1257 : memref<1x80x128xf32, #tpu.memory_space<vmem>> -> memref<80x128xf32, #tpu.memory_space<vmem>>
          %get3A_1259 = arith.index_cast %add3A_1149 : i32 to index
          %get3A_1260 = arith.constant 112 : index
          %get3A_1261 = tpu.vector_load %get3A_1258[%get3A_1259, %get3A_1260] {strides = array<i32>} : memref<80x128xf32, #tpu.memory_space<vmem>>, vector<16xf32>,
          %mul3A_1262 = arith.mulf %get3A_882, %get3A_938 : vector<16xf32>
          %mul3A_1263 = arith.mulf %get3A_889, %get3A_945 : vector<16xf32>
          %mul3A_1264 = arith.mulf %get3A_896, %get3A_952 : vector<16xf32>
          %mul3A_1265 = arith.mulf %get3A_903, %get3A_959 : vector<16xf32>
          %mul3A_1266 = arith.mulf %get3A_910, %get3A_966 : vector<16xf32>
          %mul3A_1267 = arith.mulf %get3A_917, %get3A_973 : vector<16xf32>
          %mul3A_1268 = arith.mulf %get3A_924, %get3A_980 : vector<16xf32>
          %mul3A_1269 = arith.mulf %get3A_931, %get3A_987 : vector<16xf32>
          %add3A_1270 = arith.addf %mul3A_1262, %mul3A_1263 : vector<16xf32>
          %add3A_1271 = arith.addf %mul3A_1264, %mul3A_1265 : vector<16xf32>
          %add3A_1272 = arith.addf %add3A_1270, %add3A_1271 : vector<16xf32>
          %add3A_1273 = arith.addf %mul3A_1266, %mul3A_1267 : vector<16xf32>
          %add3A_1274 = arith.addf %mul3A_1268, %mul3A_1269 : vector<16xf32>
          %add3A_1275 = arith.addf %add3A_1273, %add3A_1274 : vector<16xf32>
          %add3A_1276 = arith.addf %add3A_1272, %add3A_1275 : vector<16xf32>
          %mul3A_1277 = arith.mulf %mul3A_1262, %select_n3A : vector<16xf32>
          %sub3A_1278 = arith.subf %mul3A_1277, %add3A_1276 : vector<16xf32>
          %broadcast_in_dim3A_1279 = arith.constant true
          %broadcast_in_dim3A_1280 = vector.broadcast %broadcast_in_dim3A_1279 : i1 to vector<16xi1>
          %masked_cumsum3A_1281 = tpu.scan <sum>, %sub3A_1278 masked %broadcast_in_dim3A_1280 : vector<16xf32>, vector<16xi1> -> vector<16xf32>
          %add3A_1282 = arith.constant 6 : i32
          %add3A_1283 = vector.broadcast %add3A_1282 : i32 to vector<16xi32>
          %add3A_1284 = arith.addi %add3A_100, %add3A_1283 : vector<16xi32>
          tpu.vector_store_idx %arg10[%add3A_85, %add3A_1284], %masked_cumsum3A_1281 masked %eq3A_7 : memref<125x80xf32, #tpu.memory_space<vmem>>[vector<16xi32>, vector<16xi32>], vector<16xf32>, vector<16xi1>
          %add3A_1285 = arith.constant 9 : i32
          %add3A_1286 = arith.addi %mul3A_96, %add3A_1285 : i32
          %get3A_1287 = arith.constant 0 : i32
          %get3A_1288 = arith.constant 0 : i32
          %get3A_1289 = tpu.memref_slice %arg8[%scan3A_87, %get3A_1287, %get3A_1288] : memref<2x80x128xf32, #tpu.memory_space<vmem>> -> memref<1x80x128xf32, #tpu.memory_space<vmem>>
          %get3A_1290 = tpu.memref_squeeze %get3A_1289 : memref<1x80x128xf32, #tpu.memory_space<vmem>> -> memref<80x128xf32, #tpu.memory_space<vmem>>
          %get3A_1291 = arith.index_cast %add3A_1286 : i32 to index
          %get3A_1292 = arith.constant 0 : index
          %get3A_1293 = tpu.vector_load %get3A_1290[%get3A_1291, %get3A_1292] {strides = array<i32>} : memref<80x128xf32, #tpu.memory_space<vmem>>, vector<16xf32>,
          %get3A_1294 = arith.constant 0 : i32
          %get3A_1295 = arith.constant 0 : i32
          %get3A_1296 = tpu.memref_slice %arg8[%scan3A_87, %get3A_1294, %get3A_1295] : memref<2x80x128xf32, #tpu.memory_space<vmem>> -> memref<1x80x128xf32, #tpu.memory_space<vmem>>
          %get3A_1297 = tpu.memref_squeeze %get3A_1296 : memref<1x80x128xf32, #tpu.memory_space<vmem>> -> memref<80x128xf32, #tpu.memory_space<vmem>>
          %get3A_1298 = arith.index_cast %add3A_1286 : i32 to index
          %get3A_1299 = arith.constant 16 : index
          %get3A_1300 = tpu.vector_load %get3A_1297[%get3A_1298, %get3A_1299] {strides = array<i32>} : memref<80x128xf32, #tpu.memory_space<vmem>>, vector<16xf32>,
          %get3A_1301 = arith.constant 0 : i32
          %get3A_1302 = arith.constant 0 : i32
          %get3A_1303 = tpu.memref_slice %arg8[%scan3A_87, %get3A_1301, %get3A_1302] : memref<2x80x128xf32, #tpu.memory_space<vmem>> -> memref<1x80x128xf32, #tpu.memory_space<vmem>>
          %get3A_1304 = tpu.memref_squeeze %get3A_1303 : memref<1x80x128xf32, #tpu.memory_space<vmem>> -> memref<80x128xf32, #tpu.memory_space<vmem>>
          %get3A_1305 = arith.index_cast %add3A_1286 : i32 to index
          %get3A_1306 = arith.constant 32 : index
          %get3A_1307 = tpu.vector_load %get3A_1304[%get3A_1305, %get3A_1306] {strides = array<i32>} : memref<80x128xf32, #tpu.memory_space<vmem>>, vector<16xf32>,
          %get3A_1308 = arith.constant 0 : i32
          %get3A_1309 = arith.constant 0 : i32
          %get3A_1310 = tpu.memref_slice %arg8[%scan3A_87, %get3A_1308, %get3A_1309] : memref<2x80x128xf32, #tpu.memory_space<vmem>> -> memref<1x80x128xf32, #tpu.memory_space<vmem>>
          %get3A_1311 = tpu.memref_squeeze %get3A_1310 : memref<1x80x128xf32, #tpu.memory_space<vmem>> -> memref<80x128xf32, #tpu.memory_space<vmem>>
          %get3A_1312 = arith.index_cast %add3A_1286 : i32 to index
          %get3A_1313 = arith.constant 48 : index
          %get3A_1314 = tpu.vector_load %get3A_1311[%get3A_1312, %get3A_1313] {strides = array<i32>} : memref<80x128xf32, #tpu.memory_space<vmem>>, vector<16xf32>,
          %get3A_1315 = arith.constant 0 : i32
          %get3A_1316 = arith.constant 0 : i32
          %get3A_1317 = tpu.memref_slice %arg8[%scan3A_87, %get3A_1315, %get3A_1316] : memref<2x80x128xf32, #tpu.memory_space<vmem>> -> memref<1x80x128xf32, #tpu.memory_space<vmem>>
          %get3A_1318 = tpu.memref_squeeze %get3A_1317 : memref<1x80x128xf32, #tpu.memory_space<vmem>> -> memref<80x128xf32, #tpu.memory_space<vmem>>
          %get3A_1319 = arith.index_cast %add3A_1286 : i32 to index
          %get3A_1320 = arith.constant 64 : index
          %get3A_1321 = tpu.vector_load %get3A_1318[%get3A_1319, %get3A_1320] {strides = array<i32>} : memref<80x128xf32, #tpu.memory_space<vmem>>, vector<16xf32>,
          %get3A_1322 = arith.constant 0 : i32
          %get3A_1323 = arith.constant 0 : i32
          %get3A_1324 = tpu.memref_slice %arg8[%scan3A_87, %get3A_1322, %get3A_1323] : memref<2x80x128xf32, #tpu.memory_space<vmem>> -> memref<1x80x128xf32, #tpu.memory_space<vmem>>
          %get3A_1325 = tpu.memref_squeeze %get3A_1324 : memref<1x80x128xf32, #tpu.memory_space<vmem>> -> memref<80x128xf32, #tpu.memory_space<vmem>>
          %get3A_1326 = arith.index_cast %add3A_1286 : i32 to index
          %get3A_1327 = arith.constant 80 : index
          %get3A_1328 = tpu.vector_load %get3A_1325[%get3A_1326, %get3A_1327] {strides = array<i32>} : memref<80x128xf32, #tpu.memory_space<vmem>>, vector<16xf32>,
          %get3A_1329 = arith.constant 0 : i32
          %get3A_1330 = arith.constant 0 : i32
          %get3A_1331 = tpu.memref_slice %arg8[%scan3A_87, %get3A_1329, %get3A_1330] : memref<2x80x128xf32, #tpu.memory_space<vmem>> -> memref<1x80x128xf32, #tpu.memory_space<vmem>>
          %get3A_1332 = tpu.memref_squeeze %get3A_1331 : memref<1x80x128xf32, #tpu.memory_space<vmem>> -> memref<80x128xf32, #tpu.memory_space<vmem>>
          %get3A_1333 = arith.index_cast %add3A_1286 : i32 to index
          %get3A_1334 = arith.constant 96 : index
          %get3A_1335 = tpu.vector_load %get3A_1332[%get3A_1333, %get3A_1334] {strides = array<i32>} : memref<80x128xf32, #tpu.memory_space<vmem>>, vector<16xf32>,
          %get3A_1336 = arith.constant 0 : i32
          %get3A_1337 = arith.constant 0 : i32
          %get3A_1338 = tpu.memref_slice %arg8[%scan3A_87, %get3A_1336, %get3A_1337] : memref<2x80x128xf32, #tpu.memory_space<vmem>> -> memref<1x80x128xf32, #tpu.memory_space<vmem>>
          %get3A_1339 = tpu.memref_squeeze %get3A_1338 : memref<1x80x128xf32, #tpu.memory_space<vmem>> -> memref<80x128xf32, #tpu.memory_space<vmem>>
          %get3A_1340 = arith.index_cast %add3A_1286 : i32 to index
          %get3A_1341 = arith.constant 112 : index
          %get3A_1342 = tpu.vector_load %get3A_1339[%get3A_1340, %get3A_1341] {strides = array<i32>} : memref<80x128xf32, #tpu.memory_space<vmem>>, vector<16xf32>,
          %get3A_1343 = arith.constant 0 : i32
          %get3A_1344 = arith.constant 0 : i32
          %get3A_1345 = tpu.memref_slice %arg9[%scan3A_88, %get3A_1343, %get3A_1344] : memref<2x80x128xf32, #tpu.memory_space<vmem>> -> memref<1x80x128xf32, #tpu.memory_space<vmem>>
          %get3A_1346 = tpu.memref_squeeze %get3A_1345 : memref<1x80x128xf32, #tpu.memory_space<vmem>> -> memref<80x128xf32, #tpu.memory_space<vmem>>
          %get3A_1347 = arith.index_cast %add3A_1286 : i32 to index
          %get3A_1348 = arith.constant 0 : index
          %get3A_1349 = tpu.vector_load %get3A_1346[%get3A_1347, %get3A_1348] {strides = array<i32>} : memref<80x128xf32, #tpu.memory_space<vmem>>, vector<16xf32>,
          %get3A_1350 = arith.constant 0 : i32
          %get3A_1351 = arith.constant 0 : i32
          %get3A_1352 = tpu.memref_slice %arg9[%scan3A_88, %get3A_1350, %get3A_1351] : memref<2x80x128xf32, #tpu.memory_space<vmem>> -> memref<1x80x128xf32, #tpu.memory_space<vmem>>
          %get3A_1353 = tpu.memref_squeeze %get3A_1352 : memref<1x80x128xf32, #tpu.memory_space<vmem>> -> memref<80x128xf32, #tpu.memory_space<vmem>>
          %get3A_1354 = arith.index_cast %add3A_1286 : i32 to index
          %get3A_1355 = arith.constant 16 : index
          %get3A_1356 = tpu.vector_load %get3A_1353[%get3A_1354, %get3A_1355] {strides = array<i32>} : memref<80x128xf32, #tpu.memory_space<vmem>>, vector<16xf32>,
          %get3A_1357 = arith.constant 0 : i32
          %get3A_1358 = arith.constant 0 : i32
          %get3A_1359 = tpu.memref_slice %arg9[%scan3A_88, %get3A_1357, %get3A_1358] : memref<2x80x128xf32, #tpu.memory_space<vmem>> -> memref<1x80x128xf32, #tpu.memory_space<vmem>>
          %get3A_1360 = tpu.memref_squeeze %get3A_1359 : memref<1x80x128xf32, #tpu.memory_space<vmem>> -> memref<80x128xf32, #tpu.memory_space<vmem>>
          %get3A_1361 = arith.index_cast %add3A_1286 : i32 to index
          %get3A_1362 = arith.constant 32 : index
          %get3A_1363 = tpu.vector_load %get3A_1360[%get3A_1361, %get3A_1362] {strides = array<i32>} : memref<80x128xf32, #tpu.memory_space<vmem>>, vector<16xf32>,
          %get3A_1364 = arith.constant 0 : i32
          %get3A_1365 = arith.constant 0 : i32
          %get3A_1366 = tpu.memref_slice %arg9[%scan3A_88, %get3A_1364, %get3A_1365] : memref<2x80x128xf32, #tpu.memory_space<vmem>> -> memref<1x80x128xf32, #tpu.memory_space<vmem>>
          %get3A_1367 = tpu.memref_squeeze %get3A_1366 : memref<1x80x128xf32, #tpu.memory_space<vmem>> -> memref<80x128xf32, #tpu.memory_space<vmem>>
          %get3A_1368 = arith.index_cast %add3A_1286 : i32 to index
          %get3A_1369 = arith.constant 48 : index
          %get3A_1370 = tpu.vector_load %get3A_1367[%get3A_1368, %get3A_1369] {strides = array<i32>} : memref<80x128xf32, #tpu.memory_space<vmem>>, vector<16xf32>,
          %get3A_1371 = arith.constant 0 : i32
          %get3A_1372 = arith.constant 0 : i32
          %get3A_1373 = tpu.memref_slice %arg9[%scan3A_88, %get3A_1371, %get3A_1372] : memref<2x80x128xf32, #tpu.memory_space<vmem>> -> memref<1x80x128xf32, #tpu.memory_space<vmem>>
          %get3A_1374 = tpu.memref_squeeze %get3A_1373 : memref<1x80x128xf32, #tpu.memory_space<vmem>> -> memref<80x128xf32, #tpu.memory_space<vmem>>
          %get3A_1375 = arith.index_cast %add3A_1286 : i32 to index
          %get3A_1376 = arith.constant 64 : index
          %get3A_1377 = tpu.vector_load %get3A_1374[%get3A_1375, %get3A_1376] {strides = array<i32>} : memref<80x128xf32, #tpu.memory_space<vmem>>, vector<16xf32>,
          %get3A_1378 = arith.constant 0 : i32
          %get3A_1379 = arith.constant 0 : i32
          %get3A_1380 = tpu.memref_slice %arg9[%scan3A_88, %get3A_1378, %get3A_1379] : memref<2x80x128xf32, #tpu.memory_space<vmem>> -> memref<1x80x128xf32, #tpu.memory_space<vmem>>
          %get3A_1381 = tpu.memref_squeeze %get3A_1380 : memref<1x80x128xf32, #tpu.memory_space<vmem>> -> memref<80x128xf32, #tpu.memory_space<vmem>>
          %get3A_1382 = arith.index_cast %add3A_1286 : i32 to index
          %get3A_1383 = arith.constant 80 : index
          %get3A_1384 = tpu.vector_load %get3A_1381[%get3A_1382, %get3A_1383] {strides = array<i32>} : memref<80x128xf32, #tpu.memory_space<vmem>>, vector<16xf32>,
          %get3A_1385 = arith.constant 0 : i32
          %get3A_1386 = arith.constant 0 : i32
          %get3A_1387 = tpu.memref_slice %arg9[%scan3A_88, %get3A_1385, %get3A_1386] : memref<2x80x128xf32, #tpu.memory_space<vmem>> -> memref<1x80x128xf32, #tpu.memory_space<vmem>>
          %get3A_1388 = tpu.memref_squeeze %get3A_1387 : memref<1x80x128xf32, #tpu.memory_space<vmem>> -> memref<80x128xf32, #tpu.memory_space<vmem>>
          %get3A_1389 = arith.index_cast %add3A_1286 : i32 to index
          %get3A_1390 = arith.constant 96 : index
          %get3A_1391 = tpu.vector_load %get3A_1388[%get3A_1389, %get3A_1390] {strides = array<i32>} : memref<80x128xf32, #tpu.memory_space<vmem>>, vector<16xf32>,
          %get3A_1392 = arith.constant 0 : i32
          %get3A_1393 = arith.constant 0 : i32
          %get3A_1394 = tpu.memref_slice %arg9[%scan3A_88, %get3A_1392, %get3A_1393] : memref<2x80x128xf32, #tpu.memory_space<vmem>> -> memref<1x80x128xf32, #tpu.memory_space<vmem>>
          %get3A_1395 = tpu.memref_squeeze %get3A_1394 : memref<1x80x128xf32, #tpu.memory_space<vmem>> -> memref<80x128xf32, #tpu.memory_space<vmem>>
          %get3A_1396 = arith.index_cast %add3A_1286 : i32 to index
          %get3A_1397 = arith.constant 112 : index
          %get3A_1398 = tpu.vector_load %get3A_1395[%get3A_1396, %get3A_1397] {strides = array<i32>} : memref<80x128xf32, #tpu.memory_space<vmem>>, vector<16xf32>,
          %mul3A_1399 = arith.mulf %get3A_1019, %get3A_1075 : vector<16xf32>
          %mul3A_1400 = arith.mulf %get3A_1026, %get3A_1082 : vector<16xf32>
          %mul3A_1401 = arith.mulf %get3A_1033, %get3A_1089 : vector<16xf32>
          %mul3A_1402 = arith.mulf %get3A_1040, %get3A_1096 : vector<16xf32>
          %mul3A_1403 = arith.mulf %get3A_1047, %get3A_1103 : vector<16xf32>
          %mul3A_1404 = arith.mulf %get3A_1054, %get3A_1110 : vector<16xf32>
          %mul3A_1405 = arith.mulf %get3A_1061, %get3A_1117 : vector<16xf32>
          %mul3A_1406 = arith.mulf %get3A_1068, %get3A_1124 : vector<16xf32>
          %add3A_1407 = arith.addf %mul3A_1399, %mul3A_1400 : vector<16xf32>
          %add3A_1408 = arith.addf %mul3A_1401, %mul3A_1402 : vector<16xf32>
          %add3A_1409 = arith.addf %add3A_1407, %add3A_1408 : vector<16xf32>
          %add3A_1410 = arith.addf %mul3A_1403, %mul3A_1404 : vector<16xf32>
          %add3A_1411 = arith.addf %mul3A_1405, %mul3A_1406 : vector<16xf32>
          %add3A_1412 = arith.addf %add3A_1410, %add3A_1411 : vector<16xf32>
          %add3A_1413 = arith.addf %add3A_1409, %add3A_1412 : vector<16xf32>
          %mul3A_1414 = arith.mulf %mul3A_1399, %select_n3A : vector<16xf32>
          %sub3A_1415 = arith.subf %mul3A_1414, %add3A_1413 : vector<16xf32>
          %broadcast_in_dim3A_1416 = arith.constant true
          %broadcast_in_dim3A_1417 = vector.broadcast %broadcast_in_dim3A_1416 : i1 to vector<16xi1>
          %masked_cumsum3A_1418 = tpu.scan <sum>, %sub3A_1415 masked %broadcast_in_dim3A_1417 : vector<16xf32>, vector<16xi1> -> vector<16xf32>
          %add3A_1419 = arith.constant 7 : i32
          %add3A_1420 = vector.broadcast %add3A_1419 : i32 to vector<16xi32>
          %add3A_1421 = arith.addi %add3A_100, %add3A_1420 : vector<16xi32>
          tpu.vector_store_idx %arg10[%add3A_85, %add3A_1421], %masked_cumsum3A_1418 masked %eq3A_7 : memref<125x80xf32, #tpu.memory_space<vmem>>[vector<16xi32>, vector<16xi32>], vector<16xf32>, vector<16xi1>
          %add3A_1422 = arith.constant 10 : i32
          %add3A_1423 = arith.addi %mul3A_96, %add3A_1422 : i32
          %get3A_1424 = arith.constant 0 : i32
          %get3A_1425 = arith.constant 0 : i32
          %get3A_1426 = tpu.memref_slice %arg8[%scan3A_87, %get3A_1424, %get3A_1425] : memref<2x80x128xf32, #tpu.memory_space<vmem>> -> memref<1x80x128xf32, #tpu.memory_space<vmem>>
          %get3A_1427 = tpu.memref_squeeze %get3A_1426 : memref<1x80x128xf32, #tpu.memory_space<vmem>> -> memref<80x128xf32, #tpu.memory_space<vmem>>
          %get3A_1428 = arith.index_cast %add3A_1423 : i32 to index
          %get3A_1429 = arith.constant 0 : index
          %get3A_1430 = tpu.vector_load %get3A_1427[%get3A_1428, %get3A_1429] {strides = array<i32>} : memref<80x128xf32, #tpu.memory_space<vmem>>, vector<16xf32>,
          %get3A_1431 = arith.constant 0 : i32
          %get3A_1432 = arith.constant 0 : i32
          %get3A_1433 = tpu.memref_slice %arg8[%scan3A_87, %get3A_1431, %get3A_1432] : memref<2x80x128xf32, #tpu.memory_space<vmem>> -> memref<1x80x128xf32, #tpu.memory_space<vmem>>
          %get3A_1434 = tpu.memref_squeeze %get3A_1433 : memref<1x80x128xf32, #tpu.memory_space<vmem>> -> memref<80x128xf32, #tpu.memory_space<vmem>>
          %get3A_1435 = arith.index_cast %add3A_1423 : i32 to index
          %get3A_1436 = arith.constant 16 : index
          %get3A_1437 = tpu.vector_load %get3A_1434[%get3A_1435, %get3A_1436] {strides = array<i32>} : memref<80x128xf32, #tpu.memory_space<vmem>>, vector<16xf32>,
          %get3A_1438 = arith.constant 0 : i32
          %get3A_1439 = arith.constant 0 : i32
          %get3A_1440 = tpu.memref_slice %arg8[%scan3A_87, %get3A_1438, %get3A_1439] : memref<2x80x128xf32, #tpu.memory_space<vmem>> -> memref<1x80x128xf32, #tpu.memory_space<vmem>>
          %get3A_1441 = tpu.memref_squeeze %get3A_1440 : memref<1x80x128xf32, #tpu.memory_space<vmem>> -> memref<80x128xf32, #tpu.memory_space<vmem>>
          %get3A_1442 = arith.index_cast %add3A_1423 : i32 to index
          %get3A_1443 = arith.constant 32 : index
          %get3A_1444 = tpu.vector_load %get3A_1441[%get3A_1442, %get3A_1443] {strides = array<i32>} : memref<80x128xf32, #tpu.memory_space<vmem>>, vector<16xf32>,
          %get3A_1445 = arith.constant 0 : i32
          %get3A_1446 = arith.constant 0 : i32
          %get3A_1447 = tpu.memref_slice %arg8[%scan3A_87, %get3A_1445, %get3A_1446] : memref<2x80x128xf32, #tpu.memory_space<vmem>> -> memref<1x80x128xf32, #tpu.memory_space<vmem>>
          %get3A_1448 = tpu.memref_squeeze %get3A_1447 : memref<1x80x128xf32, #tpu.memory_space<vmem>> -> memref<80x128xf32, #tpu.memory_space<vmem>>
          %get3A_1449 = arith.index_cast %add3A_1423 : i32 to index
          %get3A_1450 = arith.constant 48 : index
          %get3A_1451 = tpu.vector_load %get3A_1448[%get3A_1449, %get3A_1450] {strides = array<i32>} : memref<80x128xf32, #tpu.memory_space<vmem>>, vector<16xf32>,
          %get3A_1452 = arith.constant 0 : i32
          %get3A_1453 = arith.constant 0 : i32
          %get3A_1454 = tpu.memref_slice %arg8[%scan3A_87, %get3A_1452, %get3A_1453] : memref<2x80x128xf32, #tpu.memory_space<vmem>> -> memref<1x80x128xf32, #tpu.memory_space<vmem>>
          %get3A_1455 = tpu.memref_squeeze %get3A_1454 : memref<1x80x128xf32, #tpu.memory_space<vmem>> -> memref<80x128xf32, #tpu.memory_space<vmem>>
          %get3A_1456 = arith.index_cast %add3A_1423 : i32 to index
          %get3A_1457 = arith.constant 64 : index
          %get3A_1458 = tpu.vector_load %get3A_1455[%get3A_1456, %get3A_1457] {strides = array<i32>} : memref<80x128xf32, #tpu.memory_space<vmem>>, vector<16xf32>,
          %get3A_1459 = arith.constant 0 : i32
          %get3A_1460 = arith.constant 0 : i32
          %get3A_1461 = tpu.memref_slice %arg8[%scan3A_87, %get3A_1459, %get3A_1460] : memref<2x80x128xf32, #tpu.memory_space<vmem>> -> memref<1x80x128xf32, #tpu.memory_space<vmem>>
          %get3A_1462 = tpu.memref_squeeze %get3A_1461 : memref<1x80x128xf32, #tpu.memory_space<vmem>> -> memref<80x128xf32, #tpu.memory_space<vmem>>
          %get3A_1463 = arith.index_cast %add3A_1423 : i32 to index
          %get3A_1464 = arith.constant 80 : index
          %get3A_1465 = tpu.vector_load %get3A_1462[%get3A_1463, %get3A_1464] {strides = array<i32>} : memref<80x128xf32, #tpu.memory_space<vmem>>, vector<16xf32>,
          %get3A_1466 = arith.constant 0 : i32
          %get3A_1467 = arith.constant 0 : i32
          %get3A_1468 = tpu.memref_slice %arg8[%scan3A_87, %get3A_1466, %get3A_1467] : memref<2x80x128xf32, #tpu.memory_space<vmem>> -> memref<1x80x128xf32, #tpu.memory_space<vmem>>
          %get3A_1469 = tpu.memref_squeeze %get3A_1468 : memref<1x80x128xf32, #tpu.memory_space<vmem>> -> memref<80x128xf32, #tpu.memory_space<vmem>>
          %get3A_1470 = arith.index_cast %add3A_1423 : i32 to index
          %get3A_1471 = arith.constant 96 : index
          %get3A_1472 = tpu.vector_load %get3A_1469[%get3A_1470, %get3A_1471] {strides = array<i32>} : memref<80x128xf32, #tpu.memory_space<vmem>>, vector<16xf32>,
          %get3A_1473 = arith.constant 0 : i32
          %get3A_1474 = arith.constant 0 : i32
          %get3A_1475 = tpu.memref_slice %arg8[%scan3A_87, %get3A_1473, %get3A_1474] : memref<2x80x128xf32, #tpu.memory_space<vmem>> -> memref<1x80x128xf32, #tpu.memory_space<vmem>>
          %get3A_1476 = tpu.memref_squeeze %get3A_1475 : memref<1x80x128xf32, #tpu.memory_space<vmem>> -> memref<80x128xf32, #tpu.memory_space<vmem>>
          %get3A_1477 = arith.index_cast %add3A_1423 : i32 to index
          %get3A_1478 = arith.constant 112 : index
          %get3A_1479 = tpu.vector_load %get3A_1476[%get3A_1477, %get3A_1478] {strides = array<i32>} : memref<80x128xf32, #tpu.memory_space<vmem>>, vector<16xf32>,
          %get3A_1480 = arith.constant 0 : i32
          %get3A_1481 = arith.constant 0 : i32
          %get3A_1482 = tpu.memref_slice %arg9[%scan3A_88, %get3A_1480, %get3A_1481] : memref<2x80x128xf32, #tpu.memory_space<vmem>> -> memref<1x80x128xf32, #tpu.memory_space<vmem>>
          %get3A_1483 = tpu.memref_squeeze %get3A_1482 : memref<1x80x128xf32, #tpu.memory_space<vmem>> -> memref<80x128xf32, #tpu.memory_space<vmem>>
          %get3A_1484 = arith.index_cast %add3A_1423 : i32 to index
          %get3A_1485 = arith.constant 0 : index
          %get3A_1486 = tpu.vector_load %get3A_1483[%get3A_1484, %get3A_1485] {strides = array<i32>} : memref<80x128xf32, #tpu.memory_space<vmem>>, vector<16xf32>,
          %get3A_1487 = arith.constant 0 : i32
          %get3A_1488 = arith.constant 0 : i32
          %get3A_1489 = tpu.memref_slice %arg9[%scan3A_88, %get3A_1487, %get3A_1488] : memref<2x80x128xf32, #tpu.memory_space<vmem>> -> memref<1x80x128xf32, #tpu.memory_space<vmem>>
          %get3A_1490 = tpu.memref_squeeze %get3A_1489 : memref<1x80x128xf32, #tpu.memory_space<vmem>> -> memref<80x128xf32, #tpu.memory_space<vmem>>
          %get3A_1491 = arith.index_cast %add3A_1423 : i32 to index
          %get3A_1492 = arith.constant 16 : index
          %get3A_1493 = tpu.vector_load %get3A_1490[%get3A_1491, %get3A_1492] {strides = array<i32>} : memref<80x128xf32, #tpu.memory_space<vmem>>, vector<16xf32>,
          %get3A_1494 = arith.constant 0 : i32
          %get3A_1495 = arith.constant 0 : i32
          %get3A_1496 = tpu.memref_slice %arg9[%scan3A_88, %get3A_1494, %get3A_1495] : memref<2x80x128xf32, #tpu.memory_space<vmem>> -> memref<1x80x128xf32, #tpu.memory_space<vmem>>
          %get3A_1497 = tpu.memref_squeeze %get3A_1496 : memref<1x80x128xf32, #tpu.memory_space<vmem>> -> memref<80x128xf32, #tpu.memory_space<vmem>>
          %get3A_1498 = arith.index_cast %add3A_1423 : i32 to index
          %get3A_1499 = arith.constant 32 : index
          %get3A_1500 = tpu.vector_load %get3A_1497[%get3A_1498, %get3A_1499] {strides = array<i32>} : memref<80x128xf32, #tpu.memory_space<vmem>>, vector<16xf32>,
          %get3A_1501 = arith.constant 0 : i32
          %get3A_1502 = arith.constant 0 : i32
          %get3A_1503 = tpu.memref_slice %arg9[%scan3A_88, %get3A_1501, %get3A_1502] : memref<2x80x128xf32, #tpu.memory_space<vmem>> -> memref<1x80x128xf32, #tpu.memory_space<vmem>>
          %get3A_1504 = tpu.memref_squeeze %get3A_1503 : memref<1x80x128xf32, #tpu.memory_space<vmem>> -> memref<80x128xf32, #tpu.memory_space<vmem>>
          %get3A_1505 = arith.index_cast %add3A_1423 : i32 to index
          %get3A_1506 = arith.constant 48 : index
          %get3A_1507 = tpu.vector_load %get3A_1504[%get3A_1505, %get3A_1506] {strides = array<i32>} : memref<80x128xf32, #tpu.memory_space<vmem>>, vector<16xf32>,
          %get3A_1508 = arith.constant 0 : i32
          %get3A_1509 = arith.constant 0 : i32
          %get3A_1510 = tpu.memref_slice %arg9[%scan3A_88, %get3A_1508, %get3A_1509] : memref<2x80x128xf32, #tpu.memory_space<vmem>> -> memref<1x80x128xf32, #tpu.memory_space<vmem>>
          %get3A_1511 = tpu.memref_squeeze %get3A_1510 : memref<1x80x128xf32, #tpu.memory_space<vmem>> -> memref<80x128xf32, #tpu.memory_space<vmem>>
          %get3A_1512 = arith.index_cast %add3A_1423 : i32 to index
          %get3A_1513 = arith.constant 64 : index
          %get3A_1514 = tpu.vector_load %get3A_1511[%get3A_1512, %get3A_1513] {strides = array<i32>} : memref<80x128xf32, #tpu.memory_space<vmem>>, vector<16xf32>,
          %get3A_1515 = arith.constant 0 : i32
          %get3A_1516 = arith.constant 0 : i32
          %get3A_1517 = tpu.memref_slice %arg9[%scan3A_88, %get3A_1515, %get3A_1516] : memref<2x80x128xf32, #tpu.memory_space<vmem>> -> memref<1x80x128xf32, #tpu.memory_space<vmem>>
          %get3A_1518 = tpu.memref_squeeze %get3A_1517 : memref<1x80x128xf32, #tpu.memory_space<vmem>> -> memref<80x128xf32, #tpu.memory_space<vmem>>
          %get3A_1519 = arith.index_cast %add3A_1423 : i32 to index
          %get3A_1520 = arith.constant 80 : index
          %get3A_1521 = tpu.vector_load %get3A_1518[%get3A_1519, %get3A_1520] {strides = array<i32>} : memref<80x128xf32, #tpu.memory_space<vmem>>, vector<16xf32>,
          %get3A_1522 = arith.constant 0 : i32
          %get3A_1523 = arith.constant 0 : i32
          %get3A_1524 = tpu.memref_slice %arg9[%scan3A_88, %get3A_1522, %get3A_1523] : memref<2x80x128xf32, #tpu.memory_space<vmem>> -> memref<1x80x128xf32, #tpu.memory_space<vmem>>
          %get3A_1525 = tpu.memref_squeeze %get3A_1524 : memref<1x80x128xf32, #tpu.memory_space<vmem>> -> memref<80x128xf32, #tpu.memory_space<vmem>>
          %get3A_1526 = arith.index_cast %add3A_1423 : i32 to index
          %get3A_1527 = arith.constant 96 : index
          %get3A_1528 = tpu.vector_load %get3A_1525[%get3A_1526, %get3A_1527] {strides = array<i32>} : memref<80x128xf32, #tpu.memory_space<vmem>>, vector<16xf32>,
          %get3A_1529 = arith.constant 0 : i32
          %get3A_1530 = arith.constant 0 : i32
          %get3A_1531 = tpu.memref_slice %arg9[%scan3A_88, %get3A_1529, %get3A_1530] : memref<2x80x128xf32, #tpu.memory_space<vmem>> -> memref<1x80x128xf32, #tpu.memory_space<vmem>>
          %get3A_1532 = tpu.memref_squeeze %get3A_1531 : memref<1x80x128xf32, #tpu.memory_space<vmem>> -> memref<80x128xf32, #tpu.memory_space<vmem>>
          %get3A_1533 = arith.index_cast %add3A_1423 : i32 to index
          %get3A_1534 = arith.constant 112 : index
          %get3A_1535 = tpu.vector_load %get3A_1532[%get3A_1533, %get3A_1534] {strides = array<i32>} : memref<80x128xf32, #tpu.memory_space<vmem>>, vector<16xf32>,
          %mul3A_1536 = arith.mulf %get3A_1156, %get3A_1212 : vector<16xf32>
          %mul3A_1537 = arith.mulf %get3A_1163, %get3A_1219 : vector<16xf32>
          %mul3A_1538 = arith.mulf %get3A_1170, %get3A_1226 : vector<16xf32>
          %mul3A_1539 = arith.mulf %get3A_1177, %get3A_1233 : vector<16xf32>
          %mul3A_1540 = arith.mulf %get3A_1184, %get3A_1240 : vector<16xf32>
          %mul3A_1541 = arith.mulf %get3A_1191, %get3A_1247 : vector<16xf32>
          %mul3A_1542 = arith.mulf %get3A_1198, %get3A_1254 : vector<16xf32>
          %mul3A_1543 = arith.mulf %get3A_1205, %get3A_1261 : vector<16xf32>
          %add3A_1544 = arith.addf %mul3A_1536, %mul3A_1537 : vector<16xf32>
          %add3A_1545 = arith.addf %mul3A_1538, %mul3A_1539 : vector<16xf32>
          %add3A_1546 = arith.addf %add3A_1544, %add3A_1545 : vector<16xf32>
          %add3A_1547 = arith.addf %mul3A_1540, %mul3A_1541 : vector<16xf32>
          %add3A_1548 = arith.addf %mul3A_1542, %mul3A_1543 : vector<16xf32>
          %add3A_1549 = arith.addf %add3A_1547, %add3A_1548 : vector<16xf32>
          %add3A_1550 = arith.addf %add3A_1546, %add3A_1549 : vector<16xf32>
          %mul3A_1551 = arith.mulf %mul3A_1536, %select_n3A : vector<16xf32>
          %sub3A_1552 = arith.subf %mul3A_1551, %add3A_1550 : vector<16xf32>
          %broadcast_in_dim3A_1553 = arith.constant true
          %broadcast_in_dim3A_1554 = vector.broadcast %broadcast_in_dim3A_1553 : i1 to vector<16xi1>
          %masked_cumsum3A_1555 = tpu.scan <sum>, %sub3A_1552 masked %broadcast_in_dim3A_1554 : vector<16xf32>, vector<16xi1> -> vector<16xf32>
          %add3A_1556 = arith.constant 8 : i32
          %add3A_1557 = vector.broadcast %add3A_1556 : i32 to vector<16xi32>
          %add3A_1558 = arith.addi %add3A_100, %add3A_1557 : vector<16xi32>
          tpu.vector_store_idx %arg10[%add3A_85, %add3A_1558], %masked_cumsum3A_1555 masked %eq3A_7 : memref<125x80xf32, #tpu.memory_space<vmem>>[vector<16xi32>, vector<16xi32>], vector<16xf32>, vector<16xi1>
          %add3A_1559 = arith.constant 11 : i32
          %add3A_1560 = arith.addi %mul3A_96, %add3A_1559 : i32
          %get3A_1561 = arith.constant 0 : i32
          %get3A_1562 = arith.constant 0 : i32
          %get3A_1563 = tpu.memref_slice %arg8[%scan3A_87, %get3A_1561, %get3A_1562] : memref<2x80x128xf32, #tpu.memory_space<vmem>> -> memref<1x80x128xf32, #tpu.memory_space<vmem>>
          %get3A_1564 = tpu.memref_squeeze %get3A_1563 : memref<1x80x128xf32, #tpu.memory_space<vmem>> -> memref<80x128xf32, #tpu.memory_space<vmem>>
          %get3A_1565 = arith.index_cast %add3A_1560 : i32 to index
          %get3A_1566 = arith.constant 0 : index
          %get3A_1567 = tpu.vector_load %get3A_1564[%get3A_1565, %get3A_1566] {strides = array<i32>} : memref<80x128xf32, #tpu.memory_space<vmem>>, vector<16xf32>,
          %get3A_1568 = arith.constant 0 : i32
          %get3A_1569 = arith.constant 0 : i32
          %get3A_1570 = tpu.memref_slice %arg8[%scan3A_87, %get3A_1568, %get3A_1569] : memref<2x80x128xf32, #tpu.memory_space<vmem>> -> memref<1x80x128xf32, #tpu.memory_space<vmem>>
          %get3A_1571 = tpu.memref_squeeze %get3A_1570 : memref<1x80x128xf32, #tpu.memory_space<vmem>> -> memref<80x128xf32, #tpu.memory_space<vmem>>
          %get3A_1572 = arith.index_cast %add3A_1560 : i32 to index
          %get3A_1573 = arith.constant 16 : index
          %get3A_1574 = tpu.vector_load %get3A_1571[%get3A_1572, %get3A_1573] {strides = array<i32>} : memref<80x128xf32, #tpu.memory_space<vmem>>, vector<16xf32>,
          %get3A_1575 = arith.constant 0 : i32
          %get3A_1576 = arith.constant 0 : i32
          %get3A_1577 = tpu.memref_slice %arg8[%scan3A_87, %get3A_1575, %get3A_1576] : memref<2x80x128xf32, #tpu.memory_space<vmem>> -> memref<1x80x128xf32, #tpu.memory_space<vmem>>
          %get3A_1578 = tpu.memref_squeeze %get3A_1577 : memref<1x80x128xf32, #tpu.memory_space<vmem>> -> memref<80x128xf32, #tpu.memory_space<vmem>>
          %get3A_1579 = arith.index_cast %add3A_1560 : i32 to index
          %get3A_1580 = arith.constant 32 : index
          %get3A_1581 = tpu.vector_load %get3A_1578[%get3A_1579, %get3A_1580] {strides = array<i32>} : memref<80x128xf32, #tpu.memory_space<vmem>>, vector<16xf32>,
          %get3A_1582 = arith.constant 0 : i32
          %get3A_1583 = arith.constant 0 : i32
          %get3A_1584 = tpu.memref_slice %arg8[%scan3A_87, %get3A_1582, %get3A_1583] : memref<2x80x128xf32, #tpu.memory_space<vmem>> -> memref<1x80x128xf32, #tpu.memory_space<vmem>>
          %get3A_1585 = tpu.memref_squeeze %get3A_1584 : memref<1x80x128xf32, #tpu.memory_space<vmem>> -> memref<80x128xf32, #tpu.memory_space<vmem>>
          %get3A_1586 = arith.index_cast %add3A_1560 : i32 to index
          %get3A_1587 = arith.constant 48 : index
          %get3A_1588 = tpu.vector_load %get3A_1585[%get3A_1586, %get3A_1587] {strides = array<i32>} : memref<80x128xf32, #tpu.memory_space<vmem>>, vector<16xf32>,
          %get3A_1589 = arith.constant 0 : i32
          %get3A_1590 = arith.constant 0 : i32
          %get3A_1591 = tpu.memref_slice %arg8[%scan3A_87, %get3A_1589, %get3A_1590] : memref<2x80x128xf32, #tpu.memory_space<vmem>> -> memref<1x80x128xf32, #tpu.memory_space<vmem>>
          %get3A_1592 = tpu.memref_squeeze %get3A_1591 : memref<1x80x128xf32, #tpu.memory_space<vmem>> -> memref<80x128xf32, #tpu.memory_space<vmem>>
          %get3A_1593 = arith.index_cast %add3A_1560 : i32 to index
          %get3A_1594 = arith.constant 64 : index
          %get3A_1595 = tpu.vector_load %get3A_1592[%get3A_1593, %get3A_1594] {strides = array<i32>} : memref<80x128xf32, #tpu.memory_space<vmem>>, vector<16xf32>,
          %get3A_1596 = arith.constant 0 : i32
          %get3A_1597 = arith.constant 0 : i32
          %get3A_1598 = tpu.memref_slice %arg8[%scan3A_87, %get3A_1596, %get3A_1597] : memref<2x80x128xf32, #tpu.memory_space<vmem>> -> memref<1x80x128xf32, #tpu.memory_space<vmem>>
          %get3A_1599 = tpu.memref_squeeze %get3A_1598 : memref<1x80x128xf32, #tpu.memory_space<vmem>> -> memref<80x128xf32, #tpu.memory_space<vmem>>
          %get3A_1600 = arith.index_cast %add3A_1560 : i32 to index
          %get3A_1601 = arith.constant 80 : index
          %get3A_1602 = tpu.vector_load %get3A_1599[%get3A_1600, %get3A_1601] {strides = array<i32>} : memref<80x128xf32, #tpu.memory_space<vmem>>, vector<16xf32>,
          %get3A_1603 = arith.constant 0 : i32
          %get3A_1604 = arith.constant 0 : i32
          %get3A_1605 = tpu.memref_slice %arg8[%scan3A_87, %get3A_1603, %get3A_1604] : memref<2x80x128xf32, #tpu.memory_space<vmem>> -> memref<1x80x128xf32, #tpu.memory_space<vmem>>
          %get3A_1606 = tpu.memref_squeeze %get3A_1605 : memref<1x80x128xf32, #tpu.memory_space<vmem>> -> memref<80x128xf32, #tpu.memory_space<vmem>>
          %get3A_1607 = arith.index_cast %add3A_1560 : i32 to index
          %get3A_1608 = arith.constant 96 : index
          %get3A_1609 = tpu.vector_load %get3A_1606[%get3A_1607, %get3A_1608] {strides = array<i32>} : memref<80x128xf32, #tpu.memory_space<vmem>>, vector<16xf32>,
          %get3A_1610 = arith.constant 0 : i32
          %get3A_1611 = arith.constant 0 : i32
          %get3A_1612 = tpu.memref_slice %arg8[%scan3A_87, %get3A_1610, %get3A_1611] : memref<2x80x128xf32, #tpu.memory_space<vmem>> -> memref<1x80x128xf32, #tpu.memory_space<vmem>>
          %get3A_1613 = tpu.memref_squeeze %get3A_1612 : memref<1x80x128xf32, #tpu.memory_space<vmem>> -> memref<80x128xf32, #tpu.memory_space<vmem>>
          %get3A_1614 = arith.index_cast %add3A_1560 : i32 to index
          %get3A_1615 = arith.constant 112 : index
          %get3A_1616 = tpu.vector_load %get3A_1613[%get3A_1614, %get3A_1615] {strides = array<i32>} : memref<80x128xf32, #tpu.memory_space<vmem>>, vector<16xf32>,
          %get3A_1617 = arith.constant 0 : i32
          %get3A_1618 = arith.constant 0 : i32
          %get3A_1619 = tpu.memref_slice %arg9[%scan3A_88, %get3A_1617, %get3A_1618] : memref<2x80x128xf32, #tpu.memory_space<vmem>> -> memref<1x80x128xf32, #tpu.memory_space<vmem>>
          %get3A_1620 = tpu.memref_squeeze %get3A_1619 : memref<1x80x128xf32, #tpu.memory_space<vmem>> -> memref<80x128xf32, #tpu.memory_space<vmem>>
          %get3A_1621 = arith.index_cast %add3A_1560 : i32 to index
          %get3A_1622 = arith.constant 0 : index
          %get3A_1623 = tpu.vector_load %get3A_1620[%get3A_1621, %get3A_1622] {strides = array<i32>} : memref<80x128xf32, #tpu.memory_space<vmem>>, vector<16xf32>,
          %get3A_1624 = arith.constant 0 : i32
          %get3A_1625 = arith.constant 0 : i32
          %get3A_1626 = tpu.memref_slice %arg9[%scan3A_88, %get3A_1624, %get3A_1625] : memref<2x80x128xf32, #tpu.memory_space<vmem>> -> memref<1x80x128xf32, #tpu.memory_space<vmem>>
          %get3A_1627 = tpu.memref_squeeze %get3A_1626 : memref<1x80x128xf32, #tpu.memory_space<vmem>> -> memref<80x128xf32, #tpu.memory_space<vmem>>
          %get3A_1628 = arith.index_cast %add3A_1560 : i32 to index
          %get3A_1629 = arith.constant 16 : index
          %get3A_1630 = tpu.vector_load %get3A_1627[%get3A_1628, %get3A_1629] {strides = array<i32>} : memref<80x128xf32, #tpu.memory_space<vmem>>, vector<16xf32>,
          %get3A_1631 = arith.constant 0 : i32
          %get3A_1632 = arith.constant 0 : i32
          %get3A_1633 = tpu.memref_slice %arg9[%scan3A_88, %get3A_1631, %get3A_1632] : memref<2x80x128xf32, #tpu.memory_space<vmem>> -> memref<1x80x128xf32, #tpu.memory_space<vmem>>
          %get3A_1634 = tpu.memref_squeeze %get3A_1633 : memref<1x80x128xf32, #tpu.memory_space<vmem>> -> memref<80x128xf32, #tpu.memory_space<vmem>>
          %get3A_1635 = arith.index_cast %add3A_1560 : i32 to index
          %get3A_1636 = arith.constant 32 : index
          %get3A_1637 = tpu.vector_load %get3A_1634[%get3A_1635, %get3A_1636] {strides = array<i32>} : memref<80x128xf32, #tpu.memory_space<vmem>>, vector<16xf32>,
          %get3A_1638 = arith.constant 0 : i32
          %get3A_1639 = arith.constant 0 : i32
          %get3A_1640 = tpu.memref_slice %arg9[%scan3A_88, %get3A_1638, %get3A_1639] : memref<2x80x128xf32, #tpu.memory_space<vmem>> -> memref<1x80x128xf32, #tpu.memory_space<vmem>>
          %get3A_1641 = tpu.memref_squeeze %get3A_1640 : memref<1x80x128xf32, #tpu.memory_space<vmem>> -> memref<80x128xf32, #tpu.memory_space<vmem>>
          %get3A_1642 = arith.index_cast %add3A_1560 : i32 to index
          %get3A_1643 = arith.constant 48 : index
          %get3A_1644 = tpu.vector_load %get3A_1641[%get3A_1642, %get3A_1643] {strides = array<i32>} : memref<80x128xf32, #tpu.memory_space<vmem>>, vector<16xf32>,
          %get3A_1645 = arith.constant 0 : i32
          %get3A_1646 = arith.constant 0 : i32
          %get3A_1647 = tpu.memref_slice %arg9[%scan3A_88, %get3A_1645, %get3A_1646] : memref<2x80x128xf32, #tpu.memory_space<vmem>> -> memref<1x80x128xf32, #tpu.memory_space<vmem>>
          %get3A_1648 = tpu.memref_squeeze %get3A_1647 : memref<1x80x128xf32, #tpu.memory_space<vmem>> -> memref<80x128xf32, #tpu.memory_space<vmem>>
          %get3A_1649 = arith.index_cast %add3A_1560 : i32 to index
          %get3A_1650 = arith.constant 64 : index
          %get3A_1651 = tpu.vector_load %get3A_1648[%get3A_1649, %get3A_1650] {strides = array<i32>} : memref<80x128xf32, #tpu.memory_space<vmem>>, vector<16xf32>,
          %get3A_1652 = arith.constant 0 : i32
          %get3A_1653 = arith.constant 0 : i32
          %get3A_1654 = tpu.memref_slice %arg9[%scan3A_88, %get3A_1652, %get3A_1653] : memref<2x80x128xf32, #tpu.memory_space<vmem>> -> memref<1x80x128xf32, #tpu.memory_space<vmem>>
          %get3A_1655 = tpu.memref_squeeze %get3A_1654 : memref<1x80x128xf32, #tpu.memory_space<vmem>> -> memref<80x128xf32, #tpu.memory_space<vmem>>
          %get3A_1656 = arith.index_cast %add3A_1560 : i32 to index
          %get3A_1657 = arith.constant 80 : index
          %get3A_1658 = tpu.vector_load %get3A_1655[%get3A_1656, %get3A_1657] {strides = array<i32>} : memref<80x128xf32, #tpu.memory_space<vmem>>, vector<16xf32>,
          %get3A_1659 = arith.constant 0 : i32
          %get3A_1660 = arith.constant 0 : i32
          %get3A_1661 = tpu.memref_slice %arg9[%scan3A_88, %get3A_1659, %get3A_1660] : memref<2x80x128xf32, #tpu.memory_space<vmem>> -> memref<1x80x128xf32, #tpu.memory_space<vmem>>
          %get3A_1662 = tpu.memref_squeeze %get3A_1661 : memref<1x80x128xf32, #tpu.memory_space<vmem>> -> memref<80x128xf32, #tpu.memory_space<vmem>>
          %get3A_1663 = arith.index_cast %add3A_1560 : i32 to index
          %get3A_1664 = arith.constant 96 : index
          %get3A_1665 = tpu.vector_load %get3A_1662[%get3A_1663, %get3A_1664] {strides = array<i32>} : memref<80x128xf32, #tpu.memory_space<vmem>>, vector<16xf32>,
          %get3A_1666 = arith.constant 0 : i32
          %get3A_1667 = arith.constant 0 : i32
          %get3A_1668 = tpu.memref_slice %arg9[%scan3A_88, %get3A_1666, %get3A_1667] : memref<2x80x128xf32, #tpu.memory_space<vmem>> -> memref<1x80x128xf32, #tpu.memory_space<vmem>>
          %get3A_1669 = tpu.memref_squeeze %get3A_1668 : memref<1x80x128xf32, #tpu.memory_space<vmem>> -> memref<80x128xf32, #tpu.memory_space<vmem>>
          %get3A_1670 = arith.index_cast %add3A_1560 : i32 to index
          %get3A_1671 = arith.constant 112 : index
          %get3A_1672 = tpu.vector_load %get3A_1669[%get3A_1670, %get3A_1671] {strides = array<i32>} : memref<80x128xf32, #tpu.memory_space<vmem>>, vector<16xf32>,
          %mul3A_1673 = arith.mulf %get3A_1293, %get3A_1349 : vector<16xf32>
          %mul3A_1674 = arith.mulf %get3A_1300, %get3A_1356 : vector<16xf32>
          %mul3A_1675 = arith.mulf %get3A_1307, %get3A_1363 : vector<16xf32>
          %mul3A_1676 = arith.mulf %get3A_1314, %get3A_1370 : vector<16xf32>
          %mul3A_1677 = arith.mulf %get3A_1321, %get3A_1377 : vector<16xf32>
          %mul3A_1678 = arith.mulf %get3A_1328, %get3A_1384 : vector<16xf32>
          %mul3A_1679 = arith.mulf %get3A_1335, %get3A_1391 : vector<16xf32>
          %mul3A_1680 = arith.mulf %get3A_1342, %get3A_1398 : vector<16xf32>
          %add3A_1681 = arith.addf %mul3A_1673, %mul3A_1674 : vector<16xf32>
          %add3A_1682 = arith.addf %mul3A_1675, %mul3A_1676 : vector<16xf32>
          %add3A_1683 = arith.addf %add3A_1681, %add3A_1682 : vector<16xf32>
          %add3A_1684 = arith.addf %mul3A_1677, %mul3A_1678 : vector<16xf32>
          %add3A_1685 = arith.addf %mul3A_1679, %mul3A_1680 : vector<16xf32>
          %add3A_1686 = arith.addf %add3A_1684, %add3A_1685 : vector<16xf32>
          %add3A_1687 = arith.addf %add3A_1683, %add3A_1686 : vector<16xf32>
          %mul3A_1688 = arith.mulf %mul3A_1673, %select_n3A : vector<16xf32>
          %sub3A_1689 = arith.subf %mul3A_1688, %add3A_1687 : vector<16xf32>
          %broadcast_in_dim3A_1690 = arith.constant true
          %broadcast_in_dim3A_1691 = vector.broadcast %broadcast_in_dim3A_1690 : i1 to vector<16xi1>
          %masked_cumsum3A_1692 = tpu.scan <sum>, %sub3A_1689 masked %broadcast_in_dim3A_1691 : vector<16xf32>, vector<16xi1> -> vector<16xf32>
          %add3A_1693 = arith.constant 9 : i32
          %add3A_1694 = vector.broadcast %add3A_1693 : i32 to vector<16xi32>
          %add3A_1695 = arith.addi %add3A_100, %add3A_1694 : vector<16xi32>
          tpu.vector_store_idx %arg10[%add3A_85, %add3A_1695], %masked_cumsum3A_1692 masked %eq3A_7 : memref<125x80xf32, #tpu.memory_space<vmem>>[vector<16xi32>, vector<16xi32>], vector<16xf32>, vector<16xi1>
          %add3A_1696 = arith.constant 12 : i32
          %add3A_1697 = arith.addi %mul3A_96, %add3A_1696 : i32
          %get3A_1698 = arith.constant 0 : i32
          %get3A_1699 = arith.constant 0 : i32
          %get3A_1700 = tpu.memref_slice %arg8[%scan3A_87, %get3A_1698, %get3A_1699] : memref<2x80x128xf32, #tpu.memory_space<vmem>> -> memref<1x80x128xf32, #tpu.memory_space<vmem>>
          %get3A_1701 = tpu.memref_squeeze %get3A_1700 : memref<1x80x128xf32, #tpu.memory_space<vmem>> -> memref<80x128xf32, #tpu.memory_space<vmem>>
          %get3A_1702 = arith.index_cast %add3A_1697 : i32 to index
          %get3A_1703 = arith.constant 0 : index
          %get3A_1704 = tpu.vector_load %get3A_1701[%get3A_1702, %get3A_1703] {strides = array<i32>} : memref<80x128xf32, #tpu.memory_space<vmem>>, vector<16xf32>,
          %get3A_1705 = arith.constant 0 : i32
          %get3A_1706 = arith.constant 0 : i32
          %get3A_1707 = tpu.memref_slice %arg8[%scan3A_87, %get3A_1705, %get3A_1706] : memref<2x80x128xf32, #tpu.memory_space<vmem>> -> memref<1x80x128xf32, #tpu.memory_space<vmem>>
          %get3A_1708 = tpu.memref_squeeze %get3A_1707 : memref<1x80x128xf32, #tpu.memory_space<vmem>> -> memref<80x128xf32, #tpu.memory_space<vmem>>
          %get3A_1709 = arith.index_cast %add3A_1697 : i32 to index
          %get3A_1710 = arith.constant 16 : index
          %get3A_1711 = tpu.vector_load %get3A_1708[%get3A_1709, %get3A_1710] {strides = array<i32>} : memref<80x128xf32, #tpu.memory_space<vmem>>, vector<16xf32>,
          %get3A_1712 = arith.constant 0 : i32
          %get3A_1713 = arith.constant 0 : i32
          %get3A_1714 = tpu.memref_slice %arg8[%scan3A_87, %get3A_1712, %get3A_1713] : memref<2x80x128xf32, #tpu.memory_space<vmem>> -> memref<1x80x128xf32, #tpu.memory_space<vmem>>
          %get3A_1715 = tpu.memref_squeeze %get3A_1714 : memref<1x80x128xf32, #tpu.memory_space<vmem>> -> memref<80x128xf32, #tpu.memory_space<vmem>>
          %get3A_1716 = arith.index_cast %add3A_1697 : i32 to index
          %get3A_1717 = arith.constant 32 : index
          %get3A_1718 = tpu.vector_load %get3A_1715[%get3A_1716, %get3A_1717] {strides = array<i32>} : memref<80x128xf32, #tpu.memory_space<vmem>>, vector<16xf32>,
          %get3A_1719 = arith.constant 0 : i32
          %get3A_1720 = arith.constant 0 : i32
          %get3A_1721 = tpu.memref_slice %arg8[%scan3A_87, %get3A_1719, %get3A_1720] : memref<2x80x128xf32, #tpu.memory_space<vmem>> -> memref<1x80x128xf32, #tpu.memory_space<vmem>>
          %get3A_1722 = tpu.memref_squeeze %get3A_1721 : memref<1x80x128xf32, #tpu.memory_space<vmem>> -> memref<80x128xf32, #tpu.memory_space<vmem>>
          %get3A_1723 = arith.index_cast %add3A_1697 : i32 to index
          %get3A_1724 = arith.constant 48 : index
          %get3A_1725 = tpu.vector_load %get3A_1722[%get3A_1723, %get3A_1724] {strides = array<i32>} : memref<80x128xf32, #tpu.memory_space<vmem>>, vector<16xf32>,
          %get3A_1726 = arith.constant 0 : i32
          %get3A_1727 = arith.constant 0 : i32
          %get3A_1728 = tpu.memref_slice %arg8[%scan3A_87, %get3A_1726, %get3A_1727] : memref<2x80x128xf32, #tpu.memory_space<vmem>> -> memref<1x80x128xf32, #tpu.memory_space<vmem>>
          %get3A_1729 = tpu.memref_squeeze %get3A_1728 : memref<1x80x128xf32, #tpu.memory_space<vmem>> -> memref<80x128xf32, #tpu.memory_space<vmem>>
          %get3A_1730 = arith.index_cast %add3A_1697 : i32 to index
          %get3A_1731 = arith.constant 64 : index
          %get3A_1732 = tpu.vector_load %get3A_1729[%get3A_1730, %get3A_1731] {strides = array<i32>} : memref<80x128xf32, #tpu.memory_space<vmem>>, vector<16xf32>,
          %get3A_1733 = arith.constant 0 : i32
          %get3A_1734 = arith.constant 0 : i32
          %get3A_1735 = tpu.memref_slice %arg8[%scan3A_87, %get3A_1733, %get3A_1734] : memref<2x80x128xf32, #tpu.memory_space<vmem>> -> memref<1x80x128xf32, #tpu.memory_space<vmem>>
          %get3A_1736 = tpu.memref_squeeze %get3A_1735 : memref<1x80x128xf32, #tpu.memory_space<vmem>> -> memref<80x128xf32, #tpu.memory_space<vmem>>
          %get3A_1737 = arith.index_cast %add3A_1697 : i32 to index
          %get3A_1738 = arith.constant 80 : index
          %get3A_1739 = tpu.vector_load %get3A_1736[%get3A_1737, %get3A_1738] {strides = array<i32>} : memref<80x128xf32, #tpu.memory_space<vmem>>, vector<16xf32>,
          %get3A_1740 = arith.constant 0 : i32
          %get3A_1741 = arith.constant 0 : i32
          %get3A_1742 = tpu.memref_slice %arg8[%scan3A_87, %get3A_1740, %get3A_1741] : memref<2x80x128xf32, #tpu.memory_space<vmem>> -> memref<1x80x128xf32, #tpu.memory_space<vmem>>
          %get3A_1743 = tpu.memref_squeeze %get3A_1742 : memref<1x80x128xf32, #tpu.memory_space<vmem>> -> memref<80x128xf32, #tpu.memory_space<vmem>>
          %get3A_1744 = arith.index_cast %add3A_1697 : i32 to index
          %get3A_1745 = arith.constant 96 : index
          %get3A_1746 = tpu.vector_load %get3A_1743[%get3A_1744, %get3A_1745] {strides = array<i32>} : memref<80x128xf32, #tpu.memory_space<vmem>>, vector<16xf32>,
          %get3A_1747 = arith.constant 0 : i32
          %get3A_1748 = arith.constant 0 : i32
          %get3A_1749 = tpu.memref_slice %arg8[%scan3A_87, %get3A_1747, %get3A_1748] : memref<2x80x128xf32, #tpu.memory_space<vmem>> -> memref<1x80x128xf32, #tpu.memory_space<vmem>>
          %get3A_1750 = tpu.memref_squeeze %get3A_1749 : memref<1x80x128xf32, #tpu.memory_space<vmem>> -> memref<80x128xf32, #tpu.memory_space<vmem>>
          %get3A_1751 = arith.index_cast %add3A_1697 : i32 to index
          %get3A_1752 = arith.constant 112 : index
          %get3A_1753 = tpu.vector_load %get3A_1750[%get3A_1751, %get3A_1752] {strides = array<i32>} : memref<80x128xf32, #tpu.memory_space<vmem>>, vector<16xf32>,
          %get3A_1754 = arith.constant 0 : i32
          %get3A_1755 = arith.constant 0 : i32
          %get3A_1756 = tpu.memref_slice %arg9[%scan3A_88, %get3A_1754, %get3A_1755] : memref<2x80x128xf32, #tpu.memory_space<vmem>> -> memref<1x80x128xf32, #tpu.memory_space<vmem>>
          %get3A_1757 = tpu.memref_squeeze %get3A_1756 : memref<1x80x128xf32, #tpu.memory_space<vmem>> -> memref<80x128xf32, #tpu.memory_space<vmem>>
          %get3A_1758 = arith.index_cast %add3A_1697 : i32 to index
          %get3A_1759 = arith.constant 0 : index
          %get3A_1760 = tpu.vector_load %get3A_1757[%get3A_1758, %get3A_1759] {strides = array<i32>} : memref<80x128xf32, #tpu.memory_space<vmem>>, vector<16xf32>,
          %get3A_1761 = arith.constant 0 : i32
          %get3A_1762 = arith.constant 0 : i32
          %get3A_1763 = tpu.memref_slice %arg9[%scan3A_88, %get3A_1761, %get3A_1762] : memref<2x80x128xf32, #tpu.memory_space<vmem>> -> memref<1x80x128xf32, #tpu.memory_space<vmem>>
          %get3A_1764 = tpu.memref_squeeze %get3A_1763 : memref<1x80x128xf32, #tpu.memory_space<vmem>> -> memref<80x128xf32, #tpu.memory_space<vmem>>
          %get3A_1765 = arith.index_cast %add3A_1697 : i32 to index
          %get3A_1766 = arith.constant 16 : index
          %get3A_1767 = tpu.vector_load %get3A_1764[%get3A_1765, %get3A_1766] {strides = array<i32>} : memref<80x128xf32, #tpu.memory_space<vmem>>, vector<16xf32>,
          %get3A_1768 = arith.constant 0 : i32
          %get3A_1769 = arith.constant 0 : i32
          %get3A_1770 = tpu.memref_slice %arg9[%scan3A_88, %get3A_1768, %get3A_1769] : memref<2x80x128xf32, #tpu.memory_space<vmem>> -> memref<1x80x128xf32, #tpu.memory_space<vmem>>
          %get3A_1771 = tpu.memref_squeeze %get3A_1770 : memref<1x80x128xf32, #tpu.memory_space<vmem>> -> memref<80x128xf32, #tpu.memory_space<vmem>>
          %get3A_1772 = arith.index_cast %add3A_1697 : i32 to index
          %get3A_1773 = arith.constant 32 : index
          %get3A_1774 = tpu.vector_load %get3A_1771[%get3A_1772, %get3A_1773] {strides = array<i32>} : memref<80x128xf32, #tpu.memory_space<vmem>>, vector<16xf32>,
          %get3A_1775 = arith.constant 0 : i32
          %get3A_1776 = arith.constant 0 : i32
          %get3A_1777 = tpu.memref_slice %arg9[%scan3A_88, %get3A_1775, %get3A_1776] : memref<2x80x128xf32, #tpu.memory_space<vmem>> -> memref<1x80x128xf32, #tpu.memory_space<vmem>>
          %get3A_1778 = tpu.memref_squeeze %get3A_1777 : memref<1x80x128xf32, #tpu.memory_space<vmem>> -> memref<80x128xf32, #tpu.memory_space<vmem>>
          %get3A_1779 = arith.index_cast %add3A_1697 : i32 to index
          %get3A_1780 = arith.constant 48 : index
          %get3A_1781 = tpu.vector_load %get3A_1778[%get3A_1779, %get3A_1780] {strides = array<i32>} : memref<80x128xf32, #tpu.memory_space<vmem>>, vector<16xf32>,
          %get3A_1782 = arith.constant 0 : i32
          %get3A_1783 = arith.constant 0 : i32
          %get3A_1784 = tpu.memref_slice %arg9[%scan3A_88, %get3A_1782, %get3A_1783] : memref<2x80x128xf32, #tpu.memory_space<vmem>> -> memref<1x80x128xf32, #tpu.memory_space<vmem>>
          %get3A_1785 = tpu.memref_squeeze %get3A_1784 : memref<1x80x128xf32, #tpu.memory_space<vmem>> -> memref<80x128xf32, #tpu.memory_space<vmem>>
          %get3A_1786 = arith.index_cast %add3A_1697 : i32 to index
          %get3A_1787 = arith.constant 64 : index
          %get3A_1788 = tpu.vector_load %get3A_1785[%get3A_1786, %get3A_1787] {strides = array<i32>} : memref<80x128xf32, #tpu.memory_space<vmem>>, vector<16xf32>,
          %get3A_1789 = arith.constant 0 : i32
          %get3A_1790 = arith.constant 0 : i32
          %get3A_1791 = tpu.memref_slice %arg9[%scan3A_88, %get3A_1789, %get3A_1790] : memref<2x80x128xf32, #tpu.memory_space<vmem>> -> memref<1x80x128xf32, #tpu.memory_space<vmem>>
          %get3A_1792 = tpu.memref_squeeze %get3A_1791 : memref<1x80x128xf32, #tpu.memory_space<vmem>> -> memref<80x128xf32, #tpu.memory_space<vmem>>
          %get3A_1793 = arith.index_cast %add3A_1697 : i32 to index
          %get3A_1794 = arith.constant 80 : index
          %get3A_1795 = tpu.vector_load %get3A_1792[%get3A_1793, %get3A_1794] {strides = array<i32>} : memref<80x128xf32, #tpu.memory_space<vmem>>, vector<16xf32>,
          %get3A_1796 = arith.constant 0 : i32
          %get3A_1797 = arith.constant 0 : i32
          %get3A_1798 = tpu.memref_slice %arg9[%scan3A_88, %get3A_1796, %get3A_1797] : memref<2x80x128xf32, #tpu.memory_space<vmem>> -> memref<1x80x128xf32, #tpu.memory_space<vmem>>
          %get3A_1799 = tpu.memref_squeeze %get3A_1798 : memref<1x80x128xf32, #tpu.memory_space<vmem>> -> memref<80x128xf32, #tpu.memory_space<vmem>>
          %get3A_1800 = arith.index_cast %add3A_1697 : i32 to index
          %get3A_1801 = arith.constant 96 : index
          %get3A_1802 = tpu.vector_load %get3A_1799[%get3A_1800, %get3A_1801] {strides = array<i32>} : memref<80x128xf32, #tpu.memory_space<vmem>>, vector<16xf32>,
          %get3A_1803 = arith.constant 0 : i32
          %get3A_1804 = arith.constant 0 : i32
          %get3A_1805 = tpu.memref_slice %arg9[%scan3A_88, %get3A_1803, %get3A_1804] : memref<2x80x128xf32, #tpu.memory_space<vmem>> -> memref<1x80x128xf32, #tpu.memory_space<vmem>>
          %get3A_1806 = tpu.memref_squeeze %get3A_1805 : memref<1x80x128xf32, #tpu.memory_space<vmem>> -> memref<80x128xf32, #tpu.memory_space<vmem>>
          %get3A_1807 = arith.index_cast %add3A_1697 : i32 to index
          %get3A_1808 = arith.constant 112 : index
          %get3A_1809 = tpu.vector_load %get3A_1806[%get3A_1807, %get3A_1808] {strides = array<i32>} : memref<80x128xf32, #tpu.memory_space<vmem>>, vector<16xf32>,
          %mul3A_1810 = arith.mulf %get3A_1430, %get3A_1486 : vector<16xf32>
          %mul3A_1811 = arith.mulf %get3A_1437, %get3A_1493 : vector<16xf32>
          %mul3A_1812 = arith.mulf %get3A_1444, %get3A_1500 : vector<16xf32>
          %mul3A_1813 = arith.mulf %get3A_1451, %get3A_1507 : vector<16xf32>
          %mul3A_1814 = arith.mulf %get3A_1458, %get3A_1514 : vector<16xf32>
          %mul3A_1815 = arith.mulf %get3A_1465, %get3A_1521 : vector<16xf32>
          %mul3A_1816 = arith.mulf %get3A_1472, %get3A_1528 : vector<16xf32>
          %mul3A_1817 = arith.mulf %get3A_1479, %get3A_1535 : vector<16xf32>
          %add3A_1818 = arith.addf %mul3A_1810, %mul3A_1811 : vector<16xf32>
          %add3A_1819 = arith.addf %mul3A_1812, %mul3A_1813 : vector<16xf32>
          %add3A_1820 = arith.addf %add3A_1818, %add3A_1819 : vector<16xf32>
          %add3A_1821 = arith.addf %mul3A_1814, %mul3A_1815 : vector<16xf32>
          %add3A_1822 = arith.addf %mul3A_1816, %mul3A_1817 : vector<16xf32>
          %add3A_1823 = arith.addf %add3A_1821, %add3A_1822 : vector<16xf32>
          %add3A_1824 = arith.addf %add3A_1820, %add3A_1823 : vector<16xf32>
          %mul3A_1825 = arith.mulf %mul3A_1810, %select_n3A : vector<16xf32>
          %sub3A_1826 = arith.subf %mul3A_1825, %add3A_1824 : vector<16xf32>
          %broadcast_in_dim3A_1827 = arith.constant true
          %broadcast_in_dim3A_1828 = vector.broadcast %broadcast_in_dim3A_1827 : i1 to vector<16xi1>
          %masked_cumsum3A_1829 = tpu.scan <sum>, %sub3A_1826 masked %broadcast_in_dim3A_1828 : vector<16xf32>, vector<16xi1> -> vector<16xf32>
          %add3A_1830 = arith.constant 10 : i32
          %add3A_1831 = vector.broadcast %add3A_1830 : i32 to vector<16xi32>
          %add3A_1832 = arith.addi %add3A_100, %add3A_1831 : vector<16xi32>
          tpu.vector_store_idx %arg10[%add3A_85, %add3A_1832], %masked_cumsum3A_1829 masked %eq3A_7 : memref<125x80xf32, #tpu.memory_space<vmem>>[vector<16xi32>, vector<16xi32>], vector<16xf32>, vector<16xi1>
          %add3A_1833 = arith.constant 13 : i32
          %add3A_1834 = arith.addi %mul3A_96, %add3A_1833 : i32
          %get3A_1835 = arith.constant 0 : i32
          %get3A_1836 = arith.constant 0 : i32
          %get3A_1837 = tpu.memref_slice %arg8[%scan3A_87, %get3A_1835, %get3A_1836] : memref<2x80x128xf32, #tpu.memory_space<vmem>> -> memref<1x80x128xf32, #tpu.memory_space<vmem>>
          %get3A_1838 = tpu.memref_squeeze %get3A_1837 : memref<1x80x128xf32, #tpu.memory_space<vmem>> -> memref<80x128xf32, #tpu.memory_space<vmem>>
          %get3A_1839 = arith.index_cast %add3A_1834 : i32 to index
          %get3A_1840 = arith.constant 0 : index
          %get3A_1841 = tpu.vector_load %get3A_1838[%get3A_1839, %get3A_1840] {strides = array<i32>} : memref<80x128xf32, #tpu.memory_space<vmem>>, vector<16xf32>,
          %get3A_1842 = arith.constant 0 : i32
          %get3A_1843 = arith.constant 0 : i32
          %get3A_1844 = tpu.memref_slice %arg8[%scan3A_87, %get3A_1842, %get3A_1843] : memref<2x80x128xf32, #tpu.memory_space<vmem>> -> memref<1x80x128xf32, #tpu.memory_space<vmem>>
          %get3A_1845 = tpu.memref_squeeze %get3A_1844 : memref<1x80x128xf32, #tpu.memory_space<vmem>> -> memref<80x128xf32, #tpu.memory_space<vmem>>
          %get3A_1846 = arith.index_cast %add3A_1834 : i32 to index
          %get3A_1847 = arith.constant 16 : index
          %get3A_1848 = tpu.vector_load %get3A_1845[%get3A_1846, %get3A_1847] {strides = array<i32>} : memref<80x128xf32, #tpu.memory_space<vmem>>, vector<16xf32>,
          %get3A_1849 = arith.constant 0 : i32
          %get3A_1850 = arith.constant 0 : i32
          %get3A_1851 = tpu.memref_slice %arg8[%scan3A_87, %get3A_1849, %get3A_1850] : memref<2x80x128xf32, #tpu.memory_space<vmem>> -> memref<1x80x128xf32, #tpu.memory_space<vmem>>
          %get3A_1852 = tpu.memref_squeeze %get3A_1851 : memref<1x80x128xf32, #tpu.memory_space<vmem>> -> memref<80x128xf32, #tpu.memory_space<vmem>>
          %get3A_1853 = arith.index_cast %add3A_1834 : i32 to index
          %get3A_1854 = arith.constant 32 : index
          %get3A_1855 = tpu.vector_load %get3A_1852[%get3A_1853, %get3A_1854] {strides = array<i32>} : memref<80x128xf32, #tpu.memory_space<vmem>>, vector<16xf32>,
          %get3A_1856 = arith.constant 0 : i32
          %get3A_1857 = arith.constant 0 : i32
          %get3A_1858 = tpu.memref_slice %arg8[%scan3A_87, %get3A_1856, %get3A_1857] : memref<2x80x128xf32, #tpu.memory_space<vmem>> -> memref<1x80x128xf32, #tpu.memory_space<vmem>>
          %get3A_1859 = tpu.memref_squeeze %get3A_1858 : memref<1x80x128xf32, #tpu.memory_space<vmem>> -> memref<80x128xf32, #tpu.memory_space<vmem>>
          %get3A_1860 = arith.index_cast %add3A_1834 : i32 to index
          %get3A_1861 = arith.constant 48 : index
          %get3A_1862 = tpu.vector_load %get3A_1859[%get3A_1860, %get3A_1861] {strides = array<i32>} : memref<80x128xf32, #tpu.memory_space<vmem>>, vector<16xf32>,
          %get3A_1863 = arith.constant 0 : i32
          %get3A_1864 = arith.constant 0 : i32
          %get3A_1865 = tpu.memref_slice %arg8[%scan3A_87, %get3A_1863, %get3A_1864] : memref<2x80x128xf32, #tpu.memory_space<vmem>> -> memref<1x80x128xf32, #tpu.memory_space<vmem>>
          %get3A_1866 = tpu.memref_squeeze %get3A_1865 : memref<1x80x128xf32, #tpu.memory_space<vmem>> -> memref<80x128xf32, #tpu.memory_space<vmem>>
          %get3A_1867 = arith.index_cast %add3A_1834 : i32 to index
          %get3A_1868 = arith.constant 64 : index
          %get3A_1869 = tpu.vector_load %get3A_1866[%get3A_1867, %get3A_1868] {strides = array<i32>} : memref<80x128xf32, #tpu.memory_space<vmem>>, vector<16xf32>,
          %get3A_1870 = arith.constant 0 : i32
          %get3A_1871 = arith.constant 0 : i32
          %get3A_1872 = tpu.memref_slice %arg8[%scan3A_87, %get3A_1870, %get3A_1871] : memref<2x80x128xf32, #tpu.memory_space<vmem>> -> memref<1x80x128xf32, #tpu.memory_space<vmem>>
          %get3A_1873 = tpu.memref_squeeze %get3A_1872 : memref<1x80x128xf32, #tpu.memory_space<vmem>> -> memref<80x128xf32, #tpu.memory_space<vmem>>
          %get3A_1874 = arith.index_cast %add3A_1834 : i32 to index
          %get3A_1875 = arith.constant 80 : index
          %get3A_1876 = tpu.vector_load %get3A_1873[%get3A_1874, %get3A_1875] {strides = array<i32>} : memref<80x128xf32, #tpu.memory_space<vmem>>, vector<16xf32>,
          %get3A_1877 = arith.constant 0 : i32
          %get3A_1878 = arith.constant 0 : i32
          %get3A_1879 = tpu.memref_slice %arg8[%scan3A_87, %get3A_1877, %get3A_1878] : memref<2x80x128xf32, #tpu.memory_space<vmem>> -> memref<1x80x128xf32, #tpu.memory_space<vmem>>
          %get3A_1880 = tpu.memref_squeeze %get3A_1879 : memref<1x80x128xf32, #tpu.memory_space<vmem>> -> memref<80x128xf32, #tpu.memory_space<vmem>>
          %get3A_1881 = arith.index_cast %add3A_1834 : i32 to index
          %get3A_1882 = arith.constant 96 : index
          %get3A_1883 = tpu.vector_load %get3A_1880[%get3A_1881, %get3A_1882] {strides = array<i32>} : memref<80x128xf32, #tpu.memory_space<vmem>>, vector<16xf32>,
          %get3A_1884 = arith.constant 0 : i32
          %get3A_1885 = arith.constant 0 : i32
          %get3A_1886 = tpu.memref_slice %arg8[%scan3A_87, %get3A_1884, %get3A_1885] : memref<2x80x128xf32, #tpu.memory_space<vmem>> -> memref<1x80x128xf32, #tpu.memory_space<vmem>>
          %get3A_1887 = tpu.memref_squeeze %get3A_1886 : memref<1x80x128xf32, #tpu.memory_space<vmem>> -> memref<80x128xf32, #tpu.memory_space<vmem>>
          %get3A_1888 = arith.index_cast %add3A_1834 : i32 to index
          %get3A_1889 = arith.constant 112 : index
          %get3A_1890 = tpu.vector_load %get3A_1887[%get3A_1888, %get3A_1889] {strides = array<i32>} : memref<80x128xf32, #tpu.memory_space<vmem>>, vector<16xf32>,
          %get3A_1891 = arith.constant 0 : i32
          %get3A_1892 = arith.constant 0 : i32
          %get3A_1893 = tpu.memref_slice %arg9[%scan3A_88, %get3A_1891, %get3A_1892] : memref<2x80x128xf32, #tpu.memory_space<vmem>> -> memref<1x80x128xf32, #tpu.memory_space<vmem>>
          %get3A_1894 = tpu.memref_squeeze %get3A_1893 : memref<1x80x128xf32, #tpu.memory_space<vmem>> -> memref<80x128xf32, #tpu.memory_space<vmem>>
          %get3A_1895 = arith.index_cast %add3A_1834 : i32 to index
          %get3A_1896 = arith.constant 0 : index
          %get3A_1897 = tpu.vector_load %get3A_1894[%get3A_1895, %get3A_1896] {strides = array<i32>} : memref<80x128xf32, #tpu.memory_space<vmem>>, vector<16xf32>,
          %get3A_1898 = arith.constant 0 : i32
          %get3A_1899 = arith.constant 0 : i32
          %get3A_1900 = tpu.memref_slice %arg9[%scan3A_88, %get3A_1898, %get3A_1899] : memref<2x80x128xf32, #tpu.memory_space<vmem>> -> memref<1x80x128xf32, #tpu.memory_space<vmem>>
          %get3A_1901 = tpu.memref_squeeze %get3A_1900 : memref<1x80x128xf32, #tpu.memory_space<vmem>> -> memref<80x128xf32, #tpu.memory_space<vmem>>
          %get3A_1902 = arith.index_cast %add3A_1834 : i32 to index
          %get3A_1903 = arith.constant 16 : index
          %get3A_1904 = tpu.vector_load %get3A_1901[%get3A_1902, %get3A_1903] {strides = array<i32>} : memref<80x128xf32, #tpu.memory_space<vmem>>, vector<16xf32>,
          %get3A_1905 = arith.constant 0 : i32
          %get3A_1906 = arith.constant 0 : i32
          %get3A_1907 = tpu.memref_slice %arg9[%scan3A_88, %get3A_1905, %get3A_1906] : memref<2x80x128xf32, #tpu.memory_space<vmem>> -> memref<1x80x128xf32, #tpu.memory_space<vmem>>
          %get3A_1908 = tpu.memref_squeeze %get3A_1907 : memref<1x80x128xf32, #tpu.memory_space<vmem>> -> memref<80x128xf32, #tpu.memory_space<vmem>>
          %get3A_1909 = arith.index_cast %add3A_1834 : i32 to index
          %get3A_1910 = arith.constant 32 : index
          %get3A_1911 = tpu.vector_load %get3A_1908[%get3A_1909, %get3A_1910] {strides = array<i32>} : memref<80x128xf32, #tpu.memory_space<vmem>>, vector<16xf32>,
          %get3A_1912 = arith.constant 0 : i32
          %get3A_1913 = arith.constant 0 : i32
          %get3A_1914 = tpu.memref_slice %arg9[%scan3A_88, %get3A_1912, %get3A_1913] : memref<2x80x128xf32, #tpu.memory_space<vmem>> -> memref<1x80x128xf32, #tpu.memory_space<vmem>>
          %get3A_1915 = tpu.memref_squeeze %get3A_1914 : memref<1x80x128xf32, #tpu.memory_space<vmem>> -> memref<80x128xf32, #tpu.memory_space<vmem>>
          %get3A_1916 = arith.index_cast %add3A_1834 : i32 to index
          %get3A_1917 = arith.constant 48 : index
          %get3A_1918 = tpu.vector_load %get3A_1915[%get3A_1916, %get3A_1917] {strides = array<i32>} : memref<80x128xf32, #tpu.memory_space<vmem>>, vector<16xf32>,
          %get3A_1919 = arith.constant 0 : i32
          %get3A_1920 = arith.constant 0 : i32
          %get3A_1921 = tpu.memref_slice %arg9[%scan3A_88, %get3A_1919, %get3A_1920] : memref<2x80x128xf32, #tpu.memory_space<vmem>> -> memref<1x80x128xf32, #tpu.memory_space<vmem>>
          %get3A_1922 = tpu.memref_squeeze %get3A_1921 : memref<1x80x128xf32, #tpu.memory_space<vmem>> -> memref<80x128xf32, #tpu.memory_space<vmem>>
          %get3A_1923 = arith.index_cast %add3A_1834 : i32 to index
          %get3A_1924 = arith.constant 64 : index
          %get3A_1925 = tpu.vector_load %get3A_1922[%get3A_1923, %get3A_1924] {strides = array<i32>} : memref<80x128xf32, #tpu.memory_space<vmem>>, vector<16xf32>,
          %get3A_1926 = arith.constant 0 : i32
          %get3A_1927 = arith.constant 0 : i32
          %get3A_1928 = tpu.memref_slice %arg9[%scan3A_88, %get3A_1926, %get3A_1927] : memref<2x80x128xf32, #tpu.memory_space<vmem>> -> memref<1x80x128xf32, #tpu.memory_space<vmem>>
          %get3A_1929 = tpu.memref_squeeze %get3A_1928 : memref<1x80x128xf32, #tpu.memory_space<vmem>> -> memref<80x128xf32, #tpu.memory_space<vmem>>
          %get3A_1930 = arith.index_cast %add3A_1834 : i32 to index
          %get3A_1931 = arith.constant 80 : index
          %get3A_1932 = tpu.vector_load %get3A_1929[%get3A_1930, %get3A_1931] {strides = array<i32>} : memref<80x128xf32, #tpu.memory_space<vmem>>, vector<16xf32>,
          %get3A_1933 = arith.constant 0 : i32
          %get3A_1934 = arith.constant 0 : i32
          %get3A_1935 = tpu.memref_slice %arg9[%scan3A_88, %get3A_1933, %get3A_1934] : memref<2x80x128xf32, #tpu.memory_space<vmem>> -> memref<1x80x128xf32, #tpu.memory_space<vmem>>
          %get3A_1936 = tpu.memref_squeeze %get3A_1935 : memref<1x80x128xf32, #tpu.memory_space<vmem>> -> memref<80x128xf32, #tpu.memory_space<vmem>>
          %get3A_1937 = arith.index_cast %add3A_1834 : i32 to index
          %get3A_1938 = arith.constant 96 : index
          %get3A_1939 = tpu.vector_load %get3A_1936[%get3A_1937, %get3A_1938] {strides = array<i32>} : memref<80x128xf32, #tpu.memory_space<vmem>>, vector<16xf32>,
          %get3A_1940 = arith.constant 0 : i32
          %get3A_1941 = arith.constant 0 : i32
          %get3A_1942 = tpu.memref_slice %arg9[%scan3A_88, %get3A_1940, %get3A_1941] : memref<2x80x128xf32, #tpu.memory_space<vmem>> -> memref<1x80x128xf32, #tpu.memory_space<vmem>>
          %get3A_1943 = tpu.memref_squeeze %get3A_1942 : memref<1x80x128xf32, #tpu.memory_space<vmem>> -> memref<80x128xf32, #tpu.memory_space<vmem>>
          %get3A_1944 = arith.index_cast %add3A_1834 : i32 to index
          %get3A_1945 = arith.constant 112 : index
          %get3A_1946 = tpu.vector_load %get3A_1943[%get3A_1944, %get3A_1945] {strides = array<i32>} : memref<80x128xf32, #tpu.memory_space<vmem>>, vector<16xf32>,
          %mul3A_1947 = arith.mulf %get3A_1567, %get3A_1623 : vector<16xf32>
          %mul3A_1948 = arith.mulf %get3A_1574, %get3A_1630 : vector<16xf32>
          %mul3A_1949 = arith.mulf %get3A_1581, %get3A_1637 : vector<16xf32>
          %mul3A_1950 = arith.mulf %get3A_1588, %get3A_1644 : vector<16xf32>
          %mul3A_1951 = arith.mulf %get3A_1595, %get3A_1651 : vector<16xf32>
          %mul3A_1952 = arith.mulf %get3A_1602, %get3A_1658 : vector<16xf32>
          %mul3A_1953 = arith.mulf %get3A_1609, %get3A_1665 : vector<16xf32>
          %mul3A_1954 = arith.mulf %get3A_1616, %get3A_1672 : vector<16xf32>
          %add3A_1955 = arith.addf %mul3A_1947, %mul3A_1948 : vector<16xf32>
          %add3A_1956 = arith.addf %mul3A_1949, %mul3A_1950 : vector<16xf32>
          %add3A_1957 = arith.addf %add3A_1955, %add3A_1956 : vector<16xf32>
          %add3A_1958 = arith.addf %mul3A_1951, %mul3A_1952 : vector<16xf32>
          %add3A_1959 = arith.addf %mul3A_1953, %mul3A_1954 : vector<16xf32>
          %add3A_1960 = arith.addf %add3A_1958, %add3A_1959 : vector<16xf32>
          %add3A_1961 = arith.addf %add3A_1957, %add3A_1960 : vector<16xf32>
          %mul3A_1962 = arith.mulf %mul3A_1947, %select_n3A : vector<16xf32>
          %sub3A_1963 = arith.subf %mul3A_1962, %add3A_1961 : vector<16xf32>
          %broadcast_in_dim3A_1964 = arith.constant true
          %broadcast_in_dim3A_1965 = vector.broadcast %broadcast_in_dim3A_1964 : i1 to vector<16xi1>
          %masked_cumsum3A_1966 = tpu.scan <sum>, %sub3A_1963 masked %broadcast_in_dim3A_1965 : vector<16xf32>, vector<16xi1> -> vector<16xf32>
          %add3A_1967 = arith.constant 11 : i32
          %add3A_1968 = vector.broadcast %add3A_1967 : i32 to vector<16xi32>
          %add3A_1969 = arith.addi %add3A_100, %add3A_1968 : vector<16xi32>
          tpu.vector_store_idx %arg10[%add3A_85, %add3A_1969], %masked_cumsum3A_1966 masked %eq3A_7 : memref<125x80xf32, #tpu.memory_space<vmem>>[vector<16xi32>, vector<16xi32>], vector<16xf32>, vector<16xi1>
          %add3A_1970 = arith.constant 14 : i32
          %add3A_1971 = arith.addi %mul3A_96, %add3A_1970 : i32
          %get3A_1972 = arith.constant 0 : i32
          %get3A_1973 = arith.constant 0 : i32
          %get3A_1974 = tpu.memref_slice %arg8[%scan3A_87, %get3A_1972, %get3A_1973] : memref<2x80x128xf32, #tpu.memory_space<vmem>> -> memref<1x80x128xf32, #tpu.memory_space<vmem>>
          %get3A_1975 = tpu.memref_squeeze %get3A_1974 : memref<1x80x128xf32, #tpu.memory_space<vmem>> -> memref<80x128xf32, #tpu.memory_space<vmem>>
          %get3A_1976 = arith.index_cast %add3A_1971 : i32 to index
          %get3A_1977 = arith.constant 0 : index
          %get3A_1978 = tpu.vector_load %get3A_1975[%get3A_1976, %get3A_1977] {strides = array<i32>} : memref<80x128xf32, #tpu.memory_space<vmem>>, vector<16xf32>,
          %get3A_1979 = arith.constant 0 : i32
          %get3A_1980 = arith.constant 0 : i32
          %get3A_1981 = tpu.memref_slice %arg8[%scan3A_87, %get3A_1979, %get3A_1980] : memref<2x80x128xf32, #tpu.memory_space<vmem>> -> memref<1x80x128xf32, #tpu.memory_space<vmem>>
          %get3A_1982 = tpu.memref_squeeze %get3A_1981 : memref<1x80x128xf32, #tpu.memory_space<vmem>> -> memref<80x128xf32, #tpu.memory_space<vmem>>
          %get3A_1983 = arith.index_cast %add3A_1971 : i32 to index
          %get3A_1984 = arith.constant 16 : index
          %get3A_1985 = tpu.vector_load %get3A_1982[%get3A_1983, %get3A_1984] {strides = array<i32>} : memref<80x128xf32, #tpu.memory_space<vmem>>, vector<16xf32>,
          %get3A_1986 = arith.constant 0 : i32
          %get3A_1987 = arith.constant 0 : i32
          %get3A_1988 = tpu.memref_slice %arg8[%scan3A_87, %get3A_1986, %get3A_1987] : memref<2x80x128xf32, #tpu.memory_space<vmem>> -> memref<1x80x128xf32, #tpu.memory_space<vmem>>
          %get3A_1989 = tpu.memref_squeeze %get3A_1988 : memref<1x80x128xf32, #tpu.memory_space<vmem>> -> memref<80x128xf32, #tpu.memory_space<vmem>>
          %get3A_1990 = arith.index_cast %add3A_1971 : i32 to index
          %get3A_1991 = arith.constant 32 : index
          %get3A_1992 = tpu.vector_load %get3A_1989[%get3A_1990, %get3A_1991] {strides = array<i32>} : memref<80x128xf32, #tpu.memory_space<vmem>>, vector<16xf32>,
          %get3A_1993 = arith.constant 0 : i32
          %get3A_1994 = arith.constant 0 : i32
          %get3A_1995 = tpu.memref_slice %arg8[%scan3A_87, %get3A_1993, %get3A_1994] : memref<2x80x128xf32, #tpu.memory_space<vmem>> -> memref<1x80x128xf32, #tpu.memory_space<vmem>>
          %get3A_1996 = tpu.memref_squeeze %get3A_1995 : memref<1x80x128xf32, #tpu.memory_space<vmem>> -> memref<80x128xf32, #tpu.memory_space<vmem>>
          %get3A_1997 = arith.index_cast %add3A_1971 : i32 to index
          %get3A_1998 = arith.constant 48 : index
          %get3A_1999 = tpu.vector_load %get3A_1996[%get3A_1997, %get3A_1998] {strides = array<i32>} : memref<80x128xf32, #tpu.memory_space<vmem>>, vector<16xf32>,
          %get3A_2000 = arith.constant 0 : i32
          %get3A_2001 = arith.constant 0 : i32
          %get3A_2002 = tpu.memref_slice %arg8[%scan3A_87, %get3A_2000, %get3A_2001] : memref<2x80x128xf32, #tpu.memory_space<vmem>> -> memref<1x80x128xf32, #tpu.memory_space<vmem>>
          %get3A_2003 = tpu.memref_squeeze %get3A_2002 : memref<1x80x128xf32, #tpu.memory_space<vmem>> -> memref<80x128xf32, #tpu.memory_space<vmem>>
          %get3A_2004 = arith.index_cast %add3A_1971 : i32 to index
          %get3A_2005 = arith.constant 64 : index
          %get3A_2006 = tpu.vector_load %get3A_2003[%get3A_2004, %get3A_2005] {strides = array<i32>} : memref<80x128xf32, #tpu.memory_space<vmem>>, vector<16xf32>,
          %get3A_2007 = arith.constant 0 : i32
          %get3A_2008 = arith.constant 0 : i32
          %get3A_2009 = tpu.memref_slice %arg8[%scan3A_87, %get3A_2007, %get3A_2008] : memref<2x80x128xf32, #tpu.memory_space<vmem>> -> memref<1x80x128xf32, #tpu.memory_space<vmem>>
          %get3A_2010 = tpu.memref_squeeze %get3A_2009 : memref<1x80x128xf32, #tpu.memory_space<vmem>> -> memref<80x128xf32, #tpu.memory_space<vmem>>
          %get3A_2011 = arith.index_cast %add3A_1971 : i32 to index
          %get3A_2012 = arith.constant 80 : index
          %get3A_2013 = tpu.vector_load %get3A_2010[%get3A_2011, %get3A_2012] {strides = array<i32>} : memref<80x128xf32, #tpu.memory_space<vmem>>, vector<16xf32>,
          %get3A_2014 = arith.constant 0 : i32
          %get3A_2015 = arith.constant 0 : i32
          %get3A_2016 = tpu.memref_slice %arg8[%scan3A_87, %get3A_2014, %get3A_2015] : memref<2x80x128xf32, #tpu.memory_space<vmem>> -> memref<1x80x128xf32, #tpu.memory_space<vmem>>
          %get3A_2017 = tpu.memref_squeeze %get3A_2016 : memref<1x80x128xf32, #tpu.memory_space<vmem>> -> memref<80x128xf32, #tpu.memory_space<vmem>>
          %get3A_2018 = arith.index_cast %add3A_1971 : i32 to index
          %get3A_2019 = arith.constant 96 : index
          %get3A_2020 = tpu.vector_load %get3A_2017[%get3A_2018, %get3A_2019] {strides = array<i32>} : memref<80x128xf32, #tpu.memory_space<vmem>>, vector<16xf32>,
          %get3A_2021 = arith.constant 0 : i32
          %get3A_2022 = arith.constant 0 : i32
          %get3A_2023 = tpu.memref_slice %arg8[%scan3A_87, %get3A_2021, %get3A_2022] : memref<2x80x128xf32, #tpu.memory_space<vmem>> -> memref<1x80x128xf32, #tpu.memory_space<vmem>>
          %get3A_2024 = tpu.memref_squeeze %get3A_2023 : memref<1x80x128xf32, #tpu.memory_space<vmem>> -> memref<80x128xf32, #tpu.memory_space<vmem>>
          %get3A_2025 = arith.index_cast %add3A_1971 : i32 to index
          %get3A_2026 = arith.constant 112 : index
          %get3A_2027 = tpu.vector_load %get3A_2024[%get3A_2025, %get3A_2026] {strides = array<i32>} : memref<80x128xf32, #tpu.memory_space<vmem>>, vector<16xf32>,
          %get3A_2028 = arith.constant 0 : i32
          %get3A_2029 = arith.constant 0 : i32
          %get3A_2030 = tpu.memref_slice %arg9[%scan3A_88, %get3A_2028, %get3A_2029] : memref<2x80x128xf32, #tpu.memory_space<vmem>> -> memref<1x80x128xf32, #tpu.memory_space<vmem>>
          %get3A_2031 = tpu.memref_squeeze %get3A_2030 : memref<1x80x128xf32, #tpu.memory_space<vmem>> -> memref<80x128xf32, #tpu.memory_space<vmem>>
          %get3A_2032 = arith.index_cast %add3A_1971 : i32 to index
          %get3A_2033 = arith.constant 0 : index
          %get3A_2034 = tpu.vector_load %get3A_2031[%get3A_2032, %get3A_2033] {strides = array<i32>} : memref<80x128xf32, #tpu.memory_space<vmem>>, vector<16xf32>,
          %get3A_2035 = arith.constant 0 : i32
          %get3A_2036 = arith.constant 0 : i32
          %get3A_2037 = tpu.memref_slice %arg9[%scan3A_88, %get3A_2035, %get3A_2036] : memref<2x80x128xf32, #tpu.memory_space<vmem>> -> memref<1x80x128xf32, #tpu.memory_space<vmem>>
          %get3A_2038 = tpu.memref_squeeze %get3A_2037 : memref<1x80x128xf32, #tpu.memory_space<vmem>> -> memref<80x128xf32, #tpu.memory_space<vmem>>
          %get3A_2039 = arith.index_cast %add3A_1971 : i32 to index
          %get3A_2040 = arith.constant 16 : index
          %get3A_2041 = tpu.vector_load %get3A_2038[%get3A_2039, %get3A_2040] {strides = array<i32>} : memref<80x128xf32, #tpu.memory_space<vmem>>, vector<16xf32>,
          %get3A_2042 = arith.constant 0 : i32
          %get3A_2043 = arith.constant 0 : i32
          %get3A_2044 = tpu.memref_slice %arg9[%scan3A_88, %get3A_2042, %get3A_2043] : memref<2x80x128xf32, #tpu.memory_space<vmem>> -> memref<1x80x128xf32, #tpu.memory_space<vmem>>
          %get3A_2045 = tpu.memref_squeeze %get3A_2044 : memref<1x80x128xf32, #tpu.memory_space<vmem>> -> memref<80x128xf32, #tpu.memory_space<vmem>>
          %get3A_2046 = arith.index_cast %add3A_1971 : i32 to index
          %get3A_2047 = arith.constant 32 : index
          %get3A_2048 = tpu.vector_load %get3A_2045[%get3A_2046, %get3A_2047] {strides = array<i32>} : memref<80x128xf32, #tpu.memory_space<vmem>>, vector<16xf32>,
          %get3A_2049 = arith.constant 0 : i32
          %get3A_2050 = arith.constant 0 : i32
          %get3A_2051 = tpu.memref_slice %arg9[%scan3A_88, %get3A_2049, %get3A_2050] : memref<2x80x128xf32, #tpu.memory_space<vmem>> -> memref<1x80x128xf32, #tpu.memory_space<vmem>>
          %get3A_2052 = tpu.memref_squeeze %get3A_2051 : memref<1x80x128xf32, #tpu.memory_space<vmem>> -> memref<80x128xf32, #tpu.memory_space<vmem>>
          %get3A_2053 = arith.index_cast %add3A_1971 : i32 to index
          %get3A_2054 = arith.constant 48 : index
          %get3A_2055 = tpu.vector_load %get3A_2052[%get3A_2053, %get3A_2054] {strides = array<i32>} : memref<80x128xf32, #tpu.memory_space<vmem>>, vector<16xf32>,
          %get3A_2056 = arith.constant 0 : i32
          %get3A_2057 = arith.constant 0 : i32
          %get3A_2058 = tpu.memref_slice %arg9[%scan3A_88, %get3A_2056, %get3A_2057] : memref<2x80x128xf32, #tpu.memory_space<vmem>> -> memref<1x80x128xf32, #tpu.memory_space<vmem>>
          %get3A_2059 = tpu.memref_squeeze %get3A_2058 : memref<1x80x128xf32, #tpu.memory_space<vmem>> -> memref<80x128xf32, #tpu.memory_space<vmem>>
          %get3A_2060 = arith.index_cast %add3A_1971 : i32 to index
          %get3A_2061 = arith.constant 64 : index
          %get3A_2062 = tpu.vector_load %get3A_2059[%get3A_2060, %get3A_2061] {strides = array<i32>} : memref<80x128xf32, #tpu.memory_space<vmem>>, vector<16xf32>,
          %get3A_2063 = arith.constant 0 : i32
          %get3A_2064 = arith.constant 0 : i32
          %get3A_2065 = tpu.memref_slice %arg9[%scan3A_88, %get3A_2063, %get3A_2064] : memref<2x80x128xf32, #tpu.memory_space<vmem>> -> memref<1x80x128xf32, #tpu.memory_space<vmem>>
          %get3A_2066 = tpu.memref_squeeze %get3A_2065 : memref<1x80x128xf32, #tpu.memory_space<vmem>> -> memref<80x128xf32, #tpu.memory_space<vmem>>
          %get3A_2067 = arith.index_cast %add3A_1971 : i32 to index
          %get3A_2068 = arith.constant 80 : index
          %get3A_2069 = tpu.vector_load %get3A_2066[%get3A_2067, %get3A_2068] {strides = array<i32>} : memref<80x128xf32, #tpu.memory_space<vmem>>, vector<16xf32>,
          %get3A_2070 = arith.constant 0 : i32
          %get3A_2071 = arith.constant 0 : i32
          %get3A_2072 = tpu.memref_slice %arg9[%scan3A_88, %get3A_2070, %get3A_2071] : memref<2x80x128xf32, #tpu.memory_space<vmem>> -> memref<1x80x128xf32, #tpu.memory_space<vmem>>
          %get3A_2073 = tpu.memref_squeeze %get3A_2072 : memref<1x80x128xf32, #tpu.memory_space<vmem>> -> memref<80x128xf32, #tpu.memory_space<vmem>>
          %get3A_2074 = arith.index_cast %add3A_1971 : i32 to index
          %get3A_2075 = arith.constant 96 : index
          %get3A_2076 = tpu.vector_load %get3A_2073[%get3A_2074, %get3A_2075] {strides = array<i32>} : memref<80x128xf32, #tpu.memory_space<vmem>>, vector<16xf32>,
          %get3A_2077 = arith.constant 0 : i32
          %get3A_2078 = arith.constant 0 : i32
          %get3A_2079 = tpu.memref_slice %arg9[%scan3A_88, %get3A_2077, %get3A_2078] : memref<2x80x128xf32, #tpu.memory_space<vmem>> -> memref<1x80x128xf32, #tpu.memory_space<vmem>>
          %get3A_2080 = tpu.memref_squeeze %get3A_2079 : memref<1x80x128xf32, #tpu.memory_space<vmem>> -> memref<80x128xf32, #tpu.memory_space<vmem>>
          %get3A_2081 = arith.index_cast %add3A_1971 : i32 to index
          %get3A_2082 = arith.constant 112 : index
          %get3A_2083 = tpu.vector_load %get3A_2080[%get3A_2081, %get3A_2082] {strides = array<i32>} : memref<80x128xf32, #tpu.memory_space<vmem>>, vector<16xf32>,
          %mul3A_2084 = arith.mulf %get3A_1704, %get3A_1760 : vector<16xf32>
          %mul3A_2085 = arith.mulf %get3A_1711, %get3A_1767 : vector<16xf32>
          %mul3A_2086 = arith.mulf %get3A_1718, %get3A_1774 : vector<16xf32>
          %mul3A_2087 = arith.mulf %get3A_1725, %get3A_1781 : vector<16xf32>
          %mul3A_2088 = arith.mulf %get3A_1732, %get3A_1788 : vector<16xf32>
          %mul3A_2089 = arith.mulf %get3A_1739, %get3A_1795 : vector<16xf32>
          %mul3A_2090 = arith.mulf %get3A_1746, %get3A_1802 : vector<16xf32>
          %mul3A_2091 = arith.mulf %get3A_1753, %get3A_1809 : vector<16xf32>
          %add3A_2092 = arith.addf %mul3A_2084, %mul3A_2085 : vector<16xf32>
          %add3A_2093 = arith.addf %mul3A_2086, %mul3A_2087 : vector<16xf32>
          %add3A_2094 = arith.addf %add3A_2092, %add3A_2093 : vector<16xf32>
          %add3A_2095 = arith.addf %mul3A_2088, %mul3A_2089 : vector<16xf32>
          %add3A_2096 = arith.addf %mul3A_2090, %mul3A_2091 : vector<16xf32>
          %add3A_2097 = arith.addf %add3A_2095, %add3A_2096 : vector<16xf32>
          %add3A_2098 = arith.addf %add3A_2094, %add3A_2097 : vector<16xf32>
          %mul3A_2099 = arith.mulf %mul3A_2084, %select_n3A : vector<16xf32>
          %sub3A_2100 = arith.subf %mul3A_2099, %add3A_2098 : vector<16xf32>
          %broadcast_in_dim3A_2101 = arith.constant true
          %broadcast_in_dim3A_2102 = vector.broadcast %broadcast_in_dim3A_2101 : i1 to vector<16xi1>
          %masked_cumsum3A_2103 = tpu.scan <sum>, %sub3A_2100 masked %broadcast_in_dim3A_2102 : vector<16xf32>, vector<16xi1> -> vector<16xf32>
          %add3A_2104 = arith.constant 12 : i32
          %add3A_2105 = vector.broadcast %add3A_2104 : i32 to vector<16xi32>
          %add3A_2106 = arith.addi %add3A_100, %add3A_2105 : vector<16xi32>
          tpu.vector_store_idx %arg10[%add3A_85, %add3A_2106], %masked_cumsum3A_2103 masked %eq3A_7 : memref<125x80xf32, #tpu.memory_space<vmem>>[vector<16xi32>, vector<16xi32>], vector<16xf32>, vector<16xi1>
          %add3A_2107 = arith.constant 15 : i32
          %add3A_2108 = arith.addi %mul3A_96, %add3A_2107 : i32
          %get3A_2109 = arith.constant 0 : i32
          %get3A_2110 = arith.constant 0 : i32
          %get3A_2111 = tpu.memref_slice %arg8[%scan3A_87, %get3A_2109, %get3A_2110] : memref<2x80x128xf32, #tpu.memory_space<vmem>> -> memref<1x80x128xf32, #tpu.memory_space<vmem>>
          %get3A_2112 = tpu.memref_squeeze %get3A_2111 : memref<1x80x128xf32, #tpu.memory_space<vmem>> -> memref<80x128xf32, #tpu.memory_space<vmem>>
          %get3A_2113 = arith.index_cast %add3A_2108 : i32 to index
          %get3A_2114 = arith.constant 0 : index
          %get3A_2115 = tpu.vector_load %get3A_2112[%get3A_2113, %get3A_2114] {strides = array<i32>} : memref<80x128xf32, #tpu.memory_space<vmem>>, vector<16xf32>,
          %get3A_2116 = arith.constant 0 : i32
          %get3A_2117 = arith.constant 0 : i32
          %get3A_2118 = tpu.memref_slice %arg8[%scan3A_87, %get3A_2116, %get3A_2117] : memref<2x80x128xf32, #tpu.memory_space<vmem>> -> memref<1x80x128xf32, #tpu.memory_space<vmem>>
          %get3A_2119 = tpu.memref_squeeze %get3A_2118 : memref<1x80x128xf32, #tpu.memory_space<vmem>> -> memref<80x128xf32, #tpu.memory_space<vmem>>
          %get3A_2120 = arith.index_cast %add3A_2108 : i32 to index
          %get3A_2121 = arith.constant 16 : index
          %get3A_2122 = tpu.vector_load %get3A_2119[%get3A_2120, %get3A_2121] {strides = array<i32>} : memref<80x128xf32, #tpu.memory_space<vmem>>, vector<16xf32>,
          %get3A_2123 = arith.constant 0 : i32
          %get3A_2124 = arith.constant 0 : i32
          %get3A_2125 = tpu.memref_slice %arg8[%scan3A_87, %get3A_2123, %get3A_2124] : memref<2x80x128xf32, #tpu.memory_space<vmem>> -> memref<1x80x128xf32, #tpu.memory_space<vmem>>
          %get3A_2126 = tpu.memref_squeeze %get3A_2125 : memref<1x80x128xf32, #tpu.memory_space<vmem>> -> memref<80x128xf32, #tpu.memory_space<vmem>>
          %get3A_2127 = arith.index_cast %add3A_2108 : i32 to index
          %get3A_2128 = arith.constant 32 : index
          %get3A_2129 = tpu.vector_load %get3A_2126[%get3A_2127, %get3A_2128] {strides = array<i32>} : memref<80x128xf32, #tpu.memory_space<vmem>>, vector<16xf32>,
          %get3A_2130 = arith.constant 0 : i32
          %get3A_2131 = arith.constant 0 : i32
          %get3A_2132 = tpu.memref_slice %arg8[%scan3A_87, %get3A_2130, %get3A_2131] : memref<2x80x128xf32, #tpu.memory_space<vmem>> -> memref<1x80x128xf32, #tpu.memory_space<vmem>>
          %get3A_2133 = tpu.memref_squeeze %get3A_2132 : memref<1x80x128xf32, #tpu.memory_space<vmem>> -> memref<80x128xf32, #tpu.memory_space<vmem>>
          %get3A_2134 = arith.index_cast %add3A_2108 : i32 to index
          %get3A_2135 = arith.constant 48 : index
          %get3A_2136 = tpu.vector_load %get3A_2133[%get3A_2134, %get3A_2135] {strides = array<i32>} : memref<80x128xf32, #tpu.memory_space<vmem>>, vector<16xf32>,
          %get3A_2137 = arith.constant 0 : i32
          %get3A_2138 = arith.constant 0 : i32
          %get3A_2139 = tpu.memref_slice %arg8[%scan3A_87, %get3A_2137, %get3A_2138] : memref<2x80x128xf32, #tpu.memory_space<vmem>> -> memref<1x80x128xf32, #tpu.memory_space<vmem>>
          %get3A_2140 = tpu.memref_squeeze %get3A_2139 : memref<1x80x128xf32, #tpu.memory_space<vmem>> -> memref<80x128xf32, #tpu.memory_space<vmem>>
          %get3A_2141 = arith.index_cast %add3A_2108 : i32 to index
          %get3A_2142 = arith.constant 64 : index
          %get3A_2143 = tpu.vector_load %get3A_2140[%get3A_2141, %get3A_2142] {strides = array<i32>} : memref<80x128xf32, #tpu.memory_space<vmem>>, vector<16xf32>,
          %get3A_2144 = arith.constant 0 : i32
          %get3A_2145 = arith.constant 0 : i32
          %get3A_2146 = tpu.memref_slice %arg8[%scan3A_87, %get3A_2144, %get3A_2145] : memref<2x80x128xf32, #tpu.memory_space<vmem>> -> memref<1x80x128xf32, #tpu.memory_space<vmem>>
          %get3A_2147 = tpu.memref_squeeze %get3A_2146 : memref<1x80x128xf32, #tpu.memory_space<vmem>> -> memref<80x128xf32, #tpu.memory_space<vmem>>
          %get3A_2148 = arith.index_cast %add3A_2108 : i32 to index
          %get3A_2149 = arith.constant 80 : index
          %get3A_2150 = tpu.vector_load %get3A_2147[%get3A_2148, %get3A_2149] {strides = array<i32>} : memref<80x128xf32, #tpu.memory_space<vmem>>, vector<16xf32>,
          %get3A_2151 = arith.constant 0 : i32
          %get3A_2152 = arith.constant 0 : i32
          %get3A_2153 = tpu.memref_slice %arg8[%scan3A_87, %get3A_2151, %get3A_2152] : memref<2x80x128xf32, #tpu.memory_space<vmem>> -> memref<1x80x128xf32, #tpu.memory_space<vmem>>
          %get3A_2154 = tpu.memref_squeeze %get3A_2153 : memref<1x80x128xf32, #tpu.memory_space<vmem>> -> memref<80x128xf32, #tpu.memory_space<vmem>>
          %get3A_2155 = arith.index_cast %add3A_2108 : i32 to index
          %get3A_2156 = arith.constant 96 : index
          %get3A_2157 = tpu.vector_load %get3A_2154[%get3A_2155, %get3A_2156] {strides = array<i32>} : memref<80x128xf32, #tpu.memory_space<vmem>>, vector<16xf32>,
          %get3A_2158 = arith.constant 0 : i32
          %get3A_2159 = arith.constant 0 : i32
          %get3A_2160 = tpu.memref_slice %arg8[%scan3A_87, %get3A_2158, %get3A_2159] : memref<2x80x128xf32, #tpu.memory_space<vmem>> -> memref<1x80x128xf32, #tpu.memory_space<vmem>>
          %get3A_2161 = tpu.memref_squeeze %get3A_2160 : memref<1x80x128xf32, #tpu.memory_space<vmem>> -> memref<80x128xf32, #tpu.memory_space<vmem>>
          %get3A_2162 = arith.index_cast %add3A_2108 : i32 to index
          %get3A_2163 = arith.constant 112 : index
          %get3A_2164 = tpu.vector_load %get3A_2161[%get3A_2162, %get3A_2163] {strides = array<i32>} : memref<80x128xf32, #tpu.memory_space<vmem>>, vector<16xf32>,
          %get3A_2165 = arith.constant 0 : i32
          %get3A_2166 = arith.constant 0 : i32
          %get3A_2167 = tpu.memref_slice %arg9[%scan3A_88, %get3A_2165, %get3A_2166] : memref<2x80x128xf32, #tpu.memory_space<vmem>> -> memref<1x80x128xf32, #tpu.memory_space<vmem>>
          %get3A_2168 = tpu.memref_squeeze %get3A_2167 : memref<1x80x128xf32, #tpu.memory_space<vmem>> -> memref<80x128xf32, #tpu.memory_space<vmem>>
          %get3A_2169 = arith.index_cast %add3A_2108 : i32 to index
          %get3A_2170 = arith.constant 0 : index
          %get3A_2171 = tpu.vector_load %get3A_2168[%get3A_2169, %get3A_2170] {strides = array<i32>} : memref<80x128xf32, #tpu.memory_space<vmem>>, vector<16xf32>,
          %get3A_2172 = arith.constant 0 : i32
          %get3A_2173 = arith.constant 0 : i32
          %get3A_2174 = tpu.memref_slice %arg9[%scan3A_88, %get3A_2172, %get3A_2173] : memref<2x80x128xf32, #tpu.memory_space<vmem>> -> memref<1x80x128xf32, #tpu.memory_space<vmem>>
          %get3A_2175 = tpu.memref_squeeze %get3A_2174 : memref<1x80x128xf32, #tpu.memory_space<vmem>> -> memref<80x128xf32, #tpu.memory_space<vmem>>
          %get3A_2176 = arith.index_cast %add3A_2108 : i32 to index
          %get3A_2177 = arith.constant 16 : index
          %get3A_2178 = tpu.vector_load %get3A_2175[%get3A_2176, %get3A_2177] {strides = array<i32>} : memref<80x128xf32, #tpu.memory_space<vmem>>, vector<16xf32>,
          %get3A_2179 = arith.constant 0 : i32
          %get3A_2180 = arith.constant 0 : i32
          %get3A_2181 = tpu.memref_slice %arg9[%scan3A_88, %get3A_2179, %get3A_2180] : memref<2x80x128xf32, #tpu.memory_space<vmem>> -> memref<1x80x128xf32, #tpu.memory_space<vmem>>
          %get3A_2182 = tpu.memref_squeeze %get3A_2181 : memref<1x80x128xf32, #tpu.memory_space<vmem>> -> memref<80x128xf32, #tpu.memory_space<vmem>>
          %get3A_2183 = arith.index_cast %add3A_2108 : i32 to index
          %get3A_2184 = arith.constant 32 : index
          %get3A_2185 = tpu.vector_load %get3A_2182[%get3A_2183, %get3A_2184] {strides = array<i32>} : memref<80x128xf32, #tpu.memory_space<vmem>>, vector<16xf32>,
          %get3A_2186 = arith.constant 0 : i32
          %get3A_2187 = arith.constant 0 : i32
          %get3A_2188 = tpu.memref_slice %arg9[%scan3A_88, %get3A_2186, %get3A_2187] : memref<2x80x128xf32, #tpu.memory_space<vmem>> -> memref<1x80x128xf32, #tpu.memory_space<vmem>>
          %get3A_2189 = tpu.memref_squeeze %get3A_2188 : memref<1x80x128xf32, #tpu.memory_space<vmem>> -> memref<80x128xf32, #tpu.memory_space<vmem>>
          %get3A_2190 = arith.index_cast %add3A_2108 : i32 to index
          %get3A_2191 = arith.constant 48 : index
          %get3A_2192 = tpu.vector_load %get3A_2189[%get3A_2190, %get3A_2191] {strides = array<i32>} : memref<80x128xf32, #tpu.memory_space<vmem>>, vector<16xf32>,
          %get3A_2193 = arith.constant 0 : i32
          %get3A_2194 = arith.constant 0 : i32
          %get3A_2195 = tpu.memref_slice %arg9[%scan3A_88, %get3A_2193, %get3A_2194] : memref<2x80x128xf32, #tpu.memory_space<vmem>> -> memref<1x80x128xf32, #tpu.memory_space<vmem>>
          %get3A_2196 = tpu.memref_squeeze %get3A_2195 : memref<1x80x128xf32, #tpu.memory_space<vmem>> -> memref<80x128xf32, #tpu.memory_space<vmem>>
          %get3A_2197 = arith.index_cast %add3A_2108 : i32 to index
          %get3A_2198 = arith.constant 64 : index
          %get3A_2199 = tpu.vector_load %get3A_2196[%get3A_2197, %get3A_2198] {strides = array<i32>} : memref<80x128xf32, #tpu.memory_space<vmem>>, vector<16xf32>,
          %get3A_2200 = arith.constant 0 : i32
          %get3A_2201 = arith.constant 0 : i32
          %get3A_2202 = tpu.memref_slice %arg9[%scan3A_88, %get3A_2200, %get3A_2201] : memref<2x80x128xf32, #tpu.memory_space<vmem>> -> memref<1x80x128xf32, #tpu.memory_space<vmem>>
          %get3A_2203 = tpu.memref_squeeze %get3A_2202 : memref<1x80x128xf32, #tpu.memory_space<vmem>> -> memref<80x128xf32, #tpu.memory_space<vmem>>
          %get3A_2204 = arith.index_cast %add3A_2108 : i32 to index
          %get3A_2205 = arith.constant 80 : index
          %get3A_2206 = tpu.vector_load %get3A_2203[%get3A_2204, %get3A_2205] {strides = array<i32>} : memref<80x128xf32, #tpu.memory_space<vmem>>, vector<16xf32>,
          %get3A_2207 = arith.constant 0 : i32
          %get3A_2208 = arith.constant 0 : i32
          %get3A_2209 = tpu.memref_slice %arg9[%scan3A_88, %get3A_2207, %get3A_2208] : memref<2x80x128xf32, #tpu.memory_space<vmem>> -> memref<1x80x128xf32, #tpu.memory_space<vmem>>
          %get3A_2210 = tpu.memref_squeeze %get3A_2209 : memref<1x80x128xf32, #tpu.memory_space<vmem>> -> memref<80x128xf32, #tpu.memory_space<vmem>>
          %get3A_2211 = arith.index_cast %add3A_2108 : i32 to index
          %get3A_2212 = arith.constant 96 : index
          %get3A_2213 = tpu.vector_load %get3A_2210[%get3A_2211, %get3A_2212] {strides = array<i32>} : memref<80x128xf32, #tpu.memory_space<vmem>>, vector<16xf32>,
          %get3A_2214 = arith.constant 0 : i32
          %get3A_2215 = arith.constant 0 : i32
          %get3A_2216 = tpu.memref_slice %arg9[%scan3A_88, %get3A_2214, %get3A_2215] : memref<2x80x128xf32, #tpu.memory_space<vmem>> -> memref<1x80x128xf32, #tpu.memory_space<vmem>>
          %get3A_2217 = tpu.memref_squeeze %get3A_2216 : memref<1x80x128xf32, #tpu.memory_space<vmem>> -> memref<80x128xf32, #tpu.memory_space<vmem>>
          %get3A_2218 = arith.index_cast %add3A_2108 : i32 to index
          %get3A_2219 = arith.constant 112 : index
          %get3A_2220 = tpu.vector_load %get3A_2217[%get3A_2218, %get3A_2219] {strides = array<i32>} : memref<80x128xf32, #tpu.memory_space<vmem>>, vector<16xf32>,
          %mul3A_2221 = arith.mulf %get3A_1841, %get3A_1897 : vector<16xf32>
          %mul3A_2222 = arith.mulf %get3A_1848, %get3A_1904 : vector<16xf32>
          %mul3A_2223 = arith.mulf %get3A_1855, %get3A_1911 : vector<16xf32>
          %mul3A_2224 = arith.mulf %get3A_1862, %get3A_1918 : vector<16xf32>
          %mul3A_2225 = arith.mulf %get3A_1869, %get3A_1925 : vector<16xf32>
          %mul3A_2226 = arith.mulf %get3A_1876, %get3A_1932 : vector<16xf32>
          %mul3A_2227 = arith.mulf %get3A_1883, %get3A_1939 : vector<16xf32>
          %mul3A_2228 = arith.mulf %get3A_1890, %get3A_1946 : vector<16xf32>
          %add3A_2229 = arith.addf %mul3A_2221, %mul3A_2222 : vector<16xf32>
          %add3A_2230 = arith.addf %mul3A_2223, %mul3A_2224 : vector<16xf32>
          %add3A_2231 = arith.addf %add3A_2229, %add3A_2230 : vector<16xf32>
          %add3A_2232 = arith.addf %mul3A_2225, %mul3A_2226 : vector<16xf32>
          %add3A_2233 = arith.addf %mul3A_2227, %mul3A_2228 : vector<16xf32>
          %add3A_2234 = arith.addf %add3A_2232, %add3A_2233 : vector<16xf32>
          %add3A_2235 = arith.addf %add3A_2231, %add3A_2234 : vector<16xf32>
          %mul3A_2236 = arith.mulf %mul3A_2221, %select_n3A : vector<16xf32>
          %sub3A_2237 = arith.subf %mul3A_2236, %add3A_2235 : vector<16xf32>
          %broadcast_in_dim3A_2238 = arith.constant true
          %broadcast_in_dim3A_2239 = vector.broadcast %broadcast_in_dim3A_2238 : i1 to vector<16xi1>
          %masked_cumsum3A_2240 = tpu.scan <sum>, %sub3A_2237 masked %broadcast_in_dim3A_2239 : vector<16xf32>, vector<16xi1> -> vector<16xf32>
          %add3A_2241 = arith.constant 13 : i32
          %add3A_2242 = vector.broadcast %add3A_2241 : i32 to vector<16xi32>
          %add3A_2243 = arith.addi %add3A_100, %add3A_2242 : vector<16xi32>
          tpu.vector_store_idx %arg10[%add3A_85, %add3A_2243], %masked_cumsum3A_2240 masked %eq3A_7 : memref<125x80xf32, #tpu.memory_space<vmem>>[vector<16xi32>, vector<16xi32>], vector<16xf32>, vector<16xi1>
          %mul3A_2244 = arith.mulf %get3A_1978, %get3A_2034 : vector<16xf32>
          %mul3A_2245 = arith.mulf %get3A_1985, %get3A_2041 : vector<16xf32>
          %mul3A_2246 = arith.mulf %get3A_1992, %get3A_2048 : vector<16xf32>
          %mul3A_2247 = arith.mulf %get3A_1999, %get3A_2055 : vector<16xf32>
          %mul3A_2248 = arith.mulf %get3A_2006, %get3A_2062 : vector<16xf32>
          %mul3A_2249 = arith.mulf %get3A_2013, %get3A_2069 : vector<16xf32>
          %mul3A_2250 = arith.mulf %get3A_2020, %get3A_2076 : vector<16xf32>
          %mul3A_2251 = arith.mulf %get3A_2027, %get3A_2083 : vector<16xf32>
          %add3A_2252 = arith.addf %mul3A_2244, %mul3A_2245 : vector<16xf32>
          %add3A_2253 = arith.addf %mul3A_2246, %mul3A_2247 : vector<16xf32>
          %add3A_2254 = arith.addf %add3A_2252, %add3A_2253 : vector<16xf32>
          %add3A_2255 = arith.addf %mul3A_2248, %mul3A_2249 : vector<16xf32>
          %add3A_2256 = arith.addf %mul3A_2250, %mul3A_2251 : vector<16xf32>
          %add3A_2257 = arith.addf %add3A_2255, %add3A_2256 : vector<16xf32>
          %add3A_2258 = arith.addf %add3A_2254, %add3A_2257 : vector<16xf32>
          %mul3A_2259 = arith.mulf %mul3A_2244, %select_n3A : vector<16xf32>
          %sub3A_2260 = arith.subf %mul3A_2259, %add3A_2258 : vector<16xf32>
          %broadcast_in_dim3A_2261 = arith.constant true
          %broadcast_in_dim3A_2262 = vector.broadcast %broadcast_in_dim3A_2261 : i1 to vector<16xi1>
          %masked_cumsum3A_2263 = tpu.scan <sum>, %sub3A_2260 masked %broadcast_in_dim3A_2262 : vector<16xf32>, vector<16xi1> -> vector<16xf32>
          %add3A_2264 = arith.constant 14 : i32
          %add3A_2265 = vector.broadcast %add3A_2264 : i32 to vector<16xi32>
          %add3A_2266 = arith.addi %add3A_100, %add3A_2265 : vector<16xi32>
          tpu.vector_store_idx %arg10[%add3A_85, %add3A_2266], %masked_cumsum3A_2263 masked %eq3A_7 : memref<125x80xf32, #tpu.memory_space<vmem>>[vector<16xi32>, vector<16xi32>], vector<16xf32>, vector<16xi1>
          %mul3A_2267 = arith.mulf %get3A_2115, %get3A_2171 : vector<16xf32>
          %mul3A_2268 = arith.mulf %get3A_2122, %get3A_2178 : vector<16xf32>
          %mul3A_2269 = arith.mulf %get3A_2129, %get3A_2185 : vector<16xf32>
          %mul3A_2270 = arith.mulf %get3A_2136, %get3A_2192 : vector<16xf32>
          %mul3A_2271 = arith.mulf %get3A_2143, %get3A_2199 : vector<16xf32>
          %mul3A_2272 = arith.mulf %get3A_2150, %get3A_2206 : vector<16xf32>
          %mul3A_2273 = arith.mulf %get3A_2157, %get3A_2213 : vector<16xf32>
          %mul3A_2274 = arith.mulf %get3A_2164, %get3A_2220 : vector<16xf32>
          %add3A_2275 = arith.addf %mul3A_2267, %mul3A_2268 : vector<16xf32>
          %add3A_2276 = arith.addf %mul3A_2269, %mul3A_2270 : vector<16xf32>
          %add3A_2277 = arith.addf %add3A_2275, %add3A_2276 : vector<16xf32>
          %add3A_2278 = arith.addf %mul3A_2271, %mul3A_2272 : vector<16xf32>
          %add3A_2279 = arith.addf %mul3A_2273, %mul3A_2274 : vector<16xf32>
          %add3A_2280 = arith.addf %add3A_2278, %add3A_2279 : vector<16xf32>
          %add3A_2281 = arith.addf %add3A_2277, %add3A_2280 : vector<16xf32>
          %mul3A_2282 = arith.mulf %mul3A_2267, %select_n3A : vector<16xf32>
          %sub3A_2283 = arith.subf %mul3A_2282, %add3A_2281 : vector<16xf32>
          %broadcast_in_dim3A_2284 = arith.constant true
          %broadcast_in_dim3A_2285 = vector.broadcast %broadcast_in_dim3A_2284 : i1 to vector<16xi1>
          %masked_cumsum3A_2286 = tpu.scan <sum>, %sub3A_2283 masked %broadcast_in_dim3A_2285 : vector<16xf32>, vector<16xi1> -> vector<16xf32>
          %add3A_2287 = arith.constant 15 : i32
          %add3A_2288 = vector.broadcast %add3A_2287 : i32 to vector<16xi32>
          %add3A_2289 = arith.addi %add3A_100, %add3A_2288 : vector<16xi32>
          tpu.vector_store_idx %arg10[%add3A_85, %add3A_2289], %masked_cumsum3A_2286 masked %eq3A_7 : memref<125x80xf32, #tpu.memory_space<vmem>>[vector<16xi32>, vector<16xi32>], vector<16xf32>, vector<16xi1>
        }
        %scan3A_93 = arith.constant 5 : i32
      } else {
      }
      %mul3A_43 = arith.constant 2 : i32
      %mul3A_44 = arith.muli %mul3A_43, %scan3A_36 : i32
      %add3A_45 = arith.constant 1 : i32
      %add3A_46 = arith.addi %mul3A_44, %add3A_45 : i32
      %lt3A_47 = arith.constant 125 : i32
      %lt3A_48 = arith.cmpi slt, %add3A_46, %lt3A_47 : i32
      %convert_element_type3A_49 = arith.extui %lt3A_48 : i1 to i32
      %cond3A_50 = arith.constant 0 : i32
      %cond3A_51 = arith.cmpi ne, %convert_element_type3A_49, %cond3A_50 : i32
      scf.if %cond3A_51 {
        %dma_wait3A = arith.constant 0 : i32
        %dma_wait3A_52 = arith.constant 1 : i32
        %dma_wait3A_53 = arith.constant 0 : i32
        %dma_wait3A_54 = arith.constant 0 : i32
        %dma_wait3A_55 = tpu.memref_slice %arg8[%dma_wait3A_52, %dma_wait3A_53, %dma_wait3A_54] : memref<2x80x128xf32, #tpu.memory_space<vmem>> -> memref<1x80x128xf32, #tpu.memory_space<vmem>>
        %dma_wait3A_56 = tpu.memref_squeeze %dma_wait3A_55 : memref<1x80x128xf32, #tpu.memory_space<vmem>> -> memref<80x128xf32, #tpu.memory_space<vmem>>
        %dma_wait3A_57 = arith.constant 0 : i32
        %dma_wait3A_58 = tpu.memref_slice %arg6[%dma_wait3A, %dma_wait3A_57] : memref<125x80xi32, #tpu.memory_space<vmem>> -> memref<1x80xi32, #tpu.memory_space<vmem>>
        %dma_wait3A_59 = tpu.memref_squeeze %dma_wait3A_58 : memref<1x80xi32, #tpu.memory_space<vmem>> -> memref<80xi32, #tpu.memory_space<vmem>>
        %dma_wait3A_60 = arith.constant 0 : i32
        %dma_wait3A_61 = arith.constant 0 : i32
        %dma_wait3A_62 = tpu.memref_slice %arg2[%dma_wait3A_60, %dma_wait3A_61] : memref<10000x128xf32, #tpu.memory_space<hbm>> -> memref<10000x128xf32, #tpu.memory_space<hbm>>
        tpu.wait_indirect_dma semaphore(%arg13 : memref<!tpu.dma_semaphore, #tpu.memory_space<semaphore_mem>>) src(%dma_wait3A_62 : memref<10000x128xf32, #tpu.memory_space<hbm>>) dst(%dma_wait3A_56 : memref<80x128xf32, #tpu.memory_space<vmem>>)
        %dma_wait3A_63 = arith.constant 0 : i32
        %dma_wait3A_64 = arith.constant 1 : i32
        %dma_wait3A_65 = arith.constant 0 : i32
        %dma_wait3A_66 = arith.constant 0 : i32
        %dma_wait3A_67 = tpu.memref_slice %arg9[%dma_wait3A_64, %dma_wait3A_65, %dma_wait3A_66] : memref<2x80x128xf32, #tpu.memory_space<vmem>> -> memref<1x80x128xf32, #tpu.memory_space<vmem>>
        %dma_wait3A_68 = tpu.memref_squeeze %dma_wait3A_67 : memref<1x80x128xf32, #tpu.memory_space<vmem>> -> memref<80x128xf32, #tpu.memory_space<vmem>>
        %dma_wait3A_69 = arith.constant 0 : i32
        %dma_wait3A_70 = tpu.memref_slice %arg7[%dma_wait3A_63, %dma_wait3A_69] : memref<125x80xi32, #tpu.memory_space<vmem>> -> memref<1x80xi32, #tpu.memory_space<vmem>>
        %dma_wait3A_71 = tpu.memref_squeeze %dma_wait3A_70 : memref<1x80xi32, #tpu.memory_space<vmem>> -> memref<80xi32, #tpu.memory_space<vmem>>
        %dma_wait3A_72 = arith.constant 0 : i32
        %dma_wait3A_73 = arith.constant 0 : i32
        %dma_wait3A_74 = tpu.memref_slice %arg2[%dma_wait3A_72, %dma_wait3A_73] : memref<10000x128xf32, #tpu.memory_space<hbm>> -> memref<10000x128xf32, #tpu.memory_space<hbm>>
        tpu.wait_indirect_dma semaphore(%arg14 : memref<!tpu.dma_semaphore, #tpu.memory_space<semaphore_mem>>) src(%dma_wait3A_74 : memref<10000x128xf32, #tpu.memory_space<hbm>>) dst(%dma_wait3A_68 : memref<80x128xf32, #tpu.memory_space<vmem>>)
        %add3A_75 = arith.constant 1 : i32
        %add3A_76 = arith.addi %add3A_46, %add3A_75 : i32
        %lt3A_77 = arith.constant 125 : i32
        %lt3A_78 = arith.cmpi slt, %add3A_76, %lt3A_77 : i32
        %convert_element_type3A_79 = arith.extui %lt3A_78 : i1 to i32
        %cond3A_80 = arith.constant 0 : i32
        %cond3A_81 = arith.cmpi ne, %convert_element_type3A_79, %cond3A_80 : i32
        scf.if %cond3A_81 {
          %add3A_94 = arith.constant 1 : i32
          %add3A_95 = arith.addi %add3A_46, %add3A_94 : i32
          %dma_start3A_96 = arith.constant 0 : i32
          %dma_start3A_97 = arith.constant 0 : i32
          %dma_start3A_98 = arith.constant 0 : i32
          %dma_start3A_99 = tpu.memref_slice %arg8[%dma_start3A_96, %dma_start3A_97, %dma_start3A_98] : memref<2x80x128xf32, #tpu.memory_space<vmem>> -> memref<1x80x128xf32, #tpu.memory_space<vmem>>
          %dma_start3A_100 = tpu.memref_squeeze %dma_start3A_99 : memref<1x80x128xf32, #tpu.memory_space<vmem>> -> memref<80x128xf32, #tpu.memory_space<vmem>>
          %dma_start3A_101 = arith.constant 0 : i32
          %dma_start3A_102 = tpu.memref_slice %arg6[%add3A_95, %dma_start3A_101] : memref<125x80xi32, #tpu.memory_space<vmem>> -> memref<1x80xi32, #tpu.memory_space<vmem>>
          %dma_start3A_103 = tpu.memref_squeeze %dma_start3A_102 : memref<1x80xi32, #tpu.memory_space<vmem>> -> memref<80xi32, #tpu.memory_space<vmem>>
          %dma_start3A_104 = arith.constant 0 : i32
          %dma_start3A_105 = arith.constant 0 : i32
          %dma_start3A_106 = tpu.memref_slice %arg2[%dma_start3A_104, %dma_start3A_105] : memref<10000x128xf32, #tpu.memory_space<hbm>> -> memref<10000x128xf32, #tpu.memory_space<hbm>>
          tpu.enqueue_indirect_dma source(%dma_start3A_106 : memref<10000x128xf32, #tpu.memory_space<hbm>>) target(%dma_start3A_100 : memref<80x128xf32, #tpu.memory_space<vmem>>) offsets(%dma_start3A_103 : memref<80xi32, #tpu.memory_space<vmem>>) semaphore(%arg11 : memref<!tpu.dma_semaphore, #tpu.memory_space<semaphore_mem>>)
          %dma_start3A_107 = arith.constant 0 : i32
          %dma_start3A_108 = arith.constant 0 : i32
          %dma_start3A_109 = arith.constant 0 : i32
          %dma_start3A_110 = tpu.memref_slice %arg9[%dma_start3A_107, %dma_start3A_108, %dma_start3A_109] : memref<2x80x128xf32, #tpu.memory_space<vmem>> -> memref<1x80x128xf32, #tpu.memory_space<vmem>>
          %dma_start3A_111 = tpu.memref_squeeze %dma_start3A_110 : memref<1x80x128xf32, #tpu.memory_space<vmem>> -> memref<80x128xf32, #tpu.memory_space<vmem>>
          %dma_start3A_112 = arith.constant 0 : i32
          %dma_start3A_113 = tpu.memref_slice %arg7[%add3A_95, %dma_start3A_112] : memref<125x80xi32, #tpu.memory_space<vmem>> -> memref<1x80xi32, #tpu.memory_space<vmem>>
          %dma_start3A_114 = tpu.memref_squeeze %dma_start3A_113 : memref<1x80xi32, #tpu.memory_space<vmem>> -> memref<80xi32, #tpu.memory_space<vmem>>
          %dma_start3A_115 = arith.constant 0 : i32
          %dma_start3A_116 = arith.constant 0 : i32
          %dma_start3A_117 = tpu.memref_slice %arg2[%dma_start3A_115, %dma_start3A_116] : memref<10000x128xf32, #tpu.memory_space<hbm>> -> memref<10000x128xf32, #tpu.memory_space<hbm>>
          tpu.enqueue_indirect_dma source(%dma_start3A_117 : memref<10000x128xf32, #tpu.memory_space<hbm>>) target(%dma_start3A_111 : memref<80x128xf32, #tpu.memory_space<vmem>>) offsets(%dma_start3A_114 : memref<80xi32, #tpu.memory_space<vmem>>) semaphore(%arg12 : memref<!tpu.dma_semaphore, #tpu.memory_space<semaphore_mem>>)
        } else {
        }
        %broadcast_in_dim3A_82 = arith.constant 0 : i32
        %broadcast_in_dim3A_83 = vector.broadcast %broadcast_in_dim3A_82 : i32 to vector<16xi32>
        %add3A_84 = vector.broadcast %add3A_46 : i32 to vector<16xi32>
        %add3A_85 = arith.addi %broadcast_in_dim3A_83, %add3A_84 : vector<16xi32>
        %scan3A_86 = arith.constant 0 : i32
        %scan3A_87 = arith.constant 1 : i32
        %scan3A_88 = arith.constant 1 : i32
        %scan3A_89 = arith.constant 0 : i32
        %scan3A_90 = arith.constant 5 : i32
        %scan3A_91 = arith.addi %scan3A_89, %scan3A_90 : i32
        %scan3A_92 = arith.constant 1 : i32
        scf.for %scan3A_94 = %scan3A_89 to %scan3A_91 step %scan3A_92  : i32 {
          %mul3A_95 = arith.constant 16 : i32
          %mul3A_96 = arith.muli %scan3A_94, %mul3A_95 : i32
          %broadcast_in_dim3A_97 = arith.constant 0 : i32
          %broadcast_in_dim3A_98 = vector.broadcast %broadcast_in_dim3A_97 : i32 to vector<16xi32>
          %add3A_99 = vector.broadcast %mul3A_96 : i32 to vector<16xi32>
          %add3A_100 = arith.addi %broadcast_in_dim3A_98, %add3A_99 : vector<16xi32>
          %add3A_101 = arith.constant 0 : i32
          %add3A_102 = arith.addi %mul3A_96, %add3A_101 : i32
          %get3A = arith.constant 0 : i32
          %get3A_103 = arith.constant 0 : i32
          %get3A_104 = tpu.memref_slice %arg8[%scan3A_87, %get3A, %get3A_103] : memref<2x80x128xf32, #tpu.memory_space<vmem>> -> memref<1x80x128xf32, #tpu.memory_space<vmem>>
          %get3A_105 = tpu.memref_squeeze %get3A_104 : memref<1x80x128xf32, #tpu.memory_space<vmem>> -> memref<80x128xf32, #tpu.memory_space<vmem>>
          %get3A_106 = arith.index_cast %add3A_102 : i32 to index
          %get3A_107 = arith.constant 0 : index
          %get3A_108 = tpu.vector_load %get3A_105[%get3A_106, %get3A_107] {strides = array<i32>} : memref<80x128xf32, #tpu.memory_space<vmem>>, vector<16xf32>,
          %get3A_109 = arith.constant 0 : i32
          %get3A_110 = arith.constant 0 : i32
          %get3A_111 = tpu.memref_slice %arg8[%scan3A_87, %get3A_109, %get3A_110] : memref<2x80x128xf32, #tpu.memory_space<vmem>> -> memref<1x80x128xf32, #tpu.memory_space<vmem>>
          %get3A_112 = tpu.memref_squeeze %get3A_111 : memref<1x80x128xf32, #tpu.memory_space<vmem>> -> memref<80x128xf32, #tpu.memory_space<vmem>>
          %get3A_113 = arith.index_cast %add3A_102 : i32 to index
          %get3A_114 = arith.constant 16 : index
          %get3A_115 = tpu.vector_load %get3A_112[%get3A_113, %get3A_114] {strides = array<i32>} : memref<80x128xf32, #tpu.memory_space<vmem>>, vector<16xf32>,
          %get3A_116 = arith.constant 0 : i32
          %get3A_117 = arith.constant 0 : i32
          %get3A_118 = tpu.memref_slice %arg8[%scan3A_87, %get3A_116, %get3A_117] : memref<2x80x128xf32, #tpu.memory_space<vmem>> -> memref<1x80x128xf32, #tpu.memory_space<vmem>>
          %get3A_119 = tpu.memref_squeeze %get3A_118 : memref<1x80x128xf32, #tpu.memory_space<vmem>> -> memref<80x128xf32, #tpu.memory_space<vmem>>
          %get3A_120 = arith.index_cast %add3A_102 : i32 to index
          %get3A_121 = arith.constant 32 : index
          %get3A_122 = tpu.vector_load %get3A_119[%get3A_120, %get3A_121] {strides = array<i32>} : memref<80x128xf32, #tpu.memory_space<vmem>>, vector<16xf32>,
          %get3A_123 = arith.constant 0 : i32
          %get3A_124 = arith.constant 0 : i32
          %get3A_125 = tpu.memref_slice %arg8[%scan3A_87, %get3A_123, %get3A_124] : memref<2x80x128xf32, #tpu.memory_space<vmem>> -> memref<1x80x128xf32, #tpu.memory_space<vmem>>
          %get3A_126 = tpu.memref_squeeze %get3A_125 : memref<1x80x128xf32, #tpu.memory_space<vmem>> -> memref<80x128xf32, #tpu.memory_space<vmem>>
          %get3A_127 = arith.index_cast %add3A_102 : i32 to index
          %get3A_128 = arith.constant 48 : index
          %get3A_129 = tpu.vector_load %get3A_126[%get3A_127, %get3A_128] {strides = array<i32>} : memref<80x128xf32, #tpu.memory_space<vmem>>, vector<16xf32>,
          %get3A_130 = arith.constant 0 : i32
          %get3A_131 = arith.constant 0 : i32
          %get3A_132 = tpu.memref_slice %arg8[%scan3A_87, %get3A_130, %get3A_131] : memref<2x80x128xf32, #tpu.memory_space<vmem>> -> memref<1x80x128xf32, #tpu.memory_space<vmem>>
          %get3A_133 = tpu.memref_squeeze %get3A_132 : memref<1x80x128xf32, #tpu.memory_space<vmem>> -> memref<80x128xf32, #tpu.memory_space<vmem>>
          %get3A_134 = arith.index_cast %add3A_102 : i32 to index
          %get3A_135 = arith.constant 64 : index
          %get3A_136 = tpu.vector_load %get3A_133[%get3A_134, %get3A_135] {strides = array<i32>} : memref<80x128xf32, #tpu.memory_space<vmem>>, vector<16xf32>,
          %get3A_137 = arith.constant 0 : i32
          %get3A_138 = arith.constant 0 : i32
          %get3A_139 = tpu.memref_slice %arg8[%scan3A_87, %get3A_137, %get3A_138] : memref<2x80x128xf32, #tpu.memory_space<vmem>> -> memref<1x80x128xf32, #tpu.memory_space<vmem>>
          %get3A_140 = tpu.memref_squeeze %get3A_139 : memref<1x80x128xf32, #tpu.memory_space<vmem>> -> memref<80x128xf32, #tpu.memory_space<vmem>>
          %get3A_141 = arith.index_cast %add3A_102 : i32 to index
          %get3A_142 = arith.constant 80 : index
          %get3A_143 = tpu.vector_load %get3A_140[%get3A_141, %get3A_142] {strides = array<i32>} : memref<80x128xf32, #tpu.memory_space<vmem>>, vector<16xf32>,
          %get3A_144 = arith.constant 0 : i32
          %get3A_145 = arith.constant 0 : i32
          %get3A_146 = tpu.memref_slice %arg8[%scan3A_87, %get3A_144, %get3A_145] : memref<2x80x128xf32, #tpu.memory_space<vmem>> -> memref<1x80x128xf32, #tpu.memory_space<vmem>>
          %get3A_147 = tpu.memref_squeeze %get3A_146 : memref<1x80x128xf32, #tpu.memory_space<vmem>> -> memref<80x128xf32, #tpu.memory_space<vmem>>
          %get3A_148 = arith.index_cast %add3A_102 : i32 to index
          %get3A_149 = arith.constant 96 : index
          %get3A_150 = tpu.vector_load %get3A_147[%get3A_148, %get3A_149] {strides = array<i32>} : memref<80x128xf32, #tpu.memory_space<vmem>>, vector<16xf32>,
          %get3A_151 = arith.constant 0 : i32
          %get3A_152 = arith.constant 0 : i32
          %get3A_153 = tpu.memref_slice %arg8[%scan3A_87, %get3A_151, %get3A_152] : memref<2x80x128xf32, #tpu.memory_space<vmem>> -> memref<1x80x128xf32, #tpu.memory_space<vmem>>
          %get3A_154 = tpu.memref_squeeze %get3A_153 : memref<1x80x128xf32, #tpu.memory_space<vmem>> -> memref<80x128xf32, #tpu.memory_space<vmem>>
          %get3A_155 = arith.index_cast %add3A_102 : i32 to index
          %get3A_156 = arith.constant 112 : index
          %get3A_157 = tpu.vector_load %get3A_154[%get3A_155, %get3A_156] {strides = array<i32>} : memref<80x128xf32, #tpu.memory_space<vmem>>, vector<16xf32>,
          %get3A_158 = arith.constant 0 : i32
          %get3A_159 = arith.constant 0 : i32
          %get3A_160 = tpu.memref_slice %arg9[%scan3A_88, %get3A_158, %get3A_159] : memref<2x80x128xf32, #tpu.memory_space<vmem>> -> memref<1x80x128xf32, #tpu.memory_space<vmem>>
          %get3A_161 = tpu.memref_squeeze %get3A_160 : memref<1x80x128xf32, #tpu.memory_space<vmem>> -> memref<80x128xf32, #tpu.memory_space<vmem>>
          %get3A_162 = arith.index_cast %add3A_102 : i32 to index
          %get3A_163 = arith.constant 0 : index
          %get3A_164 = tpu.vector_load %get3A_161[%get3A_162, %get3A_163] {strides = array<i32>} : memref<80x128xf32, #tpu.memory_space<vmem>>, vector<16xf32>,
          %get3A_165 = arith.constant 0 : i32
          %get3A_166 = arith.constant 0 : i32
          %get3A_167 = tpu.memref_slice %arg9[%scan3A_88, %get3A_165, %get3A_166] : memref<2x80x128xf32, #tpu.memory_space<vmem>> -> memref<1x80x128xf32, #tpu.memory_space<vmem>>
          %get3A_168 = tpu.memref_squeeze %get3A_167 : memref<1x80x128xf32, #tpu.memory_space<vmem>> -> memref<80x128xf32, #tpu.memory_space<vmem>>
          %get3A_169 = arith.index_cast %add3A_102 : i32 to index
          %get3A_170 = arith.constant 16 : index
          %get3A_171 = tpu.vector_load %get3A_168[%get3A_169, %get3A_170] {strides = array<i32>} : memref<80x128xf32, #tpu.memory_space<vmem>>, vector<16xf32>,
          %get3A_172 = arith.constant 0 : i32
          %get3A_173 = arith.constant 0 : i32
          %get3A_174 = tpu.memref_slice %arg9[%scan3A_88, %get3A_172, %get3A_173] : memref<2x80x128xf32, #tpu.memory_space<vmem>> -> memref<1x80x128xf32, #tpu.memory_space<vmem>>
          %get3A_175 = tpu.memref_squeeze %get3A_174 : memref<1x80x128xf32, #tpu.memory_space<vmem>> -> memref<80x128xf32, #tpu.memory_space<vmem>>
          %get3A_176 = arith.index_cast %add3A_102 : i32 to index
          %get3A_177 = arith.constant 32 : index
          %get3A_178 = tpu.vector_load %get3A_175[%get3A_176, %get3A_177] {strides = array<i32>} : memref<80x128xf32, #tpu.memory_space<vmem>>, vector<16xf32>,
          %get3A_179 = arith.constant 0 : i32
          %get3A_180 = arith.constant 0 : i32
          %get3A_181 = tpu.memref_slice %arg9[%scan3A_88, %get3A_179, %get3A_180] : memref<2x80x128xf32, #tpu.memory_space<vmem>> -> memref<1x80x128xf32, #tpu.memory_space<vmem>>
          %get3A_182 = tpu.memref_squeeze %get3A_181 : memref<1x80x128xf32, #tpu.memory_space<vmem>> -> memref<80x128xf32, #tpu.memory_space<vmem>>
          %get3A_183 = arith.index_cast %add3A_102 : i32 to index
          %get3A_184 = arith.constant 48 : index
          %get3A_185 = tpu.vector_load %get3A_182[%get3A_183, %get3A_184] {strides = array<i32>} : memref<80x128xf32, #tpu.memory_space<vmem>>, vector<16xf32>,
          %get3A_186 = arith.constant 0 : i32
          %get3A_187 = arith.constant 0 : i32
          %get3A_188 = tpu.memref_slice %arg9[%scan3A_88, %get3A_186, %get3A_187] : memref<2x80x128xf32, #tpu.memory_space<vmem>> -> memref<1x80x128xf32, #tpu.memory_space<vmem>>
          %get3A_189 = tpu.memref_squeeze %get3A_188 : memref<1x80x128xf32, #tpu.memory_space<vmem>> -> memref<80x128xf32, #tpu.memory_space<vmem>>
          %get3A_190 = arith.index_cast %add3A_102 : i32 to index
          %get3A_191 = arith.constant 64 : index
          %get3A_192 = tpu.vector_load %get3A_189[%get3A_190, %get3A_191] {strides = array<i32>} : memref<80x128xf32, #tpu.memory_space<vmem>>, vector<16xf32>,
          %get3A_193 = arith.constant 0 : i32
          %get3A_194 = arith.constant 0 : i32
          %get3A_195 = tpu.memref_slice %arg9[%scan3A_88, %get3A_193, %get3A_194] : memref<2x80x128xf32, #tpu.memory_space<vmem>> -> memref<1x80x128xf32, #tpu.memory_space<vmem>>
          %get3A_196 = tpu.memref_squeeze %get3A_195 : memref<1x80x128xf32, #tpu.memory_space<vmem>> -> memref<80x128xf32, #tpu.memory_space<vmem>>
          %get3A_197 = arith.index_cast %add3A_102 : i32 to index
          %get3A_198 = arith.constant 80 : index
          %get3A_199 = tpu.vector_load %get3A_196[%get3A_197, %get3A_198] {strides = array<i32>} : memref<80x128xf32, #tpu.memory_space<vmem>>, vector<16xf32>,
          %get3A_200 = arith.constant 0 : i32
          %get3A_201 = arith.constant 0 : i32
          %get3A_202 = tpu.memref_slice %arg9[%scan3A_88, %get3A_200, %get3A_201] : memref<2x80x128xf32, #tpu.memory_space<vmem>> -> memref<1x80x128xf32, #tpu.memory_space<vmem>>
          %get3A_203 = tpu.memref_squeeze %get3A_202 : memref<1x80x128xf32, #tpu.memory_space<vmem>> -> memref<80x128xf32, #tpu.memory_space<vmem>>
          %get3A_204 = arith.index_cast %add3A_102 : i32 to index
          %get3A_205 = arith.constant 96 : index
          %get3A_206 = tpu.vector_load %get3A_203[%get3A_204, %get3A_205] {strides = array<i32>} : memref<80x128xf32, #tpu.memory_space<vmem>>, vector<16xf32>,
          %get3A_207 = arith.constant 0 : i32
          %get3A_208 = arith.constant 0 : i32
          %get3A_209 = tpu.memref_slice %arg9[%scan3A_88, %get3A_207, %get3A_208] : memref<2x80x128xf32, #tpu.memory_space<vmem>> -> memref<1x80x128xf32, #tpu.memory_space<vmem>>
          %get3A_210 = tpu.memref_squeeze %get3A_209 : memref<1x80x128xf32, #tpu.memory_space<vmem>> -> memref<80x128xf32, #tpu.memory_space<vmem>>
          %get3A_211 = arith.index_cast %add3A_102 : i32 to index
          %get3A_212 = arith.constant 112 : index
          %get3A_213 = tpu.vector_load %get3A_210[%get3A_211, %get3A_212] {strides = array<i32>} : memref<80x128xf32, #tpu.memory_space<vmem>>, vector<16xf32>,
          %add3A_214 = arith.constant 1 : i32
          %add3A_215 = arith.addi %mul3A_96, %add3A_214 : i32
          %get3A_216 = arith.constant 0 : i32
          %get3A_217 = arith.constant 0 : i32
          %get3A_218 = tpu.memref_slice %arg8[%scan3A_87, %get3A_216, %get3A_217] : memref<2x80x128xf32, #tpu.memory_space<vmem>> -> memref<1x80x128xf32, #tpu.memory_space<vmem>>
          %get3A_219 = tpu.memref_squeeze %get3A_218 : memref<1x80x128xf32, #tpu.memory_space<vmem>> -> memref<80x128xf32, #tpu.memory_space<vmem>>
          %get3A_220 = arith.index_cast %add3A_215 : i32 to index
          %get3A_221 = arith.constant 0 : index
          %get3A_222 = tpu.vector_load %get3A_219[%get3A_220, %get3A_221] {strides = array<i32>} : memref<80x128xf32, #tpu.memory_space<vmem>>, vector<16xf32>,
          %get3A_223 = arith.constant 0 : i32
          %get3A_224 = arith.constant 0 : i32
          %get3A_225 = tpu.memref_slice %arg8[%scan3A_87, %get3A_223, %get3A_224] : memref<2x80x128xf32, #tpu.memory_space<vmem>> -> memref<1x80x128xf32, #tpu.memory_space<vmem>>
          %get3A_226 = tpu.memref_squeeze %get3A_225 : memref<1x80x128xf32, #tpu.memory_space<vmem>> -> memref<80x128xf32, #tpu.memory_space<vmem>>
          %get3A_227 = arith.index_cast %add3A_215 : i32 to index
          %get3A_228 = arith.constant 16 : index
          %get3A_229 = tpu.vector_load %get3A_226[%get3A_227, %get3A_228] {strides = array<i32>} : memref<80x128xf32, #tpu.memory_space<vmem>>, vector<16xf32>,
          %get3A_230 = arith.constant 0 : i32
          %get3A_231 = arith.constant 0 : i32
          %get3A_232 = tpu.memref_slice %arg8[%scan3A_87, %get3A_230, %get3A_231] : memref<2x80x128xf32, #tpu.memory_space<vmem>> -> memref<1x80x128xf32, #tpu.memory_space<vmem>>
          %get3A_233 = tpu.memref_squeeze %get3A_232 : memref<1x80x128xf32, #tpu.memory_space<vmem>> -> memref<80x128xf32, #tpu.memory_space<vmem>>
          %get3A_234 = arith.index_cast %add3A_215 : i32 to index
          %get3A_235 = arith.constant 32 : index
          %get3A_236 = tpu.vector_load %get3A_233[%get3A_234, %get3A_235] {strides = array<i32>} : memref<80x128xf32, #tpu.memory_space<vmem>>, vector<16xf32>,
          %get3A_237 = arith.constant 0 : i32
          %get3A_238 = arith.constant 0 : i32
          %get3A_239 = tpu.memref_slice %arg8[%scan3A_87, %get3A_237, %get3A_238] : memref<2x80x128xf32, #tpu.memory_space<vmem>> -> memref<1x80x128xf32, #tpu.memory_space<vmem>>
          %get3A_240 = tpu.memref_squeeze %get3A_239 : memref<1x80x128xf32, #tpu.memory_space<vmem>> -> memref<80x128xf32, #tpu.memory_space<vmem>>
          %get3A_241 = arith.index_cast %add3A_215 : i32 to index
          %get3A_242 = arith.constant 48 : index
          %get3A_243 = tpu.vector_load %get3A_240[%get3A_241, %get3A_242] {strides = array<i32>} : memref<80x128xf32, #tpu.memory_space<vmem>>, vector<16xf32>,
          %get3A_244 = arith.constant 0 : i32
          %get3A_245 = arith.constant 0 : i32
          %get3A_246 = tpu.memref_slice %arg8[%scan3A_87, %get3A_244, %get3A_245] : memref<2x80x128xf32, #tpu.memory_space<vmem>> -> memref<1x80x128xf32, #tpu.memory_space<vmem>>
          %get3A_247 = tpu.memref_squeeze %get3A_246 : memref<1x80x128xf32, #tpu.memory_space<vmem>> -> memref<80x128xf32, #tpu.memory_space<vmem>>
          %get3A_248 = arith.index_cast %add3A_215 : i32 to index
          %get3A_249 = arith.constant 64 : index
          %get3A_250 = tpu.vector_load %get3A_247[%get3A_248, %get3A_249] {strides = array<i32>} : memref<80x128xf32, #tpu.memory_space<vmem>>, vector<16xf32>,
          %get3A_251 = arith.constant 0 : i32
          %get3A_252 = arith.constant 0 : i32
          %get3A_253 = tpu.memref_slice %arg8[%scan3A_87, %get3A_251, %get3A_252] : memref<2x80x128xf32, #tpu.memory_space<vmem>> -> memref<1x80x128xf32, #tpu.memory_space<vmem>>
          %get3A_254 = tpu.memref_squeeze %get3A_253 : memref<1x80x128xf32, #tpu.memory_space<vmem>> -> memref<80x128xf32, #tpu.memory_space<vmem>>
          %get3A_255 = arith.index_cast %add3A_215 : i32 to index
          %get3A_256 = arith.constant 80 : index
          %get3A_257 = tpu.vector_load %get3A_254[%get3A_255, %get3A_256] {strides = array<i32>} : memref<80x128xf32, #tpu.memory_space<vmem>>, vector<16xf32>,
          %get3A_258 = arith.constant 0 : i32
          %get3A_259 = arith.constant 0 : i32
          %get3A_260 = tpu.memref_slice %arg8[%scan3A_87, %get3A_258, %get3A_259] : memref<2x80x128xf32, #tpu.memory_space<vmem>> -> memref<1x80x128xf32, #tpu.memory_space<vmem>>
          %get3A_261 = tpu.memref_squeeze %get3A_260 : memref<1x80x128xf32, #tpu.memory_space<vmem>> -> memref<80x128xf32, #tpu.memory_space<vmem>>
          %get3A_262 = arith.index_cast %add3A_215 : i32 to index
          %get3A_263 = arith.constant 96 : index
          %get3A_264 = tpu.vector_load %get3A_261[%get3A_262, %get3A_263] {strides = array<i32>} : memref<80x128xf32, #tpu.memory_space<vmem>>, vector<16xf32>,
          %get3A_265 = arith.constant 0 : i32
          %get3A_266 = arith.constant 0 : i32
          %get3A_267 = tpu.memref_slice %arg8[%scan3A_87, %get3A_265, %get3A_266] : memref<2x80x128xf32, #tpu.memory_space<vmem>> -> memref<1x80x128xf32, #tpu.memory_space<vmem>>
          %get3A_268 = tpu.memref_squeeze %get3A_267 : memref<1x80x128xf32, #tpu.memory_space<vmem>> -> memref<80x128xf32, #tpu.memory_space<vmem>>
          %get3A_269 = arith.index_cast %add3A_215 : i32 to index
          %get3A_270 = arith.constant 112 : index
          %get3A_271 = tpu.vector_load %get3A_268[%get3A_269, %get3A_270] {strides = array<i32>} : memref<80x128xf32, #tpu.memory_space<vmem>>, vector<16xf32>,
          %get3A_272 = arith.constant 0 : i32
          %get3A_273 = arith.constant 0 : i32
          %get3A_274 = tpu.memref_slice %arg9[%scan3A_88, %get3A_272, %get3A_273] : memref<2x80x128xf32, #tpu.memory_space<vmem>> -> memref<1x80x128xf32, #tpu.memory_space<vmem>>
          %get3A_275 = tpu.memref_squeeze %get3A_274 : memref<1x80x128xf32, #tpu.memory_space<vmem>> -> memref<80x128xf32, #tpu.memory_space<vmem>>
          %get3A_276 = arith.index_cast %add3A_215 : i32 to index
          %get3A_277 = arith.constant 0 : index
          %get3A_278 = tpu.vector_load %get3A_275[%get3A_276, %get3A_277] {strides = array<i32>} : memref<80x128xf32, #tpu.memory_space<vmem>>, vector<16xf32>,
          %get3A_279 = arith.constant 0 : i32
          %get3A_280 = arith.constant 0 : i32
          %get3A_281 = tpu.memref_slice %arg9[%scan3A_88, %get3A_279, %get3A_280] : memref<2x80x128xf32, #tpu.memory_space<vmem>> -> memref<1x80x128xf32, #tpu.memory_space<vmem>>
          %get3A_282 = tpu.memref_squeeze %get3A_281 : memref<1x80x128xf32, #tpu.memory_space<vmem>> -> memref<80x128xf32, #tpu.memory_space<vmem>>
          %get3A_283 = arith.index_cast %add3A_215 : i32 to index
          %get3A_284 = arith.constant 16 : index
          %get3A_285 = tpu.vector_load %get3A_282[%get3A_283, %get3A_284] {strides = array<i32>} : memref<80x128xf32, #tpu.memory_space<vmem>>, vector<16xf32>,
          %get3A_286 = arith.constant 0 : i32
          %get3A_287 = arith.constant 0 : i32
          %get3A_288 = tpu.memref_slice %arg9[%scan3A_88, %get3A_286, %get3A_287] : memref<2x80x128xf32, #tpu.memory_space<vmem>> -> memref<1x80x128xf32, #tpu.memory_space<vmem>>
          %get3A_289 = tpu.memref_squeeze %get3A_288 : memref<1x80x128xf32, #tpu.memory_space<vmem>> -> memref<80x128xf32, #tpu.memory_space<vmem>>
          %get3A_290 = arith.index_cast %add3A_215 : i32 to index
          %get3A_291 = arith.constant 32 : index
          %get3A_292 = tpu.vector_load %get3A_289[%get3A_290, %get3A_291] {strides = array<i32>} : memref<80x128xf32, #tpu.memory_space<vmem>>, vector<16xf32>,
          %get3A_293 = arith.constant 0 : i32
          %get3A_294 = arith.constant 0 : i32
          %get3A_295 = tpu.memref_slice %arg9[%scan3A_88, %get3A_293, %get3A_294] : memref<2x80x128xf32, #tpu.memory_space<vmem>> -> memref<1x80x128xf32, #tpu.memory_space<vmem>>
          %get3A_296 = tpu.memref_squeeze %get3A_295 : memref<1x80x128xf32, #tpu.memory_space<vmem>> -> memref<80x128xf32, #tpu.memory_space<vmem>>
          %get3A_297 = arith.index_cast %add3A_215 : i32 to index
          %get3A_298 = arith.constant 48 : index
          %get3A_299 = tpu.vector_load %get3A_296[%get3A_297, %get3A_298] {strides = array<i32>} : memref<80x128xf32, #tpu.memory_space<vmem>>, vector<16xf32>,
          %get3A_300 = arith.constant 0 : i32
          %get3A_301 = arith.constant 0 : i32
          %get3A_302 = tpu.memref_slice %arg9[%scan3A_88, %get3A_300, %get3A_301] : memref<2x80x128xf32, #tpu.memory_space<vmem>> -> memref<1x80x128xf32, #tpu.memory_space<vmem>>
          %get3A_303 = tpu.memref_squeeze %get3A_302 : memref<1x80x128xf32, #tpu.memory_space<vmem>> -> memref<80x128xf32, #tpu.memory_space<vmem>>
          %get3A_304 = arith.index_cast %add3A_215 : i32 to index
          %get3A_305 = arith.constant 64 : index
          %get3A_306 = tpu.vector_load %get3A_303[%get3A_304, %get3A_305] {strides = array<i32>} : memref<80x128xf32, #tpu.memory_space<vmem>>, vector<16xf32>,
          %get3A_307 = arith.constant 0 : i32
          %get3A_308 = arith.constant 0 : i32
          %get3A_309 = tpu.memref_slice %arg9[%scan3A_88, %get3A_307, %get3A_308] : memref<2x80x128xf32, #tpu.memory_space<vmem>> -> memref<1x80x128xf32, #tpu.memory_space<vmem>>
          %get3A_310 = tpu.memref_squeeze %get3A_309 : memref<1x80x128xf32, #tpu.memory_space<vmem>> -> memref<80x128xf32, #tpu.memory_space<vmem>>
          %get3A_311 = arith.index_cast %add3A_215 : i32 to index
          %get3A_312 = arith.constant 80 : index
          %get3A_313 = tpu.vector_load %get3A_310[%get3A_311, %get3A_312] {strides = array<i32>} : memref<80x128xf32, #tpu.memory_space<vmem>>, vector<16xf32>,
          %get3A_314 = arith.constant 0 : i32
          %get3A_315 = arith.constant 0 : i32
          %get3A_316 = tpu.memref_slice %arg9[%scan3A_88, %get3A_314, %get3A_315] : memref<2x80x128xf32, #tpu.memory_space<vmem>> -> memref<1x80x128xf32, #tpu.memory_space<vmem>>
          %get3A_317 = tpu.memref_squeeze %get3A_316 : memref<1x80x128xf32, #tpu.memory_space<vmem>> -> memref<80x128xf32, #tpu.memory_space<vmem>>
          %get3A_318 = arith.index_cast %add3A_215 : i32 to index
          %get3A_319 = arith.constant 96 : index
          %get3A_320 = tpu.vector_load %get3A_317[%get3A_318, %get3A_319] {strides = array<i32>} : memref<80x128xf32, #tpu.memory_space<vmem>>, vector<16xf32>,
          %get3A_321 = arith.constant 0 : i32
          %get3A_322 = arith.constant 0 : i32
          %get3A_323 = tpu.memref_slice %arg9[%scan3A_88, %get3A_321, %get3A_322] : memref<2x80x128xf32, #tpu.memory_space<vmem>> -> memref<1x80x128xf32, #tpu.memory_space<vmem>>
          %get3A_324 = tpu.memref_squeeze %get3A_323 : memref<1x80x128xf32, #tpu.memory_space<vmem>> -> memref<80x128xf32, #tpu.memory_space<vmem>>
          %get3A_325 = arith.index_cast %add3A_215 : i32 to index
          %get3A_326 = arith.constant 112 : index
          %get3A_327 = tpu.vector_load %get3A_324[%get3A_325, %get3A_326] {strides = array<i32>} : memref<80x128xf32, #tpu.memory_space<vmem>>, vector<16xf32>,
          %add3A_328 = arith.constant 2 : i32
          %add3A_329 = arith.addi %mul3A_96, %add3A_328 : i32
          %get3A_330 = arith.constant 0 : i32
          %get3A_331 = arith.constant 0 : i32
          %get3A_332 = tpu.memref_slice %arg8[%scan3A_87, %get3A_330, %get3A_331] : memref<2x80x128xf32, #tpu.memory_space<vmem>> -> memref<1x80x128xf32, #tpu.memory_space<vmem>>
          %get3A_333 = tpu.memref_squeeze %get3A_332 : memref<1x80x128xf32, #tpu.memory_space<vmem>> -> memref<80x128xf32, #tpu.memory_space<vmem>>
          %get3A_334 = arith.index_cast %add3A_329 : i32 to index
          %get3A_335 = arith.constant 0 : index
          %get3A_336 = tpu.vector_load %get3A_333[%get3A_334, %get3A_335] {strides = array<i32>} : memref<80x128xf32, #tpu.memory_space<vmem>>, vector<16xf32>,
          %get3A_337 = arith.constant 0 : i32
          %get3A_338 = arith.constant 0 : i32
          %get3A_339 = tpu.memref_slice %arg8[%scan3A_87, %get3A_337, %get3A_338] : memref<2x80x128xf32, #tpu.memory_space<vmem>> -> memref<1x80x128xf32, #tpu.memory_space<vmem>>
          %get3A_340 = tpu.memref_squeeze %get3A_339 : memref<1x80x128xf32, #tpu.memory_space<vmem>> -> memref<80x128xf32, #tpu.memory_space<vmem>>
          %get3A_341 = arith.index_cast %add3A_329 : i32 to index
          %get3A_342 = arith.constant 16 : index
          %get3A_343 = tpu.vector_load %get3A_340[%get3A_341, %get3A_342] {strides = array<i32>} : memref<80x128xf32, #tpu.memory_space<vmem>>, vector<16xf32>,
          %get3A_344 = arith.constant 0 : i32
          %get3A_345 = arith.constant 0 : i32
          %get3A_346 = tpu.memref_slice %arg8[%scan3A_87, %get3A_344, %get3A_345] : memref<2x80x128xf32, #tpu.memory_space<vmem>> -> memref<1x80x128xf32, #tpu.memory_space<vmem>>
          %get3A_347 = tpu.memref_squeeze %get3A_346 : memref<1x80x128xf32, #tpu.memory_space<vmem>> -> memref<80x128xf32, #tpu.memory_space<vmem>>
          %get3A_348 = arith.index_cast %add3A_329 : i32 to index
          %get3A_349 = arith.constant 32 : index
          %get3A_350 = tpu.vector_load %get3A_347[%get3A_348, %get3A_349] {strides = array<i32>} : memref<80x128xf32, #tpu.memory_space<vmem>>, vector<16xf32>,
          %get3A_351 = arith.constant 0 : i32
          %get3A_352 = arith.constant 0 : i32
          %get3A_353 = tpu.memref_slice %arg8[%scan3A_87, %get3A_351, %get3A_352] : memref<2x80x128xf32, #tpu.memory_space<vmem>> -> memref<1x80x128xf32, #tpu.memory_space<vmem>>
          %get3A_354 = tpu.memref_squeeze %get3A_353 : memref<1x80x128xf32, #tpu.memory_space<vmem>> -> memref<80x128xf32, #tpu.memory_space<vmem>>
          %get3A_355 = arith.index_cast %add3A_329 : i32 to index
          %get3A_356 = arith.constant 48 : index
          %get3A_357 = tpu.vector_load %get3A_354[%get3A_355, %get3A_356] {strides = array<i32>} : memref<80x128xf32, #tpu.memory_space<vmem>>, vector<16xf32>,
          %get3A_358 = arith.constant 0 : i32
          %get3A_359 = arith.constant 0 : i32
          %get3A_360 = tpu.memref_slice %arg8[%scan3A_87, %get3A_358, %get3A_359] : memref<2x80x128xf32, #tpu.memory_space<vmem>> -> memref<1x80x128xf32, #tpu.memory_space<vmem>>
          %get3A_361 = tpu.memref_squeeze %get3A_360 : memref<1x80x128xf32, #tpu.memory_space<vmem>> -> memref<80x128xf32, #tpu.memory_space<vmem>>
          %get3A_362 = arith.index_cast %add3A_329 : i32 to index
          %get3A_363 = arith.constant 64 : index
          %get3A_364 = tpu.vector_load %get3A_361[%get3A_362, %get3A_363] {strides = array<i32>} : memref<80x128xf32, #tpu.memory_space<vmem>>, vector<16xf32>,
          %get3A_365 = arith.constant 0 : i32
          %get3A_366 = arith.constant 0 : i32
          %get3A_367 = tpu.memref_slice %arg8[%scan3A_87, %get3A_365, %get3A_366] : memref<2x80x128xf32, #tpu.memory_space<vmem>> -> memref<1x80x128xf32, #tpu.memory_space<vmem>>
          %get3A_368 = tpu.memref_squeeze %get3A_367 : memref<1x80x128xf32, #tpu.memory_space<vmem>> -> memref<80x128xf32, #tpu.memory_space<vmem>>
          %get3A_369 = arith.index_cast %add3A_329 : i32 to index
          %get3A_370 = arith.constant 80 : index
          %get3A_371 = tpu.vector_load %get3A_368[%get3A_369, %get3A_370] {strides = array<i32>} : memref<80x128xf32, #tpu.memory_space<vmem>>, vector<16xf32>,
          %get3A_372 = arith.constant 0 : i32
          %get3A_373 = arith.constant 0 : i32
          %get3A_374 = tpu.memref_slice %arg8[%scan3A_87, %get3A_372, %get3A_373] : memref<2x80x128xf32, #tpu.memory_space<vmem>> -> memref<1x80x128xf32, #tpu.memory_space<vmem>>
          %get3A_375 = tpu.memref_squeeze %get3A_374 : memref<1x80x128xf32, #tpu.memory_space<vmem>> -> memref<80x128xf32, #tpu.memory_space<vmem>>
          %get3A_376 = arith.index_cast %add3A_329 : i32 to index
          %get3A_377 = arith.constant 96 : index
          %get3A_378 = tpu.vector_load %get3A_375[%get3A_376, %get3A_377] {strides = array<i32>} : memref<80x128xf32, #tpu.memory_space<vmem>>, vector<16xf32>,
          %get3A_379 = arith.constant 0 : i32
          %get3A_380 = arith.constant 0 : i32
          %get3A_381 = tpu.memref_slice %arg8[%scan3A_87, %get3A_379, %get3A_380] : memref<2x80x128xf32, #tpu.memory_space<vmem>> -> memref<1x80x128xf32, #tpu.memory_space<vmem>>
          %get3A_382 = tpu.memref_squeeze %get3A_381 : memref<1x80x128xf32, #tpu.memory_space<vmem>> -> memref<80x128xf32, #tpu.memory_space<vmem>>
          %get3A_383 = arith.index_cast %add3A_329 : i32 to index
          %get3A_384 = arith.constant 112 : index
          %get3A_385 = tpu.vector_load %get3A_382[%get3A_383, %get3A_384] {strides = array<i32>} : memref<80x128xf32, #tpu.memory_space<vmem>>, vector<16xf32>,
          %get3A_386 = arith.constant 0 : i32
          %get3A_387 = arith.constant 0 : i32
          %get3A_388 = tpu.memref_slice %arg9[%scan3A_88, %get3A_386, %get3A_387] : memref<2x80x128xf32, #tpu.memory_space<vmem>> -> memref<1x80x128xf32, #tpu.memory_space<vmem>>
          %get3A_389 = tpu.memref_squeeze %get3A_388 : memref<1x80x128xf32, #tpu.memory_space<vmem>> -> memref<80x128xf32, #tpu.memory_space<vmem>>
          %get3A_390 = arith.index_cast %add3A_329 : i32 to index
          %get3A_391 = arith.constant 0 : index
          %get3A_392 = tpu.vector_load %get3A_389[%get3A_390, %get3A_391] {strides = array<i32>} : memref<80x128xf32, #tpu.memory_space<vmem>>, vector<16xf32>,
          %get3A_393 = arith.constant 0 : i32
          %get3A_394 = arith.constant 0 : i32
          %get3A_395 = tpu.memref_slice %arg9[%scan3A_88, %get3A_393, %get3A_394] : memref<2x80x128xf32, #tpu.memory_space<vmem>> -> memref<1x80x128xf32, #tpu.memory_space<vmem>>
          %get3A_396 = tpu.memref_squeeze %get3A_395 : memref<1x80x128xf32, #tpu.memory_space<vmem>> -> memref<80x128xf32, #tpu.memory_space<vmem>>
          %get3A_397 = arith.index_cast %add3A_329 : i32 to index
          %get3A_398 = arith.constant 16 : index
          %get3A_399 = tpu.vector_load %get3A_396[%get3A_397, %get3A_398] {strides = array<i32>} : memref<80x128xf32, #tpu.memory_space<vmem>>, vector<16xf32>,
          %get3A_400 = arith.constant 0 : i32
          %get3A_401 = arith.constant 0 : i32
          %get3A_402 = tpu.memref_slice %arg9[%scan3A_88, %get3A_400, %get3A_401] : memref<2x80x128xf32, #tpu.memory_space<vmem>> -> memref<1x80x128xf32, #tpu.memory_space<vmem>>
          %get3A_403 = tpu.memref_squeeze %get3A_402 : memref<1x80x128xf32, #tpu.memory_space<vmem>> -> memref<80x128xf32, #tpu.memory_space<vmem>>
          %get3A_404 = arith.index_cast %add3A_329 : i32 to index
          %get3A_405 = arith.constant 32 : index
          %get3A_406 = tpu.vector_load %get3A_403[%get3A_404, %get3A_405] {strides = array<i32>} : memref<80x128xf32, #tpu.memory_space<vmem>>, vector<16xf32>,
          %get3A_407 = arith.constant 0 : i32
          %get3A_408 = arith.constant 0 : i32
          %get3A_409 = tpu.memref_slice %arg9[%scan3A_88, %get3A_407, %get3A_408] : memref<2x80x128xf32, #tpu.memory_space<vmem>> -> memref<1x80x128xf32, #tpu.memory_space<vmem>>
          %get3A_410 = tpu.memref_squeeze %get3A_409 : memref<1x80x128xf32, #tpu.memory_space<vmem>> -> memref<80x128xf32, #tpu.memory_space<vmem>>
          %get3A_411 = arith.index_cast %add3A_329 : i32 to index
          %get3A_412 = arith.constant 48 : index
          %get3A_413 = tpu.vector_load %get3A_410[%get3A_411, %get3A_412] {strides = array<i32>} : memref<80x128xf32, #tpu.memory_space<vmem>>, vector<16xf32>,
          %get3A_414 = arith.constant 0 : i32
          %get3A_415 = arith.constant 0 : i32
          %get3A_416 = tpu.memref_slice %arg9[%scan3A_88, %get3A_414, %get3A_415] : memref<2x80x128xf32, #tpu.memory_space<vmem>> -> memref<1x80x128xf32, #tpu.memory_space<vmem>>
          %get3A_417 = tpu.memref_squeeze %get3A_416 : memref<1x80x128xf32, #tpu.memory_space<vmem>> -> memref<80x128xf32, #tpu.memory_space<vmem>>
          %get3A_418 = arith.index_cast %add3A_329 : i32 to index
          %get3A_419 = arith.constant 64 : index
          %get3A_420 = tpu.vector_load %get3A_417[%get3A_418, %get3A_419] {strides = array<i32>} : memref<80x128xf32, #tpu.memory_space<vmem>>, vector<16xf32>,
          %get3A_421 = arith.constant 0 : i32
          %get3A_422 = arith.constant 0 : i32
          %get3A_423 = tpu.memref_slice %arg9[%scan3A_88, %get3A_421, %get3A_422] : memref<2x80x128xf32, #tpu.memory_space<vmem>> -> memref<1x80x128xf32, #tpu.memory_space<vmem>>
          %get3A_424 = tpu.memref_squeeze %get3A_423 : memref<1x80x128xf32, #tpu.memory_space<vmem>> -> memref<80x128xf32, #tpu.memory_space<vmem>>
          %get3A_425 = arith.index_cast %add3A_329 : i32 to index
          %get3A_426 = arith.constant 80 : index
          %get3A_427 = tpu.vector_load %get3A_424[%get3A_425, %get3A_426] {strides = array<i32>} : memref<80x128xf32, #tpu.memory_space<vmem>>, vector<16xf32>,
          %get3A_428 = arith.constant 0 : i32
          %get3A_429 = arith.constant 0 : i32
          %get3A_430 = tpu.memref_slice %arg9[%scan3A_88, %get3A_428, %get3A_429] : memref<2x80x128xf32, #tpu.memory_space<vmem>> -> memref<1x80x128xf32, #tpu.memory_space<vmem>>
          %get3A_431 = tpu.memref_squeeze %get3A_430 : memref<1x80x128xf32, #tpu.memory_space<vmem>> -> memref<80x128xf32, #tpu.memory_space<vmem>>
          %get3A_432 = arith.index_cast %add3A_329 : i32 to index
          %get3A_433 = arith.constant 96 : index
          %get3A_434 = tpu.vector_load %get3A_431[%get3A_432, %get3A_433] {strides = array<i32>} : memref<80x128xf32, #tpu.memory_space<vmem>>, vector<16xf32>,
          %get3A_435 = arith.constant 0 : i32
          %get3A_436 = arith.constant 0 : i32
          %get3A_437 = tpu.memref_slice %arg9[%scan3A_88, %get3A_435, %get3A_436] : memref<2x80x128xf32, #tpu.memory_space<vmem>> -> memref<1x80x128xf32, #tpu.memory_space<vmem>>
          %get3A_438 = tpu.memref_squeeze %get3A_437 : memref<1x80x128xf32, #tpu.memory_space<vmem>> -> memref<80x128xf32, #tpu.memory_space<vmem>>
          %get3A_439 = arith.index_cast %add3A_329 : i32 to index
          %get3A_440 = arith.constant 112 : index
          %get3A_441 = tpu.vector_load %get3A_438[%get3A_439, %get3A_440] {strides = array<i32>} : memref<80x128xf32, #tpu.memory_space<vmem>>, vector<16xf32>,
          %mul3A_442 = arith.mulf %get3A_108, %get3A_164 : vector<16xf32>
          %mul3A_443 = arith.mulf %get3A_115, %get3A_171 : vector<16xf32>
          %mul3A_444 = arith.mulf %get3A_122, %get3A_178 : vector<16xf32>
          %mul3A_445 = arith.mulf %get3A_129, %get3A_185 : vector<16xf32>
          %mul3A_446 = arith.mulf %get3A_136, %get3A_192 : vector<16xf32>
          %mul3A_447 = arith.mulf %get3A_143, %get3A_199 : vector<16xf32>
          %mul3A_448 = arith.mulf %get3A_150, %get3A_206 : vector<16xf32>
          %mul3A_449 = arith.mulf %get3A_157, %get3A_213 : vector<16xf32>
          %add3A_450 = arith.addf %mul3A_442, %mul3A_443 : vector<16xf32>
          %add3A_451 = arith.addf %mul3A_444, %mul3A_445 : vector<16xf32>
          %add3A_452 = arith.addf %add3A_450, %add3A_451 : vector<16xf32>
          %add3A_453 = arith.addf %mul3A_446, %mul3A_447 : vector<16xf32>
          %add3A_454 = arith.addf %mul3A_448, %mul3A_449 : vector<16xf32>
          %add3A_455 = arith.addf %add3A_453, %add3A_454 : vector<16xf32>
          %add3A_456 = arith.addf %add3A_452, %add3A_455 : vector<16xf32>
          %mul3A_457 = arith.mulf %mul3A_442, %select_n3A : vector<16xf32>
          %sub3A = arith.subf %mul3A_457, %add3A_456 : vector<16xf32>
          %broadcast_in_dim3A_458 = arith.constant true
          %broadcast_in_dim3A_459 = vector.broadcast %broadcast_in_dim3A_458 : i1 to vector<16xi1>
          %masked_cumsum3A = tpu.scan <sum>, %sub3A masked %broadcast_in_dim3A_459 : vector<16xf32>, vector<16xi1> -> vector<16xf32>
          %add3A_460 = arith.constant 0 : i32
          %add3A_461 = vector.broadcast %add3A_460 : i32 to vector<16xi32>
          %add3A_462 = arith.addi %add3A_100, %add3A_461 : vector<16xi32>
          tpu.vector_store_idx %arg10[%add3A_85, %add3A_462], %masked_cumsum3A masked %eq3A_7 : memref<125x80xf32, #tpu.memory_space<vmem>>[vector<16xi32>, vector<16xi32>], vector<16xf32>, vector<16xi1>
          %add3A_463 = arith.constant 3 : i32
          %add3A_464 = arith.addi %mul3A_96, %add3A_463 : i32
          %get3A_465 = arith.constant 0 : i32
          %get3A_466 = arith.constant 0 : i32
          %get3A_467 = tpu.memref_slice %arg8[%scan3A_87, %get3A_465, %get3A_466] : memref<2x80x128xf32, #tpu.memory_space<vmem>> -> memref<1x80x128xf32, #tpu.memory_space<vmem>>
          %get3A_468 = tpu.memref_squeeze %get3A_467 : memref<1x80x128xf32, #tpu.memory_space<vmem>> -> memref<80x128xf32, #tpu.memory_space<vmem>>
          %get3A_469 = arith.index_cast %add3A_464 : i32 to index
          %get3A_470 = arith.constant 0 : index
          %get3A_471 = tpu.vector_load %get3A_468[%get3A_469, %get3A_470] {strides = array<i32>} : memref<80x128xf32, #tpu.memory_space<vmem>>, vector<16xf32>,
          %get3A_472 = arith.constant 0 : i32
          %get3A_473 = arith.constant 0 : i32
          %get3A_474 = tpu.memref_slice %arg8[%scan3A_87, %get3A_472, %get3A_473] : memref<2x80x128xf32, #tpu.memory_space<vmem>> -> memref<1x80x128xf32, #tpu.memory_space<vmem>>
          %get3A_475 = tpu.memref_squeeze %get3A_474 : memref<1x80x128xf32, #tpu.memory_space<vmem>> -> memref<80x128xf32, #tpu.memory_space<vmem>>
          %get3A_476 = arith.index_cast %add3A_464 : i32 to index
          %get3A_477 = arith.constant 16 : index
          %get3A_478 = tpu.vector_load %get3A_475[%get3A_476, %get3A_477] {strides = array<i32>} : memref<80x128xf32, #tpu.memory_space<vmem>>, vector<16xf32>,
          %get3A_479 = arith.constant 0 : i32
          %get3A_480 = arith.constant 0 : i32
          %get3A_481 = tpu.memref_slice %arg8[%scan3A_87, %get3A_479, %get3A_480] : memref<2x80x128xf32, #tpu.memory_space<vmem>> -> memref<1x80x128xf32, #tpu.memory_space<vmem>>
          %get3A_482 = tpu.memref_squeeze %get3A_481 : memref<1x80x128xf32, #tpu.memory_space<vmem>> -> memref<80x128xf32, #tpu.memory_space<vmem>>
          %get3A_483 = arith.index_cast %add3A_464 : i32 to index
          %get3A_484 = arith.constant 32 : index
          %get3A_485 = tpu.vector_load %get3A_482[%get3A_483, %get3A_484] {strides = array<i32>} : memref<80x128xf32, #tpu.memory_space<vmem>>, vector<16xf32>,
          %get3A_486 = arith.constant 0 : i32
          %get3A_487 = arith.constant 0 : i32
          %get3A_488 = tpu.memref_slice %arg8[%scan3A_87, %get3A_486, %get3A_487] : memref<2x80x128xf32, #tpu.memory_space<vmem>> -> memref<1x80x128xf32, #tpu.memory_space<vmem>>
          %get3A_489 = tpu.memref_squeeze %get3A_488 : memref<1x80x128xf32, #tpu.memory_space<vmem>> -> memref<80x128xf32, #tpu.memory_space<vmem>>
          %get3A_490 = arith.index_cast %add3A_464 : i32 to index
          %get3A_491 = arith.constant 48 : index
          %get3A_492 = tpu.vector_load %get3A_489[%get3A_490, %get3A_491] {strides = array<i32>} : memref<80x128xf32, #tpu.memory_space<vmem>>, vector<16xf32>,
          %get3A_493 = arith.constant 0 : i32
          %get3A_494 = arith.constant 0 : i32
          %get3A_495 = tpu.memref_slice %arg8[%scan3A_87, %get3A_493, %get3A_494] : memref<2x80x128xf32, #tpu.memory_space<vmem>> -> memref<1x80x128xf32, #tpu.memory_space<vmem>>
          %get3A_496 = tpu.memref_squeeze %get3A_495 : memref<1x80x128xf32, #tpu.memory_space<vmem>> -> memref<80x128xf32, #tpu.memory_space<vmem>>
          %get3A_497 = arith.index_cast %add3A_464 : i32 to index
          %get3A_498 = arith.constant 64 : index
          %get3A_499 = tpu.vector_load %get3A_496[%get3A_497, %get3A_498] {strides = array<i32>} : memref<80x128xf32, #tpu.memory_space<vmem>>, vector<16xf32>,
          %get3A_500 = arith.constant 0 : i32
          %get3A_501 = arith.constant 0 : i32
          %get3A_502 = tpu.memref_slice %arg8[%scan3A_87, %get3A_500, %get3A_501] : memref<2x80x128xf32, #tpu.memory_space<vmem>> -> memref<1x80x128xf32, #tpu.memory_space<vmem>>
          %get3A_503 = tpu.memref_squeeze %get3A_502 : memref<1x80x128xf32, #tpu.memory_space<vmem>> -> memref<80x128xf32, #tpu.memory_space<vmem>>
          %get3A_504 = arith.index_cast %add3A_464 : i32 to index
          %get3A_505 = arith.constant 80 : index
          %get3A_506 = tpu.vector_load %get3A_503[%get3A_504, %get3A_505] {strides = array<i32>} : memref<80x128xf32, #tpu.memory_space<vmem>>, vector<16xf32>,
          %get3A_507 = arith.constant 0 : i32
          %get3A_508 = arith.constant 0 : i32
          %get3A_509 = tpu.memref_slice %arg8[%scan3A_87, %get3A_507, %get3A_508] : memref<2x80x128xf32, #tpu.memory_space<vmem>> -> memref<1x80x128xf32, #tpu.memory_space<vmem>>
          %get3A_510 = tpu.memref_squeeze %get3A_509 : memref<1x80x128xf32, #tpu.memory_space<vmem>> -> memref<80x128xf32, #tpu.memory_space<vmem>>
          %get3A_511 = arith.index_cast %add3A_464 : i32 to index
          %get3A_512 = arith.constant 96 : index
          %get3A_513 = tpu.vector_load %get3A_510[%get3A_511, %get3A_512] {strides = array<i32>} : memref<80x128xf32, #tpu.memory_space<vmem>>, vector<16xf32>,
          %get3A_514 = arith.constant 0 : i32
          %get3A_515 = arith.constant 0 : i32
          %get3A_516 = tpu.memref_slice %arg8[%scan3A_87, %get3A_514, %get3A_515] : memref<2x80x128xf32, #tpu.memory_space<vmem>> -> memref<1x80x128xf32, #tpu.memory_space<vmem>>
          %get3A_517 = tpu.memref_squeeze %get3A_516 : memref<1x80x128xf32, #tpu.memory_space<vmem>> -> memref<80x128xf32, #tpu.memory_space<vmem>>
          %get3A_518 = arith.index_cast %add3A_464 : i32 to index
          %get3A_519 = arith.constant 112 : index
          %get3A_520 = tpu.vector_load %get3A_517[%get3A_518, %get3A_519] {strides = array<i32>} : memref<80x128xf32, #tpu.memory_space<vmem>>, vector<16xf32>,
          %get3A_521 = arith.constant 0 : i32
          %get3A_522 = arith.constant 0 : i32
          %get3A_523 = tpu.memref_slice %arg9[%scan3A_88, %get3A_521, %get3A_522] : memref<2x80x128xf32, #tpu.memory_space<vmem>> -> memref<1x80x128xf32, #tpu.memory_space<vmem>>
          %get3A_524 = tpu.memref_squeeze %get3A_523 : memref<1x80x128xf32, #tpu.memory_space<vmem>> -> memref<80x128xf32, #tpu.memory_space<vmem>>
          %get3A_525 = arith.index_cast %add3A_464 : i32 to index
          %get3A_526 = arith.constant 0 : index
          %get3A_527 = tpu.vector_load %get3A_524[%get3A_525, %get3A_526] {strides = array<i32>} : memref<80x128xf32, #tpu.memory_space<vmem>>, vector<16xf32>,
          %get3A_528 = arith.constant 0 : i32
          %get3A_529 = arith.constant 0 : i32
          %get3A_530 = tpu.memref_slice %arg9[%scan3A_88, %get3A_528, %get3A_529] : memref<2x80x128xf32, #tpu.memory_space<vmem>> -> memref<1x80x128xf32, #tpu.memory_space<vmem>>
          %get3A_531 = tpu.memref_squeeze %get3A_530 : memref<1x80x128xf32, #tpu.memory_space<vmem>> -> memref<80x128xf32, #tpu.memory_space<vmem>>
          %get3A_532 = arith.index_cast %add3A_464 : i32 to index
          %get3A_533 = arith.constant 16 : index
          %get3A_534 = tpu.vector_load %get3A_531[%get3A_532, %get3A_533] {strides = array<i32>} : memref<80x128xf32, #tpu.memory_space<vmem>>, vector<16xf32>,
          %get3A_535 = arith.constant 0 : i32
          %get3A_536 = arith.constant 0 : i32
          %get3A_537 = tpu.memref_slice %arg9[%scan3A_88, %get3A_535, %get3A_536] : memref<2x80x128xf32, #tpu.memory_space<vmem>> -> memref<1x80x128xf32, #tpu.memory_space<vmem>>
          %get3A_538 = tpu.memref_squeeze %get3A_537 : memref<1x80x128xf32, #tpu.memory_space<vmem>> -> memref<80x128xf32, #tpu.memory_space<vmem>>
          %get3A_539 = arith.index_cast %add3A_464 : i32 to index
          %get3A_540 = arith.constant 32 : index
          %get3A_541 = tpu.vector_load %get3A_538[%get3A_539, %get3A_540] {strides = array<i32>} : memref<80x128xf32, #tpu.memory_space<vmem>>, vector<16xf32>,
          %get3A_542 = arith.constant 0 : i32
          %get3A_543 = arith.constant 0 : i32
          %get3A_544 = tpu.memref_slice %arg9[%scan3A_88, %get3A_542, %get3A_543] : memref<2x80x128xf32, #tpu.memory_space<vmem>> -> memref<1x80x128xf32, #tpu.memory_space<vmem>>
          %get3A_545 = tpu.memref_squeeze %get3A_544 : memref<1x80x128xf32, #tpu.memory_space<vmem>> -> memref<80x128xf32, #tpu.memory_space<vmem>>
          %get3A_546 = arith.index_cast %add3A_464 : i32 to index
          %get3A_547 = arith.constant 48 : index
          %get3A_548 = tpu.vector_load %get3A_545[%get3A_546, %get3A_547] {strides = array<i32>} : memref<80x128xf32, #tpu.memory_space<vmem>>, vector<16xf32>,
          %get3A_549 = arith.constant 0 : i32
          %get3A_550 = arith.constant 0 : i32
          %get3A_551 = tpu.memref_slice %arg9[%scan3A_88, %get3A_549, %get3A_550] : memref<2x80x128xf32, #tpu.memory_space<vmem>> -> memref<1x80x128xf32, #tpu.memory_space<vmem>>
          %get3A_552 = tpu.memref_squeeze %get3A_551 : memref<1x80x128xf32, #tpu.memory_space<vmem>> -> memref<80x128xf32, #tpu.memory_space<vmem>>
          %get3A_553 = arith.index_cast %add3A_464 : i32 to index
          %get3A_554 = arith.constant 64 : index
          %get3A_555 = tpu.vector_load %get3A_552[%get3A_553, %get3A_554] {strides = array<i32>} : memref<80x128xf32, #tpu.memory_space<vmem>>, vector<16xf32>,
          %get3A_556 = arith.constant 0 : i32
          %get3A_557 = arith.constant 0 : i32
          %get3A_558 = tpu.memref_slice %arg9[%scan3A_88, %get3A_556, %get3A_557] : memref<2x80x128xf32, #tpu.memory_space<vmem>> -> memref<1x80x128xf32, #tpu.memory_space<vmem>>
          %get3A_559 = tpu.memref_squeeze %get3A_558 : memref<1x80x128xf32, #tpu.memory_space<vmem>> -> memref<80x128xf32, #tpu.memory_space<vmem>>
          %get3A_560 = arith.index_cast %add3A_464 : i32 to index
          %get3A_561 = arith.constant 80 : index
          %get3A_562 = tpu.vector_load %get3A_559[%get3A_560, %get3A_561] {strides = array<i32>} : memref<80x128xf32, #tpu.memory_space<vmem>>, vector<16xf32>,
          %get3A_563 = arith.constant 0 : i32
          %get3A_564 = arith.constant 0 : i32
          %get3A_565 = tpu.memref_slice %arg9[%scan3A_88, %get3A_563, %get3A_564] : memref<2x80x128xf32, #tpu.memory_space<vmem>> -> memref<1x80x128xf32, #tpu.memory_space<vmem>>
          %get3A_566 = tpu.memref_squeeze %get3A_565 : memref<1x80x128xf32, #tpu.memory_space<vmem>> -> memref<80x128xf32, #tpu.memory_space<vmem>>
          %get3A_567 = arith.index_cast %add3A_464 : i32 to index
          %get3A_568 = arith.constant 96 : index
          %get3A_569 = tpu.vector_load %get3A_566[%get3A_567, %get3A_568] {strides = array<i32>} : memref<80x128xf32, #tpu.memory_space<vmem>>, vector<16xf32>,
          %get3A_570 = arith.constant 0 : i32
          %get3A_571 = arith.constant 0 : i32
          %get3A_572 = tpu.memref_slice %arg9[%scan3A_88, %get3A_570, %get3A_571] : memref<2x80x128xf32, #tpu.memory_space<vmem>> -> memref<1x80x128xf32, #tpu.memory_space<vmem>>
          %get3A_573 = tpu.memref_squeeze %get3A_572 : memref<1x80x128xf32, #tpu.memory_space<vmem>> -> memref<80x128xf32, #tpu.memory_space<vmem>>
          %get3A_574 = arith.index_cast %add3A_464 : i32 to index
          %get3A_575 = arith.constant 112 : index
          %get3A_576 = tpu.vector_load %get3A_573[%get3A_574, %get3A_575] {strides = array<i32>} : memref<80x128xf32, #tpu.memory_space<vmem>>, vector<16xf32>,
          %mul3A_577 = arith.mulf %get3A_222, %get3A_278 : vector<16xf32>
          %mul3A_578 = arith.mulf %get3A_229, %get3A_285 : vector<16xf32>
          %mul3A_579 = arith.mulf %get3A_236, %get3A_292 : vector<16xf32>
          %mul3A_580 = arith.mulf %get3A_243, %get3A_299 : vector<16xf32>
          %mul3A_581 = arith.mulf %get3A_250, %get3A_306 : vector<16xf32>
          %mul3A_582 = arith.mulf %get3A_257, %get3A_313 : vector<16xf32>
          %mul3A_583 = arith.mulf %get3A_264, %get3A_320 : vector<16xf32>
          %mul3A_584 = arith.mulf %get3A_271, %get3A_327 : vector<16xf32>
          %add3A_585 = arith.addf %mul3A_577, %mul3A_578 : vector<16xf32>
          %add3A_586 = arith.addf %mul3A_579, %mul3A_580 : vector<16xf32>
          %add3A_587 = arith.addf %add3A_585, %add3A_586 : vector<16xf32>
          %add3A_588 = arith.addf %mul3A_581, %mul3A_582 : vector<16xf32>
          %add3A_589 = arith.addf %mul3A_583, %mul3A_584 : vector<16xf32>
          %add3A_590 = arith.addf %add3A_588, %add3A_589 : vector<16xf32>
          %add3A_591 = arith.addf %add3A_587, %add3A_590 : vector<16xf32>
          %mul3A_592 = arith.mulf %mul3A_577, %select_n3A : vector<16xf32>
          %sub3A_593 = arith.subf %mul3A_592, %add3A_591 : vector<16xf32>
          %broadcast_in_dim3A_594 = arith.constant true
          %broadcast_in_dim3A_595 = vector.broadcast %broadcast_in_dim3A_594 : i1 to vector<16xi1>
          %masked_cumsum3A_596 = tpu.scan <sum>, %sub3A_593 masked %broadcast_in_dim3A_595 : vector<16xf32>, vector<16xi1> -> vector<16xf32>
          %add3A_597 = arith.constant 1 : i32
          %add3A_598 = vector.broadcast %add3A_597 : i32 to vector<16xi32>
          %add3A_599 = arith.addi %add3A_100, %add3A_598 : vector<16xi32>
          tpu.vector_store_idx %arg10[%add3A_85, %add3A_599], %masked_cumsum3A_596 masked %eq3A_7 : memref<125x80xf32, #tpu.memory_space<vmem>>[vector<16xi32>, vector<16xi32>], vector<16xf32>, vector<16xi1>
          %add3A_600 = arith.constant 4 : i32
          %add3A_601 = arith.addi %mul3A_96, %add3A_600 : i32
          %get3A_602 = arith.constant 0 : i32
          %get3A_603 = arith.constant 0 : i32
          %get3A_604 = tpu.memref_slice %arg8[%scan3A_87, %get3A_602, %get3A_603] : memref<2x80x128xf32, #tpu.memory_space<vmem>> -> memref<1x80x128xf32, #tpu.memory_space<vmem>>
          %get3A_605 = tpu.memref_squeeze %get3A_604 : memref<1x80x128xf32, #tpu.memory_space<vmem>> -> memref<80x128xf32, #tpu.memory_space<vmem>>
          %get3A_606 = arith.index_cast %add3A_601 : i32 to index
          %get3A_607 = arith.constant 0 : index
          %get3A_608 = tpu.vector_load %get3A_605[%get3A_606, %get3A_607] {strides = array<i32>} : memref<80x128xf32, #tpu.memory_space<vmem>>, vector<16xf32>,
          %get3A_609 = arith.constant 0 : i32
          %get3A_610 = arith.constant 0 : i32
          %get3A_611 = tpu.memref_slice %arg8[%scan3A_87, %get3A_609, %get3A_610] : memref<2x80x128xf32, #tpu.memory_space<vmem>> -> memref<1x80x128xf32, #tpu.memory_space<vmem>>
          %get3A_612 = tpu.memref_squeeze %get3A_611 : memref<1x80x128xf32, #tpu.memory_space<vmem>> -> memref<80x128xf32, #tpu.memory_space<vmem>>
          %get3A_613 = arith.index_cast %add3A_601 : i32 to index
          %get3A_614 = arith.constant 16 : index
          %get3A_615 = tpu.vector_load %get3A_612[%get3A_613, %get3A_614] {strides = array<i32>} : memref<80x128xf32, #tpu.memory_space<vmem>>, vector<16xf32>,
          %get3A_616 = arith.constant 0 : i32
          %get3A_617 = arith.constant 0 : i32
          %get3A_618 = tpu.memref_slice %arg8[%scan3A_87, %get3A_616, %get3A_617] : memref<2x80x128xf32, #tpu.memory_space<vmem>> -> memref<1x80x128xf32, #tpu.memory_space<vmem>>
          %get3A_619 = tpu.memref_squeeze %get3A_618 : memref<1x80x128xf32, #tpu.memory_space<vmem>> -> memref<80x128xf32, #tpu.memory_space<vmem>>
          %get3A_620 = arith.index_cast %add3A_601 : i32 to index
          %get3A_621 = arith.constant 32 : index
          %get3A_622 = tpu.vector_load %get3A_619[%get3A_620, %get3A_621] {strides = array<i32>} : memref<80x128xf32, #tpu.memory_space<vmem>>, vector<16xf32>,
          %get3A_623 = arith.constant 0 : i32
          %get3A_624 = arith.constant 0 : i32
          %get3A_625 = tpu.memref_slice %arg8[%scan3A_87, %get3A_623, %get3A_624] : memref<2x80x128xf32, #tpu.memory_space<vmem>> -> memref<1x80x128xf32, #tpu.memory_space<vmem>>
          %get3A_626 = tpu.memref_squeeze %get3A_625 : memref<1x80x128xf32, #tpu.memory_space<vmem>> -> memref<80x128xf32, #tpu.memory_space<vmem>>
          %get3A_627 = arith.index_cast %add3A_601 : i32 to index
          %get3A_628 = arith.constant 48 : index
          %get3A_629 = tpu.vector_load %get3A_626[%get3A_627, %get3A_628] {strides = array<i32>} : memref<80x128xf32, #tpu.memory_space<vmem>>, vector<16xf32>,
          %get3A_630 = arith.constant 0 : i32
          %get3A_631 = arith.constant 0 : i32
          %get3A_632 = tpu.memref_slice %arg8[%scan3A_87, %get3A_630, %get3A_631] : memref<2x80x128xf32, #tpu.memory_space<vmem>> -> memref<1x80x128xf32, #tpu.memory_space<vmem>>
          %get3A_633 = tpu.memref_squeeze %get3A_632 : memref<1x80x128xf32, #tpu.memory_space<vmem>> -> memref<80x128xf32, #tpu.memory_space<vmem>>
          %get3A_634 = arith.index_cast %add3A_601 : i32 to index
          %get3A_635 = arith.constant 64 : index
          %get3A_636 = tpu.vector_load %get3A_633[%get3A_634, %get3A_635] {strides = array<i32>} : memref<80x128xf32, #tpu.memory_space<vmem>>, vector<16xf32>,
          %get3A_637 = arith.constant 0 : i32
          %get3A_638 = arith.constant 0 : i32
          %get3A_639 = tpu.memref_slice %arg8[%scan3A_87, %get3A_637, %get3A_638] : memref<2x80x128xf32, #tpu.memory_space<vmem>> -> memref<1x80x128xf32, #tpu.memory_space<vmem>>
          %get3A_640 = tpu.memref_squeeze %get3A_639 : memref<1x80x128xf32, #tpu.memory_space<vmem>> -> memref<80x128xf32, #tpu.memory_space<vmem>>
          %get3A_641 = arith.index_cast %add3A_601 : i32 to index
          %get3A_642 = arith.constant 80 : index
          %get3A_643 = tpu.vector_load %get3A_640[%get3A_641, %get3A_642] {strides = array<i32>} : memref<80x128xf32, #tpu.memory_space<vmem>>, vector<16xf32>,
          %get3A_644 = arith.constant 0 : i32
          %get3A_645 = arith.constant 0 : i32
          %get3A_646 = tpu.memref_slice %arg8[%scan3A_87, %get3A_644, %get3A_645] : memref<2x80x128xf32, #tpu.memory_space<vmem>> -> memref<1x80x128xf32, #tpu.memory_space<vmem>>
          %get3A_647 = tpu.memref_squeeze %get3A_646 : memref<1x80x128xf32, #tpu.memory_space<vmem>> -> memref<80x128xf32, #tpu.memory_space<vmem>>
          %get3A_648 = arith.index_cast %add3A_601 : i32 to index
          %get3A_649 = arith.constant 96 : index
          %get3A_650 = tpu.vector_load %get3A_647[%get3A_648, %get3A_649] {strides = array<i32>} : memref<80x128xf32, #tpu.memory_space<vmem>>, vector<16xf32>,
          %get3A_651 = arith.constant 0 : i32
          %get3A_652 = arith.constant 0 : i32
          %get3A_653 = tpu.memref_slice %arg8[%scan3A_87, %get3A_651, %get3A_652] : memref<2x80x128xf32, #tpu.memory_space<vmem>> -> memref<1x80x128xf32, #tpu.memory_space<vmem>>
          %get3A_654 = tpu.memref_squeeze %get3A_653 : memref<1x80x128xf32, #tpu.memory_space<vmem>> -> memref<80x128xf32, #tpu.memory_space<vmem>>
          %get3A_655 = arith.index_cast %add3A_601 : i32 to index
          %get3A_656 = arith.constant 112 : index
          %get3A_657 = tpu.vector_load %get3A_654[%get3A_655, %get3A_656] {strides = array<i32>} : memref<80x128xf32, #tpu.memory_space<vmem>>, vector<16xf32>,
          %get3A_658 = arith.constant 0 : i32
          %get3A_659 = arith.constant 0 : i32
          %get3A_660 = tpu.memref_slice %arg9[%scan3A_88, %get3A_658, %get3A_659] : memref<2x80x128xf32, #tpu.memory_space<vmem>> -> memref<1x80x128xf32, #tpu.memory_space<vmem>>
          %get3A_661 = tpu.memref_squeeze %get3A_660 : memref<1x80x128xf32, #tpu.memory_space<vmem>> -> memref<80x128xf32, #tpu.memory_space<vmem>>
          %get3A_662 = arith.index_cast %add3A_601 : i32 to index
          %get3A_663 = arith.constant 0 : index
          %get3A_664 = tpu.vector_load %get3A_661[%get3A_662, %get3A_663] {strides = array<i32>} : memref<80x128xf32, #tpu.memory_space<vmem>>, vector<16xf32>,
          %get3A_665 = arith.constant 0 : i32
          %get3A_666 = arith.constant 0 : i32
          %get3A_667 = tpu.memref_slice %arg9[%scan3A_88, %get3A_665, %get3A_666] : memref<2x80x128xf32, #tpu.memory_space<vmem>> -> memref<1x80x128xf32, #tpu.memory_space<vmem>>
          %get3A_668 = tpu.memref_squeeze %get3A_667 : memref<1x80x128xf32, #tpu.memory_space<vmem>> -> memref<80x128xf32, #tpu.memory_space<vmem>>
          %get3A_669 = arith.index_cast %add3A_601 : i32 to index
          %get3A_670 = arith.constant 16 : index
          %get3A_671 = tpu.vector_load %get3A_668[%get3A_669, %get3A_670] {strides = array<i32>} : memref<80x128xf32, #tpu.memory_space<vmem>>, vector<16xf32>,
          %get3A_672 = arith.constant 0 : i32
          %get3A_673 = arith.constant 0 : i32
          %get3A_674 = tpu.memref_slice %arg9[%scan3A_88, %get3A_672, %get3A_673] : memref<2x80x128xf32, #tpu.memory_space<vmem>> -> memref<1x80x128xf32, #tpu.memory_space<vmem>>
          %get3A_675 = tpu.memref_squeeze %get3A_674 : memref<1x80x128xf32, #tpu.memory_space<vmem>> -> memref<80x128xf32, #tpu.memory_space<vmem>>
          %get3A_676 = arith.index_cast %add3A_601 : i32 to index
          %get3A_677 = arith.constant 32 : index
          %get3A_678 = tpu.vector_load %get3A_675[%get3A_676, %get3A_677] {strides = array<i32>} : memref<80x128xf32, #tpu.memory_space<vmem>>, vector<16xf32>,
          %get3A_679 = arith.constant 0 : i32
          %get3A_680 = arith.constant 0 : i32
          %get3A_681 = tpu.memref_slice %arg9[%scan3A_88, %get3A_679, %get3A_680] : memref<2x80x128xf32, #tpu.memory_space<vmem>> -> memref<1x80x128xf32, #tpu.memory_space<vmem>>
          %get3A_682 = tpu.memref_squeeze %get3A_681 : memref<1x80x128xf32, #tpu.memory_space<vmem>> -> memref<80x128xf32, #tpu.memory_space<vmem>>
          %get3A_683 = arith.index_cast %add3A_601 : i32 to index
          %get3A_684 = arith.constant 48 : index
          %get3A_685 = tpu.vector_load %get3A_682[%get3A_683, %get3A_684] {strides = array<i32>} : memref<80x128xf32, #tpu.memory_space<vmem>>, vector<16xf32>,
          %get3A_686 = arith.constant 0 : i32
          %get3A_687 = arith.constant 0 : i32
          %get3A_688 = tpu.memref_slice %arg9[%scan3A_88, %get3A_686, %get3A_687] : memref<2x80x128xf32, #tpu.memory_space<vmem>> -> memref<1x80x128xf32, #tpu.memory_space<vmem>>
          %get3A_689 = tpu.memref_squeeze %get3A_688 : memref<1x80x128xf32, #tpu.memory_space<vmem>> -> memref<80x128xf32, #tpu.memory_space<vmem>>
          %get3A_690 = arith.index_cast %add3A_601 : i32 to index
          %get3A_691 = arith.constant 64 : index
          %get3A_692 = tpu.vector_load %get3A_689[%get3A_690, %get3A_691] {strides = array<i32>} : memref<80x128xf32, #tpu.memory_space<vmem>>, vector<16xf32>,
          %get3A_693 = arith.constant 0 : i32
          %get3A_694 = arith.constant 0 : i32
          %get3A_695 = tpu.memref_slice %arg9[%scan3A_88, %get3A_693, %get3A_694] : memref<2x80x128xf32, #tpu.memory_space<vmem>> -> memref<1x80x128xf32, #tpu.memory_space<vmem>>
          %get3A_696 = tpu.memref_squeeze %get3A_695 : memref<1x80x128xf32, #tpu.memory_space<vmem>> -> memref<80x128xf32, #tpu.memory_space<vmem>>
          %get3A_697 = arith.index_cast %add3A_601 : i32 to index
          %get3A_698 = arith.constant 80 : index
          %get3A_699 = tpu.vector_load %get3A_696[%get3A_697, %get3A_698] {strides = array<i32>} : memref<80x128xf32, #tpu.memory_space<vmem>>, vector<16xf32>,
          %get3A_700 = arith.constant 0 : i32
          %get3A_701 = arith.constant 0 : i32
          %get3A_702 = tpu.memref_slice %arg9[%scan3A_88, %get3A_700, %get3A_701] : memref<2x80x128xf32, #tpu.memory_space<vmem>> -> memref<1x80x128xf32, #tpu.memory_space<vmem>>
          %get3A_703 = tpu.memref_squeeze %get3A_702 : memref<1x80x128xf32, #tpu.memory_space<vmem>> -> memref<80x128xf32, #tpu.memory_space<vmem>>
          %get3A_704 = arith.index_cast %add3A_601 : i32 to index
          %get3A_705 = arith.constant 96 : index
          %get3A_706 = tpu.vector_load %get3A_703[%get3A_704, %get3A_705] {strides = array<i32>} : memref<80x128xf32, #tpu.memory_space<vmem>>, vector<16xf32>,
          %get3A_707 = arith.constant 0 : i32
          %get3A_708 = arith.constant 0 : i32
          %get3A_709 = tpu.memref_slice %arg9[%scan3A_88, %get3A_707, %get3A_708] : memref<2x80x128xf32, #tpu.memory_space<vmem>> -> memref<1x80x128xf32, #tpu.memory_space<vmem>>
          %get3A_710 = tpu.memref_squeeze %get3A_709 : memref<1x80x128xf32, #tpu.memory_space<vmem>> -> memref<80x128xf32, #tpu.memory_space<vmem>>
          %get3A_711 = arith.index_cast %add3A_601 : i32 to index
          %get3A_712 = arith.constant 112 : index
          %get3A_713 = tpu.vector_load %get3A_710[%get3A_711, %get3A_712] {strides = array<i32>} : memref<80x128xf32, #tpu.memory_space<vmem>>, vector<16xf32>,
          %mul3A_714 = arith.mulf %get3A_336, %get3A_392 : vector<16xf32>
          %mul3A_715 = arith.mulf %get3A_343, %get3A_399 : vector<16xf32>
          %mul3A_716 = arith.mulf %get3A_350, %get3A_406 : vector<16xf32>
          %mul3A_717 = arith.mulf %get3A_357, %get3A_413 : vector<16xf32>
          %mul3A_718 = arith.mulf %get3A_364, %get3A_420 : vector<16xf32>
          %mul3A_719 = arith.mulf %get3A_371, %get3A_427 : vector<16xf32>
          %mul3A_720 = arith.mulf %get3A_378, %get3A_434 : vector<16xf32>
          %mul3A_721 = arith.mulf %get3A_385, %get3A_441 : vector<16xf32>
          %add3A_722 = arith.addf %mul3A_714, %mul3A_715 : vector<16xf32>
          %add3A_723 = arith.addf %mul3A_716, %mul3A_717 : vector<16xf32>
          %add3A_724 = arith.addf %add3A_722, %add3A_723 : vector<16xf32>
          %add3A_725 = arith.addf %mul3A_718, %mul3A_719 : vector<16xf32>
          %add3A_726 = arith.addf %mul3A_720, %mul3A_721 : vector<16xf32>
          %add3A_727 = arith.addf %add3A_725, %add3A_726 : vector<16xf32>
          %add3A_728 = arith.addf %add3A_724, %add3A_727 : vector<16xf32>
          %mul3A_729 = arith.mulf %mul3A_714, %select_n3A : vector<16xf32>
          %sub3A_730 = arith.subf %mul3A_729, %add3A_728 : vector<16xf32>
          %broadcast_in_dim3A_731 = arith.constant true
          %broadcast_in_dim3A_732 = vector.broadcast %broadcast_in_dim3A_731 : i1 to vector<16xi1>
          %masked_cumsum3A_733 = tpu.scan <sum>, %sub3A_730 masked %broadcast_in_dim3A_732 : vector<16xf32>, vector<16xi1> -> vector<16xf32>
          %add3A_734 = arith.constant 2 : i32
          %add3A_735 = vector.broadcast %add3A_734 : i32 to vector<16xi32>
          %add3A_736 = arith.addi %add3A_100, %add3A_735 : vector<16xi32>
          tpu.vector_store_idx %arg10[%add3A_85, %add3A_736], %masked_cumsum3A_733 masked %eq3A_7 : memref<125x80xf32, #tpu.memory_space<vmem>>[vector<16xi32>, vector<16xi32>], vector<16xf32>, vector<16xi1>
          %add3A_737 = arith.constant 5 : i32
          %add3A_738 = arith.addi %mul3A_96, %add3A_737 : i32
          %get3A_739 = arith.constant 0 : i32
          %get3A_740 = arith.constant 0 : i32
          %get3A_741 = tpu.memref_slice %arg8[%scan3A_87, %get3A_739, %get3A_740] : memref<2x80x128xf32, #tpu.memory_space<vmem>> -> memref<1x80x128xf32, #tpu.memory_space<vmem>>
          %get3A_742 = tpu.memref_squeeze %get3A_741 : memref<1x80x128xf32, #tpu.memory_space<vmem>> -> memref<80x128xf32, #tpu.memory_space<vmem>>
          %get3A_743 = arith.index_cast %add3A_738 : i32 to index
          %get3A_744 = arith.constant 0 : index
          %get3A_745 = tpu.vector_load %get3A_742[%get3A_743, %get3A_744] {strides = array<i32>} : memref<80x128xf32, #tpu.memory_space<vmem>>, vector<16xf32>,
          %get3A_746 = arith.constant 0 : i32
          %get3A_747 = arith.constant 0 : i32
          %get3A_748 = tpu.memref_slice %arg8[%scan3A_87, %get3A_746, %get3A_747] : memref<2x80x128xf32, #tpu.memory_space<vmem>> -> memref<1x80x128xf32, #tpu.memory_space<vmem>>
          %get3A_749 = tpu.memref_squeeze %get3A_748 : memref<1x80x128xf32, #tpu.memory_space<vmem>> -> memref<80x128xf32, #tpu.memory_space<vmem>>
          %get3A_750 = arith.index_cast %add3A_738 : i32 to index
          %get3A_751 = arith.constant 16 : index
          %get3A_752 = tpu.vector_load %get3A_749[%get3A_750, %get3A_751] {strides = array<i32>} : memref<80x128xf32, #tpu.memory_space<vmem>>, vector<16xf32>,
          %get3A_753 = arith.constant 0 : i32
          %get3A_754 = arith.constant 0 : i32
          %get3A_755 = tpu.memref_slice %arg8[%scan3A_87, %get3A_753, %get3A_754] : memref<2x80x128xf32, #tpu.memory_space<vmem>> -> memref<1x80x128xf32, #tpu.memory_space<vmem>>
          %get3A_756 = tpu.memref_squeeze %get3A_755 : memref<1x80x128xf32, #tpu.memory_space<vmem>> -> memref<80x128xf32, #tpu.memory_space<vmem>>
          %get3A_757 = arith.index_cast %add3A_738 : i32 to index
          %get3A_758 = arith.constant 32 : index
          %get3A_759 = tpu.vector_load %get3A_756[%get3A_757, %get3A_758] {strides = array<i32>} : memref<80x128xf32, #tpu.memory_space<vmem>>, vector<16xf32>,
          %get3A_760 = arith.constant 0 : i32
          %get3A_761 = arith.constant 0 : i32
          %get3A_762 = tpu.memref_slice %arg8[%scan3A_87, %get3A_760, %get3A_761] : memref<2x80x128xf32, #tpu.memory_space<vmem>> -> memref<1x80x128xf32, #tpu.memory_space<vmem>>
          %get3A_763 = tpu.memref_squeeze %get3A_762 : memref<1x80x128xf32, #tpu.memory_space<vmem>> -> memref<80x128xf32, #tpu.memory_space<vmem>>
          %get3A_764 = arith.index_cast %add3A_738 : i32 to index
          %get3A_765 = arith.constant 48 : index
          %get3A_766 = tpu.vector_load %get3A_763[%get3A_764, %get3A_765] {strides = array<i32>} : memref<80x128xf32, #tpu.memory_space<vmem>>, vector<16xf32>,
          %get3A_767 = arith.constant 0 : i32
          %get3A_768 = arith.constant 0 : i32
          %get3A_769 = tpu.memref_slice %arg8[%scan3A_87, %get3A_767, %get3A_768] : memref<2x80x128xf32, #tpu.memory_space<vmem>> -> memref<1x80x128xf32, #tpu.memory_space<vmem>>
          %get3A_770 = tpu.memref_squeeze %get3A_769 : memref<1x80x128xf32, #tpu.memory_space<vmem>> -> memref<80x128xf32, #tpu.memory_space<vmem>>
          %get3A_771 = arith.index_cast %add3A_738 : i32 to index
          %get3A_772 = arith.constant 64 : index
          %get3A_773 = tpu.vector_load %get3A_770[%get3A_771, %get3A_772] {strides = array<i32>} : memref<80x128xf32, #tpu.memory_space<vmem>>, vector<16xf32>,
          %get3A_774 = arith.constant 0 : i32
          %get3A_775 = arith.constant 0 : i32
          %get3A_776 = tpu.memref_slice %arg8[%scan3A_87, %get3A_774, %get3A_775] : memref<2x80x128xf32, #tpu.memory_space<vmem>> -> memref<1x80x128xf32, #tpu.memory_space<vmem>>
          %get3A_777 = tpu.memref_squeeze %get3A_776 : memref<1x80x128xf32, #tpu.memory_space<vmem>> -> memref<80x128xf32, #tpu.memory_space<vmem>>
          %get3A_778 = arith.index_cast %add3A_738 : i32 to index
          %get3A_779 = arith.constant 80 : index
          %get3A_780 = tpu.vector_load %get3A_777[%get3A_778, %get3A_779] {strides = array<i32>} : memref<80x128xf32, #tpu.memory_space<vmem>>, vector<16xf32>,
          %get3A_781 = arith.constant 0 : i32
          %get3A_782 = arith.constant 0 : i32
          %get3A_783 = tpu.memref_slice %arg8[%scan3A_87, %get3A_781, %get3A_782] : memref<2x80x128xf32, #tpu.memory_space<vmem>> -> memref<1x80x128xf32, #tpu.memory_space<vmem>>
          %get3A_784 = tpu.memref_squeeze %get3A_783 : memref<1x80x128xf32, #tpu.memory_space<vmem>> -> memref<80x128xf32, #tpu.memory_space<vmem>>
          %get3A_785 = arith.index_cast %add3A_738 : i32 to index
          %get3A_786 = arith.constant 96 : index
          %get3A_787 = tpu.vector_load %get3A_784[%get3A_785, %get3A_786] {strides = array<i32>} : memref<80x128xf32, #tpu.memory_space<vmem>>, vector<16xf32>,
          %get3A_788 = arith.constant 0 : i32
          %get3A_789 = arith.constant 0 : i32
          %get3A_790 = tpu.memref_slice %arg8[%scan3A_87, %get3A_788, %get3A_789] : memref<2x80x128xf32, #tpu.memory_space<vmem>> -> memref<1x80x128xf32, #tpu.memory_space<vmem>>
          %get3A_791 = tpu.memref_squeeze %get3A_790 : memref<1x80x128xf32, #tpu.memory_space<vmem>> -> memref<80x128xf32, #tpu.memory_space<vmem>>
          %get3A_792 = arith.index_cast %add3A_738 : i32 to index
          %get3A_793 = arith.constant 112 : index
          %get3A_794 = tpu.vector_load %get3A_791[%get3A_792, %get3A_793] {strides = array<i32>} : memref<80x128xf32, #tpu.memory_space<vmem>>, vector<16xf32>,
          %get3A_795 = arith.constant 0 : i32
          %get3A_796 = arith.constant 0 : i32
          %get3A_797 = tpu.memref_slice %arg9[%scan3A_88, %get3A_795, %get3A_796] : memref<2x80x128xf32, #tpu.memory_space<vmem>> -> memref<1x80x128xf32, #tpu.memory_space<vmem>>
          %get3A_798 = tpu.memref_squeeze %get3A_797 : memref<1x80x128xf32, #tpu.memory_space<vmem>> -> memref<80x128xf32, #tpu.memory_space<vmem>>
          %get3A_799 = arith.index_cast %add3A_738 : i32 to index
          %get3A_800 = arith.constant 0 : index
          %get3A_801 = tpu.vector_load %get3A_798[%get3A_799, %get3A_800] {strides = array<i32>} : memref<80x128xf32, #tpu.memory_space<vmem>>, vector<16xf32>,
          %get3A_802 = arith.constant 0 : i32
          %get3A_803 = arith.constant 0 : i32
          %get3A_804 = tpu.memref_slice %arg9[%scan3A_88, %get3A_802, %get3A_803] : memref<2x80x128xf32, #tpu.memory_space<vmem>> -> memref<1x80x128xf32, #tpu.memory_space<vmem>>
          %get3A_805 = tpu.memref_squeeze %get3A_804 : memref<1x80x128xf32, #tpu.memory_space<vmem>> -> memref<80x128xf32, #tpu.memory_space<vmem>>
          %get3A_806 = arith.index_cast %add3A_738 : i32 to index
          %get3A_807 = arith.constant 16 : index
          %get3A_808 = tpu.vector_load %get3A_805[%get3A_806, %get3A_807] {strides = array<i32>} : memref<80x128xf32, #tpu.memory_space<vmem>>, vector<16xf32>,
          %get3A_809 = arith.constant 0 : i32
          %get3A_810 = arith.constant 0 : i32
          %get3A_811 = tpu.memref_slice %arg9[%scan3A_88, %get3A_809, %get3A_810] : memref<2x80x128xf32, #tpu.memory_space<vmem>> -> memref<1x80x128xf32, #tpu.memory_space<vmem>>
          %get3A_812 = tpu.memref_squeeze %get3A_811 : memref<1x80x128xf32, #tpu.memory_space<vmem>> -> memref<80x128xf32, #tpu.memory_space<vmem>>
          %get3A_813 = arith.index_cast %add3A_738 : i32 to index
          %get3A_814 = arith.constant 32 : index
          %get3A_815 = tpu.vector_load %get3A_812[%get3A_813, %get3A_814] {strides = array<i32>} : memref<80x128xf32, #tpu.memory_space<vmem>>, vector<16xf32>,
          %get3A_816 = arith.constant 0 : i32
          %get3A_817 = arith.constant 0 : i32
          %get3A_818 = tpu.memref_slice %arg9[%scan3A_88, %get3A_816, %get3A_817] : memref<2x80x128xf32, #tpu.memory_space<vmem>> -> memref<1x80x128xf32, #tpu.memory_space<vmem>>
          %get3A_819 = tpu.memref_squeeze %get3A_818 : memref<1x80x128xf32, #tpu.memory_space<vmem>> -> memref<80x128xf32, #tpu.memory_space<vmem>>
          %get3A_820 = arith.index_cast %add3A_738 : i32 to index
          %get3A_821 = arith.constant 48 : index
          %get3A_822 = tpu.vector_load %get3A_819[%get3A_820, %get3A_821] {strides = array<i32>} : memref<80x128xf32, #tpu.memory_space<vmem>>, vector<16xf32>,
          %get3A_823 = arith.constant 0 : i32
          %get3A_824 = arith.constant 0 : i32
          %get3A_825 = tpu.memref_slice %arg9[%scan3A_88, %get3A_823, %get3A_824] : memref<2x80x128xf32, #tpu.memory_space<vmem>> -> memref<1x80x128xf32, #tpu.memory_space<vmem>>
          %get3A_826 = tpu.memref_squeeze %get3A_825 : memref<1x80x128xf32, #tpu.memory_space<vmem>> -> memref<80x128xf32, #tpu.memory_space<vmem>>
          %get3A_827 = arith.index_cast %add3A_738 : i32 to index
          %get3A_828 = arith.constant 64 : index
          %get3A_829 = tpu.vector_load %get3A_826[%get3A_827, %get3A_828] {strides = array<i32>} : memref<80x128xf32, #tpu.memory_space<vmem>>, vector<16xf32>,
          %get3A_830 = arith.constant 0 : i32
          %get3A_831 = arith.constant 0 : i32
          %get3A_832 = tpu.memref_slice %arg9[%scan3A_88, %get3A_830, %get3A_831] : memref<2x80x128xf32, #tpu.memory_space<vmem>> -> memref<1x80x128xf32, #tpu.memory_space<vmem>>
          %get3A_833 = tpu.memref_squeeze %get3A_832 : memref<1x80x128xf32, #tpu.memory_space<vmem>> -> memref<80x128xf32, #tpu.memory_space<vmem>>
          %get3A_834 = arith.index_cast %add3A_738 : i32 to index
          %get3A_835 = arith.constant 80 : index
          %get3A_836 = tpu.vector_load %get3A_833[%get3A_834, %get3A_835] {strides = array<i32>} : memref<80x128xf32, #tpu.memory_space<vmem>>, vector<16xf32>,
          %get3A_837 = arith.constant 0 : i32
          %get3A_838 = arith.constant 0 : i32
          %get3A_839 = tpu.memref_slice %arg9[%scan3A_88, %get3A_837, %get3A_838] : memref<2x80x128xf32, #tpu.memory_space<vmem>> -> memref<1x80x128xf32, #tpu.memory_space<vmem>>
          %get3A_840 = tpu.memref_squeeze %get3A_839 : memref<1x80x128xf32, #tpu.memory_space<vmem>> -> memref<80x128xf32, #tpu.memory_space<vmem>>
          %get3A_841 = arith.index_cast %add3A_738 : i32 to index
          %get3A_842 = arith.constant 96 : index
          %get3A_843 = tpu.vector_load %get3A_840[%get3A_841, %get3A_842] {strides = array<i32>} : memref<80x128xf32, #tpu.memory_space<vmem>>, vector<16xf32>,
          %get3A_844 = arith.constant 0 : i32
          %get3A_845 = arith.constant 0 : i32
          %get3A_846 = tpu.memref_slice %arg9[%scan3A_88, %get3A_844, %get3A_845] : memref<2x80x128xf32, #tpu.memory_space<vmem>> -> memref<1x80x128xf32, #tpu.memory_space<vmem>>
          %get3A_847 = tpu.memref_squeeze %get3A_846 : memref<1x80x128xf32, #tpu.memory_space<vmem>> -> memref<80x128xf32, #tpu.memory_space<vmem>>
          %get3A_848 = arith.index_cast %add3A_738 : i32 to index
          %get3A_849 = arith.constant 112 : index
          %get3A_850 = tpu.vector_load %get3A_847[%get3A_848, %get3A_849] {strides = array<i32>} : memref<80x128xf32, #tpu.memory_space<vmem>>, vector<16xf32>,
          %mul3A_851 = arith.mulf %get3A_471, %get3A_527 : vector<16xf32>
          %mul3A_852 = arith.mulf %get3A_478, %get3A_534 : vector<16xf32>
          %mul3A_853 = arith.mulf %get3A_485, %get3A_541 : vector<16xf32>
          %mul3A_854 = arith.mulf %get3A_492, %get3A_548 : vector<16xf32>
          %mul3A_855 = arith.mulf %get3A_499, %get3A_555 : vector<16xf32>
          %mul3A_856 = arith.mulf %get3A_506, %get3A_562 : vector<16xf32>
          %mul3A_857 = arith.mulf %get3A_513, %get3A_569 : vector<16xf32>
          %mul3A_858 = arith.mulf %get3A_520, %get3A_576 : vector<16xf32>
          %add3A_859 = arith.addf %mul3A_851, %mul3A_852 : vector<16xf32>
          %add3A_860 = arith.addf %mul3A_853, %mul3A_854 : vector<16xf32>
          %add3A_861 = arith.addf %add3A_859, %add3A_860 : vector<16xf32>
          %add3A_862 = arith.addf %mul3A_855, %mul3A_856 : vector<16xf32>
          %add3A_863 = arith.addf %mul3A_857, %mul3A_858 : vector<16xf32>
          %add3A_864 = arith.addf %add3A_862, %add3A_863 : vector<16xf32>
          %add3A_865 = arith.addf %add3A_861, %add3A_864 : vector<16xf32>
          %mul3A_866 = arith.mulf %mul3A_851, %select_n3A : vector<16xf32>
          %sub3A_867 = arith.subf %mul3A_866, %add3A_865 : vector<16xf32>
          %broadcast_in_dim3A_868 = arith.constant true
          %broadcast_in_dim3A_869 = vector.broadcast %broadcast_in_dim3A_868 : i1 to vector<16xi1>
          %masked_cumsum3A_870 = tpu.scan <sum>, %sub3A_867 masked %broadcast_in_dim3A_869 : vector<16xf32>, vector<16xi1> -> vector<16xf32>
          %add3A_871 = arith.constant 3 : i32
          %add3A_872 = vector.broadcast %add3A_871 : i32 to vector<16xi32>
          %add3A_873 = arith.addi %add3A_100, %add3A_872 : vector<16xi32>
          tpu.vector_store_idx %arg10[%add3A_85, %add3A_873], %masked_cumsum3A_870 masked %eq3A_7 : memref<125x80xf32, #tpu.memory_space<vmem>>[vector<16xi32>, vector<16xi32>], vector<16xf32>, vector<16xi1>
          %add3A_874 = arith.constant 6 : i32
          %add3A_875 = arith.addi %mul3A_96, %add3A_874 : i32
          %get3A_876 = arith.constant 0 : i32
          %get3A_877 = arith.constant 0 : i32
          %get3A_878 = tpu.memref_slice %arg8[%scan3A_87, %get3A_876, %get3A_877] : memref<2x80x128xf32, #tpu.memory_space<vmem>> -> memref<1x80x128xf32, #tpu.memory_space<vmem>>
          %get3A_879 = tpu.memref_squeeze %get3A_878 : memref<1x80x128xf32, #tpu.memory_space<vmem>> -> memref<80x128xf32, #tpu.memory_space<vmem>>
          %get3A_880 = arith.index_cast %add3A_875 : i32 to index
          %get3A_881 = arith.constant 0 : index
          %get3A_882 = tpu.vector_load %get3A_879[%get3A_880, %get3A_881] {strides = array<i32>} : memref<80x128xf32, #tpu.memory_space<vmem>>, vector<16xf32>,
          %get3A_883 = arith.constant 0 : i32
          %get3A_884 = arith.constant 0 : i32
          %get3A_885 = tpu.memref_slice %arg8[%scan3A_87, %get3A_883, %get3A_884] : memref<2x80x128xf32, #tpu.memory_space<vmem>> -> memref<1x80x128xf32, #tpu.memory_space<vmem>>
          %get3A_886 = tpu.memref_squeeze %get3A_885 : memref<1x80x128xf32, #tpu.memory_space<vmem>> -> memref<80x128xf32, #tpu.memory_space<vmem>>
          %get3A_887 = arith.index_cast %add3A_875 : i32 to index
          %get3A_888 = arith.constant 16 : index
          %get3A_889 = tpu.vector_load %get3A_886[%get3A_887, %get3A_888] {strides = array<i32>} : memref<80x128xf32, #tpu.memory_space<vmem>>, vector<16xf32>,
          %get3A_890 = arith.constant 0 : i32
          %get3A_891 = arith.constant 0 : i32
          %get3A_892 = tpu.memref_slice %arg8[%scan3A_87, %get3A_890, %get3A_891] : memref<2x80x128xf32, #tpu.memory_space<vmem>> -> memref<1x80x128xf32, #tpu.memory_space<vmem>>
          %get3A_893 = tpu.memref_squeeze %get3A_892 : memref<1x80x128xf32, #tpu.memory_space<vmem>> -> memref<80x128xf32, #tpu.memory_space<vmem>>
          %get3A_894 = arith.index_cast %add3A_875 : i32 to index
          %get3A_895 = arith.constant 32 : index
          %get3A_896 = tpu.vector_load %get3A_893[%get3A_894, %get3A_895] {strides = array<i32>} : memref<80x128xf32, #tpu.memory_space<vmem>>, vector<16xf32>,
          %get3A_897 = arith.constant 0 : i32
          %get3A_898 = arith.constant 0 : i32
          %get3A_899 = tpu.memref_slice %arg8[%scan3A_87, %get3A_897, %get3A_898] : memref<2x80x128xf32, #tpu.memory_space<vmem>> -> memref<1x80x128xf32, #tpu.memory_space<vmem>>
          %get3A_900 = tpu.memref_squeeze %get3A_899 : memref<1x80x128xf32, #tpu.memory_space<vmem>> -> memref<80x128xf32, #tpu.memory_space<vmem>>
          %get3A_901 = arith.index_cast %add3A_875 : i32 to index
          %get3A_902 = arith.constant 48 : index
          %get3A_903 = tpu.vector_load %get3A_900[%get3A_901, %get3A_902] {strides = array<i32>} : memref<80x128xf32, #tpu.memory_space<vmem>>, vector<16xf32>,
          %get3A_904 = arith.constant 0 : i32
          %get3A_905 = arith.constant 0 : i32
          %get3A_906 = tpu.memref_slice %arg8[%scan3A_87, %get3A_904, %get3A_905] : memref<2x80x128xf32, #tpu.memory_space<vmem>> -> memref<1x80x128xf32, #tpu.memory_space<vmem>>
          %get3A_907 = tpu.memref_squeeze %get3A_906 : memref<1x80x128xf32, #tpu.memory_space<vmem>> -> memref<80x128xf32, #tpu.memory_space<vmem>>
          %get3A_908 = arith.index_cast %add3A_875 : i32 to index
          %get3A_909 = arith.constant 64 : index
          %get3A_910 = tpu.vector_load %get3A_907[%get3A_908, %get3A_909] {strides = array<i32>} : memref<80x128xf32, #tpu.memory_space<vmem>>, vector<16xf32>,
          %get3A_911 = arith.constant 0 : i32
          %get3A_912 = arith.constant 0 : i32
          %get3A_913 = tpu.memref_slice %arg8[%scan3A_87, %get3A_911, %get3A_912] : memref<2x80x128xf32, #tpu.memory_space<vmem>> -> memref<1x80x128xf32, #tpu.memory_space<vmem>>
          %get3A_914 = tpu.memref_squeeze %get3A_913 : memref<1x80x128xf32, #tpu.memory_space<vmem>> -> memref<80x128xf32, #tpu.memory_space<vmem>>
          %get3A_915 = arith.index_cast %add3A_875 : i32 to index
          %get3A_916 = arith.constant 80 : index
          %get3A_917 = tpu.vector_load %get3A_914[%get3A_915, %get3A_916] {strides = array<i32>} : memref<80x128xf32, #tpu.memory_space<vmem>>, vector<16xf32>,
          %get3A_918 = arith.constant 0 : i32
          %get3A_919 = arith.constant 0 : i32
          %get3A_920 = tpu.memref_slice %arg8[%scan3A_87, %get3A_918, %get3A_919] : memref<2x80x128xf32, #tpu.memory_space<vmem>> -> memref<1x80x128xf32, #tpu.memory_space<vmem>>
          %get3A_921 = tpu.memref_squeeze %get3A_920 : memref<1x80x128xf32, #tpu.memory_space<vmem>> -> memref<80x128xf32, #tpu.memory_space<vmem>>
          %get3A_922 = arith.index_cast %add3A_875 : i32 to index
          %get3A_923 = arith.constant 96 : index
          %get3A_924 = tpu.vector_load %get3A_921[%get3A_922, %get3A_923] {strides = array<i32>} : memref<80x128xf32, #tpu.memory_space<vmem>>, vector<16xf32>,
          %get3A_925 = arith.constant 0 : i32
          %get3A_926 = arith.constant 0 : i32
          %get3A_927 = tpu.memref_slice %arg8[%scan3A_87, %get3A_925, %get3A_926] : memref<2x80x128xf32, #tpu.memory_space<vmem>> -> memref<1x80x128xf32, #tpu.memory_space<vmem>>
          %get3A_928 = tpu.memref_squeeze %get3A_927 : memref<1x80x128xf32, #tpu.memory_space<vmem>> -> memref<80x128xf32, #tpu.memory_space<vmem>>
          %get3A_929 = arith.index_cast %add3A_875 : i32 to index
          %get3A_930 = arith.constant 112 : index
          %get3A_931 = tpu.vector_load %get3A_928[%get3A_929, %get3A_930] {strides = array<i32>} : memref<80x128xf32, #tpu.memory_space<vmem>>, vector<16xf32>,
          %get3A_932 = arith.constant 0 : i32
          %get3A_933 = arith.constant 0 : i32
          %get3A_934 = tpu.memref_slice %arg9[%scan3A_88, %get3A_932, %get3A_933] : memref<2x80x128xf32, #tpu.memory_space<vmem>> -> memref<1x80x128xf32, #tpu.memory_space<vmem>>
          %get3A_935 = tpu.memref_squeeze %get3A_934 : memref<1x80x128xf32, #tpu.memory_space<vmem>> -> memref<80x128xf32, #tpu.memory_space<vmem>>
          %get3A_936 = arith.index_cast %add3A_875 : i32 to index
          %get3A_937 = arith.constant 0 : index
          %get3A_938 = tpu.vector_load %get3A_935[%get3A_936, %get3A_937] {strides = array<i32>} : memref<80x128xf32, #tpu.memory_space<vmem>>, vector<16xf32>,
          %get3A_939 = arith.constant 0 : i32
          %get3A_940 = arith.constant 0 : i32
          %get3A_941 = tpu.memref_slice %arg9[%scan3A_88, %get3A_939, %get3A_940] : memref<2x80x128xf32, #tpu.memory_space<vmem>> -> memref<1x80x128xf32, #tpu.memory_space<vmem>>
          %get3A_942 = tpu.memref_squeeze %get3A_941 : memref<1x80x128xf32, #tpu.memory_space<vmem>> -> memref<80x128xf32, #tpu.memory_space<vmem>>
          %get3A_943 = arith.index_cast %add3A_875 : i32 to index
          %get3A_944 = arith.constant 16 : index
          %get3A_945 = tpu.vector_load %get3A_942[%get3A_943, %get3A_944] {strides = array<i32>} : memref<80x128xf32, #tpu.memory_space<vmem>>, vector<16xf32>,
          %get3A_946 = arith.constant 0 : i32
          %get3A_947 = arith.constant 0 : i32
          %get3A_948 = tpu.memref_slice %arg9[%scan3A_88, %get3A_946, %get3A_947] : memref<2x80x128xf32, #tpu.memory_space<vmem>> -> memref<1x80x128xf32, #tpu.memory_space<vmem>>
          %get3A_949 = tpu.memref_squeeze %get3A_948 : memref<1x80x128xf32, #tpu.memory_space<vmem>> -> memref<80x128xf32, #tpu.memory_space<vmem>>
          %get3A_950 = arith.index_cast %add3A_875 : i32 to index
          %get3A_951 = arith.constant 32 : index
          %get3A_952 = tpu.vector_load %get3A_949[%get3A_950, %get3A_951] {strides = array<i32>} : memref<80x128xf32, #tpu.memory_space<vmem>>, vector<16xf32>,
          %get3A_953 = arith.constant 0 : i32
          %get3A_954 = arith.constant 0 : i32
          %get3A_955 = tpu.memref_slice %arg9[%scan3A_88, %get3A_953, %get3A_954] : memref<2x80x128xf32, #tpu.memory_space<vmem>> -> memref<1x80x128xf32, #tpu.memory_space<vmem>>
          %get3A_956 = tpu.memref_squeeze %get3A_955 : memref<1x80x128xf32, #tpu.memory_space<vmem>> -> memref<80x128xf32, #tpu.memory_space<vmem>>
          %get3A_957 = arith.index_cast %add3A_875 : i32 to index
          %get3A_958 = arith.constant 48 : index
          %get3A_959 = tpu.vector_load %get3A_956[%get3A_957, %get3A_958] {strides = array<i32>} : memref<80x128xf32, #tpu.memory_space<vmem>>, vector<16xf32>,
          %get3A_960 = arith.constant 0 : i32
          %get3A_961 = arith.constant 0 : i32
          %get3A_962 = tpu.memref_slice %arg9[%scan3A_88, %get3A_960, %get3A_961] : memref<2x80x128xf32, #tpu.memory_space<vmem>> -> memref<1x80x128xf32, #tpu.memory_space<vmem>>
          %get3A_963 = tpu.memref_squeeze %get3A_962 : memref<1x80x128xf32, #tpu.memory_space<vmem>> -> memref<80x128xf32, #tpu.memory_space<vmem>>
          %get3A_964 = arith.index_cast %add3A_875 : i32 to index
          %get3A_965 = arith.constant 64 : index
          %get3A_966 = tpu.vector_load %get3A_963[%get3A_964, %get3A_965] {strides = array<i32>} : memref<80x128xf32, #tpu.memory_space<vmem>>, vector<16xf32>,
          %get3A_967 = arith.constant 0 : i32
          %get3A_968 = arith.constant 0 : i32
          %get3A_969 = tpu.memref_slice %arg9[%scan3A_88, %get3A_967, %get3A_968] : memref<2x80x128xf32, #tpu.memory_space<vmem>> -> memref<1x80x128xf32, #tpu.memory_space<vmem>>
          %get3A_970 = tpu.memref_squeeze %get3A_969 : memref<1x80x128xf32, #tpu.memory_space<vmem>> -> memref<80x128xf32, #tpu.memory_space<vmem>>
          %get3A_971 = arith.index_cast %add3A_875 : i32 to index
          %get3A_972 = arith.constant 80 : index
          %get3A_973 = tpu.vector_load %get3A_970[%get3A_971, %get3A_972] {strides = array<i32>} : memref<80x128xf32, #tpu.memory_space<vmem>>, vector<16xf32>,
          %get3A_974 = arith.constant 0 : i32
          %get3A_975 = arith.constant 0 : i32
          %get3A_976 = tpu.memref_slice %arg9[%scan3A_88, %get3A_974, %get3A_975] : memref<2x80x128xf32, #tpu.memory_space<vmem>> -> memref<1x80x128xf32, #tpu.memory_space<vmem>>
          %get3A_977 = tpu.memref_squeeze %get3A_976 : memref<1x80x128xf32, #tpu.memory_space<vmem>> -> memref<80x128xf32, #tpu.memory_space<vmem>>
          %get3A_978 = arith.index_cast %add3A_875 : i32 to index
          %get3A_979 = arith.constant 96 : index
          %get3A_980 = tpu.vector_load %get3A_977[%get3A_978, %get3A_979] {strides = array<i32>} : memref<80x128xf32, #tpu.memory_space<vmem>>, vector<16xf32>,
          %get3A_981 = arith.constant 0 : i32
          %get3A_982 = arith.constant 0 : i32
          %get3A_983 = tpu.memref_slice %arg9[%scan3A_88, %get3A_981, %get3A_982] : memref<2x80x128xf32, #tpu.memory_space<vmem>> -> memref<1x80x128xf32, #tpu.memory_space<vmem>>
          %get3A_984 = tpu.memref_squeeze %get3A_983 : memref<1x80x128xf32, #tpu.memory_space<vmem>> -> memref<80x128xf32, #tpu.memory_space<vmem>>
          %get3A_985 = arith.index_cast %add3A_875 : i32 to index
          %get3A_986 = arith.constant 112 : index
          %get3A_987 = tpu.vector_load %get3A_984[%get3A_985, %get3A_986] {strides = array<i32>} : memref<80x128xf32, #tpu.memory_space<vmem>>, vector<16xf32>,
          %mul3A_988 = arith.mulf %get3A_608, %get3A_664 : vector<16xf32>
          %mul3A_989 = arith.mulf %get3A_615, %get3A_671 : vector<16xf32>
          %mul3A_990 = arith.mulf %get3A_622, %get3A_678 : vector<16xf32>
          %mul3A_991 = arith.mulf %get3A_629, %get3A_685 : vector<16xf32>
          %mul3A_992 = arith.mulf %get3A_636, %get3A_692 : vector<16xf32>
          %mul3A_993 = arith.mulf %get3A_643, %get3A_699 : vector<16xf32>
          %mul3A_994 = arith.mulf %get3A_650, %get3A_706 : vector<16xf32>
          %mul3A_995 = arith.mulf %get3A_657, %get3A_713 : vector<16xf32>
          %add3A_996 = arith.addf %mul3A_988, %mul3A_989 : vector<16xf32>
          %add3A_997 = arith.addf %mul3A_990, %mul3A_991 : vector<16xf32>
          %add3A_998 = arith.addf %add3A_996, %add3A_997 : vector<16xf32>
          %add3A_999 = arith.addf %mul3A_992, %mul3A_993 : vector<16xf32>
          %add3A_1000 = arith.addf %mul3A_994, %mul3A_995 : vector<16xf32>
          %add3A_1001 = arith.addf %add3A_999, %add3A_1000 : vector<16xf32>
          %add3A_1002 = arith.addf %add3A_998, %add3A_1001 : vector<16xf32>
          %mul3A_1003 = arith.mulf %mul3A_988, %select_n3A : vector<16xf32>
          %sub3A_1004 = arith.subf %mul3A_1003, %add3A_1002 : vector<16xf32>
          %broadcast_in_dim3A_1005 = arith.constant true
          %broadcast_in_dim3A_1006 = vector.broadcast %broadcast_in_dim3A_1005 : i1 to vector<16xi1>
          %masked_cumsum3A_1007 = tpu.scan <sum>, %sub3A_1004 masked %broadcast_in_dim3A_1006 : vector<16xf32>, vector<16xi1> -> vector<16xf32>
          %add3A_1008 = arith.constant 4 : i32
          %add3A_1009 = vector.broadcast %add3A_1008 : i32 to vector<16xi32>
          %add3A_1010 = arith.addi %add3A_100, %add3A_1009 : vector<16xi32>
          tpu.vector_store_idx %arg10[%add3A_85, %add3A_1010], %masked_cumsum3A_1007 masked %eq3A_7 : memref<125x80xf32, #tpu.memory_space<vmem>>[vector<16xi32>, vector<16xi32>], vector<16xf32>, vector<16xi1>
          %add3A_1011 = arith.constant 7 : i32
          %add3A_1012 = arith.addi %mul3A_96, %add3A_1011 : i32
          %get3A_1013 = arith.constant 0 : i32
          %get3A_1014 = arith.constant 0 : i32
          %get3A_1015 = tpu.memref_slice %arg8[%scan3A_87, %get3A_1013, %get3A_1014] : memref<2x80x128xf32, #tpu.memory_space<vmem>> -> memref<1x80x128xf32, #tpu.memory_space<vmem>>
          %get3A_1016 = tpu.memref_squeeze %get3A_1015 : memref<1x80x128xf32, #tpu.memory_space<vmem>> -> memref<80x128xf32, #tpu.memory_space<vmem>>
          %get3A_1017 = arith.index_cast %add3A_1012 : i32 to index
          %get3A_1018 = arith.constant 0 : index
          %get3A_1019 = tpu.vector_load %get3A_1016[%get3A_1017, %get3A_1018] {strides = array<i32>} : memref<80x128xf32, #tpu.memory_space<vmem>>, vector<16xf32>,
          %get3A_1020 = arith.constant 0 : i32
          %get3A_1021 = arith.constant 0 : i32
          %get3A_1022 = tpu.memref_slice %arg8[%scan3A_87, %get3A_1020, %get3A_1021] : memref<2x80x128xf32, #tpu.memory_space<vmem>> -> memref<1x80x128xf32, #tpu.memory_space<vmem>>
          %get3A_1023 = tpu.memref_squeeze %get3A_1022 : memref<1x80x128xf32, #tpu.memory_space<vmem>> -> memref<80x128xf32, #tpu.memory_space<vmem>>
          %get3A_1024 = arith.index_cast %add3A_1012 : i32 to index
          %get3A_1025 = arith.constant 16 : index
          %get3A_1026 = tpu.vector_load %get3A_1023[%get3A_1024, %get3A_1025] {strides = array<i32>} : memref<80x128xf32, #tpu.memory_space<vmem>>, vector<16xf32>,
          %get3A_1027 = arith.constant 0 : i32
          %get3A_1028 = arith.constant 0 : i32
          %get3A_1029 = tpu.memref_slice %arg8[%scan3A_87, %get3A_1027, %get3A_1028] : memref<2x80x128xf32, #tpu.memory_space<vmem>> -> memref<1x80x128xf32, #tpu.memory_space<vmem>>
          %get3A_1030 = tpu.memref_squeeze %get3A_1029 : memref<1x80x128xf32, #tpu.memory_space<vmem>> -> memref<80x128xf32, #tpu.memory_space<vmem>>
          %get3A_1031 = arith.index_cast %add3A_1012 : i32 to index
          %get3A_1032 = arith.constant 32 : index
          %get3A_1033 = tpu.vector_load %get3A_1030[%get3A_1031, %get3A_1032] {strides = array<i32>} : memref<80x128xf32, #tpu.memory_space<vmem>>, vector<16xf32>,
          %get3A_1034 = arith.constant 0 : i32
          %get3A_1035 = arith.constant 0 : i32
          %get3A_1036 = tpu.memref_slice %arg8[%scan3A_87, %get3A_1034, %get3A_1035] : memref<2x80x128xf32, #tpu.memory_space<vmem>> -> memref<1x80x128xf32, #tpu.memory_space<vmem>>
          %get3A_1037 = tpu.memref_squeeze %get3A_1036 : memref<1x80x128xf32, #tpu.memory_space<vmem>> -> memref<80x128xf32, #tpu.memory_space<vmem>>
          %get3A_1038 = arith.index_cast %add3A_1012 : i32 to index
          %get3A_1039 = arith.constant 48 : index
          %get3A_1040 = tpu.vector_load %get3A_1037[%get3A_1038, %get3A_1039] {strides = array<i32>} : memref<80x128xf32, #tpu.memory_space<vmem>>, vector<16xf32>,
          %get3A_1041 = arith.constant 0 : i32
          %get3A_1042 = arith.constant 0 : i32
          %get3A_1043 = tpu.memref_slice %arg8[%scan3A_87, %get3A_1041, %get3A_1042] : memref<2x80x128xf32, #tpu.memory_space<vmem>> -> memref<1x80x128xf32, #tpu.memory_space<vmem>>
          %get3A_1044 = tpu.memref_squeeze %get3A_1043 : memref<1x80x128xf32, #tpu.memory_space<vmem>> -> memref<80x128xf32, #tpu.memory_space<vmem>>
          %get3A_1045 = arith.index_cast %add3A_1012 : i32 to index
          %get3A_1046 = arith.constant 64 : index
          %get3A_1047 = tpu.vector_load %get3A_1044[%get3A_1045, %get3A_1046] {strides = array<i32>} : memref<80x128xf32, #tpu.memory_space<vmem>>, vector<16xf32>,
          %get3A_1048 = arith.constant 0 : i32
          %get3A_1049 = arith.constant 0 : i32
          %get3A_1050 = tpu.memref_slice %arg8[%scan3A_87, %get3A_1048, %get3A_1049] : memref<2x80x128xf32, #tpu.memory_space<vmem>> -> memref<1x80x128xf32, #tpu.memory_space<vmem>>
          %get3A_1051 = tpu.memref_squeeze %get3A_1050 : memref<1x80x128xf32, #tpu.memory_space<vmem>> -> memref<80x128xf32, #tpu.memory_space<vmem>>
          %get3A_1052 = arith.index_cast %add3A_1012 : i32 to index
          %get3A_1053 = arith.constant 80 : index
          %get3A_1054 = tpu.vector_load %get3A_1051[%get3A_1052, %get3A_1053] {strides = array<i32>} : memref<80x128xf32, #tpu.memory_space<vmem>>, vector<16xf32>,
          %get3A_1055 = arith.constant 0 : i32
          %get3A_1056 = arith.constant 0 : i32
          %get3A_1057 = tpu.memref_slice %arg8[%scan3A_87, %get3A_1055, %get3A_1056] : memref<2x80x128xf32, #tpu.memory_space<vmem>> -> memref<1x80x128xf32, #tpu.memory_space<vmem>>
          %get3A_1058 = tpu.memref_squeeze %get3A_1057 : memref<1x80x128xf32, #tpu.memory_space<vmem>> -> memref<80x128xf32, #tpu.memory_space<vmem>>
          %get3A_1059 = arith.index_cast %add3A_1012 : i32 to index
          %get3A_1060 = arith.constant 96 : index
          %get3A_1061 = tpu.vector_load %get3A_1058[%get3A_1059, %get3A_1060] {strides = array<i32>} : memref<80x128xf32, #tpu.memory_space<vmem>>, vector<16xf32>,
          %get3A_1062 = arith.constant 0 : i32
          %get3A_1063 = arith.constant 0 : i32
          %get3A_1064 = tpu.memref_slice %arg8[%scan3A_87, %get3A_1062, %get3A_1063] : memref<2x80x128xf32, #tpu.memory_space<vmem>> -> memref<1x80x128xf32, #tpu.memory_space<vmem>>
          %get3A_1065 = tpu.memref_squeeze %get3A_1064 : memref<1x80x128xf32, #tpu.memory_space<vmem>> -> memref<80x128xf32, #tpu.memory_space<vmem>>
          %get3A_1066 = arith.index_cast %add3A_1012 : i32 to index
          %get3A_1067 = arith.constant 112 : index
          %get3A_1068 = tpu.vector_load %get3A_1065[%get3A_1066, %get3A_1067] {strides = array<i32>} : memref<80x128xf32, #tpu.memory_space<vmem>>, vector<16xf32>,
          %get3A_1069 = arith.constant 0 : i32
          %get3A_1070 = arith.constant 0 : i32
          %get3A_1071 = tpu.memref_slice %arg9[%scan3A_88, %get3A_1069, %get3A_1070] : memref<2x80x128xf32, #tpu.memory_space<vmem>> -> memref<1x80x128xf32, #tpu.memory_space<vmem>>
          %get3A_1072 = tpu.memref_squeeze %get3A_1071 : memref<1x80x128xf32, #tpu.memory_space<vmem>> -> memref<80x128xf32, #tpu.memory_space<vmem>>
          %get3A_1073 = arith.index_cast %add3A_1012 : i32 to index
          %get3A_1074 = arith.constant 0 : index
          %get3A_1075 = tpu.vector_load %get3A_1072[%get3A_1073, %get3A_1074] {strides = array<i32>} : memref<80x128xf32, #tpu.memory_space<vmem>>, vector<16xf32>,
          %get3A_1076 = arith.constant 0 : i32
          %get3A_1077 = arith.constant 0 : i32
          %get3A_1078 = tpu.memref_slice %arg9[%scan3A_88, %get3A_1076, %get3A_1077] : memref<2x80x128xf32, #tpu.memory_space<vmem>> -> memref<1x80x128xf32, #tpu.memory_space<vmem>>
          %get3A_1079 = tpu.memref_squeeze %get3A_1078 : memref<1x80x128xf32, #tpu.memory_space<vmem>> -> memref<80x128xf32, #tpu.memory_space<vmem>>
          %get3A_1080 = arith.index_cast %add3A_1012 : i32 to index
          %get3A_1081 = arith.constant 16 : index
          %get3A_1082 = tpu.vector_load %get3A_1079[%get3A_1080, %get3A_1081] {strides = array<i32>} : memref<80x128xf32, #tpu.memory_space<vmem>>, vector<16xf32>,
          %get3A_1083 = arith.constant 0 : i32
          %get3A_1084 = arith.constant 0 : i32
          %get3A_1085 = tpu.memref_slice %arg9[%scan3A_88, %get3A_1083, %get3A_1084] : memref<2x80x128xf32, #tpu.memory_space<vmem>> -> memref<1x80x128xf32, #tpu.memory_space<vmem>>
          %get3A_1086 = tpu.memref_squeeze %get3A_1085 : memref<1x80x128xf32, #tpu.memory_space<vmem>> -> memref<80x128xf32, #tpu.memory_space<vmem>>
          %get3A_1087 = arith.index_cast %add3A_1012 : i32 to index
          %get3A_1088 = arith.constant 32 : index
          %get3A_1089 = tpu.vector_load %get3A_1086[%get3A_1087, %get3A_1088] {strides = array<i32>} : memref<80x128xf32, #tpu.memory_space<vmem>>, vector<16xf32>,
          %get3A_1090 = arith.constant 0 : i32
          %get3A_1091 = arith.constant 0 : i32
          %get3A_1092 = tpu.memref_slice %arg9[%scan3A_88, %get3A_1090, %get3A_1091] : memref<2x80x128xf32, #tpu.memory_space<vmem>> -> memref<1x80x128xf32, #tpu.memory_space<vmem>>
          %get3A_1093 = tpu.memref_squeeze %get3A_1092 : memref<1x80x128xf32, #tpu.memory_space<vmem>> -> memref<80x128xf32, #tpu.memory_space<vmem>>
          %get3A_1094 = arith.index_cast %add3A_1012 : i32 to index
          %get3A_1095 = arith.constant 48 : index
          %get3A_1096 = tpu.vector_load %get3A_1093[%get3A_1094, %get3A_1095] {strides = array<i32>} : memref<80x128xf32, #tpu.memory_space<vmem>>, vector<16xf32>,
          %get3A_1097 = arith.constant 0 : i32
          %get3A_1098 = arith.constant 0 : i32
          %get3A_1099 = tpu.memref_slice %arg9[%scan3A_88, %get3A_1097, %get3A_1098] : memref<2x80x128xf32, #tpu.memory_space<vmem>> -> memref<1x80x128xf32, #tpu.memory_space<vmem>>
          %get3A_1100 = tpu.memref_squeeze %get3A_1099 : memref<1x80x128xf32, #tpu.memory_space<vmem>> -> memref<80x128xf32, #tpu.memory_space<vmem>>
          %get3A_1101 = arith.index_cast %add3A_1012 : i32 to index
          %get3A_1102 = arith.constant 64 : index
          %get3A_1103 = tpu.vector_load %get3A_1100[%get3A_1101, %get3A_1102] {strides = array<i32>} : memref<80x128xf32, #tpu.memory_space<vmem>>, vector<16xf32>,
          %get3A_1104 = arith.constant 0 : i32
          %get3A_1105 = arith.constant 0 : i32
          %get3A_1106 = tpu.memref_slice %arg9[%scan3A_88, %get3A_1104, %get3A_1105] : memref<2x80x128xf32, #tpu.memory_space<vmem>> -> memref<1x80x128xf32, #tpu.memory_space<vmem>>
          %get3A_1107 = tpu.memref_squeeze %get3A_1106 : memref<1x80x128xf32, #tpu.memory_space<vmem>> -> memref<80x128xf32, #tpu.memory_space<vmem>>
          %get3A_1108 = arith.index_cast %add3A_1012 : i32 to index
          %get3A_1109 = arith.constant 80 : index
          %get3A_1110 = tpu.vector_load %get3A_1107[%get3A_1108, %get3A_1109] {strides = array<i32>} : memref<80x128xf32, #tpu.memory_space<vmem>>, vector<16xf32>,
          %get3A_1111 = arith.constant 0 : i32
          %get3A_1112 = arith.constant 0 : i32
          %get3A_1113 = tpu.memref_slice %arg9[%scan3A_88, %get3A_1111, %get3A_1112] : memref<2x80x128xf32, #tpu.memory_space<vmem>> -> memref<1x80x128xf32, #tpu.memory_space<vmem>>
          %get3A_1114 = tpu.memref_squeeze %get3A_1113 : memref<1x80x128xf32, #tpu.memory_space<vmem>> -> memref<80x128xf32, #tpu.memory_space<vmem>>
          %get3A_1115 = arith.index_cast %add3A_1012 : i32 to index
          %get3A_1116 = arith.constant 96 : index
          %get3A_1117 = tpu.vector_load %get3A_1114[%get3A_1115, %get3A_1116] {strides = array<i32>} : memref<80x128xf32, #tpu.memory_space<vmem>>, vector<16xf32>,
          %get3A_1118 = arith.constant 0 : i32
          %get3A_1119 = arith.constant 0 : i32
          %get3A_1120 = tpu.memref_slice %arg9[%scan3A_88, %get3A_1118, %get3A_1119] : memref<2x80x128xf32, #tpu.memory_space<vmem>> -> memref<1x80x128xf32, #tpu.memory_space<vmem>>
          %get3A_1121 = tpu.memref_squeeze %get3A_1120 : memref<1x80x128xf32, #tpu.memory_space<vmem>> -> memref<80x128xf32, #tpu.memory_space<vmem>>
          %get3A_1122 = arith.index_cast %add3A_1012 : i32 to index
          %get3A_1123 = arith.constant 112 : index
          %get3A_1124 = tpu.vector_load %get3A_1121[%get3A_1122, %get3A_1123] {strides = array<i32>} : memref<80x128xf32, #tpu.memory_space<vmem>>, vector<16xf32>,
          %mul3A_1125 = arith.mulf %get3A_745, %get3A_801 : vector<16xf32>
          %mul3A_1126 = arith.mulf %get3A_752, %get3A_808 : vector<16xf32>
          %mul3A_1127 = arith.mulf %get3A_759, %get3A_815 : vector<16xf32>
          %mul3A_1128 = arith.mulf %get3A_766, %get3A_822 : vector<16xf32>
          %mul3A_1129 = arith.mulf %get3A_773, %get3A_829 : vector<16xf32>
          %mul3A_1130 = arith.mulf %get3A_780, %get3A_836 : vector<16xf32>
          %mul3A_1131 = arith.mulf %get3A_787, %get3A_843 : vector<16xf32>
          %mul3A_1132 = arith.mulf %get3A_794, %get3A_850 : vector<16xf32>
          %add3A_1133 = arith.addf %mul3A_1125, %mul3A_1126 : vector<16xf32>
          %add3A_1134 = arith.addf %mul3A_1127, %mul3A_1128 : vector<16xf32>
          %add3A_1135 = arith.addf %add3A_1133, %add3A_1134 : vector<16xf32>
          %add3A_1136 = arith.addf %mul3A_1129, %mul3A_1130 : vector<16xf32>
          %add3A_1137 = arith.addf %mul3A_1131, %mul3A_1132 : vector<16xf32>
          %add3A_1138 = arith.addf %add3A_1136, %add3A_1137 : vector<16xf32>
          %add3A_1139 = arith.addf %add3A_1135, %add3A_1138 : vector<16xf32>
          %mul3A_1140 = arith.mulf %mul3A_1125, %select_n3A : vector<16xf32>
          %sub3A_1141 = arith.subf %mul3A_1140, %add3A_1139 : vector<16xf32>
          %broadcast_in_dim3A_1142 = arith.constant true
          %broadcast_in_dim3A_1143 = vector.broadcast %broadcast_in_dim3A_1142 : i1 to vector<16xi1>
          %masked_cumsum3A_1144 = tpu.scan <sum>, %sub3A_1141 masked %broadcast_in_dim3A_1143 : vector<16xf32>, vector<16xi1> -> vector<16xf32>
          %add3A_1145 = arith.constant 5 : i32
          %add3A_1146 = vector.broadcast %add3A_1145 : i32 to vector<16xi32>
          %add3A_1147 = arith.addi %add3A_100, %add3A_1146 : vector<16xi32>
          tpu.vector_store_idx %arg10[%add3A_85, %add3A_1147], %masked_cumsum3A_1144 masked %eq3A_7 : memref<125x80xf32, #tpu.memory_space<vmem>>[vector<16xi32>, vector<16xi32>], vector<16xf32>, vector<16xi1>
          %add3A_1148 = arith.constant 8 : i32
          %add3A_1149 = arith.addi %mul3A_96, %add3A_1148 : i32
          %get3A_1150 = arith.constant 0 : i32
          %get3A_1151 = arith.constant 0 : i32
          %get3A_1152 = tpu.memref_slice %arg8[%scan3A_87, %get3A_1150, %get3A_1151] : memref<2x80x128xf32, #tpu.memory_space<vmem>> -> memref<1x80x128xf32, #tpu.memory_space<vmem>>
          %get3A_1153 = tpu.memref_squeeze %get3A_1152 : memref<1x80x128xf32, #tpu.memory_space<vmem>> -> memref<80x128xf32, #tpu.memory_space<vmem>>
          %get3A_1154 = arith.index_cast %add3A_1149 : i32 to index
          %get3A_1155 = arith.constant 0 : index
          %get3A_1156 = tpu.vector_load %get3A_1153[%get3A_1154, %get3A_1155] {strides = array<i32>} : memref<80x128xf32, #tpu.memory_space<vmem>>, vector<16xf32>,
          %get3A_1157 = arith.constant 0 : i32
          %get3A_1158 = arith.constant 0 : i32
          %get3A_1159 = tpu.memref_slice %arg8[%scan3A_87, %get3A_1157, %get3A_1158] : memref<2x80x128xf32, #tpu.memory_space<vmem>> -> memref<1x80x128xf32, #tpu.memory_space<vmem>>
          %get3A_1160 = tpu.memref_squeeze %get3A_1159 : memref<1x80x128xf32, #tpu.memory_space<vmem>> -> memref<80x128xf32, #tpu.memory_space<vmem>>
          %get3A_1161 = arith.index_cast %add3A_1149 : i32 to index
          %get3A_1162 = arith.constant 16 : index
          %get3A_1163 = tpu.vector_load %get3A_1160[%get3A_1161, %get3A_1162] {strides = array<i32>} : memref<80x128xf32, #tpu.memory_space<vmem>>, vector<16xf32>,
          %get3A_1164 = arith.constant 0 : i32
          %get3A_1165 = arith.constant 0 : i32
          %get3A_1166 = tpu.memref_slice %arg8[%scan3A_87, %get3A_1164, %get3A_1165] : memref<2x80x128xf32, #tpu.memory_space<vmem>> -> memref<1x80x128xf32, #tpu.memory_space<vmem>>
          %get3A_1167 = tpu.memref_squeeze %get3A_1166 : memref<1x80x128xf32, #tpu.memory_space<vmem>> -> memref<80x128xf32, #tpu.memory_space<vmem>>
          %get3A_1168 = arith.index_cast %add3A_1149 : i32 to index
          %get3A_1169 = arith.constant 32 : index
          %get3A_1170 = tpu.vector_load %get3A_1167[%get3A_1168, %get3A_1169] {strides = array<i32>} : memref<80x128xf32, #tpu.memory_space<vmem>>, vector<16xf32>,
          %get3A_1171 = arith.constant 0 : i32
          %get3A_1172 = arith.constant 0 : i32
          %get3A_1173 = tpu.memref_slice %arg8[%scan3A_87, %get3A_1171, %get3A_1172] : memref<2x80x128xf32, #tpu.memory_space<vmem>> -> memref<1x80x128xf32, #tpu.memory_space<vmem>>
          %get3A_1174 = tpu.memref_squeeze %get3A_1173 : memref<1x80x128xf32, #tpu.memory_space<vmem>> -> memref<80x128xf32, #tpu.memory_space<vmem>>
          %get3A_1175 = arith.index_cast %add3A_1149 : i32 to index
          %get3A_1176 = arith.constant 48 : index
          %get3A_1177 = tpu.vector_load %get3A_1174[%get3A_1175, %get3A_1176] {strides = array<i32>} : memref<80x128xf32, #tpu.memory_space<vmem>>, vector<16xf32>,
          %get3A_1178 = arith.constant 0 : i32
          %get3A_1179 = arith.constant 0 : i32
          %get3A_1180 = tpu.memref_slice %arg8[%scan3A_87, %get3A_1178, %get3A_1179] : memref<2x80x128xf32, #tpu.memory_space<vmem>> -> memref<1x80x128xf32, #tpu.memory_space<vmem>>
          %get3A_1181 = tpu.memref_squeeze %get3A_1180 : memref<1x80x128xf32, #tpu.memory_space<vmem>> -> memref<80x128xf32, #tpu.memory_space<vmem>>
          %get3A_1182 = arith.index_cast %add3A_1149 : i32 to index
          %get3A_1183 = arith.constant 64 : index
          %get3A_1184 = tpu.vector_load %get3A_1181[%get3A_1182, %get3A_1183] {strides = array<i32>} : memref<80x128xf32, #tpu.memory_space<vmem>>, vector<16xf32>,
          %get3A_1185 = arith.constant 0 : i32
          %get3A_1186 = arith.constant 0 : i32
          %get3A_1187 = tpu.memref_slice %arg8[%scan3A_87, %get3A_1185, %get3A_1186] : memref<2x80x128xf32, #tpu.memory_space<vmem>> -> memref<1x80x128xf32, #tpu.memory_space<vmem>>
          %get3A_1188 = tpu.memref_squeeze %get3A_1187 : memref<1x80x128xf32, #tpu.memory_space<vmem>> -> memref<80x128xf32, #tpu.memory_space<vmem>>
          %get3A_1189 = arith.index_cast %add3A_1149 : i32 to index
          %get3A_1190 = arith.constant 80 : index
          %get3A_1191 = tpu.vector_load %get3A_1188[%get3A_1189, %get3A_1190] {strides = array<i32>} : memref<80x128xf32, #tpu.memory_space<vmem>>, vector<16xf32>,
          %get3A_1192 = arith.constant 0 : i32
          %get3A_1193 = arith.constant 0 : i32
          %get3A_1194 = tpu.memref_slice %arg8[%scan3A_87, %get3A_1192, %get3A_1193] : memref<2x80x128xf32, #tpu.memory_space<vmem>> -> memref<1x80x128xf32, #tpu.memory_space<vmem>>
          %get3A_1195 = tpu.memref_squeeze %get3A_1194 : memref<1x80x128xf32, #tpu.memory_space<vmem>> -> memref<80x128xf32, #tpu.memory_space<vmem>>
          %get3A_1196 = arith.index_cast %add3A_1149 : i32 to index
          %get3A_1197 = arith.constant 96 : index
          %get3A_1198 = tpu.vector_load %get3A_1195[%get3A_1196, %get3A_1197] {strides = array<i32>} : memref<80x128xf32, #tpu.memory_space<vmem>>, vector<16xf32>,
          %get3A_1199 = arith.constant 0 : i32
          %get3A_1200 = arith.constant 0 : i32
          %get3A_1201 = tpu.memref_slice %arg8[%scan3A_87, %get3A_1199, %get3A_1200] : memref<2x80x128xf32, #tpu.memory_space<vmem>> -> memref<1x80x128xf32, #tpu.memory_space<vmem>>
          %get3A_1202 = tpu.memref_squeeze %get3A_1201 : memref<1x80x128xf32, #tpu.memory_space<vmem>> -> memref<80x128xf32, #tpu.memory_space<vmem>>
          %get3A_1203 = arith.index_cast %add3A_1149 : i32 to index
          %get3A_1204 = arith.constant 112 : index
          %get3A_1205 = tpu.vector_load %get3A_1202[%get3A_1203, %get3A_1204] {strides = array<i32>} : memref<80x128xf32, #tpu.memory_space<vmem>>, vector<16xf32>,
          %get3A_1206 = arith.constant 0 : i32
          %get3A_1207 = arith.constant 0 : i32
          %get3A_1208 = tpu.memref_slice %arg9[%scan3A_88, %get3A_1206, %get3A_1207] : memref<2x80x128xf32, #tpu.memory_space<vmem>> -> memref<1x80x128xf32, #tpu.memory_space<vmem>>
          %get3A_1209 = tpu.memref_squeeze %get3A_1208 : memref<1x80x128xf32, #tpu.memory_space<vmem>> -> memref<80x128xf32, #tpu.memory_space<vmem>>
          %get3A_1210 = arith.index_cast %add3A_1149 : i32 to index
          %get3A_1211 = arith.constant 0 : index
          %get3A_1212 = tpu.vector_load %get3A_1209[%get3A_1210, %get3A_1211] {strides = array<i32>} : memref<80x128xf32, #tpu.memory_space<vmem>>, vector<16xf32>,
          %get3A_1213 = arith.constant 0 : i32
          %get3A_1214 = arith.constant 0 : i32
          %get3A_1215 = tpu.memref_slice %arg9[%scan3A_88, %get3A_1213, %get3A_1214] : memref<2x80x128xf32, #tpu.memory_space<vmem>> -> memref<1x80x128xf32, #tpu.memory_space<vmem>>
          %get3A_1216 = tpu.memref_squeeze %get3A_1215 : memref<1x80x128xf32, #tpu.memory_space<vmem>> -> memref<80x128xf32, #tpu.memory_space<vmem>>
          %get3A_1217 = arith.index_cast %add3A_1149 : i32 to index
          %get3A_1218 = arith.constant 16 : index
          %get3A_1219 = tpu.vector_load %get3A_1216[%get3A_1217, %get3A_1218] {strides = array<i32>} : memref<80x128xf32, #tpu.memory_space<vmem>>, vector<16xf32>,
          %get3A_1220 = arith.constant 0 : i32
          %get3A_1221 = arith.constant 0 : i32
          %get3A_1222 = tpu.memref_slice %arg9[%scan3A_88, %get3A_1220, %get3A_1221] : memref<2x80x128xf32, #tpu.memory_space<vmem>> -> memref<1x80x128xf32, #tpu.memory_space<vmem>>
          %get3A_1223 = tpu.memref_squeeze %get3A_1222 : memref<1x80x128xf32, #tpu.memory_space<vmem>> -> memref<80x128xf32, #tpu.memory_space<vmem>>
          %get3A_1224 = arith.index_cast %add3A_1149 : i32 to index
          %get3A_1225 = arith.constant 32 : index
          %get3A_1226 = tpu.vector_load %get3A_1223[%get3A_1224, %get3A_1225] {strides = array<i32>} : memref<80x128xf32, #tpu.memory_space<vmem>>, vector<16xf32>,
          %get3A_1227 = arith.constant 0 : i32
          %get3A_1228 = arith.constant 0 : i32
          %get3A_1229 = tpu.memref_slice %arg9[%scan3A_88, %get3A_1227, %get3A_1228] : memref<2x80x128xf32, #tpu.memory_space<vmem>> -> memref<1x80x128xf32, #tpu.memory_space<vmem>>
          %get3A_1230 = tpu.memref_squeeze %get3A_1229 : memref<1x80x128xf32, #tpu.memory_space<vmem>> -> memref<80x128xf32, #tpu.memory_space<vmem>>
          %get3A_1231 = arith.index_cast %add3A_1149 : i32 to index
          %get3A_1232 = arith.constant 48 : index
          %get3A_1233 = tpu.vector_load %get3A_1230[%get3A_1231, %get3A_1232] {strides = array<i32>} : memref<80x128xf32, #tpu.memory_space<vmem>>, vector<16xf32>,
          %get3A_1234 = arith.constant 0 : i32
          %get3A_1235 = arith.constant 0 : i32
          %get3A_1236 = tpu.memref_slice %arg9[%scan3A_88, %get3A_1234, %get3A_1235] : memref<2x80x128xf32, #tpu.memory_space<vmem>> -> memref<1x80x128xf32, #tpu.memory_space<vmem>>
          %get3A_1237 = tpu.memref_squeeze %get3A_1236 : memref<1x80x128xf32, #tpu.memory_space<vmem>> -> memref<80x128xf32, #tpu.memory_space<vmem>>
          %get3A_1238 = arith.index_cast %add3A_1149 : i32 to index
          %get3A_1239 = arith.constant 64 : index
          %get3A_1240 = tpu.vector_load %get3A_1237[%get3A_1238, %get3A_1239] {strides = array<i32>} : memref<80x128xf32, #tpu.memory_space<vmem>>, vector<16xf32>,
          %get3A_1241 = arith.constant 0 : i32
          %get3A_1242 = arith.constant 0 : i32
          %get3A_1243 = tpu.memref_slice %arg9[%scan3A_88, %get3A_1241, %get3A_1242] : memref<2x80x128xf32, #tpu.memory_space<vmem>> -> memref<1x80x128xf32, #tpu.memory_space<vmem>>
          %get3A_1244 = tpu.memref_squeeze %get3A_1243 : memref<1x80x128xf32, #tpu.memory_space<vmem>> -> memref<80x128xf32, #tpu.memory_space<vmem>>
          %get3A_1245 = arith.index_cast %add3A_1149 : i32 to index
          %get3A_1246 = arith.constant 80 : index
          %get3A_1247 = tpu.vector_load %get3A_1244[%get3A_1245, %get3A_1246] {strides = array<i32>} : memref<80x128xf32, #tpu.memory_space<vmem>>, vector<16xf32>,
          %get3A_1248 = arith.constant 0 : i32
          %get3A_1249 = arith.constant 0 : i32
          %get3A_1250 = tpu.memref_slice %arg9[%scan3A_88, %get3A_1248, %get3A_1249] : memref<2x80x128xf32, #tpu.memory_space<vmem>> -> memref<1x80x128xf32, #tpu.memory_space<vmem>>
          %get3A_1251 = tpu.memref_squeeze %get3A_1250 : memref<1x80x128xf32, #tpu.memory_space<vmem>> -> memref<80x128xf32, #tpu.memory_space<vmem>>
          %get3A_1252 = arith.index_cast %add3A_1149 : i32 to index
          %get3A_1253 = arith.constant 96 : index
          %get3A_1254 = tpu.vector_load %get3A_1251[%get3A_1252, %get3A_1253] {strides = array<i32>} : memref<80x128xf32, #tpu.memory_space<vmem>>, vector<16xf32>,
          %get3A_1255 = arith.constant 0 : i32
          %get3A_1256 = arith.constant 0 : i32
          %get3A_1257 = tpu.memref_slice %arg9[%scan3A_88, %get3A_1255, %get3A_1256] : memref<2x80x128xf32, #tpu.memory_space<vmem>> -> memref<1x80x128xf32, #tpu.memory_space<vmem>>
          %get3A_1258 = tpu.memref_squeeze %get3A_1257 : memref<1x80x128xf32, #tpu.memory_space<vmem>> -> memref<80x128xf32, #tpu.memory_space<vmem>>
          %get3A_1259 = arith.index_cast %add3A_1149 : i32 to index
          %get3A_1260 = arith.constant 112 : index
          %get3A_1261 = tpu.vector_load %get3A_1258[%get3A_1259, %get3A_1260] {strides = array<i32>} : memref<80x128xf32, #tpu.memory_space<vmem>>, vector<16xf32>,
          %mul3A_1262 = arith.mulf %get3A_882, %get3A_938 : vector<16xf32>
          %mul3A_1263 = arith.mulf %get3A_889, %get3A_945 : vector<16xf32>
          %mul3A_1264 = arith.mulf %get3A_896, %get3A_952 : vector<16xf32>
          %mul3A_1265 = arith.mulf %get3A_903, %get3A_959 : vector<16xf32>
          %mul3A_1266 = arith.mulf %get3A_910, %get3A_966 : vector<16xf32>
          %mul3A_1267 = arith.mulf %get3A_917, %get3A_973 : vector<16xf32>
          %mul3A_1268 = arith.mulf %get3A_924, %get3A_980 : vector<16xf32>
          %mul3A_1269 = arith.mulf %get3A_931, %get3A_987 : vector<16xf32>
          %add3A_1270 = arith.addf %mul3A_1262, %mul3A_1263 : vector<16xf32>
          %add3A_1271 = arith.addf %mul3A_1264, %mul3A_1265 : vector<16xf32>
          %add3A_1272 = arith.addf %add3A_1270, %add3A_1271 : vector<16xf32>
          %add3A_1273 = arith.addf %mul3A_1266, %mul3A_1267 : vector<16xf32>
          %add3A_1274 = arith.addf %mul3A_1268, %mul3A_1269 : vector<16xf32>
          %add3A_1275 = arith.addf %add3A_1273, %add3A_1274 : vector<16xf32>
          %add3A_1276 = arith.addf %add3A_1272, %add3A_1275 : vector<16xf32>
          %mul3A_1277 = arith.mulf %mul3A_1262, %select_n3A : vector<16xf32>
          %sub3A_1278 = arith.subf %mul3A_1277, %add3A_1276 : vector<16xf32>
          %broadcast_in_dim3A_1279 = arith.constant true
          %broadcast_in_dim3A_1280 = vector.broadcast %broadcast_in_dim3A_1279 : i1 to vector<16xi1>
          %masked_cumsum3A_1281 = tpu.scan <sum>, %sub3A_1278 masked %broadcast_in_dim3A_1280 : vector<16xf32>, vector<16xi1> -> vector<16xf32>
          %add3A_1282 = arith.constant 6 : i32
          %add3A_1283 = vector.broadcast %add3A_1282 : i32 to vector<16xi32>
          %add3A_1284 = arith.addi %add3A_100, %add3A_1283 : vector<16xi32>
          tpu.vector_store_idx %arg10[%add3A_85, %add3A_1284], %masked_cumsum3A_1281 masked %eq3A_7 : memref<125x80xf32, #tpu.memory_space<vmem>>[vector<16xi32>, vector<16xi32>], vector<16xf32>, vector<16xi1>
          %add3A_1285 = arith.constant 9 : i32
          %add3A_1286 = arith.addi %mul3A_96, %add3A_1285 : i32
          %get3A_1287 = arith.constant 0 : i32
          %get3A_1288 = arith.constant 0 : i32
          %get3A_1289 = tpu.memref_slice %arg8[%scan3A_87, %get3A_1287, %get3A_1288] : memref<2x80x128xf32, #tpu.memory_space<vmem>> -> memref<1x80x128xf32, #tpu.memory_space<vmem>>
          %get3A_1290 = tpu.memref_squeeze %get3A_1289 : memref<1x80x128xf32, #tpu.memory_space<vmem>> -> memref<80x128xf32, #tpu.memory_space<vmem>>
          %get3A_1291 = arith.index_cast %add3A_1286 : i32 to index
          %get3A_1292 = arith.constant 0 : index
          %get3A_1293 = tpu.vector_load %get3A_1290[%get3A_1291, %get3A_1292] {strides = array<i32>} : memref<80x128xf32, #tpu.memory_space<vmem>>, vector<16xf32>,
          %get3A_1294 = arith.constant 0 : i32
          %get3A_1295 = arith.constant 0 : i32
          %get3A_1296 = tpu.memref_slice %arg8[%scan3A_87, %get3A_1294, %get3A_1295] : memref<2x80x128xf32, #tpu.memory_space<vmem>> -> memref<1x80x128xf32, #tpu.memory_space<vmem>>
          %get3A_1297 = tpu.memref_squeeze %get3A_1296 : memref<1x80x128xf32, #tpu.memory_space<vmem>> -> memref<80x128xf32, #tpu.memory_space<vmem>>
          %get3A_1298 = arith.index_cast %add3A_1286 : i32 to index
          %get3A_1299 = arith.constant 16 : index
          %get3A_1300 = tpu.vector_load %get3A_1297[%get3A_1298, %get3A_1299] {strides = array<i32>} : memref<80x128xf32, #tpu.memory_space<vmem>>, vector<16xf32>,
          %get3A_1301 = arith.constant 0 : i32
          %get3A_1302 = arith.constant 0 : i32
          %get3A_1303 = tpu.memref_slice %arg8[%scan3A_87, %get3A_1301, %get3A_1302] : memref<2x80x128xf32, #tpu.memory_space<vmem>> -> memref<1x80x128xf32, #tpu.memory_space<vmem>>
          %get3A_1304 = tpu.memref_squeeze %get3A_1303 : memref<1x80x128xf32, #tpu.memory_space<vmem>> -> memref<80x128xf32, #tpu.memory_space<vmem>>
          %get3A_1305 = arith.index_cast %add3A_1286 : i32 to index
          %get3A_1306 = arith.constant 32 : index
          %get3A_1307 = tpu.vector_load %get3A_1304[%get3A_1305, %get3A_1306] {strides = array<i32>} : memref<80x128xf32, #tpu.memory_space<vmem>>, vector<16xf32>,
          %get3A_1308 = arith.constant 0 : i32
          %get3A_1309 = arith.constant 0 : i32
          %get3A_1310 = tpu.memref_slice %arg8[%scan3A_87, %get3A_1308, %get3A_1309] : memref<2x80x128xf32, #tpu.memory_space<vmem>> -> memref<1x80x128xf32, #tpu.memory_space<vmem>>
          %get3A_1311 = tpu.memref_squeeze %get3A_1310 : memref<1x80x128xf32, #tpu.memory_space<vmem>> -> memref<80x128xf32, #tpu.memory_space<vmem>>
          %get3A_1312 = arith.index_cast %add3A_1286 : i32 to index
          %get3A_1313 = arith.constant 48 : index
          %get3A_1314 = tpu.vector_load %get3A_1311[%get3A_1312, %get3A_1313] {strides = array<i32>} : memref<80x128xf32, #tpu.memory_space<vmem>>, vector<16xf32>,
          %get3A_1315 = arith.constant 0 : i32
          %get3A_1316 = arith.constant 0 : i32
          %get3A_1317 = tpu.memref_slice %arg8[%scan3A_87, %get3A_1315, %get3A_1316] : memref<2x80x128xf32, #tpu.memory_space<vmem>> -> memref<1x80x128xf32, #tpu.memory_space<vmem>>
          %get3A_1318 = tpu.memref_squeeze %get3A_1317 : memref<1x80x128xf32, #tpu.memory_space<vmem>> -> memref<80x128xf32, #tpu.memory_space<vmem>>
          %get3A_1319 = arith.index_cast %add3A_1286 : i32 to index
          %get3A_1320 = arith.constant 64 : index
          %get3A_1321 = tpu.vector_load %get3A_1318[%get3A_1319, %get3A_1320] {strides = array<i32>} : memref<80x128xf32, #tpu.memory_space<vmem>>, vector<16xf32>,
          %get3A_1322 = arith.constant 0 : i32
          %get3A_1323 = arith.constant 0 : i32
          %get3A_1324 = tpu.memref_slice %arg8[%scan3A_87, %get3A_1322, %get3A_1323] : memref<2x80x128xf32, #tpu.memory_space<vmem>> -> memref<1x80x128xf32, #tpu.memory_space<vmem>>
          %get3A_1325 = tpu.memref_squeeze %get3A_1324 : memref<1x80x128xf32, #tpu.memory_space<vmem>> -> memref<80x128xf32, #tpu.memory_space<vmem>>
          %get3A_1326 = arith.index_cast %add3A_1286 : i32 to index
          %get3A_1327 = arith.constant 80 : index
          %get3A_1328 = tpu.vector_load %get3A_1325[%get3A_1326, %get3A_1327] {strides = array<i32>} : memref<80x128xf32, #tpu.memory_space<vmem>>, vector<16xf32>,
          %get3A_1329 = arith.constant 0 : i32
          %get3A_1330 = arith.constant 0 : i32
          %get3A_1331 = tpu.memref_slice %arg8[%scan3A_87, %get3A_1329, %get3A_1330] : memref<2x80x128xf32, #tpu.memory_space<vmem>> -> memref<1x80x128xf32, #tpu.memory_space<vmem>>
          %get3A_1332 = tpu.memref_squeeze %get3A_1331 : memref<1x80x128xf32, #tpu.memory_space<vmem>> -> memref<80x128xf32, #tpu.memory_space<vmem>>
          %get3A_1333 = arith.index_cast %add3A_1286 : i32 to index
          %get3A_1334 = arith.constant 96 : index
          %get3A_1335 = tpu.vector_load %get3A_1332[%get3A_1333, %get3A_1334] {strides = array<i32>} : memref<80x128xf32, #tpu.memory_space<vmem>>, vector<16xf32>,
          %get3A_1336 = arith.constant 0 : i32
          %get3A_1337 = arith.constant 0 : i32
          %get3A_1338 = tpu.memref_slice %arg8[%scan3A_87, %get3A_1336, %get3A_1337] : memref<2x80x128xf32, #tpu.memory_space<vmem>> -> memref<1x80x128xf32, #tpu.memory_space<vmem>>
          %get3A_1339 = tpu.memref_squeeze %get3A_1338 : memref<1x80x128xf32, #tpu.memory_space<vmem>> -> memref<80x128xf32, #tpu.memory_space<vmem>>
          %get3A_1340 = arith.index_cast %add3A_1286 : i32 to index
          %get3A_1341 = arith.constant 112 : index
          %get3A_1342 = tpu.vector_load %get3A_1339[%get3A_1340, %get3A_1341] {strides = array<i32>} : memref<80x128xf32, #tpu.memory_space<vmem>>, vector<16xf32>,
          %get3A_1343 = arith.constant 0 : i32
          %get3A_1344 = arith.constant 0 : i32
          %get3A_1345 = tpu.memref_slice %arg9[%scan3A_88, %get3A_1343, %get3A_1344] : memref<2x80x128xf32, #tpu.memory_space<vmem>> -> memref<1x80x128xf32, #tpu.memory_space<vmem>>
          %get3A_1346 = tpu.memref_squeeze %get3A_1345 : memref<1x80x128xf32, #tpu.memory_space<vmem>> -> memref<80x128xf32, #tpu.memory_space<vmem>>
          %get3A_1347 = arith.index_cast %add3A_1286 : i32 to index
          %get3A_1348 = arith.constant 0 : index
          %get3A_1349 = tpu.vector_load %get3A_1346[%get3A_1347, %get3A_1348] {strides = array<i32>} : memref<80x128xf32, #tpu.memory_space<vmem>>, vector<16xf32>,
          %get3A_1350 = arith.constant 0 : i32
          %get3A_1351 = arith.constant 0 : i32
          %get3A_1352 = tpu.memref_slice %arg9[%scan3A_88, %get3A_1350, %get3A_1351] : memref<2x80x128xf32, #tpu.memory_space<vmem>> -> memref<1x80x128xf32, #tpu.memory_space<vmem>>
          %get3A_1353 = tpu.memref_squeeze %get3A_1352 : memref<1x80x128xf32, #tpu.memory_space<vmem>> -> memref<80x128xf32, #tpu.memory_space<vmem>>
          %get3A_1354 = arith.index_cast %add3A_1286 : i32 to index
          %get3A_1355 = arith.constant 16 : index
          %get3A_1356 = tpu.vector_load %get3A_1353[%get3A_1354, %get3A_1355] {strides = array<i32>} : memref<80x128xf32, #tpu.memory_space<vmem>>, vector<16xf32>,
          %get3A_1357 = arith.constant 0 : i32
          %get3A_1358 = arith.constant 0 : i32
          %get3A_1359 = tpu.memref_slice %arg9[%scan3A_88, %get3A_1357, %get3A_1358] : memref<2x80x128xf32, #tpu.memory_space<vmem>> -> memref<1x80x128xf32, #tpu.memory_space<vmem>>
          %get3A_1360 = tpu.memref_squeeze %get3A_1359 : memref<1x80x128xf32, #tpu.memory_space<vmem>> -> memref<80x128xf32, #tpu.memory_space<vmem>>
          %get3A_1361 = arith.index_cast %add3A_1286 : i32 to index
          %get3A_1362 = arith.constant 32 : index
          %get3A_1363 = tpu.vector_load %get3A_1360[%get3A_1361, %get3A_1362] {strides = array<i32>} : memref<80x128xf32, #tpu.memory_space<vmem>>, vector<16xf32>,
          %get3A_1364 = arith.constant 0 : i32
          %get3A_1365 = arith.constant 0 : i32
          %get3A_1366 = tpu.memref_slice %arg9[%scan3A_88, %get3A_1364, %get3A_1365] : memref<2x80x128xf32, #tpu.memory_space<vmem>> -> memref<1x80x128xf32, #tpu.memory_space<vmem>>
          %get3A_1367 = tpu.memref_squeeze %get3A_1366 : memref<1x80x128xf32, #tpu.memory_space<vmem>> -> memref<80x128xf32, #tpu.memory_space<vmem>>
          %get3A_1368 = arith.index_cast %add3A_1286 : i32 to index
          %get3A_1369 = arith.constant 48 : index
          %get3A_1370 = tpu.vector_load %get3A_1367[%get3A_1368, %get3A_1369] {strides = array<i32>} : memref<80x128xf32, #tpu.memory_space<vmem>>, vector<16xf32>,
          %get3A_1371 = arith.constant 0 : i32
          %get3A_1372 = arith.constant 0 : i32
          %get3A_1373 = tpu.memref_slice %arg9[%scan3A_88, %get3A_1371, %get3A_1372] : memref<2x80x128xf32, #tpu.memory_space<vmem>> -> memref<1x80x128xf32, #tpu.memory_space<vmem>>
          %get3A_1374 = tpu.memref_squeeze %get3A_1373 : memref<1x80x128xf32, #tpu.memory_space<vmem>> -> memref<80x128xf32, #tpu.memory_space<vmem>>
          %get3A_1375 = arith.index_cast %add3A_1286 : i32 to index
          %get3A_1376 = arith.constant 64 : index
          %get3A_1377 = tpu.vector_load %get3A_1374[%get3A_1375, %get3A_1376] {strides = array<i32>} : memref<80x128xf32, #tpu.memory_space<vmem>>, vector<16xf32>,
          %get3A_1378 = arith.constant 0 : i32
          %get3A_1379 = arith.constant 0 : i32
          %get3A_1380 = tpu.memref_slice %arg9[%scan3A_88, %get3A_1378, %get3A_1379] : memref<2x80x128xf32, #tpu.memory_space<vmem>> -> memref<1x80x128xf32, #tpu.memory_space<vmem>>
          %get3A_1381 = tpu.memref_squeeze %get3A_1380 : memref<1x80x128xf32, #tpu.memory_space<vmem>> -> memref<80x128xf32, #tpu.memory_space<vmem>>
          %get3A_1382 = arith.index_cast %add3A_1286 : i32 to index
          %get3A_1383 = arith.constant 80 : index
          %get3A_1384 = tpu.vector_load %get3A_1381[%get3A_1382, %get3A_1383] {strides = array<i32>} : memref<80x128xf32, #tpu.memory_space<vmem>>, vector<16xf32>,
          %get3A_1385 = arith.constant 0 : i32
          %get3A_1386 = arith.constant 0 : i32
          %get3A_1387 = tpu.memref_slice %arg9[%scan3A_88, %get3A_1385, %get3A_1386] : memref<2x80x128xf32, #tpu.memory_space<vmem>> -> memref<1x80x128xf32, #tpu.memory_space<vmem>>
          %get3A_1388 = tpu.memref_squeeze %get3A_1387 : memref<1x80x128xf32, #tpu.memory_space<vmem>> -> memref<80x128xf32, #tpu.memory_space<vmem>>
          %get3A_1389 = arith.index_cast %add3A_1286 : i32 to index
          %get3A_1390 = arith.constant 96 : index
          %get3A_1391 = tpu.vector_load %get3A_1388[%get3A_1389, %get3A_1390] {strides = array<i32>} : memref<80x128xf32, #tpu.memory_space<vmem>>, vector<16xf32>,
          %get3A_1392 = arith.constant 0 : i32
          %get3A_1393 = arith.constant 0 : i32
          %get3A_1394 = tpu.memref_slice %arg9[%scan3A_88, %get3A_1392, %get3A_1393] : memref<2x80x128xf32, #tpu.memory_space<vmem>> -> memref<1x80x128xf32, #tpu.memory_space<vmem>>
          %get3A_1395 = tpu.memref_squeeze %get3A_1394 : memref<1x80x128xf32, #tpu.memory_space<vmem>> -> memref<80x128xf32, #tpu.memory_space<vmem>>
          %get3A_1396 = arith.index_cast %add3A_1286 : i32 to index
          %get3A_1397 = arith.constant 112 : index
          %get3A_1398 = tpu.vector_load %get3A_1395[%get3A_1396, %get3A_1397] {strides = array<i32>} : memref<80x128xf32, #tpu.memory_space<vmem>>, vector<16xf32>,
          %mul3A_1399 = arith.mulf %get3A_1019, %get3A_1075 : vector<16xf32>
          %mul3A_1400 = arith.mulf %get3A_1026, %get3A_1082 : vector<16xf32>
          %mul3A_1401 = arith.mulf %get3A_1033, %get3A_1089 : vector<16xf32>
          %mul3A_1402 = arith.mulf %get3A_1040, %get3A_1096 : vector<16xf32>
          %mul3A_1403 = arith.mulf %get3A_1047, %get3A_1103 : vector<16xf32>
          %mul3A_1404 = arith.mulf %get3A_1054, %get3A_1110 : vector<16xf32>
          %mul3A_1405 = arith.mulf %get3A_1061, %get3A_1117 : vector<16xf32>
          %mul3A_1406 = arith.mulf %get3A_1068, %get3A_1124 : vector<16xf32>
          %add3A_1407 = arith.addf %mul3A_1399, %mul3A_1400 : vector<16xf32>
          %add3A_1408 = arith.addf %mul3A_1401, %mul3A_1402 : vector<16xf32>
          %add3A_1409 = arith.addf %add3A_1407, %add3A_1408 : vector<16xf32>
          %add3A_1410 = arith.addf %mul3A_1403, %mul3A_1404 : vector<16xf32>
          %add3A_1411 = arith.addf %mul3A_1405, %mul3A_1406 : vector<16xf32>
          %add3A_1412 = arith.addf %add3A_1410, %add3A_1411 : vector<16xf32>
          %add3A_1413 = arith.addf %add3A_1409, %add3A_1412 : vector<16xf32>
          %mul3A_1414 = arith.mulf %mul3A_1399, %select_n3A : vector<16xf32>
          %sub3A_1415 = arith.subf %mul3A_1414, %add3A_1413 : vector<16xf32>
          %broadcast_in_dim3A_1416 = arith.constant true
          %broadcast_in_dim3A_1417 = vector.broadcast %broadcast_in_dim3A_1416 : i1 to vector<16xi1>
          %masked_cumsum3A_1418 = tpu.scan <sum>, %sub3A_1415 masked %broadcast_in_dim3A_1417 : vector<16xf32>, vector<16xi1> -> vector<16xf32>
          %add3A_1419 = arith.constant 7 : i32
          %add3A_1420 = vector.broadcast %add3A_1419 : i32 to vector<16xi32>
          %add3A_1421 = arith.addi %add3A_100, %add3A_1420 : vector<16xi32>
          tpu.vector_store_idx %arg10[%add3A_85, %add3A_1421], %masked_cumsum3A_1418 masked %eq3A_7 : memref<125x80xf32, #tpu.memory_space<vmem>>[vector<16xi32>, vector<16xi32>], vector<16xf32>, vector<16xi1>
          %add3A_1422 = arith.constant 10 : i32
          %add3A_1423 = arith.addi %mul3A_96, %add3A_1422 : i32
          %get3A_1424 = arith.constant 0 : i32
          %get3A_1425 = arith.constant 0 : i32
          %get3A_1426 = tpu.memref_slice %arg8[%scan3A_87, %get3A_1424, %get3A_1425] : memref<2x80x128xf32, #tpu.memory_space<vmem>> -> memref<1x80x128xf32, #tpu.memory_space<vmem>>
          %get3A_1427 = tpu.memref_squeeze %get3A_1426 : memref<1x80x128xf32, #tpu.memory_space<vmem>> -> memref<80x128xf32, #tpu.memory_space<vmem>>
          %get3A_1428 = arith.index_cast %add3A_1423 : i32 to index
          %get3A_1429 = arith.constant 0 : index
          %get3A_1430 = tpu.vector_load %get3A_1427[%get3A_1428, %get3A_1429] {strides = array<i32>} : memref<80x128xf32, #tpu.memory_space<vmem>>, vector<16xf32>,
          %get3A_1431 = arith.constant 0 : i32
          %get3A_1432 = arith.constant 0 : i32
          %get3A_1433 = tpu.memref_slice %arg8[%scan3A_87, %get3A_1431, %get3A_1432] : memref<2x80x128xf32, #tpu.memory_space<vmem>> -> memref<1x80x128xf32, #tpu.memory_space<vmem>>
          %get3A_1434 = tpu.memref_squeeze %get3A_1433 : memref<1x80x128xf32, #tpu.memory_space<vmem>> -> memref<80x128xf32, #tpu.memory_space<vmem>>
          %get3A_1435 = arith.index_cast %add3A_1423 : i32 to index
          %get3A_1436 = arith.constant 16 : index
          %get3A_1437 = tpu.vector_load %get3A_1434[%get3A_1435, %get3A_1436] {strides = array<i32>} : memref<80x128xf32, #tpu.memory_space<vmem>>, vector<16xf32>,
          %get3A_1438 = arith.constant 0 : i32
          %get3A_1439 = arith.constant 0 : i32
          %get3A_1440 = tpu.memref_slice %arg8[%scan3A_87, %get3A_1438, %get3A_1439] : memref<2x80x128xf32, #tpu.memory_space<vmem>> -> memref<1x80x128xf32, #tpu.memory_space<vmem>>
          %get3A_1441 = tpu.memref_squeeze %get3A_1440 : memref<1x80x128xf32, #tpu.memory_space<vmem>> -> memref<80x128xf32, #tpu.memory_space<vmem>>
          %get3A_1442 = arith.index_cast %add3A_1423 : i32 to index
          %get3A_1443 = arith.constant 32 : index
          %get3A_1444 = tpu.vector_load %get3A_1441[%get3A_1442, %get3A_1443] {strides = array<i32>} : memref<80x128xf32, #tpu.memory_space<vmem>>, vector<16xf32>,
          %get3A_1445 = arith.constant 0 : i32
          %get3A_1446 = arith.constant 0 : i32
          %get3A_1447 = tpu.memref_slice %arg8[%scan3A_87, %get3A_1445, %get3A_1446] : memref<2x80x128xf32, #tpu.memory_space<vmem>> -> memref<1x80x128xf32, #tpu.memory_space<vmem>>
          %get3A_1448 = tpu.memref_squeeze %get3A_1447 : memref<1x80x128xf32, #tpu.memory_space<vmem>> -> memref<80x128xf32, #tpu.memory_space<vmem>>
          %get3A_1449 = arith.index_cast %add3A_1423 : i32 to index
          %get3A_1450 = arith.constant 48 : index
          %get3A_1451 = tpu.vector_load %get3A_1448[%get3A_1449, %get3A_1450] {strides = array<i32>} : memref<80x128xf32, #tpu.memory_space<vmem>>, vector<16xf32>,
          %get3A_1452 = arith.constant 0 : i32
          %get3A_1453 = arith.constant 0 : i32
          %get3A_1454 = tpu.memref_slice %arg8[%scan3A_87, %get3A_1452, %get3A_1453] : memref<2x80x128xf32, #tpu.memory_space<vmem>> -> memref<1x80x128xf32, #tpu.memory_space<vmem>>
          %get3A_1455 = tpu.memref_squeeze %get3A_1454 : memref<1x80x128xf32, #tpu.memory_space<vmem>> -> memref<80x128xf32, #tpu.memory_space<vmem>>
          %get3A_1456 = arith.index_cast %add3A_1423 : i32 to index
          %get3A_1457 = arith.constant 64 : index
          %get3A_1458 = tpu.vector_load %get3A_1455[%get3A_1456, %get3A_1457] {strides = array<i32>} : memref<80x128xf32, #tpu.memory_space<vmem>>, vector<16xf32>,
          %get3A_1459 = arith.constant 0 : i32
          %get3A_1460 = arith.constant 0 : i32
          %get3A_1461 = tpu.memref_slice %arg8[%scan3A_87, %get3A_1459, %get3A_1460] : memref<2x80x128xf32, #tpu.memory_space<vmem>> -> memref<1x80x128xf32, #tpu.memory_space<vmem>>
          %get3A_1462 = tpu.memref_squeeze %get3A_1461 : memref<1x80x128xf32, #tpu.memory_space<vmem>> -> memref<80x128xf32, #tpu.memory_space<vmem>>
          %get3A_1463 = arith.index_cast %add3A_1423 : i32 to index
          %get3A_1464 = arith.constant 80 : index
          %get3A_1465 = tpu.vector_load %get3A_1462[%get3A_1463, %get3A_1464] {strides = array<i32>} : memref<80x128xf32, #tpu.memory_space<vmem>>, vector<16xf32>,
          %get3A_1466 = arith.constant 0 : i32
          %get3A_1467 = arith.constant 0 : i32
          %get3A_1468 = tpu.memref_slice %arg8[%scan3A_87, %get3A_1466, %get3A_1467] : memref<2x80x128xf32, #tpu.memory_space<vmem>> -> memref<1x80x128xf32, #tpu.memory_space<vmem>>
          %get3A_1469 = tpu.memref_squeeze %get3A_1468 : memref<1x80x128xf32, #tpu.memory_space<vmem>> -> memref<80x128xf32, #tpu.memory_space<vmem>>
          %get3A_1470 = arith.index_cast %add3A_1423 : i32 to index
          %get3A_1471 = arith.constant 96 : index
          %get3A_1472 = tpu.vector_load %get3A_1469[%get3A_1470, %get3A_1471] {strides = array<i32>} : memref<80x128xf32, #tpu.memory_space<vmem>>, vector<16xf32>,
          %get3A_1473 = arith.constant 0 : i32
          %get3A_1474 = arith.constant 0 : i32
          %get3A_1475 = tpu.memref_slice %arg8[%scan3A_87, %get3A_1473, %get3A_1474] : memref<2x80x128xf32, #tpu.memory_space<vmem>> -> memref<1x80x128xf32, #tpu.memory_space<vmem>>
          %get3A_1476 = tpu.memref_squeeze %get3A_1475 : memref<1x80x128xf32, #tpu.memory_space<vmem>> -> memref<80x128xf32, #tpu.memory_space<vmem>>
          %get3A_1477 = arith.index_cast %add3A_1423 : i32 to index
          %get3A_1478 = arith.constant 112 : index
          %get3A_1479 = tpu.vector_load %get3A_1476[%get3A_1477, %get3A_1478] {strides = array<i32>} : memref<80x128xf32, #tpu.memory_space<vmem>>, vector<16xf32>,
          %get3A_1480 = arith.constant 0 : i32
          %get3A_1481 = arith.constant 0 : i32
          %get3A_1482 = tpu.memref_slice %arg9[%scan3A_88, %get3A_1480, %get3A_1481] : memref<2x80x128xf32, #tpu.memory_space<vmem>> -> memref<1x80x128xf32, #tpu.memory_space<vmem>>
          %get3A_1483 = tpu.memref_squeeze %get3A_1482 : memref<1x80x128xf32, #tpu.memory_space<vmem>> -> memref<80x128xf32, #tpu.memory_space<vmem>>
          %get3A_1484 = arith.index_cast %add3A_1423 : i32 to index
          %get3A_1485 = arith.constant 0 : index
          %get3A_1486 = tpu.vector_load %get3A_1483[%get3A_1484, %get3A_1485] {strides = array<i32>} : memref<80x128xf32, #tpu.memory_space<vmem>>, vector<16xf32>,
          %get3A_1487 = arith.constant 0 : i32
          %get3A_1488 = arith.constant 0 : i32
          %get3A_1489 = tpu.memref_slice %arg9[%scan3A_88, %get3A_1487, %get3A_1488] : memref<2x80x128xf32, #tpu.memory_space<vmem>> -> memref<1x80x128xf32, #tpu.memory_space<vmem>>
          %get3A_1490 = tpu.memref_squeeze %get3A_1489 : memref<1x80x128xf32, #tpu.memory_space<vmem>> -> memref<80x128xf32, #tpu.memory_space<vmem>>
          %get3A_1491 = arith.index_cast %add3A_1423 : i32 to index
          %get3A_1492 = arith.constant 16 : index
          %get3A_1493 = tpu.vector_load %get3A_1490[%get3A_1491, %get3A_1492] {strides = array<i32>} : memref<80x128xf32, #tpu.memory_space<vmem>>, vector<16xf32>,
          %get3A_1494 = arith.constant 0 : i32
          %get3A_1495 = arith.constant 0 : i32
          %get3A_1496 = tpu.memref_slice %arg9[%scan3A_88, %get3A_1494, %get3A_1495] : memref<2x80x128xf32, #tpu.memory_space<vmem>> -> memref<1x80x128xf32, #tpu.memory_space<vmem>>
          %get3A_1497 = tpu.memref_squeeze %get3A_1496 : memref<1x80x128xf32, #tpu.memory_space<vmem>> -> memref<80x128xf32, #tpu.memory_space<vmem>>
          %get3A_1498 = arith.index_cast %add3A_1423 : i32 to index
          %get3A_1499 = arith.constant 32 : index
          %get3A_1500 = tpu.vector_load %get3A_1497[%get3A_1498, %get3A_1499] {strides = array<i32>} : memref<80x128xf32, #tpu.memory_space<vmem>>, vector<16xf32>,
          %get3A_1501 = arith.constant 0 : i32
          %get3A_1502 = arith.constant 0 : i32
          %get3A_1503 = tpu.memref_slice %arg9[%scan3A_88, %get3A_1501, %get3A_1502] : memref<2x80x128xf32, #tpu.memory_space<vmem>> -> memref<1x80x128xf32, #tpu.memory_space<vmem>>
          %get3A_1504 = tpu.memref_squeeze %get3A_1503 : memref<1x80x128xf32, #tpu.memory_space<vmem>> -> memref<80x128xf32, #tpu.memory_space<vmem>>
          %get3A_1505 = arith.index_cast %add3A_1423 : i32 to index
          %get3A_1506 = arith.constant 48 : index
          %get3A_1507 = tpu.vector_load %get3A_1504[%get3A_1505, %get3A_1506] {strides = array<i32>} : memref<80x128xf32, #tpu.memory_space<vmem>>, vector<16xf32>,
          %get3A_1508 = arith.constant 0 : i32
          %get3A_1509 = arith.constant 0 : i32
          %get3A_1510 = tpu.memref_slice %arg9[%scan3A_88, %get3A_1508, %get3A_1509] : memref<2x80x128xf32, #tpu.memory_space<vmem>> -> memref<1x80x128xf32, #tpu.memory_space<vmem>>
          %get3A_1511 = tpu.memref_squeeze %get3A_1510 : memref<1x80x128xf32, #tpu.memory_space<vmem>> -> memref<80x128xf32, #tpu.memory_space<vmem>>
          %get3A_1512 = arith.index_cast %add3A_1423 : i32 to index
          %get3A_1513 = arith.constant 64 : index
          %get3A_1514 = tpu.vector_load %get3A_1511[%get3A_1512, %get3A_1513] {strides = array<i32>} : memref<80x128xf32, #tpu.memory_space<vmem>>, vector<16xf32>,
          %get3A_1515 = arith.constant 0 : i32
          %get3A_1516 = arith.constant 0 : i32
          %get3A_1517 = tpu.memref_slice %arg9[%scan3A_88, %get3A_1515, %get3A_1516] : memref<2x80x128xf32, #tpu.memory_space<vmem>> -> memref<1x80x128xf32, #tpu.memory_space<vmem>>
          %get3A_1518 = tpu.memref_squeeze %get3A_1517 : memref<1x80x128xf32, #tpu.memory_space<vmem>> -> memref<80x128xf32, #tpu.memory_space<vmem>>
          %get3A_1519 = arith.index_cast %add3A_1423 : i32 to index
          %get3A_1520 = arith.constant 80 : index
          %get3A_1521 = tpu.vector_load %get3A_1518[%get3A_1519, %get3A_1520] {strides = array<i32>} : memref<80x128xf32, #tpu.memory_space<vmem>>, vector<16xf32>,
          %get3A_1522 = arith.constant 0 : i32
          %get3A_1523 = arith.constant 0 : i32
          %get3A_1524 = tpu.memref_slice %arg9[%scan3A_88, %get3A_1522, %get3A_1523] : memref<2x80x128xf32, #tpu.memory_space<vmem>> -> memref<1x80x128xf32, #tpu.memory_space<vmem>>
          %get3A_1525 = tpu.memref_squeeze %get3A_1524 : memref<1x80x128xf32, #tpu.memory_space<vmem>> -> memref<80x128xf32, #tpu.memory_space<vmem>>
          %get3A_1526 = arith.index_cast %add3A_1423 : i32 to index
          %get3A_1527 = arith.constant 96 : index
          %get3A_1528 = tpu.vector_load %get3A_1525[%get3A_1526, %get3A_1527] {strides = array<i32>} : memref<80x128xf32, #tpu.memory_space<vmem>>, vector<16xf32>,
          %get3A_1529 = arith.constant 0 : i32
          %get3A_1530 = arith.constant 0 : i32
          %get3A_1531 = tpu.memref_slice %arg9[%scan3A_88, %get3A_1529, %get3A_1530] : memref<2x80x128xf32, #tpu.memory_space<vmem>> -> memref<1x80x128xf32, #tpu.memory_space<vmem>>
          %get3A_1532 = tpu.memref_squeeze %get3A_1531 : memref<1x80x128xf32, #tpu.memory_space<vmem>> -> memref<80x128xf32, #tpu.memory_space<vmem>>
          %get3A_1533 = arith.index_cast %add3A_1423 : i32 to index
          %get3A_1534 = arith.constant 112 : index
          %get3A_1535 = tpu.vector_load %get3A_1532[%get3A_1533, %get3A_1534] {strides = array<i32>} : memref<80x128xf32, #tpu.memory_space<vmem>>, vector<16xf32>,
          %mul3A_1536 = arith.mulf %get3A_1156, %get3A_1212 : vector<16xf32>
          %mul3A_1537 = arith.mulf %get3A_1163, %get3A_1219 : vector<16xf32>
          %mul3A_1538 = arith.mulf %get3A_1170, %get3A_1226 : vector<16xf32>
          %mul3A_1539 = arith.mulf %get3A_1177, %get3A_1233 : vector<16xf32>
          %mul3A_1540 = arith.mulf %get3A_1184, %get3A_1240 : vector<16xf32>
          %mul3A_1541 = arith.mulf %get3A_1191, %get3A_1247 : vector<16xf32>
          %mul3A_1542 = arith.mulf %get3A_1198, %get3A_1254 : vector<16xf32>
          %mul3A_1543 = arith.mulf %get3A_1205, %get3A_1261 : vector<16xf32>
          %add3A_1544 = arith.addf %mul3A_1536, %mul3A_1537 : vector<16xf32>
          %add3A_1545 = arith.addf %mul3A_1538, %mul3A_1539 : vector<16xf32>
          %add3A_1546 = arith.addf %add3A_1544, %add3A_1545 : vector<16xf32>
          %add3A_1547 = arith.addf %mul3A_1540, %mul3A_1541 : vector<16xf32>
          %add3A_1548 = arith.addf %mul3A_1542, %mul3A_1543 : vector<16xf32>
          %add3A_1549 = arith.addf %add3A_1547, %add3A_1548 : vector<16xf32>
          %add3A_1550 = arith.addf %add3A_1546, %add3A_1549 : vector<16xf32>
          %mul3A_1551 = arith.mulf %mul3A_1536, %select_n3A : vector<16xf32>
          %sub3A_1552 = arith.subf %mul3A_1551, %add3A_1550 : vector<16xf32>
          %broadcast_in_dim3A_1553 = arith.constant true
          %broadcast_in_dim3A_1554 = vector.broadcast %broadcast_in_dim3A_1553 : i1 to vector<16xi1>
          %masked_cumsum3A_1555 = tpu.scan <sum>, %sub3A_1552 masked %broadcast_in_dim3A_1554 : vector<16xf32>, vector<16xi1> -> vector<16xf32>
          %add3A_1556 = arith.constant 8 : i32
          %add3A_1557 = vector.broadcast %add3A_1556 : i32 to vector<16xi32>
          %add3A_1558 = arith.addi %add3A_100, %add3A_1557 : vector<16xi32>
          tpu.vector_store_idx %arg10[%add3A_85, %add3A_1558], %masked_cumsum3A_1555 masked %eq3A_7 : memref<125x80xf32, #tpu.memory_space<vmem>>[vector<16xi32>, vector<16xi32>], vector<16xf32>, vector<16xi1>
          %add3A_1559 = arith.constant 11 : i32
          %add3A_1560 = arith.addi %mul3A_96, %add3A_1559 : i32
          %get3A_1561 = arith.constant 0 : i32
          %get3A_1562 = arith.constant 0 : i32
          %get3A_1563 = tpu.memref_slice %arg8[%scan3A_87, %get3A_1561, %get3A_1562] : memref<2x80x128xf32, #tpu.memory_space<vmem>> -> memref<1x80x128xf32, #tpu.memory_space<vmem>>
          %get3A_1564 = tpu.memref_squeeze %get3A_1563 : memref<1x80x128xf32, #tpu.memory_space<vmem>> -> memref<80x128xf32, #tpu.memory_space<vmem>>
          %get3A_1565 = arith.index_cast %add3A_1560 : i32 to index
          %get3A_1566 = arith.constant 0 : index
          %get3A_1567 = tpu.vector_load %get3A_1564[%get3A_1565, %get3A_1566] {strides = array<i32>} : memref<80x128xf32, #tpu.memory_space<vmem>>, vector<16xf32>,
          %get3A_1568 = arith.constant 0 : i32
          %get3A_1569 = arith.constant 0 : i32
          %get3A_1570 = tpu.memref_slice %arg8[%scan3A_87, %get3A_1568, %get3A_1569] : memref<2x80x128xf32, #tpu.memory_space<vmem>> -> memref<1x80x128xf32, #tpu.memory_space<vmem>>
          %get3A_1571 = tpu.memref_squeeze %get3A_1570 : memref<1x80x128xf32, #tpu.memory_space<vmem>> -> memref<80x128xf32, #tpu.memory_space<vmem>>
          %get3A_1572 = arith.index_cast %add3A_1560 : i32 to index
          %get3A_1573 = arith.constant 16 : index
          %get3A_1574 = tpu.vector_load %get3A_1571[%get3A_1572, %get3A_1573] {strides = array<i32>} : memref<80x128xf32, #tpu.memory_space<vmem>>, vector<16xf32>,
          %get3A_1575 = arith.constant 0 : i32
          %get3A_1576 = arith.constant 0 : i32
          %get3A_1577 = tpu.memref_slice %arg8[%scan3A_87, %get3A_1575, %get3A_1576] : memref<2x80x128xf32, #tpu.memory_space<vmem>> -> memref<1x80x128xf32, #tpu.memory_space<vmem>>
          %get3A_1578 = tpu.memref_squeeze %get3A_1577 : memref<1x80x128xf32, #tpu.memory_space<vmem>> -> memref<80x128xf32, #tpu.memory_space<vmem>>
          %get3A_1579 = arith.index_cast %add3A_1560 : i32 to index
          %get3A_1580 = arith.constant 32 : index
          %get3A_1581 = tpu.vector_load %get3A_1578[%get3A_1579, %get3A_1580] {strides = array<i32>} : memref<80x128xf32, #tpu.memory_space<vmem>>, vector<16xf32>,
          %get3A_1582 = arith.constant 0 : i32
          %get3A_1583 = arith.constant 0 : i32
          %get3A_1584 = tpu.memref_slice %arg8[%scan3A_87, %get3A_1582, %get3A_1583] : memref<2x80x128xf32, #tpu.memory_space<vmem>> -> memref<1x80x128xf32, #tpu.memory_space<vmem>>
          %get3A_1585 = tpu.memref_squeeze %get3A_1584 : memref<1x80x128xf32, #tpu.memory_space<vmem>> -> memref<80x128xf32, #tpu.memory_space<vmem>>
          %get3A_1586 = arith.index_cast %add3A_1560 : i32 to index
          %get3A_1587 = arith.constant 48 : index
          %get3A_1588 = tpu.vector_load %get3A_1585[%get3A_1586, %get3A_1587] {strides = array<i32>} : memref<80x128xf32, #tpu.memory_space<vmem>>, vector<16xf32>,
          %get3A_1589 = arith.constant 0 : i32
          %get3A_1590 = arith.constant 0 : i32
          %get3A_1591 = tpu.memref_slice %arg8[%scan3A_87, %get3A_1589, %get3A_1590] : memref<2x80x128xf32, #tpu.memory_space<vmem>> -> memref<1x80x128xf32, #tpu.memory_space<vmem>>
          %get3A_1592 = tpu.memref_squeeze %get3A_1591 : memref<1x80x128xf32, #tpu.memory_space<vmem>> -> memref<80x128xf32, #tpu.memory_space<vmem>>
          %get3A_1593 = arith.index_cast %add3A_1560 : i32 to index
          %get3A_1594 = arith.constant 64 : index
          %get3A_1595 = tpu.vector_load %get3A_1592[%get3A_1593, %get3A_1594] {strides = array<i32>} : memref<80x128xf32, #tpu.memory_space<vmem>>, vector<16xf32>,
          %get3A_1596 = arith.constant 0 : i32
          %get3A_1597 = arith.constant 0 : i32
          %get3A_1598 = tpu.memref_slice %arg8[%scan3A_87, %get3A_1596, %get3A_1597] : memref<2x80x128xf32, #tpu.memory_space<vmem>> -> memref<1x80x128xf32, #tpu.memory_space<vmem>>
          %get3A_1599 = tpu.memref_squeeze %get3A_1598 : memref<1x80x128xf32, #tpu.memory_space<vmem>> -> memref<80x128xf32, #tpu.memory_space<vmem>>
          %get3A_1600 = arith.index_cast %add3A_1560 : i32 to index
          %get3A_1601 = arith.constant 80 : index
          %get3A_1602 = tpu.vector_load %get3A_1599[%get3A_1600, %get3A_1601] {strides = array<i32>} : memref<80x128xf32, #tpu.memory_space<vmem>>, vector<16xf32>,
          %get3A_1603 = arith.constant 0 : i32
          %get3A_1604 = arith.constant 0 : i32
          %get3A_1605 = tpu.memref_slice %arg8[%scan3A_87, %get3A_1603, %get3A_1604] : memref<2x80x128xf32, #tpu.memory_space<vmem>> -> memref<1x80x128xf32, #tpu.memory_space<vmem>>
          %get3A_1606 = tpu.memref_squeeze %get3A_1605 : memref<1x80x128xf32, #tpu.memory_space<vmem>> -> memref<80x128xf32, #tpu.memory_space<vmem>>
          %get3A_1607 = arith.index_cast %add3A_1560 : i32 to index
          %get3A_1608 = arith.constant 96 : index
          %get3A_1609 = tpu.vector_load %get3A_1606[%get3A_1607, %get3A_1608] {strides = array<i32>} : memref<80x128xf32, #tpu.memory_space<vmem>>, vector<16xf32>,
          %get3A_1610 = arith.constant 0 : i32
          %get3A_1611 = arith.constant 0 : i32
          %get3A_1612 = tpu.memref_slice %arg8[%scan3A_87, %get3A_1610, %get3A_1611] : memref<2x80x128xf32, #tpu.memory_space<vmem>> -> memref<1x80x128xf32, #tpu.memory_space<vmem>>
          %get3A_1613 = tpu.memref_squeeze %get3A_1612 : memref<1x80x128xf32, #tpu.memory_space<vmem>> -> memref<80x128xf32, #tpu.memory_space<vmem>>
          %get3A_1614 = arith.index_cast %add3A_1560 : i32 to index
          %get3A_1615 = arith.constant 112 : index
          %get3A_1616 = tpu.vector_load %get3A_1613[%get3A_1614, %get3A_1615] {strides = array<i32>} : memref<80x128xf32, #tpu.memory_space<vmem>>, vector<16xf32>,
          %get3A_1617 = arith.constant 0 : i32
          %get3A_1618 = arith.constant 0 : i32
          %get3A_1619 = tpu.memref_slice %arg9[%scan3A_88, %get3A_1617, %get3A_1618] : memref<2x80x128xf32, #tpu.memory_space<vmem>> -> memref<1x80x128xf32, #tpu.memory_space<vmem>>
          %get3A_1620 = tpu.memref_squeeze %get3A_1619 : memref<1x80x128xf32, #tpu.memory_space<vmem>> -> memref<80x128xf32, #tpu.memory_space<vmem>>
          %get3A_1621 = arith.index_cast %add3A_1560 : i32 to index
          %get3A_1622 = arith.constant 0 : index
          %get3A_1623 = tpu.vector_load %get3A_1620[%get3A_1621, %get3A_1622] {strides = array<i32>} : memref<80x128xf32, #tpu.memory_space<vmem>>, vector<16xf32>,
          %get3A_1624 = arith.constant 0 : i32
          %get3A_1625 = arith.constant 0 : i32
          %get3A_1626 = tpu.memref_slice %arg9[%scan3A_88, %get3A_1624, %get3A_1625] : memref<2x80x128xf32, #tpu.memory_space<vmem>> -> memref<1x80x128xf32, #tpu.memory_space<vmem>>
          %get3A_1627 = tpu.memref_squeeze %get3A_1626 : memref<1x80x128xf32, #tpu.memory_space<vmem>> -> memref<80x128xf32, #tpu.memory_space<vmem>>
          %get3A_1628 = arith.index_cast %add3A_1560 : i32 to index
          %get3A_1629 = arith.constant 16 : index
          %get3A_1630 = tpu.vector_load %get3A_1627[%get3A_1628, %get3A_1629] {strides = array<i32>} : memref<80x128xf32, #tpu.memory_space<vmem>>, vector<16xf32>,
          %get3A_1631 = arith.constant 0 : i32
          %get3A_1632 = arith.constant 0 : i32
          %get3A_1633 = tpu.memref_slice %arg9[%scan3A_88, %get3A_1631, %get3A_1632] : memref<2x80x128xf32, #tpu.memory_space<vmem>> -> memref<1x80x128xf32, #tpu.memory_space<vmem>>
          %get3A_1634 = tpu.memref_squeeze %get3A_1633 : memref<1x80x128xf32, #tpu.memory_space<vmem>> -> memref<80x128xf32, #tpu.memory_space<vmem>>
          %get3A_1635 = arith.index_cast %add3A_1560 : i32 to index
          %get3A_1636 = arith.constant 32 : index
          %get3A_1637 = tpu.vector_load %get3A_1634[%get3A_1635, %get3A_1636] {strides = array<i32>} : memref<80x128xf32, #tpu.memory_space<vmem>>, vector<16xf32>,
          %get3A_1638 = arith.constant 0 : i32
          %get3A_1639 = arith.constant 0 : i32
          %get3A_1640 = tpu.memref_slice %arg9[%scan3A_88, %get3A_1638, %get3A_1639] : memref<2x80x128xf32, #tpu.memory_space<vmem>> -> memref<1x80x128xf32, #tpu.memory_space<vmem>>
          %get3A_1641 = tpu.memref_squeeze %get3A_1640 : memref<1x80x128xf32, #tpu.memory_space<vmem>> -> memref<80x128xf32, #tpu.memory_space<vmem>>
          %get3A_1642 = arith.index_cast %add3A_1560 : i32 to index
          %get3A_1643 = arith.constant 48 : index
          %get3A_1644 = tpu.vector_load %get3A_1641[%get3A_1642, %get3A_1643] {strides = array<i32>} : memref<80x128xf32, #tpu.memory_space<vmem>>, vector<16xf32>,
          %get3A_1645 = arith.constant 0 : i32
          %get3A_1646 = arith.constant 0 : i32
          %get3A_1647 = tpu.memref_slice %arg9[%scan3A_88, %get3A_1645, %get3A_1646] : memref<2x80x128xf32, #tpu.memory_space<vmem>> -> memref<1x80x128xf32, #tpu.memory_space<vmem>>
          %get3A_1648 = tpu.memref_squeeze %get3A_1647 : memref<1x80x128xf32, #tpu.memory_space<vmem>> -> memref<80x128xf32, #tpu.memory_space<vmem>>
          %get3A_1649 = arith.index_cast %add3A_1560 : i32 to index
          %get3A_1650 = arith.constant 64 : index
          %get3A_1651 = tpu.vector_load %get3A_1648[%get3A_1649, %get3A_1650] {strides = array<i32>} : memref<80x128xf32, #tpu.memory_space<vmem>>, vector<16xf32>,
          %get3A_1652 = arith.constant 0 : i32
          %get3A_1653 = arith.constant 0 : i32
          %get3A_1654 = tpu.memref_slice %arg9[%scan3A_88, %get3A_1652, %get3A_1653] : memref<2x80x128xf32, #tpu.memory_space<vmem>> -> memref<1x80x128xf32, #tpu.memory_space<vmem>>
          %get3A_1655 = tpu.memref_squeeze %get3A_1654 : memref<1x80x128xf32, #tpu.memory_space<vmem>> -> memref<80x128xf32, #tpu.memory_space<vmem>>
          %get3A_1656 = arith.index_cast %add3A_1560 : i32 to index
          %get3A_1657 = arith.constant 80 : index
          %get3A_1658 = tpu.vector_load %get3A_1655[%get3A_1656, %get3A_1657] {strides = array<i32>} : memref<80x128xf32, #tpu.memory_space<vmem>>, vector<16xf32>,
          %get3A_1659 = arith.constant 0 : i32
          %get3A_1660 = arith.constant 0 : i32
          %get3A_1661 = tpu.memref_slice %arg9[%scan3A_88, %get3A_1659, %get3A_1660] : memref<2x80x128xf32, #tpu.memory_space<vmem>> -> memref<1x80x128xf32, #tpu.memory_space<vmem>>
          %get3A_1662 = tpu.memref_squeeze %get3A_1661 : memref<1x80x128xf32, #tpu.memory_space<vmem>> -> memref<80x128xf32, #tpu.memory_space<vmem>>
          %get3A_1663 = arith.index_cast %add3A_1560 : i32 to index
          %get3A_1664 = arith.constant 96 : index
          %get3A_1665 = tpu.vector_load %get3A_1662[%get3A_1663, %get3A_1664] {strides = array<i32>} : memref<80x128xf32, #tpu.memory_space<vmem>>, vector<16xf32>,
          %get3A_1666 = arith.constant 0 : i32
          %get3A_1667 = arith.constant 0 : i32
          %get3A_1668 = tpu.memref_slice %arg9[%scan3A_88, %get3A_1666, %get3A_1667] : memref<2x80x128xf32, #tpu.memory_space<vmem>> -> memref<1x80x128xf32, #tpu.memory_space<vmem>>
          %get3A_1669 = tpu.memref_squeeze %get3A_1668 : memref<1x80x128xf32, #tpu.memory_space<vmem>> -> memref<80x128xf32, #tpu.memory_space<vmem>>
          %get3A_1670 = arith.index_cast %add3A_1560 : i32 to index
          %get3A_1671 = arith.constant 112 : index
          %get3A_1672 = tpu.vector_load %get3A_1669[%get3A_1670, %get3A_1671] {strides = array<i32>} : memref<80x128xf32, #tpu.memory_space<vmem>>, vector<16xf32>,
          %mul3A_1673 = arith.mulf %get3A_1293, %get3A_1349 : vector<16xf32>
          %mul3A_1674 = arith.mulf %get3A_1300, %get3A_1356 : vector<16xf32>
          %mul3A_1675 = arith.mulf %get3A_1307, %get3A_1363 : vector<16xf32>
          %mul3A_1676 = arith.mulf %get3A_1314, %get3A_1370 : vector<16xf32>
          %mul3A_1677 = arith.mulf %get3A_1321, %get3A_1377 : vector<16xf32>
          %mul3A_1678 = arith.mulf %get3A_1328, %get3A_1384 : vector<16xf32>
          %mul3A_1679 = arith.mulf %get3A_1335, %get3A_1391 : vector<16xf32>
          %mul3A_1680 = arith.mulf %get3A_1342, %get3A_1398 : vector<16xf32>
          %add3A_1681 = arith.addf %mul3A_1673, %mul3A_1674 : vector<16xf32>
          %add3A_1682 = arith.addf %mul3A_1675, %mul3A_1676 : vector<16xf32>
          %add3A_1683 = arith.addf %add3A_1681, %add3A_1682 : vector<16xf32>
          %add3A_1684 = arith.addf %mul3A_1677, %mul3A_1678 : vector<16xf32>
          %add3A_1685 = arith.addf %mul3A_1679, %mul3A_1680 : vector<16xf32>
          %add3A_1686 = arith.addf %add3A_1684, %add3A_1685 : vector<16xf32>
          %add3A_1687 = arith.addf %add3A_1683, %add3A_1686 : vector<16xf32>
          %mul3A_1688 = arith.mulf %mul3A_1673, %select_n3A : vector<16xf32>
          %sub3A_1689 = arith.subf %mul3A_1688, %add3A_1687 : vector<16xf32>
          %broadcast_in_dim3A_1690 = arith.constant true
          %broadcast_in_dim3A_1691 = vector.broadcast %broadcast_in_dim3A_1690 : i1 to vector<16xi1>
          %masked_cumsum3A_1692 = tpu.scan <sum>, %sub3A_1689 masked %broadcast_in_dim3A_1691 : vector<16xf32>, vector<16xi1> -> vector<16xf32>
          %add3A_1693 = arith.constant 9 : i32
          %add3A_1694 = vector.broadcast %add3A_1693 : i32 to vector<16xi32>
          %add3A_1695 = arith.addi %add3A_100, %add3A_1694 : vector<16xi32>
          tpu.vector_store_idx %arg10[%add3A_85, %add3A_1695], %masked_cumsum3A_1692 masked %eq3A_7 : memref<125x80xf32, #tpu.memory_space<vmem>>[vector<16xi32>, vector<16xi32>], vector<16xf32>, vector<16xi1>
          %add3A_1696 = arith.constant 12 : i32
          %add3A_1697 = arith.addi %mul3A_96, %add3A_1696 : i32
          %get3A_1698 = arith.constant 0 : i32
          %get3A_1699 = arith.constant 0 : i32
          %get3A_1700 = tpu.memref_slice %arg8[%scan3A_87, %get3A_1698, %get3A_1699] : memref<2x80x128xf32, #tpu.memory_space<vmem>> -> memref<1x80x128xf32, #tpu.memory_space<vmem>>
          %get3A_1701 = tpu.memref_squeeze %get3A_1700 : memref<1x80x128xf32, #tpu.memory_space<vmem>> -> memref<80x128xf32, #tpu.memory_space<vmem>>
          %get3A_1702 = arith.index_cast %add3A_1697 : i32 to index
          %get3A_1703 = arith.constant 0 : index
          %get3A_1704 = tpu.vector_load %get3A_1701[%get3A_1702, %get3A_1703] {strides = array<i32>} : memref<80x128xf32, #tpu.memory_space<vmem>>, vector<16xf32>,
          %get3A_1705 = arith.constant 0 : i32
          %get3A_1706 = arith.constant 0 : i32
          %get3A_1707 = tpu.memref_slice %arg8[%scan3A_87, %get3A_1705, %get3A_1706] : memref<2x80x128xf32, #tpu.memory_space<vmem>> -> memref<1x80x128xf32, #tpu.memory_space<vmem>>
          %get3A_1708 = tpu.memref_squeeze %get3A_1707 : memref<1x80x128xf32, #tpu.memory_space<vmem>> -> memref<80x128xf32, #tpu.memory_space<vmem>>
          %get3A_1709 = arith.index_cast %add3A_1697 : i32 to index
          %get3A_1710 = arith.constant 16 : index
          %get3A_1711 = tpu.vector_load %get3A_1708[%get3A_1709, %get3A_1710] {strides = array<i32>} : memref<80x128xf32, #tpu.memory_space<vmem>>, vector<16xf32>,
          %get3A_1712 = arith.constant 0 : i32
          %get3A_1713 = arith.constant 0 : i32
          %get3A_1714 = tpu.memref_slice %arg8[%scan3A_87, %get3A_1712, %get3A_1713] : memref<2x80x128xf32, #tpu.memory_space<vmem>> -> memref<1x80x128xf32, #tpu.memory_space<vmem>>
          %get3A_1715 = tpu.memref_squeeze %get3A_1714 : memref<1x80x128xf32, #tpu.memory_space<vmem>> -> memref<80x128xf32, #tpu.memory_space<vmem>>
          %get3A_1716 = arith.index_cast %add3A_1697 : i32 to index
          %get3A_1717 = arith.constant 32 : index
          %get3A_1718 = tpu.vector_load %get3A_1715[%get3A_1716, %get3A_1717] {strides = array<i32>} : memref<80x128xf32, #tpu.memory_space<vmem>>, vector<16xf32>,
          %get3A_1719 = arith.constant 0 : i32
          %get3A_1720 = arith.constant 0 : i32
          %get3A_1721 = tpu.memref_slice %arg8[%scan3A_87, %get3A_1719, %get3A_1720] : memref<2x80x128xf32, #tpu.memory_space<vmem>> -> memref<1x80x128xf32, #tpu.memory_space<vmem>>
          %get3A_1722 = tpu.memref_squeeze %get3A_1721 : memref<1x80x128xf32, #tpu.memory_space<vmem>> -> memref<80x128xf32, #tpu.memory_space<vmem>>
          %get3A_1723 = arith.index_cast %add3A_1697 : i32 to index
          %get3A_1724 = arith.constant 48 : index
          %get3A_1725 = tpu.vector_load %get3A_1722[%get3A_1723, %get3A_1724] {strides = array<i32>} : memref<80x128xf32, #tpu.memory_space<vmem>>, vector<16xf32>,
          %get3A_1726 = arith.constant 0 : i32
          %get3A_1727 = arith.constant 0 : i32
          %get3A_1728 = tpu.memref_slice %arg8[%scan3A_87, %get3A_1726, %get3A_1727] : memref<2x80x128xf32, #tpu.memory_space<vmem>> -> memref<1x80x128xf32, #tpu.memory_space<vmem>>
          %get3A_1729 = tpu.memref_squeeze %get3A_1728 : memref<1x80x128xf32, #tpu.memory_space<vmem>> -> memref<80x128xf32, #tpu.memory_space<vmem>>
          %get3A_1730 = arith.index_cast %add3A_1697 : i32 to index
          %get3A_1731 = arith.constant 64 : index
          %get3A_1732 = tpu.vector_load %get3A_1729[%get3A_1730, %get3A_1731] {strides = array<i32>} : memref<80x128xf32, #tpu.memory_space<vmem>>, vector<16xf32>,
          %get3A_1733 = arith.constant 0 : i32
          %get3A_1734 = arith.constant 0 : i32
          %get3A_1735 = tpu.memref_slice %arg8[%scan3A_87, %get3A_1733, %get3A_1734] : memref<2x80x128xf32, #tpu.memory_space<vmem>> -> memref<1x80x128xf32, #tpu.memory_space<vmem>>
          %get3A_1736 = tpu.memref_squeeze %get3A_1735 : memref<1x80x128xf32, #tpu.memory_space<vmem>> -> memref<80x128xf32, #tpu.memory_space<vmem>>
          %get3A_1737 = arith.index_cast %add3A_1697 : i32 to index
          %get3A_1738 = arith.constant 80 : index
          %get3A_1739 = tpu.vector_load %get3A_1736[%get3A_1737, %get3A_1738] {strides = array<i32>} : memref<80x128xf32, #tpu.memory_space<vmem>>, vector<16xf32>,
          %get3A_1740 = arith.constant 0 : i32
          %get3A_1741 = arith.constant 0 : i32
          %get3A_1742 = tpu.memref_slice %arg8[%scan3A_87, %get3A_1740, %get3A_1741] : memref<2x80x128xf32, #tpu.memory_space<vmem>> -> memref<1x80x128xf32, #tpu.memory_space<vmem>>
          %get3A_1743 = tpu.memref_squeeze %get3A_1742 : memref<1x80x128xf32, #tpu.memory_space<vmem>> -> memref<80x128xf32, #tpu.memory_space<vmem>>
          %get3A_1744 = arith.index_cast %add3A_1697 : i32 to index
          %get3A_1745 = arith.constant 96 : index
          %get3A_1746 = tpu.vector_load %get3A_1743[%get3A_1744, %get3A_1745] {strides = array<i32>} : memref<80x128xf32, #tpu.memory_space<vmem>>, vector<16xf32>,
          %get3A_1747 = arith.constant 0 : i32
          %get3A_1748 = arith.constant 0 : i32
          %get3A_1749 = tpu.memref_slice %arg8[%scan3A_87, %get3A_1747, %get3A_1748] : memref<2x80x128xf32, #tpu.memory_space<vmem>> -> memref<1x80x128xf32, #tpu.memory_space<vmem>>
          %get3A_1750 = tpu.memref_squeeze %get3A_1749 : memref<1x80x128xf32, #tpu.memory_space<vmem>> -> memref<80x128xf32, #tpu.memory_space<vmem>>
          %get3A_1751 = arith.index_cast %add3A_1697 : i32 to index
          %get3A_1752 = arith.constant 112 : index
          %get3A_1753 = tpu.vector_load %get3A_1750[%get3A_1751, %get3A_1752] {strides = array<i32>} : memref<80x128xf32, #tpu.memory_space<vmem>>, vector<16xf32>,
          %get3A_1754 = arith.constant 0 : i32
          %get3A_1755 = arith.constant 0 : i32
          %get3A_1756 = tpu.memref_slice %arg9[%scan3A_88, %get3A_1754, %get3A_1755] : memref<2x80x128xf32, #tpu.memory_space<vmem>> -> memref<1x80x128xf32, #tpu.memory_space<vmem>>
          %get3A_1757 = tpu.memref_squeeze %get3A_1756 : memref<1x80x128xf32, #tpu.memory_space<vmem>> -> memref<80x128xf32, #tpu.memory_space<vmem>>
          %get3A_1758 = arith.index_cast %add3A_1697 : i32 to index
          %get3A_1759 = arith.constant 0 : index
          %get3A_1760 = tpu.vector_load %get3A_1757[%get3A_1758, %get3A_1759] {strides = array<i32>} : memref<80x128xf32, #tpu.memory_space<vmem>>, vector<16xf32>,
          %get3A_1761 = arith.constant 0 : i32
          %get3A_1762 = arith.constant 0 : i32
          %get3A_1763 = tpu.memref_slice %arg9[%scan3A_88, %get3A_1761, %get3A_1762] : memref<2x80x128xf32, #tpu.memory_space<vmem>> -> memref<1x80x128xf32, #tpu.memory_space<vmem>>
          %get3A_1764 = tpu.memref_squeeze %get3A_1763 : memref<1x80x128xf32, #tpu.memory_space<vmem>> -> memref<80x128xf32, #tpu.memory_space<vmem>>
          %get3A_1765 = arith.index_cast %add3A_1697 : i32 to index
          %get3A_1766 = arith.constant 16 : index
          %get3A_1767 = tpu.vector_load %get3A_1764[%get3A_1765, %get3A_1766] {strides = array<i32>} : memref<80x128xf32, #tpu.memory_space<vmem>>, vector<16xf32>,
          %get3A_1768 = arith.constant 0 : i32
          %get3A_1769 = arith.constant 0 : i32
          %get3A_1770 = tpu.memref_slice %arg9[%scan3A_88, %get3A_1768, %get3A_1769] : memref<2x80x128xf32, #tpu.memory_space<vmem>> -> memref<1x80x128xf32, #tpu.memory_space<vmem>>
          %get3A_1771 = tpu.memref_squeeze %get3A_1770 : memref<1x80x128xf32, #tpu.memory_space<vmem>> -> memref<80x128xf32, #tpu.memory_space<vmem>>
          %get3A_1772 = arith.index_cast %add3A_1697 : i32 to index
          %get3A_1773 = arith.constant 32 : index
          %get3A_1774 = tpu.vector_load %get3A_1771[%get3A_1772, %get3A_1773] {strides = array<i32>} : memref<80x128xf32, #tpu.memory_space<vmem>>, vector<16xf32>,
          %get3A_1775 = arith.constant 0 : i32
          %get3A_1776 = arith.constant 0 : i32
          %get3A_1777 = tpu.memref_slice %arg9[%scan3A_88, %get3A_1775, %get3A_1776] : memref<2x80x128xf32, #tpu.memory_space<vmem>> -> memref<1x80x128xf32, #tpu.memory_space<vmem>>
          %get3A_1778 = tpu.memref_squeeze %get3A_1777 : memref<1x80x128xf32, #tpu.memory_space<vmem>> -> memref<80x128xf32, #tpu.memory_space<vmem>>
          %get3A_1779 = arith.index_cast %add3A_1697 : i32 to index
          %get3A_1780 = arith.constant 48 : index
          %get3A_1781 = tpu.vector_load %get3A_1778[%get3A_1779, %get3A_1780] {strides = array<i32>} : memref<80x128xf32, #tpu.memory_space<vmem>>, vector<16xf32>,
          %get3A_1782 = arith.constant 0 : i32
          %get3A_1783 = arith.constant 0 : i32
          %get3A_1784 = tpu.memref_slice %arg9[%scan3A_88, %get3A_1782, %get3A_1783] : memref<2x80x128xf32, #tpu.memory_space<vmem>> -> memref<1x80x128xf32, #tpu.memory_space<vmem>>
          %get3A_1785 = tpu.memref_squeeze %get3A_1784 : memref<1x80x128xf32, #tpu.memory_space<vmem>> -> memref<80x128xf32, #tpu.memory_space<vmem>>
          %get3A_1786 = arith.index_cast %add3A_1697 : i32 to index
          %get3A_1787 = arith.constant 64 : index
          %get3A_1788 = tpu.vector_load %get3A_1785[%get3A_1786, %get3A_1787] {strides = array<i32>} : memref<80x128xf32, #tpu.memory_space<vmem>>, vector<16xf32>,
          %get3A_1789 = arith.constant 0 : i32
          %get3A_1790 = arith.constant 0 : i32
          %get3A_1791 = tpu.memref_slice %arg9[%scan3A_88, %get3A_1789, %get3A_1790] : memref<2x80x128xf32, #tpu.memory_space<vmem>> -> memref<1x80x128xf32, #tpu.memory_space<vmem>>
          %get3A_1792 = tpu.memref_squeeze %get3A_1791 : memref<1x80x128xf32, #tpu.memory_space<vmem>> -> memref<80x128xf32, #tpu.memory_space<vmem>>
          %get3A_1793 = arith.index_cast %add3A_1697 : i32 to index
          %get3A_1794 = arith.constant 80 : index
          %get3A_1795 = tpu.vector_load %get3A_1792[%get3A_1793, %get3A_1794] {strides = array<i32>} : memref<80x128xf32, #tpu.memory_space<vmem>>, vector<16xf32>,
          %get3A_1796 = arith.constant 0 : i32
          %get3A_1797 = arith.constant 0 : i32
          %get3A_1798 = tpu.memref_slice %arg9[%scan3A_88, %get3A_1796, %get3A_1797] : memref<2x80x128xf32, #tpu.memory_space<vmem>> -> memref<1x80x128xf32, #tpu.memory_space<vmem>>
          %get3A_1799 = tpu.memref_squeeze %get3A_1798 : memref<1x80x128xf32, #tpu.memory_space<vmem>> -> memref<80x128xf32, #tpu.memory_space<vmem>>
          %get3A_1800 = arith.index_cast %add3A_1697 : i32 to index
          %get3A_1801 = arith.constant 96 : index
          %get3A_1802 = tpu.vector_load %get3A_1799[%get3A_1800, %get3A_1801] {strides = array<i32>} : memref<80x128xf32, #tpu.memory_space<vmem>>, vector<16xf32>,
          %get3A_1803 = arith.constant 0 : i32
          %get3A_1804 = arith.constant 0 : i32
          %get3A_1805 = tpu.memref_slice %arg9[%scan3A_88, %get3A_1803, %get3A_1804] : memref<2x80x128xf32, #tpu.memory_space<vmem>> -> memref<1x80x128xf32, #tpu.memory_space<vmem>>
          %get3A_1806 = tpu.memref_squeeze %get3A_1805 : memref<1x80x128xf32, #tpu.memory_space<vmem>> -> memref<80x128xf32, #tpu.memory_space<vmem>>
          %get3A_1807 = arith.index_cast %add3A_1697 : i32 to index
          %get3A_1808 = arith.constant 112 : index
          %get3A_1809 = tpu.vector_load %get3A_1806[%get3A_1807, %get3A_1808] {strides = array<i32>} : memref<80x128xf32, #tpu.memory_space<vmem>>, vector<16xf32>,
          %mul3A_1810 = arith.mulf %get3A_1430, %get3A_1486 : vector<16xf32>
          %mul3A_1811 = arith.mulf %get3A_1437, %get3A_1493 : vector<16xf32>
          %mul3A_1812 = arith.mulf %get3A_1444, %get3A_1500 : vector<16xf32>
          %mul3A_1813 = arith.mulf %get3A_1451, %get3A_1507 : vector<16xf32>
          %mul3A_1814 = arith.mulf %get3A_1458, %get3A_1514 : vector<16xf32>
          %mul3A_1815 = arith.mulf %get3A_1465, %get3A_1521 : vector<16xf32>
          %mul3A_1816 = arith.mulf %get3A_1472, %get3A_1528 : vector<16xf32>
          %mul3A_1817 = arith.mulf %get3A_1479, %get3A_1535 : vector<16xf32>
          %add3A_1818 = arith.addf %mul3A_1810, %mul3A_1811 : vector<16xf32>
          %add3A_1819 = arith.addf %mul3A_1812, %mul3A_1813 : vector<16xf32>
          %add3A_1820 = arith.addf %add3A_1818, %add3A_1819 : vector<16xf32>
          %add3A_1821 = arith.addf %mul3A_1814, %mul3A_1815 : vector<16xf32>
          %add3A_1822 = arith.addf %mul3A_1816, %mul3A_1817 : vector<16xf32>
          %add3A_1823 = arith.addf %add3A_1821, %add3A_1822 : vector<16xf32>
          %add3A_1824 = arith.addf %add3A_1820, %add3A_1823 : vector<16xf32>
          %mul3A_1825 = arith.mulf %mul3A_1810, %select_n3A : vector<16xf32>
          %sub3A_1826 = arith.subf %mul3A_1825, %add3A_1824 : vector<16xf32>
          %broadcast_in_dim3A_1827 = arith.constant true
          %broadcast_in_dim3A_1828 = vector.broadcast %broadcast_in_dim3A_1827 : i1 to vector<16xi1>
          %masked_cumsum3A_1829 = tpu.scan <sum>, %sub3A_1826 masked %broadcast_in_dim3A_1828 : vector<16xf32>, vector<16xi1> -> vector<16xf32>
          %add3A_1830 = arith.constant 10 : i32
          %add3A_1831 = vector.broadcast %add3A_1830 : i32 to vector<16xi32>
          %add3A_1832 = arith.addi %add3A_100, %add3A_1831 : vector<16xi32>
          tpu.vector_store_idx %arg10[%add3A_85, %add3A_1832], %masked_cumsum3A_1829 masked %eq3A_7 : memref<125x80xf32, #tpu.memory_space<vmem>>[vector<16xi32>, vector<16xi32>], vector<16xf32>, vector<16xi1>
          %add3A_1833 = arith.constant 13 : i32
          %add3A_1834 = arith.addi %mul3A_96, %add3A_1833 : i32
          %get3A_1835 = arith.constant 0 : i32
          %get3A_1836 = arith.constant 0 : i32
          %get3A_1837 = tpu.memref_slice %arg8[%scan3A_87, %get3A_1835, %get3A_1836] : memref<2x80x128xf32, #tpu.memory_space<vmem>> -> memref<1x80x128xf32, #tpu.memory_space<vmem>>
          %get3A_1838 = tpu.memref_squeeze %get3A_1837 : memref<1x80x128xf32, #tpu.memory_space<vmem>> -> memref<80x128xf32, #tpu.memory_space<vmem>>
          %get3A_1839 = arith.index_cast %add3A_1834 : i32 to index
          %get3A_1840 = arith.constant 0 : index
          %get3A_1841 = tpu.vector_load %get3A_1838[%get3A_1839, %get3A_1840] {strides = array<i32>} : memref<80x128xf32, #tpu.memory_space<vmem>>, vector<16xf32>,
          %get3A_1842 = arith.constant 0 : i32
          %get3A_1843 = arith.constant 0 : i32
          %get3A_1844 = tpu.memref_slice %arg8[%scan3A_87, %get3A_1842, %get3A_1843] : memref<2x80x128xf32, #tpu.memory_space<vmem>> -> memref<1x80x128xf32, #tpu.memory_space<vmem>>
          %get3A_1845 = tpu.memref_squeeze %get3A_1844 : memref<1x80x128xf32, #tpu.memory_space<vmem>> -> memref<80x128xf32, #tpu.memory_space<vmem>>
          %get3A_1846 = arith.index_cast %add3A_1834 : i32 to index
          %get3A_1847 = arith.constant 16 : index
          %get3A_1848 = tpu.vector_load %get3A_1845[%get3A_1846, %get3A_1847] {strides = array<i32>} : memref<80x128xf32, #tpu.memory_space<vmem>>, vector<16xf32>,
          %get3A_1849 = arith.constant 0 : i32
          %get3A_1850 = arith.constant 0 : i32
          %get3A_1851 = tpu.memref_slice %arg8[%scan3A_87, %get3A_1849, %get3A_1850] : memref<2x80x128xf32, #tpu.memory_space<vmem>> -> memref<1x80x128xf32, #tpu.memory_space<vmem>>
          %get3A_1852 = tpu.memref_squeeze %get3A_1851 : memref<1x80x128xf32, #tpu.memory_space<vmem>> -> memref<80x128xf32, #tpu.memory_space<vmem>>
          %get3A_1853 = arith.index_cast %add3A_1834 : i32 to index
          %get3A_1854 = arith.constant 32 : index
          %get3A_1855 = tpu.vector_load %get3A_1852[%get3A_1853, %get3A_1854] {strides = array<i32>} : memref<80x128xf32, #tpu.memory_space<vmem>>, vector<16xf32>,
          %get3A_1856 = arith.constant 0 : i32
          %get3A_1857 = arith.constant 0 : i32
          %get3A_1858 = tpu.memref_slice %arg8[%scan3A_87, %get3A_1856, %get3A_1857] : memref<2x80x128xf32, #tpu.memory_space<vmem>> -> memref<1x80x128xf32, #tpu.memory_space<vmem>>
          %get3A_1859 = tpu.memref_squeeze %get3A_1858 : memref<1x80x128xf32, #tpu.memory_space<vmem>> -> memref<80x128xf32, #tpu.memory_space<vmem>>
          %get3A_1860 = arith.index_cast %add3A_1834 : i32 to index
          %get3A_1861 = arith.constant 48 : index
          %get3A_1862 = tpu.vector_load %get3A_1859[%get3A_1860, %get3A_1861] {strides = array<i32>} : memref<80x128xf32, #tpu.memory_space<vmem>>, vector<16xf32>,
          %get3A_1863 = arith.constant 0 : i32
          %get3A_1864 = arith.constant 0 : i32
          %get3A_1865 = tpu.memref_slice %arg8[%scan3A_87, %get3A_1863, %get3A_1864] : memref<2x80x128xf32, #tpu.memory_space<vmem>> -> memref<1x80x128xf32, #tpu.memory_space<vmem>>
          %get3A_1866 = tpu.memref_squeeze %get3A_1865 : memref<1x80x128xf32, #tpu.memory_space<vmem>> -> memref<80x128xf32, #tpu.memory_space<vmem>>
          %get3A_1867 = arith.index_cast %add3A_1834 : i32 to index
          %get3A_1868 = arith.constant 64 : index
          %get3A_1869 = tpu.vector_load %get3A_1866[%get3A_1867, %get3A_1868] {strides = array<i32>} : memref<80x128xf32, #tpu.memory_space<vmem>>, vector<16xf32>,
          %get3A_1870 = arith.constant 0 : i32
          %get3A_1871 = arith.constant 0 : i32
          %get3A_1872 = tpu.memref_slice %arg8[%scan3A_87, %get3A_1870, %get3A_1871] : memref<2x80x128xf32, #tpu.memory_space<vmem>> -> memref<1x80x128xf32, #tpu.memory_space<vmem>>
          %get3A_1873 = tpu.memref_squeeze %get3A_1872 : memref<1x80x128xf32, #tpu.memory_space<vmem>> -> memref<80x128xf32, #tpu.memory_space<vmem>>
          %get3A_1874 = arith.index_cast %add3A_1834 : i32 to index
          %get3A_1875 = arith.constant 80 : index
          %get3A_1876 = tpu.vector_load %get3A_1873[%get3A_1874, %get3A_1875] {strides = array<i32>} : memref<80x128xf32, #tpu.memory_space<vmem>>, vector<16xf32>,
          %get3A_1877 = arith.constant 0 : i32
          %get3A_1878 = arith.constant 0 : i32
          %get3A_1879 = tpu.memref_slice %arg8[%scan3A_87, %get3A_1877, %get3A_1878] : memref<2x80x128xf32, #tpu.memory_space<vmem>> -> memref<1x80x128xf32, #tpu.memory_space<vmem>>
          %get3A_1880 = tpu.memref_squeeze %get3A_1879 : memref<1x80x128xf32, #tpu.memory_space<vmem>> -> memref<80x128xf32, #tpu.memory_space<vmem>>
          %get3A_1881 = arith.index_cast %add3A_1834 : i32 to index
          %get3A_1882 = arith.constant 96 : index
          %get3A_1883 = tpu.vector_load %get3A_1880[%get3A_1881, %get3A_1882] {strides = array<i32>} : memref<80x128xf32, #tpu.memory_space<vmem>>, vector<16xf32>,
          %get3A_1884 = arith.constant 0 : i32
          %get3A_1885 = arith.constant 0 : i32
          %get3A_1886 = tpu.memref_slice %arg8[%scan3A_87, %get3A_1884, %get3A_1885] : memref<2x80x128xf32, #tpu.memory_space<vmem>> -> memref<1x80x128xf32, #tpu.memory_space<vmem>>
          %get3A_1887 = tpu.memref_squeeze %get3A_1886 : memref<1x80x128xf32, #tpu.memory_space<vmem>> -> memref<80x128xf32, #tpu.memory_space<vmem>>
          %get3A_1888 = arith.index_cast %add3A_1834 : i32 to index
          %get3A_1889 = arith.constant 112 : index
          %get3A_1890 = tpu.vector_load %get3A_1887[%get3A_1888, %get3A_1889] {strides = array<i32>} : memref<80x128xf32, #tpu.memory_space<vmem>>, vector<16xf32>,
          %get3A_1891 = arith.constant 0 : i32
          %get3A_1892 = arith.constant 0 : i32
          %get3A_1893 = tpu.memref_slice %arg9[%scan3A_88, %get3A_1891, %get3A_1892] : memref<2x80x128xf32, #tpu.memory_space<vmem>> -> memref<1x80x128xf32, #tpu.memory_space<vmem>>
          %get3A_1894 = tpu.memref_squeeze %get3A_1893 : memref<1x80x128xf32, #tpu.memory_space<vmem>> -> memref<80x128xf32, #tpu.memory_space<vmem>>
          %get3A_1895 = arith.index_cast %add3A_1834 : i32 to index
          %get3A_1896 = arith.constant 0 : index
          %get3A_1897 = tpu.vector_load %get3A_1894[%get3A_1895, %get3A_1896] {strides = array<i32>} : memref<80x128xf32, #tpu.memory_space<vmem>>, vector<16xf32>,
          %get3A_1898 = arith.constant 0 : i32
          %get3A_1899 = arith.constant 0 : i32
          %get3A_1900 = tpu.memref_slice %arg9[%scan3A_88, %get3A_1898, %get3A_1899] : memref<2x80x128xf32, #tpu.memory_space<vmem>> -> memref<1x80x128xf32, #tpu.memory_space<vmem>>
          %get3A_1901 = tpu.memref_squeeze %get3A_1900 : memref<1x80x128xf32, #tpu.memory_space<vmem>> -> memref<80x128xf32, #tpu.memory_space<vmem>>
          %get3A_1902 = arith.index_cast %add3A_1834 : i32 to index
          %get3A_1903 = arith.constant 16 : index
          %get3A_1904 = tpu.vector_load %get3A_1901[%get3A_1902, %get3A_1903] {strides = array<i32>} : memref<80x128xf32, #tpu.memory_space<vmem>>, vector<16xf32>,
          %get3A_1905 = arith.constant 0 : i32
          %get3A_1906 = arith.constant 0 : i32
          %get3A_1907 = tpu.memref_slice %arg9[%scan3A_88, %get3A_1905, %get3A_1906] : memref<2x80x128xf32, #tpu.memory_space<vmem>> -> memref<1x80x128xf32, #tpu.memory_space<vmem>>
          %get3A_1908 = tpu.memref_squeeze %get3A_1907 : memref<1x80x128xf32, #tpu.memory_space<vmem>> -> memref<80x128xf32, #tpu.memory_space<vmem>>
          %get3A_1909 = arith.index_cast %add3A_1834 : i32 to index
          %get3A_1910 = arith.constant 32 : index
          %get3A_1911 = tpu.vector_load %get3A_1908[%get3A_1909, %get3A_1910] {strides = array<i32>} : memref<80x128xf32, #tpu.memory_space<vmem>>, vector<16xf32>,
          %get3A_1912 = arith.constant 0 : i32
          %get3A_1913 = arith.constant 0 : i32
          %get3A_1914 = tpu.memref_slice %arg9[%scan3A_88, %get3A_1912, %get3A_1913] : memref<2x80x128xf32, #tpu.memory_space<vmem>> -> memref<1x80x128xf32, #tpu.memory_space<vmem>>
          %get3A_1915 = tpu.memref_squeeze %get3A_1914 : memref<1x80x128xf32, #tpu.memory_space<vmem>> -> memref<80x128xf32, #tpu.memory_space<vmem>>
          %get3A_1916 = arith.index_cast %add3A_1834 : i32 to index
          %get3A_1917 = arith.constant 48 : index
          %get3A_1918 = tpu.vector_load %get3A_1915[%get3A_1916, %get3A_1917] {strides = array<i32>} : memref<80x128xf32, #tpu.memory_space<vmem>>, vector<16xf32>,
          %get3A_1919 = arith.constant 0 : i32
          %get3A_1920 = arith.constant 0 : i32
          %get3A_1921 = tpu.memref_slice %arg9[%scan3A_88, %get3A_1919, %get3A_1920] : memref<2x80x128xf32, #tpu.memory_space<vmem>> -> memref<1x80x128xf32, #tpu.memory_space<vmem>>
          %get3A_1922 = tpu.memref_squeeze %get3A_1921 : memref<1x80x128xf32, #tpu.memory_space<vmem>> -> memref<80x128xf32, #tpu.memory_space<vmem>>
          %get3A_1923 = arith.index_cast %add3A_1834 : i32 to index
          %get3A_1924 = arith.constant 64 : index
          %get3A_1925 = tpu.vector_load %get3A_1922[%get3A_1923, %get3A_1924] {strides = array<i32>} : memref<80x128xf32, #tpu.memory_space<vmem>>, vector<16xf32>,
          %get3A_1926 = arith.constant 0 : i32
          %get3A_1927 = arith.constant 0 : i32
          %get3A_1928 = tpu.memref_slice %arg9[%scan3A_88, %get3A_1926, %get3A_1927] : memref<2x80x128xf32, #tpu.memory_space<vmem>> -> memref<1x80x128xf32, #tpu.memory_space<vmem>>
          %get3A_1929 = tpu.memref_squeeze %get3A_1928 : memref<1x80x128xf32, #tpu.memory_space<vmem>> -> memref<80x128xf32, #tpu.memory_space<vmem>>
          %get3A_1930 = arith.index_cast %add3A_1834 : i32 to index
          %get3A_1931 = arith.constant 80 : index
          %get3A_1932 = tpu.vector_load %get3A_1929[%get3A_1930, %get3A_1931] {strides = array<i32>} : memref<80x128xf32, #tpu.memory_space<vmem>>, vector<16xf32>,
          %get3A_1933 = arith.constant 0 : i32
          %get3A_1934 = arith.constant 0 : i32
          %get3A_1935 = tpu.memref_slice %arg9[%scan3A_88, %get3A_1933, %get3A_1934] : memref<2x80x128xf32, #tpu.memory_space<vmem>> -> memref<1x80x128xf32, #tpu.memory_space<vmem>>
          %get3A_1936 = tpu.memref_squeeze %get3A_1935 : memref<1x80x128xf32, #tpu.memory_space<vmem>> -> memref<80x128xf32, #tpu.memory_space<vmem>>
          %get3A_1937 = arith.index_cast %add3A_1834 : i32 to index
          %get3A_1938 = arith.constant 96 : index
          %get3A_1939 = tpu.vector_load %get3A_1936[%get3A_1937, %get3A_1938] {strides = array<i32>} : memref<80x128xf32, #tpu.memory_space<vmem>>, vector<16xf32>,
          %get3A_1940 = arith.constant 0 : i32
          %get3A_1941 = arith.constant 0 : i32
          %get3A_1942 = tpu.memref_slice %arg9[%scan3A_88, %get3A_1940, %get3A_1941] : memref<2x80x128xf32, #tpu.memory_space<vmem>> -> memref<1x80x128xf32, #tpu.memory_space<vmem>>
          %get3A_1943 = tpu.memref_squeeze %get3A_1942 : memref<1x80x128xf32, #tpu.memory_space<vmem>> -> memref<80x128xf32, #tpu.memory_space<vmem>>
          %get3A_1944 = arith.index_cast %add3A_1834 : i32 to index
          %get3A_1945 = arith.constant 112 : index
          %get3A_1946 = tpu.vector_load %get3A_1943[%get3A_1944, %get3A_1945] {strides = array<i32>} : memref<80x128xf32, #tpu.memory_space<vmem>>, vector<16xf32>,
          %mul3A_1947 = arith.mulf %get3A_1567, %get3A_1623 : vector<16xf32>
          %mul3A_1948 = arith.mulf %get3A_1574, %get3A_1630 : vector<16xf32>
          %mul3A_1949 = arith.mulf %get3A_1581, %get3A_1637 : vector<16xf32>
          %mul3A_1950 = arith.mulf %get3A_1588, %get3A_1644 : vector<16xf32>
          %mul3A_1951 = arith.mulf %get3A_1595, %get3A_1651 : vector<16xf32>
          %mul3A_1952 = arith.mulf %get3A_1602, %get3A_1658 : vector<16xf32>
          %mul3A_1953 = arith.mulf %get3A_1609, %get3A_1665 : vector<16xf32>
          %mul3A_1954 = arith.mulf %get3A_1616, %get3A_1672 : vector<16xf32>
          %add3A_1955 = arith.addf %mul3A_1947, %mul3A_1948 : vector<16xf32>
          %add3A_1956 = arith.addf %mul3A_1949, %mul3A_1950 : vector<16xf32>
          %add3A_1957 = arith.addf %add3A_1955, %add3A_1956 : vector<16xf32>
          %add3A_1958 = arith.addf %mul3A_1951, %mul3A_1952 : vector<16xf32>
          %add3A_1959 = arith.addf %mul3A_1953, %mul3A_1954 : vector<16xf32>
          %add3A_1960 = arith.addf %add3A_1958, %add3A_1959 : vector<16xf32>
          %add3A_1961 = arith.addf %add3A_1957, %add3A_1960 : vector<16xf32>
          %mul3A_1962 = arith.mulf %mul3A_1947, %select_n3A : vector<16xf32>
          %sub3A_1963 = arith.subf %mul3A_1962, %add3A_1961 : vector<16xf32>
          %broadcast_in_dim3A_1964 = arith.constant true
          %broadcast_in_dim3A_1965 = vector.broadcast %broadcast_in_dim3A_1964 : i1 to vector<16xi1>
          %masked_cumsum3A_1966 = tpu.scan <sum>, %sub3A_1963 masked %broadcast_in_dim3A_1965 : vector<16xf32>, vector<16xi1> -> vector<16xf32>
          %add3A_1967 = arith.constant 11 : i32
          %add3A_1968 = vector.broadcast %add3A_1967 : i32 to vector<16xi32>
          %add3A_1969 = arith.addi %add3A_100, %add3A_1968 : vector<16xi32>
          tpu.vector_store_idx %arg10[%add3A_85, %add3A_1969], %masked_cumsum3A_1966 masked %eq3A_7 : memref<125x80xf32, #tpu.memory_space<vmem>>[vector<16xi32>, vector<16xi32>], vector<16xf32>, vector<16xi1>
          %add3A_1970 = arith.constant 14 : i32
          %add3A_1971 = arith.addi %mul3A_96, %add3A_1970 : i32
          %get3A_1972 = arith.constant 0 : i32
          %get3A_1973 = arith.constant 0 : i32
          %get3A_1974 = tpu.memref_slice %arg8[%scan3A_87, %get3A_1972, %get3A_1973] : memref<2x80x128xf32, #tpu.memory_space<vmem>> -> memref<1x80x128xf32, #tpu.memory_space<vmem>>
          %get3A_1975 = tpu.memref_squeeze %get3A_1974 : memref<1x80x128xf32, #tpu.memory_space<vmem>> -> memref<80x128xf32, #tpu.memory_space<vmem>>
          %get3A_1976 = arith.index_cast %add3A_1971 : i32 to index
          %get3A_1977 = arith.constant 0 : index
          %get3A_1978 = tpu.vector_load %get3A_1975[%get3A_1976, %get3A_1977] {strides = array<i32>} : memref<80x128xf32, #tpu.memory_space<vmem>>, vector<16xf32>,
          %get3A_1979 = arith.constant 0 : i32
          %get3A_1980 = arith.constant 0 : i32
          %get3A_1981 = tpu.memref_slice %arg8[%scan3A_87, %get3A_1979, %get3A_1980] : memref<2x80x128xf32, #tpu.memory_space<vmem>> -> memref<1x80x128xf32, #tpu.memory_space<vmem>>
          %get3A_1982 = tpu.memref_squeeze %get3A_1981 : memref<1x80x128xf32, #tpu.memory_space<vmem>> -> memref<80x128xf32, #tpu.memory_space<vmem>>
          %get3A_1983 = arith.index_cast %add3A_1971 : i32 to index
          %get3A_1984 = arith.constant 16 : index
          %get3A_1985 = tpu.vector_load %get3A_1982[%get3A_1983, %get3A_1984] {strides = array<i32>} : memref<80x128xf32, #tpu.memory_space<vmem>>, vector<16xf32>,
          %get3A_1986 = arith.constant 0 : i32
          %get3A_1987 = arith.constant 0 : i32
          %get3A_1988 = tpu.memref_slice %arg8[%scan3A_87, %get3A_1986, %get3A_1987] : memref<2x80x128xf32, #tpu.memory_space<vmem>> -> memref<1x80x128xf32, #tpu.memory_space<vmem>>
          %get3A_1989 = tpu.memref_squeeze %get3A_1988 : memref<1x80x128xf32, #tpu.memory_space<vmem>> -> memref<80x128xf32, #tpu.memory_space<vmem>>
          %get3A_1990 = arith.index_cast %add3A_1971 : i32 to index
          %get3A_1991 = arith.constant 32 : index
          %get3A_1992 = tpu.vector_load %get3A_1989[%get3A_1990, %get3A_1991] {strides = array<i32>} : memref<80x128xf32, #tpu.memory_space<vmem>>, vector<16xf32>,
          %get3A_1993 = arith.constant 0 : i32
          %get3A_1994 = arith.constant 0 : i32
          %get3A_1995 = tpu.memref_slice %arg8[%scan3A_87, %get3A_1993, %get3A_1994] : memref<2x80x128xf32, #tpu.memory_space<vmem>> -> memref<1x80x128xf32, #tpu.memory_space<vmem>>
          %get3A_1996 = tpu.memref_squeeze %get3A_1995 : memref<1x80x128xf32, #tpu.memory_space<vmem>> -> memref<80x128xf32, #tpu.memory_space<vmem>>
          %get3A_1997 = arith.index_cast %add3A_1971 : i32 to index
          %get3A_1998 = arith.constant 48 : index
          %get3A_1999 = tpu.vector_load %get3A_1996[%get3A_1997, %get3A_1998] {strides = array<i32>} : memref<80x128xf32, #tpu.memory_space<vmem>>, vector<16xf32>,
          %get3A_2000 = arith.constant 0 : i32
          %get3A_2001 = arith.constant 0 : i32
          %get3A_2002 = tpu.memref_slice %arg8[%scan3A_87, %get3A_2000, %get3A_2001] : memref<2x80x128xf32, #tpu.memory_space<vmem>> -> memref<1x80x128xf32, #tpu.memory_space<vmem>>
          %get3A_2003 = tpu.memref_squeeze %get3A_2002 : memref<1x80x128xf32, #tpu.memory_space<vmem>> -> memref<80x128xf32, #tpu.memory_space<vmem>>
          %get3A_2004 = arith.index_cast %add3A_1971 : i32 to index
          %get3A_2005 = arith.constant 64 : index
          %get3A_2006 = tpu.vector_load %get3A_2003[%get3A_2004, %get3A_2005] {strides = array<i32>} : memref<80x128xf32, #tpu.memory_space<vmem>>, vector<16xf32>,
          %get3A_2007 = arith.constant 0 : i32
          %get3A_2008 = arith.constant 0 : i32
          %get3A_2009 = tpu.memref_slice %arg8[%scan3A_87, %get3A_2007, %get3A_2008] : memref<2x80x128xf32, #tpu.memory_space<vmem>> -> memref<1x80x128xf32, #tpu.memory_space<vmem>>
          %get3A_2010 = tpu.memref_squeeze %get3A_2009 : memref<1x80x128xf32, #tpu.memory_space<vmem>> -> memref<80x128xf32, #tpu.memory_space<vmem>>
          %get3A_2011 = arith.index_cast %add3A_1971 : i32 to index
          %get3A_2012 = arith.constant 80 : index
          %get3A_2013 = tpu.vector_load %get3A_2010[%get3A_2011, %get3A_2012] {strides = array<i32>} : memref<80x128xf32, #tpu.memory_space<vmem>>, vector<16xf32>,
          %get3A_2014 = arith.constant 0 : i32
          %get3A_2015 = arith.constant 0 : i32
          %get3A_2016 = tpu.memref_slice %arg8[%scan3A_87, %get3A_2014, %get3A_2015] : memref<2x80x128xf32, #tpu.memory_space<vmem>> -> memref<1x80x128xf32, #tpu.memory_space<vmem>>
          %get3A_2017 = tpu.memref_squeeze %get3A_2016 : memref<1x80x128xf32, #tpu.memory_space<vmem>> -> memref<80x128xf32, #tpu.memory_space<vmem>>
          %get3A_2018 = arith.index_cast %add3A_1971 : i32 to index
          %get3A_2019 = arith.constant 96 : index
          %get3A_2020 = tpu.vector_load %get3A_2017[%get3A_2018, %get3A_2019] {strides = array<i32>} : memref<80x128xf32, #tpu.memory_space<vmem>>, vector<16xf32>,
          %get3A_2021 = arith.constant 0 : i32
          %get3A_2022 = arith.constant 0 : i32
          %get3A_2023 = tpu.memref_slice %arg8[%scan3A_87, %get3A_2021, %get3A_2022] : memref<2x80x128xf32, #tpu.memory_space<vmem>> -> memref<1x80x128xf32, #tpu.memory_space<vmem>>
          %get3A_2024 = tpu.memref_squeeze %get3A_2023 : memref<1x80x128xf32, #tpu.memory_space<vmem>> -> memref<80x128xf32, #tpu.memory_space<vmem>>
          %get3A_2025 = arith.index_cast %add3A_1971 : i32 to index
          %get3A_2026 = arith.constant 112 : index
          %get3A_2027 = tpu.vector_load %get3A_2024[%get3A_2025, %get3A_2026] {strides = array<i32>} : memref<80x128xf32, #tpu.memory_space<vmem>>, vector<16xf32>,
          %get3A_2028 = arith.constant 0 : i32
          %get3A_2029 = arith.constant 0 : i32
          %get3A_2030 = tpu.memref_slice %arg9[%scan3A_88, %get3A_2028, %get3A_2029] : memref<2x80x128xf32, #tpu.memory_space<vmem>> -> memref<1x80x128xf32, #tpu.memory_space<vmem>>
          %get3A_2031 = tpu.memref_squeeze %get3A_2030 : memref<1x80x128xf32, #tpu.memory_space<vmem>> -> memref<80x128xf32, #tpu.memory_space<vmem>>
          %get3A_2032 = arith.index_cast %add3A_1971 : i32 to index
          %get3A_2033 = arith.constant 0 : index
          %get3A_2034 = tpu.vector_load %get3A_2031[%get3A_2032, %get3A_2033] {strides = array<i32>} : memref<80x128xf32, #tpu.memory_space<vmem>>, vector<16xf32>,
          %get3A_2035 = arith.constant 0 : i32
          %get3A_2036 = arith.constant 0 : i32
          %get3A_2037 = tpu.memref_slice %arg9[%scan3A_88, %get3A_2035, %get3A_2036] : memref<2x80x128xf32, #tpu.memory_space<vmem>> -> memref<1x80x128xf32, #tpu.memory_space<vmem>>
          %get3A_2038 = tpu.memref_squeeze %get3A_2037 : memref<1x80x128xf32, #tpu.memory_space<vmem>> -> memref<80x128xf32, #tpu.memory_space<vmem>>
          %get3A_2039 = arith.index_cast %add3A_1971 : i32 to index
          %get3A_2040 = arith.constant 16 : index
          %get3A_2041 = tpu.vector_load %get3A_2038[%get3A_2039, %get3A_2040] {strides = array<i32>} : memref<80x128xf32, #tpu.memory_space<vmem>>, vector<16xf32>,
          %get3A_2042 = arith.constant 0 : i32
          %get3A_2043 = arith.constant 0 : i32
          %get3A_2044 = tpu.memref_slice %arg9[%scan3A_88, %get3A_2042, %get3A_2043] : memref<2x80x128xf32, #tpu.memory_space<vmem>> -> memref<1x80x128xf32, #tpu.memory_space<vmem>>
          %get3A_2045 = tpu.memref_squeeze %get3A_2044 : memref<1x80x128xf32, #tpu.memory_space<vmem>> -> memref<80x128xf32, #tpu.memory_space<vmem>>
          %get3A_2046 = arith.index_cast %add3A_1971 : i32 to index
          %get3A_2047 = arith.constant 32 : index
          %get3A_2048 = tpu.vector_load %get3A_2045[%get3A_2046, %get3A_2047] {strides = array<i32>} : memref<80x128xf32, #tpu.memory_space<vmem>>, vector<16xf32>,
          %get3A_2049 = arith.constant 0 : i32
          %get3A_2050 = arith.constant 0 : i32
          %get3A_2051 = tpu.memref_slice %arg9[%scan3A_88, %get3A_2049, %get3A_2050] : memref<2x80x128xf32, #tpu.memory_space<vmem>> -> memref<1x80x128xf32, #tpu.memory_space<vmem>>
          %get3A_2052 = tpu.memref_squeeze %get3A_2051 : memref<1x80x128xf32, #tpu.memory_space<vmem>> -> memref<80x128xf32, #tpu.memory_space<vmem>>
          %get3A_2053 = arith.index_cast %add3A_1971 : i32 to index
          %get3A_2054 = arith.constant 48 : index
          %get3A_2055 = tpu.vector_load %get3A_2052[%get3A_2053, %get3A_2054] {strides = array<i32>} : memref<80x128xf32, #tpu.memory_space<vmem>>, vector<16xf32>,
          %get3A_2056 = arith.constant 0 : i32
          %get3A_2057 = arith.constant 0 : i32
          %get3A_2058 = tpu.memref_slice %arg9[%scan3A_88, %get3A_2056, %get3A_2057] : memref<2x80x128xf32, #tpu.memory_space<vmem>> -> memref<1x80x128xf32, #tpu.memory_space<vmem>>
          %get3A_2059 = tpu.memref_squeeze %get3A_2058 : memref<1x80x128xf32, #tpu.memory_space<vmem>> -> memref<80x128xf32, #tpu.memory_space<vmem>>
          %get3A_2060 = arith.index_cast %add3A_1971 : i32 to index
          %get3A_2061 = arith.constant 64 : index
          %get3A_2062 = tpu.vector_load %get3A_2059[%get3A_2060, %get3A_2061] {strides = array<i32>} : memref<80x128xf32, #tpu.memory_space<vmem>>, vector<16xf32>,
          %get3A_2063 = arith.constant 0 : i32
          %get3A_2064 = arith.constant 0 : i32
          %get3A_2065 = tpu.memref_slice %arg9[%scan3A_88, %get3A_2063, %get3A_2064] : memref<2x80x128xf32, #tpu.memory_space<vmem>> -> memref<1x80x128xf32, #tpu.memory_space<vmem>>
          %get3A_2066 = tpu.memref_squeeze %get3A_2065 : memref<1x80x128xf32, #tpu.memory_space<vmem>> -> memref<80x128xf32, #tpu.memory_space<vmem>>
          %get3A_2067 = arith.index_cast %add3A_1971 : i32 to index
          %get3A_2068 = arith.constant 80 : index
          %get3A_2069 = tpu.vector_load %get3A_2066[%get3A_2067, %get3A_2068] {strides = array<i32>} : memref<80x128xf32, #tpu.memory_space<vmem>>, vector<16xf32>,
          %get3A_2070 = arith.constant 0 : i32
          %get3A_2071 = arith.constant 0 : i32
          %get3A_2072 = tpu.memref_slice %arg9[%scan3A_88, %get3A_2070, %get3A_2071] : memref<2x80x128xf32, #tpu.memory_space<vmem>> -> memref<1x80x128xf32, #tpu.memory_space<vmem>>
          %get3A_2073 = tpu.memref_squeeze %get3A_2072 : memref<1x80x128xf32, #tpu.memory_space<vmem>> -> memref<80x128xf32, #tpu.memory_space<vmem>>
          %get3A_2074 = arith.index_cast %add3A_1971 : i32 to index
          %get3A_2075 = arith.constant 96 : index
          %get3A_2076 = tpu.vector_load %get3A_2073[%get3A_2074, %get3A_2075] {strides = array<i32>} : memref<80x128xf32, #tpu.memory_space<vmem>>, vector<16xf32>,
          %get3A_2077 = arith.constant 0 : i32
          %get3A_2078 = arith.constant 0 : i32
          %get3A_2079 = tpu.memref_slice %arg9[%scan3A_88, %get3A_2077, %get3A_2078] : memref<2x80x128xf32, #tpu.memory_space<vmem>> -> memref<1x80x128xf32, #tpu.memory_space<vmem>>
          %get3A_2080 = tpu.memref_squeeze %get3A_2079 : memref<1x80x128xf32, #tpu.memory_space<vmem>> -> memref<80x128xf32, #tpu.memory_space<vmem>>
          %get3A_2081 = arith.index_cast %add3A_1971 : i32 to index
          %get3A_2082 = arith.constant 112 : index
          %get3A_2083 = tpu.vector_load %get3A_2080[%get3A_2081, %get3A_2082] {strides = array<i32>} : memref<80x128xf32, #tpu.memory_space<vmem>>, vector<16xf32>,
          %mul3A_2084 = arith.mulf %get3A_1704, %get3A_1760 : vector<16xf32>
          %mul3A_2085 = arith.mulf %get3A_1711, %get3A_1767 : vector<16xf32>
          %mul3A_2086 = arith.mulf %get3A_1718, %get3A_1774 : vector<16xf32>
          %mul3A_2087 = arith.mulf %get3A_1725, %get3A_1781 : vector<16xf32>
          %mul3A_2088 = arith.mulf %get3A_1732, %get3A_1788 : vector<16xf32>
          %mul3A_2089 = arith.mulf %get3A_1739, %get3A_1795 : vector<16xf32>
          %mul3A_2090 = arith.mulf %get3A_1746, %get3A_1802 : vector<16xf32>
          %mul3A_2091 = arith.mulf %get3A_1753, %get3A_1809 : vector<16xf32>
          %add3A_2092 = arith.addf %mul3A_2084, %mul3A_2085 : vector<16xf32>
          %add3A_2093 = arith.addf %mul3A_2086, %mul3A_2087 : vector<16xf32>
          %add3A_2094 = arith.addf %add3A_2092, %add3A_2093 : vector<16xf32>
          %add3A_2095 = arith.addf %mul3A_2088, %mul3A_2089 : vector<16xf32>
          %add3A_2096 = arith.addf %mul3A_2090, %mul3A_2091 : vector<16xf32>
          %add3A_2097 = arith.addf %add3A_2095, %add3A_2096 : vector<16xf32>
          %add3A_2098 = arith.addf %add3A_2094, %add3A_2097 : vector<16xf32>
          %mul3A_2099 = arith.mulf %mul3A_2084, %select_n3A : vector<16xf32>
          %sub3A_2100 = arith.subf %mul3A_2099, %add3A_2098 : vector<16xf32>
          %broadcast_in_dim3A_2101 = arith.constant true
          %broadcast_in_dim3A_2102 = vector.broadcast %broadcast_in_dim3A_2101 : i1 to vector<16xi1>
          %masked_cumsum3A_2103 = tpu.scan <sum>, %sub3A_2100 masked %broadcast_in_dim3A_2102 : vector<16xf32>, vector<16xi1> -> vector<16xf32>
          %add3A_2104 = arith.constant 12 : i32
          %add3A_2105 = vector.broadcast %add3A_2104 : i32 to vector<16xi32>
          %add3A_2106 = arith.addi %add3A_100, %add3A_2105 : vector<16xi32>
          tpu.vector_store_idx %arg10[%add3A_85, %add3A_2106], %masked_cumsum3A_2103 masked %eq3A_7 : memref<125x80xf32, #tpu.memory_space<vmem>>[vector<16xi32>, vector<16xi32>], vector<16xf32>, vector<16xi1>
          %add3A_2107 = arith.constant 15 : i32
          %add3A_2108 = arith.addi %mul3A_96, %add3A_2107 : i32
          %get3A_2109 = arith.constant 0 : i32
          %get3A_2110 = arith.constant 0 : i32
          %get3A_2111 = tpu.memref_slice %arg8[%scan3A_87, %get3A_2109, %get3A_2110] : memref<2x80x128xf32, #tpu.memory_space<vmem>> -> memref<1x80x128xf32, #tpu.memory_space<vmem>>
          %get3A_2112 = tpu.memref_squeeze %get3A_2111 : memref<1x80x128xf32, #tpu.memory_space<vmem>> -> memref<80x128xf32, #tpu.memory_space<vmem>>
          %get3A_2113 = arith.index_cast %add3A_2108 : i32 to index
          %get3A_2114 = arith.constant 0 : index
          %get3A_2115 = tpu.vector_load %get3A_2112[%get3A_2113, %get3A_2114] {strides = array<i32>} : memref<80x128xf32, #tpu.memory_space<vmem>>, vector<16xf32>,
          %get3A_2116 = arith.constant 0 : i32
          %get3A_2117 = arith.constant 0 : i32
          %get3A_2118 = tpu.memref_slice %arg8[%scan3A_87, %get3A_2116, %get3A_2117] : memref<2x80x128xf32, #tpu.memory_space<vmem>> -> memref<1x80x128xf32, #tpu.memory_space<vmem>>
          %get3A_2119 = tpu.memref_squeeze %get3A_2118 : memref<1x80x128xf32, #tpu.memory_space<vmem>> -> memref<80x128xf32, #tpu.memory_space<vmem>>
          %get3A_2120 = arith.index_cast %add3A_2108 : i32 to index
          %get3A_2121 = arith.constant 16 : index
          %get3A_2122 = tpu.vector_load %get3A_2119[%get3A_2120, %get3A_2121] {strides = array<i32>} : memref<80x128xf32, #tpu.memory_space<vmem>>, vector<16xf32>,
          %get3A_2123 = arith.constant 0 : i32
          %get3A_2124 = arith.constant 0 : i32
          %get3A_2125 = tpu.memref_slice %arg8[%scan3A_87, %get3A_2123, %get3A_2124] : memref<2x80x128xf32, #tpu.memory_space<vmem>> -> memref<1x80x128xf32, #tpu.memory_space<vmem>>
          %get3A_2126 = tpu.memref_squeeze %get3A_2125 : memref<1x80x128xf32, #tpu.memory_space<vmem>> -> memref<80x128xf32, #tpu.memory_space<vmem>>
          %get3A_2127 = arith.index_cast %add3A_2108 : i32 to index
          %get3A_2128 = arith.constant 32 : index
          %get3A_2129 = tpu.vector_load %get3A_2126[%get3A_2127, %get3A_2128] {strides = array<i32>} : memref<80x128xf32, #tpu.memory_space<vmem>>, vector<16xf32>,
          %get3A_2130 = arith.constant 0 : i32
          %get3A_2131 = arith.constant 0 : i32
          %get3A_2132 = tpu.memref_slice %arg8[%scan3A_87, %get3A_2130, %get3A_2131] : memref<2x80x128xf32, #tpu.memory_space<vmem>> -> memref<1x80x128xf32, #tpu.memory_space<vmem>>
          %get3A_2133 = tpu.memref_squeeze %get3A_2132 : memref<1x80x128xf32, #tpu.memory_space<vmem>> -> memref<80x128xf32, #tpu.memory_space<vmem>>
          %get3A_2134 = arith.index_cast %add3A_2108 : i32 to index
          %get3A_2135 = arith.constant 48 : index
          %get3A_2136 = tpu.vector_load %get3A_2133[%get3A_2134, %get3A_2135] {strides = array<i32>} : memref<80x128xf32, #tpu.memory_space<vmem>>, vector<16xf32>,
          %get3A_2137 = arith.constant 0 : i32
          %get3A_2138 = arith.constant 0 : i32
          %get3A_2139 = tpu.memref_slice %arg8[%scan3A_87, %get3A_2137, %get3A_2138] : memref<2x80x128xf32, #tpu.memory_space<vmem>> -> memref<1x80x128xf32, #tpu.memory_space<vmem>>
          %get3A_2140 = tpu.memref_squeeze %get3A_2139 : memref<1x80x128xf32, #tpu.memory_space<vmem>> -> memref<80x128xf32, #tpu.memory_space<vmem>>
          %get3A_2141 = arith.index_cast %add3A_2108 : i32 to index
          %get3A_2142 = arith.constant 64 : index
          %get3A_2143 = tpu.vector_load %get3A_2140[%get3A_2141, %get3A_2142] {strides = array<i32>} : memref<80x128xf32, #tpu.memory_space<vmem>>, vector<16xf32>,
          %get3A_2144 = arith.constant 0 : i32
          %get3A_2145 = arith.constant 0 : i32
          %get3A_2146 = tpu.memref_slice %arg8[%scan3A_87, %get3A_2144, %get3A_2145] : memref<2x80x128xf32, #tpu.memory_space<vmem>> -> memref<1x80x128xf32, #tpu.memory_space<vmem>>
          %get3A_2147 = tpu.memref_squeeze %get3A_2146 : memref<1x80x128xf32, #tpu.memory_space<vmem>> -> memref<80x128xf32, #tpu.memory_space<vmem>>
          %get3A_2148 = arith.index_cast %add3A_2108 : i32 to index
          %get3A_2149 = arith.constant 80 : index
          %get3A_2150 = tpu.vector_load %get3A_2147[%get3A_2148, %get3A_2149] {strides = array<i32>} : memref<80x128xf32, #tpu.memory_space<vmem>>, vector<16xf32>,
          %get3A_2151 = arith.constant 0 : i32
          %get3A_2152 = arith.constant 0 : i32
          %get3A_2153 = tpu.memref_slice %arg8[%scan3A_87, %get3A_2151, %get3A_2152] : memref<2x80x128xf32, #tpu.memory_space<vmem>> -> memref<1x80x128xf32, #tpu.memory_space<vmem>>
          %get3A_2154 = tpu.memref_squeeze %get3A_2153 : memref<1x80x128xf32, #tpu.memory_space<vmem>> -> memref<80x128xf32, #tpu.memory_space<vmem>>
          %get3A_2155 = arith.index_cast %add3A_2108 : i32 to index
          %get3A_2156 = arith.constant 96 : index
          %get3A_2157 = tpu.vector_load %get3A_2154[%get3A_2155, %get3A_2156] {strides = array<i32>} : memref<80x128xf32, #tpu.memory_space<vmem>>, vector<16xf32>,
          %get3A_2158 = arith.constant 0 : i32
          %get3A_2159 = arith.constant 0 : i32
          %get3A_2160 = tpu.memref_slice %arg8[%scan3A_87, %get3A_2158, %get3A_2159] : memref<2x80x128xf32, #tpu.memory_space<vmem>> -> memref<1x80x128xf32, #tpu.memory_space<vmem>>
          %get3A_2161 = tpu.memref_squeeze %get3A_2160 : memref<1x80x128xf32, #tpu.memory_space<vmem>> -> memref<80x128xf32, #tpu.memory_space<vmem>>
          %get3A_2162 = arith.index_cast %add3A_2108 : i32 to index
          %get3A_2163 = arith.constant 112 : index
          %get3A_2164 = tpu.vector_load %get3A_2161[%get3A_2162, %get3A_2163] {strides = array<i32>} : memref<80x128xf32, #tpu.memory_space<vmem>>, vector<16xf32>,
          %get3A_2165 = arith.constant 0 : i32
          %get3A_2166 = arith.constant 0 : i32
          %get3A_2167 = tpu.memref_slice %arg9[%scan3A_88, %get3A_2165, %get3A_2166] : memref<2x80x128xf32, #tpu.memory_space<vmem>> -> memref<1x80x128xf32, #tpu.memory_space<vmem>>
          %get3A_2168 = tpu.memref_squeeze %get3A_2167 : memref<1x80x128xf32, #tpu.memory_space<vmem>> -> memref<80x128xf32, #tpu.memory_space<vmem>>
          %get3A_2169 = arith.index_cast %add3A_2108 : i32 to index
          %get3A_2170 = arith.constant 0 : index
          %get3A_2171 = tpu.vector_load %get3A_2168[%get3A_2169, %get3A_2170] {strides = array<i32>} : memref<80x128xf32, #tpu.memory_space<vmem>>, vector<16xf32>,
          %get3A_2172 = arith.constant 0 : i32
          %get3A_2173 = arith.constant 0 : i32
          %get3A_2174 = tpu.memref_slice %arg9[%scan3A_88, %get3A_2172, %get3A_2173] : memref<2x80x128xf32, #tpu.memory_space<vmem>> -> memref<1x80x128xf32, #tpu.memory_space<vmem>>
          %get3A_2175 = tpu.memref_squeeze %get3A_2174 : memref<1x80x128xf32, #tpu.memory_space<vmem>> -> memref<80x128xf32, #tpu.memory_space<vmem>>
          %get3A_2176 = arith.index_cast %add3A_2108 : i32 to index
          %get3A_2177 = arith.constant 16 : index
          %get3A_2178 = tpu.vector_load %get3A_2175[%get3A_2176, %get3A_2177] {strides = array<i32>} : memref<80x128xf32, #tpu.memory_space<vmem>>, vector<16xf32>,
          %get3A_2179 = arith.constant 0 : i32
          %get3A_2180 = arith.constant 0 : i32
          %get3A_2181 = tpu.memref_slice %arg9[%scan3A_88, %get3A_2179, %get3A_2180] : memref<2x80x128xf32, #tpu.memory_space<vmem>> -> memref<1x80x128xf32, #tpu.memory_space<vmem>>
          %get3A_2182 = tpu.memref_squeeze %get3A_2181 : memref<1x80x128xf32, #tpu.memory_space<vmem>> -> memref<80x128xf32, #tpu.memory_space<vmem>>
          %get3A_2183 = arith.index_cast %add3A_2108 : i32 to index
          %get3A_2184 = arith.constant 32 : index
          %get3A_2185 = tpu.vector_load %get3A_2182[%get3A_2183, %get3A_2184] {strides = array<i32>} : memref<80x128xf32, #tpu.memory_space<vmem>>, vector<16xf32>,
          %get3A_2186 = arith.constant 0 : i32
          %get3A_2187 = arith.constant 0 : i32
          %get3A_2188 = tpu.memref_slice %arg9[%scan3A_88, %get3A_2186, %get3A_2187] : memref<2x80x128xf32, #tpu.memory_space<vmem>> -> memref<1x80x128xf32, #tpu.memory_space<vmem>>
          %get3A_2189 = tpu.memref_squeeze %get3A_2188 : memref<1x80x128xf32, #tpu.memory_space<vmem>> -> memref<80x128xf32, #tpu.memory_space<vmem>>
          %get3A_2190 = arith.index_cast %add3A_2108 : i32 to index
          %get3A_2191 = arith.constant 48 : index
          %get3A_2192 = tpu.vector_load %get3A_2189[%get3A_2190, %get3A_2191] {strides = array<i32>} : memref<80x128xf32, #tpu.memory_space<vmem>>, vector<16xf32>,
          %get3A_2193 = arith.constant 0 : i32
          %get3A_2194 = arith.constant 0 : i32
          %get3A_2195 = tpu.memref_slice %arg9[%scan3A_88, %get3A_2193, %get3A_2194] : memref<2x80x128xf32, #tpu.memory_space<vmem>> -> memref<1x80x128xf32, #tpu.memory_space<vmem>>
          %get3A_2196 = tpu.memref_squeeze %get3A_2195 : memref<1x80x128xf32, #tpu.memory_space<vmem>> -> memref<80x128xf32, #tpu.memory_space<vmem>>
          %get3A_2197 = arith.index_cast %add3A_2108 : i32 to index
          %get3A_2198 = arith.constant 64 : index
          %get3A_2199 = tpu.vector_load %get3A_2196[%get3A_2197, %get3A_2198] {strides = array<i32>} : memref<80x128xf32, #tpu.memory_space<vmem>>, vector<16xf32>,
          %get3A_2200 = arith.constant 0 : i32
          %get3A_2201 = arith.constant 0 : i32
          %get3A_2202 = tpu.memref_slice %arg9[%scan3A_88, %get3A_2200, %get3A_2201] : memref<2x80x128xf32, #tpu.memory_space<vmem>> -> memref<1x80x128xf32, #tpu.memory_space<vmem>>
          %get3A_2203 = tpu.memref_squeeze %get3A_2202 : memref<1x80x128xf32, #tpu.memory_space<vmem>> -> memref<80x128xf32, #tpu.memory_space<vmem>>
          %get3A_2204 = arith.index_cast %add3A_2108 : i32 to index
          %get3A_2205 = arith.constant 80 : index
          %get3A_2206 = tpu.vector_load %get3A_2203[%get3A_2204, %get3A_2205] {strides = array<i32>} : memref<80x128xf32, #tpu.memory_space<vmem>>, vector<16xf32>,
          %get3A_2207 = arith.constant 0 : i32
          %get3A_2208 = arith.constant 0 : i32
          %get3A_2209 = tpu.memref_slice %arg9[%scan3A_88, %get3A_2207, %get3A_2208] : memref<2x80x128xf32, #tpu.memory_space<vmem>> -> memref<1x80x128xf32, #tpu.memory_space<vmem>>
          %get3A_2210 = tpu.memref_squeeze %get3A_2209 : memref<1x80x128xf32, #tpu.memory_space<vmem>> -> memref<80x128xf32, #tpu.memory_space<vmem>>
          %get3A_2211 = arith.index_cast %add3A_2108 : i32 to index
          %get3A_2212 = arith.constant 96 : index
          %get3A_2213 = tpu.vector_load %get3A_2210[%get3A_2211, %get3A_2212] {strides = array<i32>} : memref<80x128xf32, #tpu.memory_space<vmem>>, vector<16xf32>,
          %get3A_2214 = arith.constant 0 : i32
          %get3A_2215 = arith.constant 0 : i32
          %get3A_2216 = tpu.memref_slice %arg9[%scan3A_88, %get3A_2214, %get3A_2215] : memref<2x80x128xf32, #tpu.memory_space<vmem>> -> memref<1x80x128xf32, #tpu.memory_space<vmem>>
          %get3A_2217 = tpu.memref_squeeze %get3A_2216 : memref<1x80x128xf32, #tpu.memory_space<vmem>> -> memref<80x128xf32, #tpu.memory_space<vmem>>
          %get3A_2218 = arith.index_cast %add3A_2108 : i32 to index
          %get3A_2219 = arith.constant 112 : index
          %get3A_2220 = tpu.vector_load %get3A_2217[%get3A_2218, %get3A_2219] {strides = array<i32>} : memref<80x128xf32, #tpu.memory_space<vmem>>, vector<16xf32>,
          %mul3A_2221 = arith.mulf %get3A_1841, %get3A_1897 : vector<16xf32>
          %mul3A_2222 = arith.mulf %get3A_1848, %get3A_1904 : vector<16xf32>
          %mul3A_2223 = arith.mulf %get3A_1855, %get3A_1911 : vector<16xf32>
          %mul3A_2224 = arith.mulf %get3A_1862, %get3A_1918 : vector<16xf32>
          %mul3A_2225 = arith.mulf %get3A_1869, %get3A_1925 : vector<16xf32>
          %mul3A_2226 = arith.mulf %get3A_1876, %get3A_1932 : vector<16xf32>
          %mul3A_2227 = arith.mulf %get3A_1883, %get3A_1939 : vector<16xf32>
          %mul3A_2228 = arith.mulf %get3A_1890, %get3A_1946 : vector<16xf32>
          %add3A_2229 = arith.addf %mul3A_2221, %mul3A_2222 : vector<16xf32>
          %add3A_2230 = arith.addf %mul3A_2223, %mul3A_2224 : vector<16xf32>
          %add3A_2231 = arith.addf %add3A_2229, %add3A_2230 : vector<16xf32>
          %add3A_2232 = arith.addf %mul3A_2225, %mul3A_2226 : vector<16xf32>
          %add3A_2233 = arith.addf %mul3A_2227, %mul3A_2228 : vector<16xf32>
          %add3A_2234 = arith.addf %add3A_2232, %add3A_2233 : vector<16xf32>
          %add3A_2235 = arith.addf %add3A_2231, %add3A_2234 : vector<16xf32>
          %mul3A_2236 = arith.mulf %mul3A_2221, %select_n3A : vector<16xf32>
          %sub3A_2237 = arith.subf %mul3A_2236, %add3A_2235 : vector<16xf32>
          %broadcast_in_dim3A_2238 = arith.constant true
          %broadcast_in_dim3A_2239 = vector.broadcast %broadcast_in_dim3A_2238 : i1 to vector<16xi1>
          %masked_cumsum3A_2240 = tpu.scan <sum>, %sub3A_2237 masked %broadcast_in_dim3A_2239 : vector<16xf32>, vector<16xi1> -> vector<16xf32>
          %add3A_2241 = arith.constant 13 : i32
          %add3A_2242 = vector.broadcast %add3A_2241 : i32 to vector<16xi32>
          %add3A_2243 = arith.addi %add3A_100, %add3A_2242 : vector<16xi32>
          tpu.vector_store_idx %arg10[%add3A_85, %add3A_2243], %masked_cumsum3A_2240 masked %eq3A_7 : memref<125x80xf32, #tpu.memory_space<vmem>>[vector<16xi32>, vector<16xi32>], vector<16xf32>, vector<16xi1>
          %mul3A_2244 = arith.mulf %get3A_1978, %get3A_2034 : vector<16xf32>
          %mul3A_2245 = arith.mulf %get3A_1985, %get3A_2041 : vector<16xf32>
          %mul3A_2246 = arith.mulf %get3A_1992, %get3A_2048 : vector<16xf32>
          %mul3A_2247 = arith.mulf %get3A_1999, %get3A_2055 : vector<16xf32>
          %mul3A_2248 = arith.mulf %get3A_2006, %get3A_2062 : vector<16xf32>
          %mul3A_2249 = arith.mulf %get3A_2013, %get3A_2069 : vector<16xf32>
          %mul3A_2250 = arith.mulf %get3A_2020, %get3A_2076 : vector<16xf32>
          %mul3A_2251 = arith.mulf %get3A_2027, %get3A_2083 : vector<16xf32>
          %add3A_2252 = arith.addf %mul3A_2244, %mul3A_2245 : vector<16xf32>
          %add3A_2253 = arith.addf %mul3A_2246, %mul3A_2247 : vector<16xf32>
          %add3A_2254 = arith.addf %add3A_2252, %add3A_2253 : vector<16xf32>
          %add3A_2255 = arith.addf %mul3A_2248, %mul3A_2249 : vector<16xf32>
          %add3A_2256 = arith.addf %mul3A_2250, %mul3A_2251 : vector<16xf32>
          %add3A_2257 = arith.addf %add3A_2255, %add3A_2256 : vector<16xf32>
          %add3A_2258 = arith.addf %add3A_2254, %add3A_2257 : vector<16xf32>
          %mul3A_2259 = arith.mulf %mul3A_2244, %select_n3A : vector<16xf32>
          %sub3A_2260 = arith.subf %mul3A_2259, %add3A_2258 : vector<16xf32>
          %broadcast_in_dim3A_2261 = arith.constant true
          %broadcast_in_dim3A_2262 = vector.broadcast %broadcast_in_dim3A_2261 : i1 to vector<16xi1>
          %masked_cumsum3A_2263 = tpu.scan <sum>, %sub3A_2260 masked %broadcast_in_dim3A_2262 : vector<16xf32>, vector<16xi1> -> vector<16xf32>
          %add3A_2264 = arith.constant 14 : i32
          %add3A_2265 = vector.broadcast %add3A_2264 : i32 to vector<16xi32>
          %add3A_2266 = arith.addi %add3A_100, %add3A_2265 : vector<16xi32>
          tpu.vector_store_idx %arg10[%add3A_85, %add3A_2266], %masked_cumsum3A_2263 masked %eq3A_7 : memref<125x80xf32, #tpu.memory_space<vmem>>[vector<16xi32>, vector<16xi32>], vector<16xf32>, vector<16xi1>
          %mul3A_2267 = arith.mulf %get3A_2115, %get3A_2171 : vector<16xf32>
          %mul3A_2268 = arith.mulf %get3A_2122, %get3A_2178 : vector<16xf32>
          %mul3A_2269 = arith.mulf %get3A_2129, %get3A_2185 : vector<16xf32>
          %mul3A_2270 = arith.mulf %get3A_2136, %get3A_2192 : vector<16xf32>
          %mul3A_2271 = arith.mulf %get3A_2143, %get3A_2199 : vector<16xf32>
          %mul3A_2272 = arith.mulf %get3A_2150, %get3A_2206 : vector<16xf32>
          %mul3A_2273 = arith.mulf %get3A_2157, %get3A_2213 : vector<16xf32>
          %mul3A_2274 = arith.mulf %get3A_2164, %get3A_2220 : vector<16xf32>
          %add3A_2275 = arith.addf %mul3A_2267, %mul3A_2268 : vector<16xf32>
          %add3A_2276 = arith.addf %mul3A_2269, %mul3A_2270 : vector<16xf32>
          %add3A_2277 = arith.addf %add3A_2275, %add3A_2276 : vector<16xf32>
          %add3A_2278 = arith.addf %mul3A_2271, %mul3A_2272 : vector<16xf32>
          %add3A_2279 = arith.addf %mul3A_2273, %mul3A_2274 : vector<16xf32>
          %add3A_2280 = arith.addf %add3A_2278, %add3A_2279 : vector<16xf32>
          %add3A_2281 = arith.addf %add3A_2277, %add3A_2280 : vector<16xf32>
          %mul3A_2282 = arith.mulf %mul3A_2267, %select_n3A : vector<16xf32>
          %sub3A_2283 = arith.subf %mul3A_2282, %add3A_2281 : vector<16xf32>
          %broadcast_in_dim3A_2284 = arith.constant true
          %broadcast_in_dim3A_2285 = vector.broadcast %broadcast_in_dim3A_2284 : i1 to vector<16xi1>
          %masked_cumsum3A_2286 = tpu.scan <sum>, %sub3A_2283 masked %broadcast_in_dim3A_2285 : vector<16xf32>, vector<16xi1> -> vector<16xf32>
          %add3A_2287 = arith.constant 15 : i32
          %add3A_2288 = vector.broadcast %add3A_2287 : i32 to vector<16xi32>
          %add3A_2289 = arith.addi %add3A_100, %add3A_2288 : vector<16xi32>
          tpu.vector_store_idx %arg10[%add3A_85, %add3A_2289], %masked_cumsum3A_2286 masked %eq3A_7 : memref<125x80xf32, #tpu.memory_space<vmem>>[vector<16xi32>, vector<16xi32>], vector<16xf32>, vector<16xi1>
        }
        %scan3A_93 = arith.constant 5 : i32
      } else {
      }
    }
    %scan3A_35 = arith.constant 63 : i32
    "tpu.region"() ({
      %run_scoped3A = tpu.sem_alloc : memref<!tpu.dma_semaphore, #tpu.memory_space<semaphore_mem>>
      %dma_start3A_36 = arith.constant 0 : i32
      %dma_start3A_37 = arith.constant 0 : i32
      %dma_start3A_38 = tpu.memref_slice %arg5[%add3A, %dma_start3A_36, %dma_start3A_37] : memref<32x125x80xf32, #tpu.memory_space<hbm>> -> memref<1x125x80xf32, #tpu.memory_space<hbm>>
      %dma_start3A_39 = tpu.memref_squeeze %dma_start3A_38 : memref<1x125x80xf32, #tpu.memory_space<hbm>> -> memref<125x80xf32, #tpu.memory_space<hbm>>
      %dma_start3A_40 = arith.constant 0 : i32
      %dma_start3A_41 = arith.constant 0 : i32
      %dma_start3A_42 = tpu.memref_slice %arg5[%add3A, %dma_start3A_40, %dma_start3A_41] : memref<32x125x80xf32, #tpu.memory_space<hbm>> -> memref<1x125x80xf32, #tpu.memory_space<hbm>>
      %dma_start3A_43 = tpu.memref_squeeze %dma_start3A_42 : memref<1x125x80xf32, #tpu.memory_space<hbm>> -> memref<125x80xf32, #tpu.memory_space<hbm>>
      tpu.enqueue_dma source(%arg10 : memref<125x80xf32, #tpu.memory_space<vmem>>) target(%dma_start3A_43 : memref<125x80xf32, #tpu.memory_space<hbm>>) target_semaphore(%run_scoped3A : memref<!tpu.dma_semaphore, #tpu.memory_space<semaphore_mem>>)
      %dma_wait3A = arith.constant 0 : i32
      %dma_wait3A_44 = arith.constant 0 : i32
      %dma_wait3A_45 = tpu.memref_slice %arg5[%add3A, %dma_wait3A, %dma_wait3A_44] : memref<32x125x80xf32, #tpu.memory_space<hbm>> -> memref<1x125x80xf32, #tpu.memory_space<hbm>>
      %dma_wait3A_46 = tpu.memref_squeeze %dma_wait3A_45 : memref<1x125x80xf32, #tpu.memory_space<hbm>> -> memref<125x80xf32, #tpu.memory_space<hbm>>
      %dma_wait3A_47 = arith.constant 0 : i32
      %dma_wait3A_48 = arith.constant 0 : i32
      %dma_wait3A_49 = tpu.memref_slice %arg5[%add3A, %dma_wait3A_47, %dma_wait3A_48] : memref<32x125x80xf32, #tpu.memory_space<hbm>> -> memref<1x125x80xf32, #tpu.memory_space<hbm>>
      %dma_wait3A_50 = tpu.memref_squeeze %dma_wait3A_49 : memref<1x125x80xf32, #tpu.memory_space<hbm>> -> memref<125x80xf32, #tpu.memory_space<hbm>>
      tpu.wait_dma2 semaphore(%run_scoped3A : memref<!tpu.dma_semaphore, #tpu.memory_space<semaphore_mem>>) src(%arg10 : memref<125x80xf32, #tpu.memory_space<vmem>>) dst(%dma_wait3A_50 : memref<125x80xf32, #tpu.memory_space<hbm>>)
      tpu.yield
    }) : () -> ()
    return
  }
}

module attributes {stable_mosaic.version = 14 : i64} {
  func.func @_tail_body(%arg0: memref<2500x128xf32, #tpu.memory_space<vmem>>, %arg1: memref<2500x128xf32, #tpu.memory_space<vmem>>) attributes {dimension_semantics = [], scalar_prefetch = 0 : i64, scratch_operands = 0 : i64, tpu.core_type = #tpu.core_type<tc>} {
    %get3A = arith.constant 0 : index
    %get3A_0 = arith.constant 0 : index
    %get3A_1 = vector.load %arg0[%get3A, %get3A_0] : memref<2500x128xf32, #tpu.memory_space<vmem>>, vector<2500x128xf32>
    %max3A = arith.constant 1.00000095 : f32
    %max3A_2 = vector.broadcast %max3A : f32 to vector<2500x128xf32>
    %max3A_3 = arith.maximumf %get3A_1, %max3A_2 : vector<2500x128xf32>
    %sub3A = arith.constant 1.000000e+00 : f32
    %sub3A_4 = vector.broadcast %sub3A : f32 to vector<2500x128xf32>
    %sub3A_5 = arith.subf %max3A_3, %sub3A_4 : vector<2500x128xf32>
    %add3A = arith.constant 1.000000e+00 : f32
    %add3A_6 = vector.broadcast %add3A : f32 to vector<2500x128xf32>
    %add3A_7 = arith.addf %max3A_3, %add3A_6 : vector<2500x128xf32>
    %mul3A = arith.mulf %sub3A_5, %add3A_7 : vector<2500x128xf32>
    %sqrt3A = math.sqrt %mul3A : vector<2500x128xf32>
    %add3A_8 = arith.addf %max3A_3, %sqrt3A : vector<2500x128xf32>
    %log3A = math.log %add3A_8 : vector<2500x128xf32>
    %mul3A_9 = arith.mulf %log3A, %log3A : vector<2500x128xf32>
    %sub3A_10 = arith.constant 2.000000e+00 : f32
    %sub3A_11 = vector.broadcast %sub3A_10 : f32 to vector<2500x128xf32>
    %sub3A_12 = arith.subf %mul3A_9, %sub3A_11 : vector<2500x128xf32>
    %div3A = arith.constant 1.000000e+00 : f32
    %div3A_13 = vector.broadcast %div3A : f32 to vector<2500x128xf32>
    %div3A_14 = arith.divf %sub3A_12, %div3A_13 : vector<2500x128xf32>
    %exp3A = math.exp %div3A_14 : vector<2500x128xf32>
    %add3A_15 = arith.constant 1.000000e+00 : f32
    %add3A_16 = vector.broadcast %add3A_15 : f32 to vector<2500x128xf32>
    %add3A_17 = arith.addf %exp3A, %add3A_16 : vector<2500x128xf32>
    %div3A_18 = arith.constant 1.000000e+00 : f32
    %div3A_19 = vector.broadcast %div3A_18 : f32 to vector<2500x128xf32>
    %div3A_20 = arith.divf %div3A_19, %add3A_17 : vector<2500x128xf32>
    %swap3A = arith.constant 0 : index
    %swap3A_21 = arith.constant 0 : index
    %swap3A_22 = vector.load %arg1[%swap3A, %swap3A_21] : memref<2500x128xf32, #tpu.memory_space<vmem>>, vector<2500x128xf32>
    tpu.vector_store %arg1[%swap3A, %swap3A_21], %div3A_20 {strides = array<i32>} : memref<2500x128xf32, #tpu.memory_space<vmem>>, vector<2500x128xf32>,
    return
  }
}

</mosaic_0001>

<sc_bundles>
// kernel: kernel.4.cloned.1.call-start
scs
__scs_entry_jumppad:
0x0: {  	(pc) =	sbr.rel $0x88, $3  }
0x1: {  	(tag) =	ssettag $0x0;
	lr =	simm.s32 $0x1  }
0x2: {  	[smem:$0x3F9F] =	sst lr;
	_ =	strace $0xD0000000  }
0x3: {  	_ = 	snop  }
0x4: {  	_ = 	snop  }
0x5: {  	_ = 	snop  }
0x6: {  	_ = 	snop  }
0x7: {  	_ = 	snop  }
__scs_overlays_trampoline_lowered:
0x8: {  	[smem:$0x3FAE] =	sst s0  }
0x9: {  	[smem:$0x3FAF] =	sst s1  }
0xa: {  	[smem:$0x3FB0] =	sst s2  }
0xb: {  	[smem:$0x3FB1] =	sst s3  }
0xc: {  	[smem:$0x3FB2] =	sst s4  }
0xd: {  	[smem:$0x3FB3] =	sst s5  }
0xe: {  	[smem:$0x3FB4] =	sst s6  }
0xf: {  	[smem:$0x3FB5] =	sst s7  }
0x10: {  	[smem:$0x3FB6] =	sst s8  }
0x11: {  	[smem:$0x3FB7] =	sst s9;
	s0 =	simm.s32 @!p0 $0x0  }
0x12: {  	s1 =	sld [smem:$0x3F9D];
	s0 =	simm.s32 @p0 $0x1  }
0x13: {  	[smem:$0x3FB8] =	sst s0;
	s0 =	simm.s32 @!p1 $0x0  }
0x14: {  	s2 =	sld [smem:$0x3F9C];
	s0 =	simm.s32 @p1 $0x1  }
0x15: {  	[smem:$0x3FB9] =	sst s0;
	s0 =	simm.s32 @!p2 $0x0  }
0x16: {  	s3 =	sld [smem:$0x3FDB];
	s0 =	simm.s32 @p2 $0x1  }
0x17: {  	s4 =	simm.s32 $0x1BF5;
	[smem:$0x3FBB] =	sst s0  }
0x18: {  	s0 =	sld [smem:$0x3F9E];
	_ =	swait.ge [sflag:s4], $0x0  }
0x19: {  	s7 =	sld [smem:$0x3F9F]  }
0x1a: {  	s8 =	sadd.s32 $0xFFFFE003, lr  }
0x1b: {  	s9 =	sadd.s32 $0xFFFFFEF7, lr;
	s5 =	simm.s32 $0xFFFFFFFF;
	p2 =	slt.u32 s8, $0xFFFFF086  }
0x1c: {  	p1 =	slt.u32 s9, $0xF7A;
	s5 =	simm.s32 @!p2 $0x0  }
0x1d: {  	s5 =	simm.s32 @p1 $0x1;
	p0 =	seq.s32 s7, s2  }
0x1e: {  	s7 =	smul.u32 @!p0 $0xF7A, s2;
	p2 =	seq.s32 @!p0 s5, $0x0  }
0x1f: {  	s9 =	smul.u32 $0xF7A, s1;
	s8 =	simm.s32 @!p0 $0x1BF5;
	p2 =	por !p2, p0  }
0x20: {  	[sflag:s8] =	ssyncset.s32 @!p0 $0xFFFFF086;
	s6 =	sadd.s32 @!p0 s3, s7;
	s7 =	simm.s32 @!p0 $0x108  }
0x21: {  	s3 =	sadd.s32 s3, s9;
	s6 =	sadd.s32 @!p0 $0x88, s6;
	s7 =	simm.s32 @p2 $0x1082  }
0x22: {  	[simem:s7], [sflag:s8] =	dma.local @!p0 [hbm:s6], $0xF7A  }
0x23: {  	s9 =	sor.u32 $0xD0000000, s2;
	s6 =	simm.s32 $0x108;
	_ =	swait.ge @!p0 [sflag:s8], $0x0  }
0x24: {  	s3 =	sadd.s32 $0x88, s3;
	s6 =	simm.s32 @!p1 $0x1082;
	[sflag:s4] =	ssyncset.s32 $0xFFFFF086  }
0x25: {  	[simem:s6], [sflag:s4] =	dma.local [hbm:s3], $0xF7A  }
0x26: {  	[smem:$0x3F9F] =	sst s1;
	(tag) =	ssettag s2;
	_ =	strace s9  }
0x27: {  	s1 =	sld [smem:$0x3FAF]  }
0x28: {  	s2 =	sld [smem:$0x3FB0]  }
0x29: {  	s4 =	sld [smem:$0x3FB2]  }
0x2a: {  	p0 =	seq.s32 s5, $0x0;
	s5 =	sld [smem:$0x3FB3]  }
0x2b: {  	s6 =	sld [smem:$0x3FB4]  }
0x2c: {  	s7 =	sld [smem:$0x3FB5]  }
0x2d: {  	s3 =	simm.s32 $0x108;
	s8 =	sld [smem:$0x3FB6]  }
0x2e: {  	s3 =	simm.s32 @!p0 $0x1082;
	s9 =	sld [smem:$0x3FB7]  }
0x2f: {  	lr =	sadd.s32 s0, s3;
	s0 =	sld [smem:$0x3FAE]  }
0x30: {  	s3 =	sld [smem:$0x3FB1]  }
0x31: {  	[smem:$0x3FBA] =	sst s10  }
0x32: {  	s10 =	sld [smem:$0x3FB8];
	_ =	sdelay $0x3  }
0x33: {  	p0 =	seq.s32 s10, $0x1;
	s10 =	sld [smem:$0x3FBA];
	_ =	sdelay $0x3  }
0x34: {  	[smem:$0x3FBA] =	sst s10  }
0x35: {  	s10 =	sld [smem:$0x3FB9];
	_ =	sdelay $0x3  }
0x36: {  	p1 =	seq.s32 s10, $0x1;
	s10 =	sld [smem:$0x3FBA];
	_ =	sdelay $0x3  }
0x37: {  	[smem:$0x3FBA] =	sst s10  }
0x38: {  	s10 =	sld [smem:$0x3FBB]  }
0x39: {  	_ = 	snop;
	(pc) =	sbr.ind lr, $3  }
0x3a: {  	_ = 	snop  }
0x3b: {  	_ = 	snop  }
0x3c: {  	p2 =	seq.s32 s10, $0x1;
	s10 =	sld [smem:$0x3FBA]  }
0x3d: {  	_ =	shalt  }
0x3e: {  	_ =	shalt  }
0x3f: {  	_ =	shalt  }
0x40: {  	_ =	shalt  }
0x41: {  	_ =	shalt  }
0x42: {  	_ =	shalt  }
0x43: {  	_ =	shalt  }
0x44: {  	_ =	shalt  }
0x45: {  	_ =	shalt  }
0x46: {  	_ =	shalt  }
0x47: {  	_ =	shalt  }
0x48: {  	_ =	shalt  }
0x49: {  	_ =	shalt  }
0x4a: {  	_ =	shalt  }
0x4b: {  	_ =	shalt  }
0x4c: {  	_ =	shalt  }
0x4d: {  	_ =	shalt  }
0x4e: {  	_ =	shalt  }
0x4f: {  	_ =	shalt  }
0x50: {  	_ =	shalt  }
0x51: {  	_ =	shalt  }
0x52: {  	_ =	shalt  }
0x53: {  	_ =	shalt  }
0x54: {  	_ =	shalt  }
0x55: {  	_ =	shalt  }
0x56: {  	_ =	shalt  }
0x57: {  	_ =	shalt  }
0x58: {  	_ =	shalt  }
0x59: {  	_ =	shalt  }
0x5a: {  	_ =	shalt  }
0x5b: {  	_ =	shalt  }
0x5c: {  	_ =	shalt  }
0x5d: {  	_ =	shalt  }
0x5e: {  	_ =	shalt  }
0x5f: {  	_ =	shalt  }
0x60: {  	_ =	shalt  }
0x61: {  	_ =	shalt  }
0x62: {  	_ =	shalt  }
0x63: {  	_ =	shalt  }
0x64: {  	_ =	shalt  }
0x65: {  	_ =	shalt  }
0x66: {  	_ =	shalt  }
0x67: {  	_ =	shalt  }
0x68: {  	_ =	shalt  }
0x69: {  	_ =	shalt  }
0x6a: {  	_ =	shalt  }
0x6b: {  	_ =	shalt  }
0x6c: {  	_ =	shalt  }
0x6d: {  	_ =	shalt  }
0x6e: {  	_ =	shalt  }
0x6f: {  	_ =	shalt  }
0x70: {  	_ =	shalt  }
0x71: {  	_ =	shalt  }
0x72: {  	_ =	shalt  }
0x73: {  	_ =	shalt  }
0x74: {  	_ =	shalt  }
0x75: {  	_ =	shalt  }
0x76: {  	_ =	shalt  }
0x77: {  	_ =	shalt  }
0x78: {  	_ =	shalt  }
0x79: {  	_ =	shalt  }
0x7a: {  	_ =	shalt  }
0x7b: {  	_ =	shalt  }
0x7c: {  	_ =	shalt  }
0x7d: {  	_ =	shalt  }
0x7e: {  	_ =	shalt  }
0x7f: {  	_ =	shalt  }
0x80: {  	_ =	shalt  }
0x81: {  	_ =	shalt  }
0x82: {  	_ =	shalt  }
0x83: {  	_ =	shalt  }
0x84: {  	_ =	shalt  }
0x85: {  	_ =	shalt  }
0x86: {  	_ =	shalt  }
0x87: {  	_ =	shalt  }
.Lfunc_end0:
.L_simem_size_0:
called_computation_lowered:
.L_overlay_start_0:
0x88: {  	s2 =	sld [smem:$0x3FD9]  }
0x89: {  	s3 =	sld [smem:$0x3FFE];
	_ =	sdelay $0x1  }
0x8a: {  	s1 =	srdreg.scid  }
0x8b: {  	s0 =	sand.u32 $0x1, s1  }
0x8c: {  	s17 =	sshll.u32 s0, $0xA;
	s2 =	sadd.s32 s3, s2  }
0x8d: {  	s2 =	sadd.s32 s2, s17  }
0x8e: {  	[smem:$0x3FC6] =	sst s2  }
0x8f: {  	_ = 	snop  }
0x90: {  	s2 =	sld [smem:$0x3FC9];
	(tm) =	ssettm $0x1  }
0x91: {  	s18 =	sld [smem:$0x3FFB];
	_ =	sdelay $0x3  }
0x92: {  	_ =	strace s18  }
0x93: {  	s3 =	sld [smem:$0x3FFC];
	_ =	sdelay $0x3  }
0x94: {  	_ =	strace s3  }
0x95: {  	s3 =	sld [smem:$0x3FFD];
	_ =	sdelay $0x3  }
0x96: {  	_ =	strace s3  }
0x97: {  	_ =	strace $0x8FFFFFFF  }
0x98: {  	s19 =	sld [smem:$0x3FDB];
	_ =	sdelay $0x1  }
0x99: {  	s4 =	simm.s32 $_scs_section_size  }
0x9a: {  	s5 =	simm.s32 $_size__tile_overlayer_lowered;
	s6 =	simm.s32 $_tile_overlayer_lowered  }
0x9b: {  	s22 =	simm.s32 $0x1BFF;
	s21 =	sshll.u32 s6, $0x1;
	s3 =	sadd.s32 s4, s19  }
0x9c: {  	s7 =	simm.s32 $0x0;
	s20 =	sshll.u32 s5, $0x1;
	s5 =	sadd.s32 s21, s3  }
0x9d: {  	[timem:s7], [sflag:s22] =	dma.local [hbm:s5], s20  }
0x9e: {  	_ =	swait.ge [sflag:s22], s20  }
0x9f: {  	s4 =	ssub.s32 $0x0, s20;
	[sflag:s22] =	ssyncset.done $0x0  }
0xa0: {  	[sflag:s22] =	ssyncadd.s32 s4;
	_ =	sdelay $0x1  }
0xa1: {  	s23 =	simm.s32 $0x1B8B  }
0xa2: {  	_ =	swait.ge [sflag:s23], $0x1  }
0xa3: {  	[sflag:s23] =	ssyncset.done $0x0  }
0xa4: {  	s25 =	simm.s32 $0x1B8E;
	s24 =	sld [smem:$0x3FFE];
	[sflag:s23] =	ssyncadd.s32 $0xFFFFFFFF  }
0xa5: {  	s26 =	simm.s32 $execute0_lowered;
	[smem:$0x3FD2] =	sst s25  }
0xa6: {  	s5 =	sshll.u32 s26, $0x1;
	_ =	strace $0x80000046;
	[dreg:$0x1] =	wrdreg $0xFFFFFFFF  }
0xa7: {  	s28 =	simm.s32 $_size_execute0_lowered;
	s3 =	sadd.s32 s3, s5;
	[dreg:$0x0] =	wrdreg $0x0  }
0xa8: {  	s5 =	sshll.u32 s28, $0x1;
	[dreg:$0x2] =	wrdreg s3  }
0xa9: {  	[dreg:$0x3] =	wrdreg s5  }
0xaa: {  	[dreg:$0x4] =	wrdreg $0xC0  }
0xab: {  	_ =	task [dreg:s7], $0x5FFFF  }
0xac: {  	[dreg:$0x1] =	wrdreg $0xFFFFFFFF  }
0xad: {  	[dreg:$0x0] =	wrdreg $0x60  }
0xae: {  	[dreg:$0x2] =	wrdreg s2  }
0xaf: {  	[dreg:$0x3] =	wrdreg s24  }
0xb0: {  	[dreg:$0x4] =	wrdreg $0x9  }
0xb1: {  	_ =	task.clear_ibuf [dreg:s7], $0x5FFFF;
	_ =	strace $0x90000046  }
0xb2: {  	s29 =	simm.s32 $0x9;
	_ =	strace $0x80000048  }
0xb3: {  	_ =	swait.ge [sflag:s29], $0x1  }
0xb4: {  	[sflag:s29] =	ssyncadd.s32 $0xFFFFFFFF  }
0xb5: {  	_ =	strace $0x90000048  }
0xb6: {  	_ =	sfence  }
0xb7: {  	s30 =	sld [smem:$0x0];
	_ =	sdelay $0x2  }
0xb8: {  	s31 =	sshll.u32 s1, $0xD;
	s1 =	sshrl.u32 s1, $0x2  }
0xb9: {  	s3 =	sand.u32 $0x4000, s31;
	s1 =	sadd.s32 s1, s30  }
0xba: {  	s0 =	sor.u32 s3, s0;
	s1 =	sshll.u32 s1, $0x11  }
0xbb: {  	s0 =	sor.u32 s1, s0  }
0xbc: {  	s0 =	sadd.s32 $0x8F2B, s0  }
0xbd: {  	[sflag:s0] =	ssyncadd.remote.s32 $0x1  }
0xbe: {  	_ =	sfence.sel $0xFFFF  }
0xbf: {  	[dreg:$0x0] =	wrdreg $0xFFFFFFFF;
	(pc) =	sbr.abs _section_cstart, $3  }
0xc0: {  	[dreg:$0x1] =	wrdreg $0xFFFFFFFF  }
0xc1: {  	_ =	task.clear_ibuf [dreg:s7], $0x2FFFF;
	_ =	strace $0x9FFFFFFF  }
0xc2: {  	(tm) =	ssettm $0x7FFFFFFF  }
0xc3: {  	_ =	shalt  }
tec
execute0_lowered:
.L_overlay_start_1:
0x0: {  	(tag) =	ssettag $0x1  }
0x1: {  	s2 =	rddreg [dreg:$0x0]  }
0x2: {  	s4 =	rddreg [dreg:$0x1]  }
0x3: {  	s3 =	srdreg.scid;
	s0 =	rddreg [dreg:$0x2]  }
0x4: {  	s1 =	stileid.u32;
	s8 =	simm.s32 $0x5;
	s9 =	simm.s32 $0x4000  }
0x5: {  	s10 =	simm.s32 $0x50;
	s11 =	simm.s32 $0x8000;
	s12 =	simm.s32 $0xD000  }
0x6: {  	s13 =	simm.s32 $0x1;
	s14 =	simm.s32 $0x2;
	s15 =	simm.s32 $0x12000  }
0x7: {  	s16 =	simm.s32 $0x3;
	s17 =	simm.s32 $0x4;
	s18 =	simm.s32 $0x0  }
.Ltmp0:
0x8: {  	s5 =	sand.u32 $0x1, s3;
	s3 =	simm.s32 $0x0;
	(pc) =	sbr.rel .LBB2_1-.Ltmp0, $4  }
0x9: {  	s6 =	sshll.u32 s1, $0xC;
	s7 =	sshll.u32 s5, $0xB;
	s5 =	ssub.s32 $0x2, s5  }
0xa: {  	[smem:$0x7FF] =	sst s3;
	s6 =	sor.u32 s7, s6;
	s31 =	sshrl.u32 s5, $0x1  }
0xb: {  	v0 =	vimm.f32 $0.0e+00;
	vm0 =	vcmask $0x300;
	_ =	strace $0x80000047;
	s4 =	sadd.s32 s4, s6;
	s7 =	ssub.s32 s5, s31  }
0xc: {  	v0 =	vsel vm0, $0x40000000, v0;
	vm0 =	vcmask $0x3F3C;
	s5 =	sadd.s32 $0x10000, s4;
	s6 =	sadd.s32 $0x20000, s4;
	s7 =	smax.u32 s7, $0x1  }
.LBB2_8:
0xd: {  	s18 =	sadd.s32 $0x1, s18  }
0xe: {  	p0 =	sne.s32 s18, s7  }
.Ltmp1:
0xf: {  	_ = 	snop;
	(pc) =	sbr.rel @!p0 .LBB2_9-.Ltmp1, $4  }
0x10: {  	[hbm4b:s6+s3] =	stream.linear.scatter [tilespmem:s15], [sflag:$0x5], $0x3E80, $0x38;
	[tilespmem:$0x16000] =	vst v63  }
0x11: {  	_ =	swait.ge [sflag:s8], $0x3E80  }
0x12: {  	[sflag:s8] =	ssyncset.done $0x0  }
0x13: {  	[sflag:s8] =	ssyncadd.s32 $0xFFFFC180  }
.LBB2_1:
0x14: {  	[tilespmem:s3], [sflag:$0x5] =	stream.linear.gather [hbm4b:s5+s3], $0x3E80, $0x38;
	[tilespmem:$0x16000] =	vst v63  }
0x15: {  	_ =	swait.ge [sflag:s8], $0x3E80  }
0x16: {  	[sflag:s8] =	ssyncset.done $0x0  }
0x17: {  	[sflag:s8] =	ssyncadd.s32 $0xFFFFC180  }
0x18: {  	[tilespmem:s9], [sflag:$0x5] =	stream.linear.gather [hbm4b:s4+s3], $0x3E80, $0x38;
	[tilespmem:$0x16000] =	vst v63  }
0x19: {  	_ =	swait.ge [sflag:s8], $0x3E80  }
.Ltmp2:
0x1a: {  	[sflag:s8] =	ssyncset.done $0x0;
	(pc) =	sbr.rel .LBB2_2-.Ltmp2, $4  }
0x1b: {  	[sflag:s8] =	ssyncadd.s32 $0xFFFFC180  }
0x1c: {  	[tilespmem:s11], [sflag:$0x1] =	stream.indirect.gather [hbm4b:s2+s10], $0x80, s3, s10, $0xb8;
	[tilespmem:$0x16000] =	vst v63  }
0x1d: {  	s19 =	simm.s32 $0x0  }
0x1e: {  	[tilespmem:s12], [sflag:$0x2] =	stream.indirect.gather [hbm4b:s2+s10], $0x80, s9, s10, $0xb8;
	[tilespmem:$0x16000] =	vst v63  }
.LBB2_7:
0x1f: {  	s19 =	sadd.s32 $0x1, s19  }
0x20: {  	p0 =	sne.s32 s19, $0x3F  }
.Ltmp3:
0x21: {  	_ = 	snop;
	(pc) =	sbr.rel @!p0 .LBB2_8-.Ltmp3, $1  }
0x22: {  	_ =	sdelay $0x3  }
.LBB2_2:
0x23: {  	_ =	swait.ge [sflag:s13], $0x2800  }
0x24: {  	[sflag:s13] =	ssyncset.done $0x0  }
0x25: {  	s21 =	sshll.u32 s19, $0x1;
	s20 =	sshllo.u32 s19, $0x1;
	[sflag:s13] =	ssyncadd.s32 $0xFFFFD800  }
0x26: {  	p0 =	sgt.u32 s20, $0x7C;
	s21 =	sshll.u32 s21, $0x7;
	_ =	swait.ge [sflag:s14], $0x2800  }
0x27: {  	s22 =	sshll.u32 @!p0 s20, $0x7;
	v1 =	vmov s21;
	[sflag:s14] =	ssyncset.done $0x0  }
0x28: {  	s23 =	simm.s32 @!p0 $0x50;
	s24 =	simm.s32 @!p0 $0xA800;
	v2 =	vor.u32 $0x1, v1;
	v3 =	vor.u32 $0x2, v1;
	v4 =	vor.u32 $0x3, v1;
	[sflag:s14] =	ssyncadd.s32 $0xFFFFD800  }
0x29: {  	v5 =	vor.u32 $0x4, v1;
	v6 =	vor.u32 $0x5, v1;
	v7 =	vor.u32 $0x6, v1;
	[tilespmem:s24], [sflag:$0x3] =	stream.indirect.gather @!p0 [hbm4b:s2+s23], $0x80, s22, s23, $0xb8;
	[tilespmem:$0x16000] =	vst v63  }
0x2a: {  	s21 =	sadd.s32 @!p0 $0x4000, s22;
	v8 =	vor.u32 $0x7, v1;
	v9 =	vor.u32 $0x8, v1;
	v10 =	vor.u32 $0x9, v1;
	s22 =	simm.s32 @!p0 $0xF800  }
0x2b: {  	v11 =	vor.u32 $0xA, v1;
	v12 =	vor.u32 $0xB, v1;
	v13 =	vor.u32 $0xC, v1;
	[tilespmem:s22], [sflag:$0x4] =	stream.indirect.gather @!p0 [hbm4b:s2+s23], $0x80, s21, s23, $0xb8;
	[tilespmem:$0x16000] =	vst v63  }
0x2c: {  	v14 =	vor.u32 $0xD, v1;
	v15 =	vor.u32 $0xE, v1;
	v16 =	vor.u32 $0xF, v1;
	s21 =	simm.s32 $0x0  }
.LBB2_3:
0x2d: {  	s22 =	sshll.u32 s21, $0xB  }
0x2e: {  	v17 =	vld [tilespmem:s22+$0x8000]  }
0x2f: {  	v18 =	vld [tilespmem:s22+$0x8010]  }
0x30: {  	v19 =	vld [tilespmem:s22+$0x8020]  }
0x31: {  	v20 =	vld [tilespmem:s22+$0x8030]  }
0x32: {  	v21 =	vld [tilespmem:s22+$0x8040]  }
0x33: {  	v22 =	vld [tilespmem:s22+$0x8050]  }
0x34: {  	v23 =	vld [tilespmem:s22+$0x8060]  }
0x35: {  	v24 =	vld [tilespmem:s22+$0x8070]  }
0x36: {  	v25 =	vld [tilespmem:s22+$0xD000]  }
0x37: {  	v26 =	vld [tilespmem:s22+$0xD010]  }
0x38: {  	v27 =	vld [tilespmem:s22+$0xD020]  }
0x39: {  	v28 =	vld [tilespmem:s22+$0xD030]  }
0x3a: {  	v29 =	vld [tilespmem:s22+$0xD040]  }
0x3b: {  	v30 =	vld [tilespmem:s22+$0xD050]  }
0x3c: {  	v31 =	vld [tilespmem:s22+$0xD060]  }
0x3d: {  	v32 =	vld [tilespmem:s22+$0xD070]  }
0x3e: {  	v33 =	vld [tilespmem:s22+$0x8080]  }
0x3f: {  	v34 =	vld [tilespmem:s22+$0x8090]  }
0x40: {  	v35 =	vld [tilespmem:s22+$0x80A0]  }
0x41: {  	v36 =	vld [tilespmem:s22+$0x80B0]  }
0x42: {  	v37 =	vld [tilespmem:s22+$0x80C0]  }
0x43: {  	v38 =	vld [tilespmem:s22+$0x80D0]  }
0x44: {  	v39 =	vld [tilespmem:s22+$0x80E0]  }
0x45: {  	v40 =	vld [tilespmem:s22+$0x80F0];
	v17 =	vmul.f32 v25, v17;
	v18 =	vmul.f32 v26, v18  }
0x46: {  	v41 =	vld [tilespmem:s22+$0xD080];
	v19 =	vmul.f32 v27, v19;
	v20 =	vmul.f32 v28, v20  }
0x47: {  	v60 =	vld [tilespmem:s22+$0xD090];
	v21 =	vmul.f32 v29, v21;
	v22 =	vmul.f32 v30, v22  }
0x48: {  	v61 =	vld [tilespmem:s22+$0xD0A0];
	v23 =	vmul.f32 v31, v23;
	v24 =	vmul.f32 v32, v24  }
0x49: {  	v62 =	vld [tilespmem:s22+$0xD0B0];
	v18 =	vadd.f32 v18, v17;
	v19 =	vadd.f32 v20, v19  }
0x4a: {  	v63 =	vld [tilespmem:s22+$0xD0C0];
	v21 =	vadd.f32 v22, v21;
	v46 =	vadd.f32 v24, v23  }
0x4b: {  	v45 =	vld [tilespmem:s22+$0xD0D0]  }
0x4c: {  	v47 =	vld [tilespmem:s22+$0xD0E0];
	v18 =	vadd.f32 v19, v18;
	v19 =	vadd.f32 v46, v21  }
0x4d: {  	v48 =	vld [tilespmem:s22+$0xD0F0]  }
0x4e: {  	v49 =	vld [tilespmem:s22+$0x8100];
	v17 =	vmul.f32 v0, v17;
	v18 =	vadd.f32 v19, v18  }
0x4f: {  	v50 =	vld [tilespmem:s22+$0x8110]  }
0x50: {  	v51 =	vld [tilespmem:s22+$0x8130];
	v17 =	vsub.f32 v17, v18  }
0x51: {  	v52 =	vld [tilespmem:s22+$0xD100]  }
0x52: {  	v42 =	vld [tilespmem:s22+$0xD110];
	(xrf2) =	vadd.scan.msk.f32 $0xffff, v17  }
0x53: {  	v53 =	vld [tilespmem:s22+$0xD120]  }
0x54: {  	v54 =	vld [tilespmem:s22+$0xD130]  }
0x55: {  	v56 =	vld [tilespmem:s22+$0xD140];
	v33 =	vmul.f32 v41, v33;
	v25 =	vmul.f32 v60, v34  }
0x56: {  	v57 =	vld [tilespmem:s22+$0xD150];
	v26 =	vmul.f32 v61, v35;
	v27 =	vmul.f32 v62, v36  }
0x57: {  	s23 =	sshll.u32 s21, $0x4;
	v58 =	vld [tilespmem:s22+$0xD160];
	v28 =	vmul.f32 v63, v37;
	v20 =	vmul.f32 v45, v38  }
0x58: {  	v55 =	vor.u32 s23, v1;
	v59 =	vld [tilespmem:s22+$0xD170];
	v23 =	vmul.f32 v47, v39;
	v24 =	vmul.f32 v48, v40  }
0x59: {  	v30 =	vld [tilespmem:s22+$0x8150];
	v25 =	vadd.f32 v25, v33;
	v26 =	vadd.f32 v27, v26  }
0x5a: {  	v31 =	vld [tilespmem:s22+$0x8170];
	v20 =	vadd.f32 v20, v28;
	v23 =	vadd.f32 v24, v23  }
0x5b: {  	v19 =	vld [tilespmem:s22+$0x8120]  }
0x5c: {  	v25 =	vadd.f32 v26, v25;
	v20 =	vadd.f32 v23, v20;
	v18 =	vld [tilespmem:s22+$0x8140];
	v60, _, _ =	vpop (xrf2)  }
0x5d: {  	v17 =	vld [tilespmem:s22+$0x8160];
	[tilespmem:v55+s15+$0x0] =	vst.idx.msk vm0, v60  }
0x5e: {  	v62 =	vmul.f32 v0, v33;
	v20 =	vadd.f32 v20, v25;
	v23 =	vld [tilespmem:s22+$0x8180]  }
0x5f: {  	v61 =	vld [tilespmem:s22+$0x8190]  }
0x60: {  	v20 =	vsub.f32 v62, v20;
	v28 =	vld [tilespmem:s22+$0x81A0]  }
0x61: {  	v63 =	vld [tilespmem:s22+$0x81B0]  }
0x62: {  	(xrf2) =	vadd.scan.msk.f32 $0xffff, v20;
	v25 =	vld [tilespmem:s22+$0x81C0]  }
0x63: {  	v36 =	vld [tilespmem:s22+$0x81D0]  }
0x64: {  	v45 =	vld [tilespmem:s22+$0x81E0]  }
0x65: {  	v29 =	vmul.f32 v54, v51;
	v22 =	vmul.f32 v42, v50;
	v46 =	vld [tilespmem:s22+$0x81F0]  }
0x66: {  	v21 =	vmul.f32 v52, v49;
	v30 =	vmul.f32 v57, v30;
	v47 =	vld [tilespmem:s22+$0xD180]  }
0x67: {  	v24 =	vmul.f32 v59, v31;
	v19 =	vmul.f32 v53, v19;
	v48 =	vld [tilespmem:s22+$0xD190]  }
0x68: {  	v51 =	vor.u32 s23, v2;
	v18 =	vmul.f32 v56, v18;
	v17 =	vmul.f32 v58, v17;
	v49 =	vld [tilespmem:s22+$0xD1A0]  }
0x69: {  	v22 =	vadd.f32 v22, v21;
	v19 =	vadd.f32 v29, v19;
	v50 =	vld [tilespmem:s22+$0xD1B0]  }
0x6a: {  	v18 =	vadd.f32 v30, v18;
	v17 =	vadd.f32 v24, v17;
	v52 =	vld [tilespmem:s22+$0xD1C0]  }
0x6b: {  	v53 =	vld [tilespmem:s22+$0xD1D0]  }
0x6c: {  	v19 =	vadd.f32 v19, v22;
	v17 =	vadd.f32 v17, v18;
	v54 =	vld [tilespmem:s22+$0xD1E0];
	v56, _, _ =	vpop (xrf2)  }
0x6d: {  	v55 =	vld [tilespmem:s22+$0xD1F0];
	[tilespmem:v51+s15+$0x0] =	vst.idx.msk vm0, v56  }
0x6e: {  	v17 =	vadd.f32 v17, v19;
	v19 =	vmul.f32 v0, v21;
	v18 =	vld [tilespmem:s22+$0x8200]  }
0x6f: {  	v57 =	vld [tilespmem:s22+$0x8210]  }
0x70: {  	v17 =	vsub.f32 v19, v17;
	v58 =	vld [tilespmem:s22+$0x8220]  }
0x71: {  	v30 =	vld [tilespmem:s22+$0x8230]  }
0x72: {  	v19 =	vld [tilespmem:s22+$0x8240];
	(xrf2) =	vadd.scan.msk.f32 $0xffff, v17  }
0x73: {  	v31 =	vld [tilespmem:s22+$0x8250]  }
0x74: {  	v35 =	vld [tilespmem:s22+$0x8270]  }
0x75: {  	v59 =	vld [tilespmem:s22+$0xD200];
	v23 =	vmul.f32 v47, v23;
	v26 =	vmul.f32 v48, v61  }
0x76: {  	v60 =	vld [tilespmem:s22+$0xD210];
	v28 =	vmul.f32 v49, v28;
	v62 =	vmul.f32 v50, v63  }
0x77: {  	v44 =	vld [tilespmem:s22+$0xD240];
	v25 =	vmul.f32 v52, v25;
	v27 =	vmul.f32 v53, v36  }
0x78: {  	v43 =	vor.u32 s23, v3;
	v17 =	vld [tilespmem:s22+$0x8260];
	v20 =	vmul.f32 v54, v45;
	v24 =	vmul.f32 v55, v46  }
0x79: {  	v61 =	vld [tilespmem:s22+$0xD220];
	v26 =	vadd.f32 v26, v23;
	v28 =	vadd.f32 v62, v28  }
0x7a: {  	v63 =	vld [tilespmem:s22+$0xD230];
	v25 =	vadd.f32 v27, v25;
	v20 =	vadd.f32 v24, v20  }
0x7b: {  	v45 =	vld [tilespmem:s22+$0xD250]  }
0x7c: {  	v46 =	vld [tilespmem:s22+$0xD260];
	v26 =	vadd.f32 v28, v26;
	v20 =	vadd.f32 v20, v25;
	v48, _, _ =	vpop (xrf2)  }
0x7d: {  	v47 =	vld [tilespmem:s22+$0xD270];
	[tilespmem:v43+s15+$0x0] =	vst.idx.msk vm0, v48  }
0x7e: {  	v23 =	vmul.f32 v0, v23;
	v20 =	vadd.f32 v20, v26;
	v49 =	vld [tilespmem:s22+$0x8280]  }
0x7f: {  	v27 =	vld [tilespmem:s22+$0x8290]  }
0x80: {  	v20 =	vsub.f32 v23, v20;
	v50 =	vld [tilespmem:s22+$0x82A0]  }
0x81: {  	v51 =	vld [tilespmem:s22+$0x82B0]  }
0x82: {  	v52 =	vld [tilespmem:s22+$0x82C0];
	(xrf2) =	vadd.scan.msk.f32 $0xffff, v20  }
0x83: {  	v34 =	vld [tilespmem:s22+$0x82D0]  }
0x84: {  	v53 =	vld [tilespmem:s22+$0x82E0]  }
0x85: {  	v18 =	vmul.f32 v59, v18;
	v22 =	vmul.f32 v60, v57;
	v54 =	vld [tilespmem:s22+$0x82F0]  }
0x86: {  	v19 =	vmul.f32 v44, v19;
	v21 =	vmul.f32 v61, v58;
	v55 =	vld [tilespmem:s22+$0xD280]  }
0x87: {  	v30 =	vmul.f32 v63, v30;
	v29 =	vmul.f32 v45, v31;
	v56 =	vld [tilespmem:s22+$0xD290]  }
0x88: {  	v59 =	vor.u32 s23, v4;
	v17 =	vmul.f32 v46, v17;
	v24 =	vmul.f32 v47, v35;
	v57 =	vld [tilespmem:s22+$0xD2A0]  }
0x89: {  	v22 =	vadd.f32 v22, v18;
	v21 =	vadd.f32 v30, v21;
	v58 =	vld [tilespmem:s22+$0xD2B0]  }
0x8a: {  	v19 =	vadd.f32 v29, v19;
	v17 =	vadd.f32 v24, v17;
	v60 =	vld [tilespmem:s22+$0xD2C0]  }
0x8b: {  	v61 =	vld [tilespmem:s22+$0xD2D0]  }
0x8c: {  	v21 =	vadd.f32 v21, v22;
	v17 =	vadd.f32 v17, v19;
	v62 =	vld [tilespmem:s22+$0xD2E0];
	v44, _, _ =	vpop (xrf2)  }
0x8d: {  	v63 =	vld [tilespmem:s22+$0xD2F0];
	[tilespmem:v59+s15+$0x0] =	vst.idx.msk vm0, v44  }
0x8e: {  	v18 =	vmul.f32 v0, v18;
	v17 =	vadd.f32 v17, v21;
	v19 =	vld [tilespmem:s22+$0x8300]  }
0x8f: {  	v45 =	vld [tilespmem:s22+$0x8310]  }
0x90: {  	v17 =	vsub.f32 v18, v17;
	v46 =	vld [tilespmem:s22+$0x8320]  }
0x91: {  	v29 =	vld [tilespmem:s22+$0x8330]  }
0x92: {  	(xrf2) =	vadd.scan.msk.f32 $0xffff, v17;
	v18 =	vld [tilespmem:s22+$0x8340]  }
0x93: {  	v35 =	vld [tilespmem:s22+$0x8350]  }
0x94: {  	v17 =	vld [tilespmem:s22+$0x8360]  }
0x95: {  	v25 =	vmul.f32 v55, v49;
	v27 =	vmul.f32 v56, v27;
	v36 =	vld [tilespmem:s22+$0x8370]  }
0x96: {  	v26 =	vmul.f32 v57, v50;
	v28 =	vmul.f32 v58, v51;
	v40 =	vld [tilespmem:s22+$0xD300]  }
0x97: {  	v23 =	vmul.f32 v60, v52;
	v51 =	vmul.f32 v61, v34;
	v47 =	vld [tilespmem:s22+$0xD310]  }
0x98: {  	v50 =	vor.u32 s23, v5;
	v20 =	vmul.f32 v62, v53;
	v24 =	vmul.f32 v63, v54;
	v48 =	vld [tilespmem:s22+$0xD320]  }
0x99: {  	v27 =	vadd.f32 v27, v25;
	v26 =	vadd.f32 v28, v26;
	v49 =	vld [tilespmem:s22+$0xD330]  }
0x9a: {  	v23 =	vadd.f32 v51, v23;
	v20 =	vadd.f32 v24, v20;
	v52 =	vld [tilespmem:s22+$0xD340]  }
0x9b: {  	v53 =	vld [tilespmem:s22+$0xD350]  }
0x9c: {  	v26 =	vadd.f32 v26, v27;
	v20 =	vadd.f32 v20, v23;
	v54 =	vld [tilespmem:s22+$0xD360];
	v56, _, _ =	vpop (xrf2)  }
0x9d: {  	v55 =	vld [tilespmem:s22+$0xD370];
	[tilespmem:v50+s15+$0x0] =	vst.idx.msk vm0, v56  }
0x9e: {  	v25 =	vmul.f32 v0, v25;
	v20 =	vadd.f32 v20, v26;
	v57 =	vld [tilespmem:s22+$0x8380]  }
0x9f: {  	v58 =	vld [tilespmem:s22+$0x8390]  }
0xa0: {  	v20 =	vsub.f32 v25, v20;
	v59 =	vld [tilespmem:s22+$0x83A0]  }
0xa1: {  	v31 =	vld [tilespmem:s22+$0x83B0]  }
0xa2: {  	(xrf2) =	vadd.scan.msk.f32 $0xffff, v20;
	v25 =	vld [tilespmem:s22+$0x83C0]  }
0xa3: {  	v60 =	vld [tilespmem:s22+$0x83D0]  }
0xa4: {  	v61 =	vld [tilespmem:s22+$0x83E0]  }
0xa5: {  	v62 =	vld [tilespmem:s22+$0x83F0];
	v19 =	vmul.f32 v40, v19;
	v22 =	vmul.f32 v47, v45  }
0xa6: {  	v38 =	vld [tilespmem:s22+$0xD380];
	v21 =	vmul.f32 v48, v46;
	v29 =	vmul.f32 v49, v29  }
0xa7: {  	v63 =	vld [tilespmem:s22+$0xD390];
	v18 =	vmul.f32 v52, v18;
	v30 =	vmul.f32 v53, v35  }
0xa8: {  	v45 =	vld [tilespmem:s22+$0xD3A0];
	v47 =	vor.u32 s23, v6;
	v17 =	vmul.f32 v54, v17;
	v24 =	vmul.f32 v55, v36  }
0xa9: {  	v46 =	vld [tilespmem:s22+$0xD3B0];
	v22 =	vadd.f32 v22, v19;
	v21 =	vadd.f32 v29, v21  }
0xaa: {  	v48 =	vld [tilespmem:s22+$0xD3C0];
	v18 =	vadd.f32 v30, v18;
	v17 =	vadd.f32 v24, v17  }
0xab: {  	v49 =	vld [tilespmem:s22+$0xD3D0]  }
0xac: {  	v50 =	vld [tilespmem:s22+$0xD3E0];
	v21 =	vadd.f32 v21, v22;
	v17 =	vadd.f32 v17, v18;
	v52, _, _ =	vpop (xrf2)  }
0xad: {  	v51 =	vld [tilespmem:s22+$0xD3F0];
	[tilespmem:v47+s15+$0x0] =	vst.idx.msk vm0, v52  }
0xae: {  	v19 =	vmul.f32 v0, v19;
	v17 =	vadd.f32 v17, v21;
	v18 =	vld [tilespmem:s22+$0x8400]  }
0xaf: {  	v53 =	vld [tilespmem:s22+$0x8410]  }
0xb0: {  	v17 =	vsub.f32 v19, v17;
	v54 =	vld [tilespmem:s22+$0x8420]  }
0xb1: {  	v30 =	vld [tilespmem:s22+$0x8430]  }
0xb2: {  	v19 =	vld [tilespmem:s22+$0x8440];
	(xrf2) =	vadd.scan.msk.f32 $0xffff, v17  }
0xb3: {  	v55 =	vld [tilespmem:s22+$0x8450]  }
0xb4: {  	v17 =	vld [tilespmem:s22+$0x8460]  }
0xb5: {  	v23 =	vmul.f32 v38, v57;
	v27 =	vmul.f32 v63, v58;
	v36 =	vld [tilespmem:s22+$0x8470]  }
0xb6: {  	v26 =	vmul.f32 v45, v59;
	v31 =	vmul.f32 v46, v31;
	v39 =	vld [tilespmem:s22+$0xD400]  }
0xb7: {  	v25 =	vmul.f32 v48, v25;
	v28 =	vmul.f32 v49, v60;
	v56 =	vld [tilespmem:s22+$0xD410]  }
0xb8: {  	v59 =	vor.u32 s23, v7;
	v20 =	vmul.f32 v50, v61;
	v24 =	vmul.f32 v51, v62;
	v57 =	vld [tilespmem:s22+$0xD420]  }
0xb9: {  	v27 =	vadd.f32 v27, v23;
	v26 =	vadd.f32 v31, v26;
	v58 =	vld [tilespmem:s22+$0xD430]  }
0xba: {  	v25 =	vadd.f32 v28, v25;
	v20 =	vadd.f32 v24, v20;
	v60 =	vld [tilespmem:s22+$0xD440]  }
0xbb: {  	v61 =	vld [tilespmem:s22+$0xD450]  }
0xbc: {  	v26 =	vadd.f32 v26, v27;
	v20 =	vadd.f32 v20, v25;
	v62 =	vld [tilespmem:s22+$0xD460];
	v44, _, _ =	vpop (xrf2)  }
0xbd: {  	v63 =	vld [tilespmem:s22+$0xD470];
	[tilespmem:v59+s15+$0x0] =	vst.idx.msk vm0, v44  }
0xbe: {  	v23 =	vmul.f32 v0, v23;
	v20 =	vadd.f32 v20, v26;
	v45 =	vld [tilespmem:s22+$0x8480]  }
0xbf: {  	v46 =	vld [tilespmem:s22+$0x8490]  }
0xc0: {  	v20 =	vsub.f32 v23, v20;
	v47 =	vld [tilespmem:s22+$0x84A0]  }
0xc1: {  	v28 =	vld [tilespmem:s22+$0x84B0]  }
0xc2: {  	(xrf2) =	vadd.scan.msk.f32 $0xffff, v20;
	v23 =	vld [tilespmem:s22+$0x84C0]  }
0xc3: {  	v48 =	vld [tilespmem:s22+$0x84D0]  }
0xc4: {  	v49 =	vld [tilespmem:s22+$0x84E0]  }
0xc5: {  	v18 =	vmul.f32 v39, v18;
	v22 =	vmul.f32 v56, v53;
	v50 =	vld [tilespmem:s22+$0x84F0]  }
0xc6: {  	v21 =	vmul.f32 v57, v54;
	v30 =	vmul.f32 v58, v30;
	v40 =	vld [tilespmem:s22+$0xD480]  }
0xc7: {  	v19 =	vmul.f32 v60, v19;
	v29 =	vmul.f32 v61, v55;
	v51 =	vld [tilespmem:s22+$0xD490]  }
0xc8: {  	v54 =	vor.u32 s23, v8;
	v17 =	vmul.f32 v62, v17;
	v24 =	vmul.f32 v63, v36;
	v52 =	vld [tilespmem:s22+$0xD4A0]  }
0xc9: {  	v22 =	vadd.f32 v22, v18;
	v21 =	vadd.f32 v30, v21;
	v53 =	vld [tilespmem:s22+$0xD4B0]  }
0xca: {  	v19 =	vadd.f32 v29, v19;
	v17 =	vadd.f32 v24, v17;
	v55 =	vld [tilespmem:s22+$0xD4C0]  }
0xcb: {  	v56 =	vld [tilespmem:s22+$0xD4D0]  }
0xcc: {  	v21 =	vadd.f32 v21, v22;
	v17 =	vadd.f32 v17, v19;
	v57 =	vld [tilespmem:s22+$0xD4E0];
	v59, _, _ =	vpop (xrf2)  }
0xcd: {  	v58 =	vld [tilespmem:s22+$0xD4F0];
	[tilespmem:v54+s15+$0x0] =	vst.idx.msk vm0, v59  }
0xce: {  	v18 =	vmul.f32 v0, v18;
	v17 =	vadd.f32 v17, v21;
	v19 =	vld [tilespmem:s22+$0x8500]  }
0xcf: {  	v60 =	vld [tilespmem:s22+$0x8510]  }
0xd0: {  	v17 =	vsub.f32 v18, v17;
	v61 =	vld [tilespmem:s22+$0x8520]  }
0xd1: {  	v29 =	vld [tilespmem:s22+$0x8530]  }
0xd2: {  	(xrf2) =	vadd.scan.msk.f32 $0xffff, v17;
	v18 =	vld [tilespmem:s22+$0x8540]  }
0xd3: {  	v62 =	vld [tilespmem:s22+$0x8550]  }
0xd4: {  	v17 =	vld [tilespmem:s22+$0x8560]  }
0xd5: {  	v36 =	vld [tilespmem:s22+$0x8570];
	v25 =	vmul.f32 v40, v45;
	v27 =	vmul.f32 v51, v46  }
0xd6: {  	v38 =	vld [tilespmem:s22+$0xD500];
	v26 =	vmul.f32 v52, v47;
	v28 =	vmul.f32 v53, v28  }
0xd7: {  	v63 =	vld [tilespmem:s22+$0xD510];
	v23 =	vmul.f32 v55, v23;
	v31 =	vmul.f32 v56, v48  }
0xd8: {  	v45 =	vld [tilespmem:s22+$0xD520];
	v47 =	vor.u32 s23, v9;
	v20 =	vmul.f32 v57, v49;
	v24 =	vmul.f32 v58, v50  }
0xd9: {  	v46 =	vld [tilespmem:s22+$0xD530];
	v27 =	vadd.f32 v27, v25;
	v26 =	vadd.f32 v28, v26  }
0xda: {  	v48 =	vld [tilespmem:s22+$0xD540];
	v23 =	vadd.f32 v31, v23;
	v20 =	vadd.f32 v24, v20  }
0xdb: {  	v49 =	vld [tilespmem:s22+$0xD550]  }
0xdc: {  	v50 =	vld [tilespmem:s22+$0xD560];
	v26 =	vadd.f32 v26, v27;
	v20 =	vadd.f32 v20, v23;
	v52, _, _ =	vpop (xrf2)  }
0xdd: {  	v51 =	vld [tilespmem:s22+$0xD570];
	[tilespmem:v47+s15+$0x0] =	vst.idx.msk vm0, v52  }
0xde: {  	v25 =	vmul.f32 v0, v25;
	v20 =	vadd.f32 v20, v26;
	v53 =	vld [tilespmem:s22+$0x8580]  }
0xdf: {  	v54 =	vld [tilespmem:s22+$0x8590]  }
0xe0: {  	v20 =	vsub.f32 v25, v20;
	v55 =	vld [tilespmem:s22+$0x85A0]  }
0xe1: {  	v31 =	vld [tilespmem:s22+$0x85B0]  }
0xe2: {  	v25 =	vld [tilespmem:s22+$0x85C0];
	(xrf2) =	vadd.scan.msk.f32 $0xffff, v20  }
0xe3: {  	v56 =	vld [tilespmem:s22+$0x85D0]  }
0xe4: {  	v20 =	vld [tilespmem:s22+$0x85E0]  }
0xe5: {  	v19 =	vmul.f32 v38, v19;
	v22 =	vmul.f32 v63, v60;
	v57 =	vld [tilespmem:s22+$0x85F0]  }
0xe6: {  	v21 =	vmul.f32 v45, v61;
	v29 =	vmul.f32 v46, v29;
	v39 =	vld [tilespmem:s22+$0xD580]  }
0xe7: {  	v18 =	vmul.f32 v48, v18;
	v30 =	vmul.f32 v49, v62;
	v58 =	vld [tilespmem:s22+$0xD590]  }
0xe8: {  	v61 =	vor.u32 s23, v10;
	v17 =	vmul.f32 v50, v17;
	v24 =	vmul.f32 v51, v36;
	v59 =	vld [tilespmem:s22+$0xD5A0]  }
0xe9: {  	v22 =	vadd.f32 v22, v19;
	v21 =	vadd.f32 v29, v21;
	v60 =	vld [tilespmem:s22+$0xD5B0]  }
0xea: {  	v18 =	vadd.f32 v30, v18;
	v17 =	vadd.f32 v24, v17;
	v62 =	vld [tilespmem:s22+$0xD5C0]  }
0xeb: {  	v63 =	vld [tilespmem:s22+$0xD5D0]  }
0xec: {  	v21 =	vadd.f32 v21, v22;
	v17 =	vadd.f32 v17, v18;
	v45 =	vld [tilespmem:s22+$0xD5E0];
	v47, _, _ =	vpop (xrf2)  }
0xed: {  	v46 =	vld [tilespmem:s22+$0xD5F0];
	[tilespmem:v61+s15+$0x0] =	vst.idx.msk vm0, v47  }
0xee: {  	v19 =	vmul.f32 v0, v19;
	v17 =	vadd.f32 v17, v21;
	v18 =	vld [tilespmem:s22+$0x8600]  }
0xef: {  	v48 =	vld [tilespmem:s22+$0x8610]  }
0xf0: {  	v17 =	vsub.f32 v19, v17;
	v49 =	vld [tilespmem:s22+$0x8620]  }
0xf1: {  	v30 =	vld [tilespmem:s22+$0x8630]  }
0xf2: {  	(xrf2) =	vadd.scan.msk.f32 $0xffff, v17;
	v19 =	vld [tilespmem:s22+$0x8640]  }
0xf3: {  	v50 =	vld [tilespmem:s22+$0x8650]  }
0xf4: {  	v17 =	vld [tilespmem:s22+$0x8660]  }
0xf5: {  	v23 =	vmul.f32 v39, v53;
	v27 =	vmul.f32 v58, v54;
	v51 =	vld [tilespmem:s22+$0x8670]  }
0xf6: {  	v26 =	vmul.f32 v59, v55;
	v31 =	vmul.f32 v60, v31;
	v40 =	vld [tilespmem:s22+$0xD600]  }
0xf7: {  	v25 =	vmul.f32 v62, v25;
	v28 =	vmul.f32 v63, v56;
	v52 =	vld [tilespmem:s22+$0xD610]  }
0xf8: {  	v55 =	vor.u32 s23, v11;
	v20 =	vmul.f32 v45, v20;
	v24 =	vmul.f32 v46, v57;
	v53 =	vld [tilespmem:s22+$0xD620]  }
0xf9: {  	v27 =	vadd.f32 v27, v23;
	v26 =	vadd.f32 v31, v26;
	v54 =	vld [tilespmem:s22+$0xD630]  }
0xfa: {  	v25 =	vadd.f32 v28, v25;
	v20 =	vadd.f32 v24, v20;
	v56 =	vld [tilespmem:s22+$0xD640]  }
0xfb: {  	v57 =	vld [tilespmem:s22+$0xD650]  }
0xfc: {  	v26 =	vadd.f32 v26, v27;
	v20 =	vadd.f32 v20, v25;
	v58 =	vld [tilespmem:s22+$0xD660];
	v60, _, _ =	vpop (xrf2)  }
0xfd: {  	v59 =	vld [tilespmem:s22+$0xD670];
	[tilespmem:v55+s15+$0x0] =	vst.idx.msk vm0, v60  }
0xfe: {  	v23 =	vmul.f32 v0, v23;
	v20 =	vadd.f32 v20, v26;
	v25 =	vld [tilespmem:s22+$0x8680]  }
0xff: {  	v27 =	vld [tilespmem:s22+$0x8690]  }
0x100: {  	v20 =	vsub.f32 v23, v20;
	v26 =	vld [tilespmem:s22+$0x86A0]  }
0x101: {  	v28 =	vld [tilespmem:s22+$0x86B0]  }
0x102: {  	(xrf2) =	vadd.scan.msk.f32 $0xffff, v20;
	v23 =	vld [tilespmem:s22+$0x86C0]  }
0x103: {  	v34 =	vld [tilespmem:s22+$0x86D0]  }
0x104: {  	v20 =	vld [tilespmem:s22+$0x86E0]  }
0x105: {  	v37 =	vld [tilespmem:s22+$0x86F0];
	v18 =	vmul.f32 v40, v18;
	v22 =	vmul.f32 v52, v48  }
0x106: {  	v38 =	vld [tilespmem:s22+$0xD680];
	v21 =	vmul.f32 v53, v49;
	v30 =	vmul.f32 v54, v30  }
0x107: {  	v61 =	vld [tilespmem:s22+$0xD690];
	v19 =	vmul.f32 v56, v19;
	v29 =	vmul.f32 v57, v50  }
0x108: {  	v62 =	vor.u32 s23, v12;
	v40 =	vld [tilespmem:s22+$0xD6A0];
	v17 =	vmul.f32 v58, v17;
	v24 =	vmul.f32 v59, v51  }
0x109: {  	v33 =	vld [tilespmem:s22+$0xD6B0];
	v22 =	vadd.f32 v22, v18;
	v21 =	vadd.f32 v30, v21  }
0x10a: {  	v32 =	vld [tilespmem:s22+$0xD6C0];
	v19 =	vadd.f32 v29, v19;
	v17 =	vadd.f32 v24, v17  }
0x10b: {  	v63 =	vld [tilespmem:s22+$0xD6D0]  }
0x10c: {  	v30 =	vld [tilespmem:s22+$0xD6E0];
	v21 =	vadd.f32 v21, v22;
	v17 =	vadd.f32 v17, v19;
	v56, _, _ =	vpop (xrf2)  }
0x10d: {  	v24 =	vld [tilespmem:s22+$0xD6F0];
	[tilespmem:v62+s15+$0x0] =	vst.idx.msk vm0, v56  }
0x10e: {  	v18 =	vmul.f32 v0, v18;
	v17 =	vadd.f32 v17, v21;
	v19 =	vld [tilespmem:s22+$0x8700]  }
0x10f: {  	v22 =	vld [tilespmem:s22+$0x8710]  }
0x110: {  	v17 =	vsub.f32 v18, v17;
	v57 =	vld [tilespmem:s22+$0x8720]  }
0x111: {  	v29 =	vld [tilespmem:s22+$0x8730]  }
0x112: {  	v18 =	vld [tilespmem:s22+$0x8740];
	(xrf2) =	vadd.scan.msk.f32 $0xffff, v17  }
0x113: {  	v58 =	vld [tilespmem:s22+$0x8750]  }
0x114: {  	v17 =	vld [tilespmem:s22+$0x8760]  }
0x115: {  	v59 =	vld [tilespmem:s22+$0x8770]  }
0x116: {  	v39 =	vld [tilespmem:s22+$0xD700]  }
0x117: {  	v60 =	vld [tilespmem:s22+$0xD710]  }
0x118: {  	v45 =	vor.u32 s23, v13;
	v43 =	vld [tilespmem:s22+$0xD720]  }
0x119: {  	v44 =	vld [tilespmem:s22+$0xD730]  }
0x11a: {  	v46 =	vld [tilespmem:s22+$0xD740]  }
0x11b: {  	v47 =	vld [tilespmem:s22+$0xD750]  }
0x11c: {  	v48 =	vld [tilespmem:s22+$0xD760];
	v50, _, _ =	vpop (xrf2)  }
0x11d: {  	v49 =	vld [tilespmem:s22+$0xD770];
	[tilespmem:v45+s15+$0x0] =	vst.idx.msk vm0, v50  }
0x11e: {  	v45 =	vld [tilespmem:s22+$0x8780]  }
0x11f: {  	v50 =	vld [tilespmem:s22+$0x8790]  }
0x120: {  	v51 =	vld [tilespmem:s22+$0x87A0]  }
0x121: {  	v52 =	vld [tilespmem:s22+$0x87B0]  }
0x122: {  	v53 =	vld [tilespmem:s22+$0x87C0]  }
0x123: {  	v54 =	vld [tilespmem:s22+$0x87D0]  }
0x124: {  	v55 =	vld [tilespmem:s22+$0x87E0]  }
0x125: {  	v25 =	vmul.f32 v38, v25;
	v27 =	vmul.f32 v61, v27;
	v61 =	vld [tilespmem:s22+$0x87F0]  }
0x126: {  	v26 =	vmul.f32 v40, v26;
	v28 =	vmul.f32 v33, v28;
	v62 =	vld [tilespmem:s22+$0xD780]  }
0x127: {  	v23 =	vmul.f32 v32, v23;
	v31 =	vmul.f32 v63, v34;
	v63 =	vld [tilespmem:s22+$0xD790]  }
0x128: {  	v20 =	vmul.f32 v30, v20;
	v24 =	vmul.f32 v24, v37;
	v37 =	vld [tilespmem:s22+$0xD7A0]  }
0x129: {  	v26 =	vadd.f32 v28, v26;
	v27 =	vadd.f32 v27, v25;
	v40 =	vld [tilespmem:s22+$0xD7B0]  }
0x12a: {  	v23 =	vadd.f32 v31, v23;
	v20 =	vadd.f32 v24, v20;
	v41 =	vld [tilespmem:s22+$0xD7C0]  }
0x12b: {  	v26 =	vadd.f32 v26, v27;
	v19 =	vmul.f32 v39, v19;
	v22 =	vmul.f32 v60, v22;
	v42 =	vld [tilespmem:s22+$0xD7D0]  }
0x12c: {  	v20 =	vadd.f32 v20, v23;
	v21 =	vmul.f32 v43, v57;
	v43 =	vmul.f32 v44, v29;
	v44 =	vld [tilespmem:s22+$0xD7E0]  }
0x12d: {  	v18 =	vmul.f32 v46, v18;
	v46 =	vmul.f32 v47, v58;
	v47 =	vld [tilespmem:s22+$0xD7F0]  }
0x12e: {  	v20 =	vadd.f32 v20, v26;
	v17 =	vmul.f32 v48, v17;
	v48 =	vmul.f32 v49, v59  }
0x12f: {  	v21 =	vadd.f32 v43, v21;
	v49 =	vmul.f32 v62, v45;
	v32 =	vmul.f32 v63, v50  }
0x130: {  	v18 =	vadd.f32 v46, v18;
	v30 =	vmul.f32 v37, v51;
	v28 =	vmul.f32 v40, v52  }
0x131: {  	v17 =	vadd.f32 v48, v17;
	v24 =	vmul.f32 v41, v53;
	v56 =	vmul.f32 v42, v54  }
0x132: {  	v22 =	vadd.f32 v22, v19;
	v57 =	vmul.f32 v44, v55;
	v58 =	vmul.f32 v47, v61  }
0x133: {  	v28 =	vadd.f32 v28, v30;
	v24 =	vadd.f32 v56, v24  }
0x134: {  	v59 =	vadd.f32 v58, v57;
	v60 =	vadd.f32 v32, v49  }
0x135: {  	v21 =	vadd.f32 v21, v22;
	v17 =	vadd.f32 v17, v18  }
0x136: {  	v62 =	vmul.f32 v0, v25;
	v18 =	vadd.f32 v28, v60;
	v61 =	vadd.f32 v59, v24  }
0x137: {  	v19 =	vmul.f32 v0, v19;
	v17 =	vadd.f32 v17, v21  }
0x138: {  	v20 =	vsub.f32 v62, v20;
	v63 =	vmul.f32 v0, v49;
	v18 =	vadd.f32 v61, v18  }
0x139: {  	v17 =	vsub.f32 v19, v17  }
0x13a: {  	(xrf2) =	vadd.scan.msk.f32 $0xffff, v20;
	v18 =	vsub.f32 v63, v18  }
0x13b: {  	(xrf2) =	vadd.scan.msk.f32 $0xffff, v17  }
0x13c: {  	(xrf2) =	vadd.scan.msk.f32 $0xffff, v18;
	_ =	sdelay $0x3  }
0x13d: {  	v17 =	vor.u32 s23, v14  }
0x13e: {  	v18 =	vor.u32 s23, v15  }
0x13f: {  	p1 =	sne.s32 s21, $0x4;
	v19 =	vor.u32 s23, v16  }
.Ltmp4:
0x140: {  	_ = 	snop;
	(pc) =	sbr.rel @p1 .LBB2_3-.Ltmp4, $4  }
0x141: {  	v20, _, _ =	vpop (xrf2)  }
0x142: {  	[tilespmem:v17+s15+$0x0] =	vst.idx.msk vm0, v20;
	v17, _, _ =	vpop (xrf2)  }
0x143: {  	[tilespmem:v18+s15+$0x0] =	vst.idx.msk vm0, v17;
	v17, _, _ =	vpop (xrf2)  }
0x144: {  	s21 =	sadd.s32 $0x1, s21;
	[tilespmem:v19+s15+$0x0] =	vst.idx.msk vm0, v17  }
.Ltmp5:
0x145: {  	(pc) =	sbr.rel @p0 .LBB2_7-.Ltmp5, $1  }
0x146: {  	_ =	sdelay $0x3  }
0x147: {  	_ =	swait.ge [sflag:s16], $0x2800  }
0x148: {  	[sflag:s16] =	ssyncset.done $0x0  }
0x149: {  	s20 =	sshll.u32 s20, $0x7;
	[sflag:s16] =	ssyncadd.s32 $0xFFFFD800  }
0x14a: {  	v1 =	vmov s20;
	_ =	swait.ge [sflag:s17], $0x2800  }
0x14b: {  	s21 =	sshll.u32 s19, $0x8;
	v2 =	vor.u32 $0x1, v1;
	v3 =	vor.u32 $0x2, v1;
	v4 =	vor.u32 $0x3, v1;
	[sflag:s17] =	ssyncset.done $0x0  }
0x14c: {  	s22 =	sadd.s32 $0x100, s21;
	v5 =	vor.u32 $0x4, v1;
	v6 =	vor.u32 $0x5, v1;
	v7 =	vor.u32 $0x6, v1;
	[sflag:s17] =	ssyncadd.s32 $0xFFFFD800  }
0x14d: {  	v8 =	vor.u32 $0x7, v1;
	v9 =	vor.u32 $0x8, v1;
	v10 =	vor.u32 $0x9, v1;
	[tilespmem:s11], [sflag:$0x1] =	stream.indirect.gather [hbm4b:s2+s10], $0x80, s22, s10, $0xb8;
	[tilespmem:$0x16000] =	vst v63  }
0x14e: {  	s31 =	sadd.s32 $0x4100, s21;
	s20 =	simm.s32 $0x0;
	v11 =	vor.u32 $0xA, v1;
	v12 =	vor.u32 $0xB, v1;
	v13 =	vor.u32 $0xC, v1  }
0x14f: {  	v14 =	vor.u32 $0xD, v1;
	v15 =	vor.u32 $0xE, v1;
	v16 =	vor.u32 $0xF, v1;
	[tilespmem:s12], [sflag:$0x2] =	stream.indirect.gather [hbm4b:s2+s10], $0x80, s31, s10, $0xb8;
	[tilespmem:$0x16000] =	vst v63  }
.LBB2_6:
0x150: {  	s21 =	sshll.u32 s20, $0xB  }
0x151: {  	v17 =	vld [tilespmem:s21+$0xA800]  }
0x152: {  	v18 =	vld [tilespmem:s21+$0xA810]  }
0x153: {  	v19 =	vld [tilespmem:s21+$0xA820]  }
0x154: {  	v20 =	vld [tilespmem:s21+$0xA830]  }
0x155: {  	v21 =	vld [tilespmem:s21+$0xA840]  }
0x156: {  	v22 =	vld [tilespmem:s21+$0xA850]  }
0x157: {  	v23 =	vld [tilespmem:s21+$0xA860]  }
0x158: {  	v24 =	vld [tilespmem:s21+$0xA870]  }
0x159: {  	v25 =	vld [tilespmem:s21+$0xF800]  }
0x15a: {  	v26 =	vld [tilespmem:s21+$0xF810]  }
0x15b: {  	v27 =	vld [tilespmem:s21+$0xF820]  }
0x15c: {  	v28 =	vld [tilespmem:s21+$0xF830]  }
0x15d: {  	v29 =	vld [tilespmem:s21+$0xF840]  }
0x15e: {  	v30 =	vld [tilespmem:s21+$0xF850]  }
0x15f: {  	v31 =	vld [tilespmem:s21+$0xF860]  }
0x160: {  	v32 =	vld [tilespmem:s21+$0xF870]  }
0x161: {  	v33 =	vld [tilespmem:s21+$0xA880]  }
0x162: {  	v34 =	vld [tilespmem:s21+$0xA890]  }
0x163: {  	v35 =	vld [tilespmem:s21+$0xA8A0]  }
0x164: {  	v36 =	vld [tilespmem:s21+$0xA8B0]  }
0x165: {  	v37 =	vld [tilespmem:s21+$0xA8C0]  }
0x166: {  	v38 =	vld [tilespmem:s21+$0xA8D0]  }
0x167: {  	v39 =	vld [tilespmem:s21+$0xA8E0]  }
0x168: {  	v40 =	vld [tilespmem:s21+$0xA8F0];
	v17 =	vmul.f32 v25, v17;
	v18 =	vmul.f32 v26, v18  }
0x169: {  	v41 =	vld [tilespmem:s21+$0xF880];
	v19 =	vmul.f32 v27, v19;
	v20 =	vmul.f32 v28, v20  }
0x16a: {  	v60 =	vld [tilespmem:s21+$0xF890];
	v21 =	vmul.f32 v29, v21;
	v22 =	vmul.f32 v30, v22  }
0x16b: {  	v61 =	vld [tilespmem:s21+$0xF8A0];
	v23 =	vmul.f32 v31, v23;
	v24 =	vmul.f32 v32, v24  }
0x16c: {  	v62 =	vld [tilespmem:s21+$0xF8B0];
	v18 =	vadd.f32 v18, v17;
	v19 =	vadd.f32 v20, v19  }
0x16d: {  	v63 =	vld [tilespmem:s21+$0xF8C0];
	v21 =	vadd.f32 v22, v21;
	v46 =	vadd.f32 v24, v23  }
0x16e: {  	v45 =	vld [tilespmem:s21+$0xF8D0]  }
0x16f: {  	v47 =	vld [tilespmem:s21+$0xF8E0];
	v18 =	vadd.f32 v19, v18;
	v19 =	vadd.f32 v46, v21  }
0x170: {  	v48 =	vld [tilespmem:s21+$0xF8F0]  }
0x171: {  	v49 =	vld [tilespmem:s21+$0xA900];
	v17 =	vmul.f32 v0, v17;
	v18 =	vadd.f32 v19, v18  }
0x172: {  	v50 =	vld [tilespmem:s21+$0xA910]  }
0x173: {  	v51 =	vld [tilespmem:s21+$0xA930];
	v17 =	vsub.f32 v17, v18  }
0x174: {  	v52 =	vld [tilespmem:s21+$0xF900]  }
0x175: {  	v42 =	vld [tilespmem:s21+$0xF910];
	(xrf2) =	vadd.scan.msk.f32 $0xffff, v17  }
0x176: {  	v53 =	vld [tilespmem:s21+$0xF920]  }
0x177: {  	v54 =	vld [tilespmem:s21+$0xF930]  }
0x178: {  	v56 =	vld [tilespmem:s21+$0xF940];
	v33 =	vmul.f32 v41, v33;
	v25 =	vmul.f32 v60, v34  }
0x179: {  	v57 =	vld [tilespmem:s21+$0xF950];
	v26 =	vmul.f32 v61, v35;
	v27 =	vmul.f32 v62, v36  }
0x17a: {  	s22 =	sshll.u32 s20, $0x4;
	v58 =	vld [tilespmem:s21+$0xF960];
	v28 =	vmul.f32 v63, v37;
	v20 =	vmul.f32 v45, v38  }
0x17b: {  	v55 =	vor.u32 s22, v1;
	v59 =	vld [tilespmem:s21+$0xF970];
	v23 =	vmul.f32 v47, v39;
	v24 =	vmul.f32 v48, v40  }
0x17c: {  	v30 =	vld [tilespmem:s21+$0xA950];
	v25 =	vadd.f32 v25, v33;
	v26 =	vadd.f32 v27, v26  }
0x17d: {  	v31 =	vld [tilespmem:s21+$0xA970];
	v20 =	vadd.f32 v20, v28;
	v23 =	vadd.f32 v24, v23  }
0x17e: {  	v19 =	vld [tilespmem:s21+$0xA920]  }
0x17f: {  	v25 =	vadd.f32 v26, v25;
	v20 =	vadd.f32 v23, v20;
	v18 =	vld [tilespmem:s21+$0xA940];
	v60, _, _ =	vpop (xrf2)  }
0x180: {  	v17 =	vld [tilespmem:s21+$0xA960];
	[tilespmem:v55+s15+$0x0] =	vst.idx.msk vm0, v60  }
0x181: {  	v62 =	vmul.f32 v0, v33;
	v20 =	vadd.f32 v20, v25;
	v23 =	vld [tilespmem:s21+$0xA980]  }
0x182: {  	v61 =	vld [tilespmem:s21+$0xA990]  }
0x183: {  	v20 =	vsub.f32 v62, v20;
	v28 =	vld [tilespmem:s21+$0xA9A0]  }
0x184: {  	v63 =	vld [tilespmem:s21+$0xA9B0]  }
0x185: {  	(xrf2) =	vadd.scan.msk.f32 $0xffff, v20;
	v25 =	vld [tilespmem:s21+$0xA9C0]  }
0x186: {  	v36 =	vld [tilespmem:s21+$0xA9D0]  }
0x187: {  	v45 =	vld [tilespmem:s21+$0xA9E0]  }
0x188: {  	v29 =	vmul.f32 v54, v51;
	v22 =	vmul.f32 v42, v50;
	v46 =	vld [tilespmem:s21+$0xA9F0]  }
0x189: {  	v21 =	vmul.f32 v52, v49;
	v30 =	vmul.f32 v57, v30;
	v47 =	vld [tilespmem:s21+$0xF980]  }
0x18a: {  	v24 =	vmul.f32 v59, v31;
	v19 =	vmul.f32 v53, v19;
	v48 =	vld [tilespmem:s21+$0xF990]  }
0x18b: {  	v51 =	vor.u32 s22, v2;
	v18 =	vmul.f32 v56, v18;
	v17 =	vmul.f32 v58, v17;
	v49 =	vld [tilespmem:s21+$0xF9A0]  }
0x18c: {  	v22 =	vadd.f32 v22, v21;
	v19 =	vadd.f32 v29, v19;
	v50 =	vld [tilespmem:s21+$0xF9B0]  }
0x18d: {  	v18 =	vadd.f32 v30, v18;
	v17 =	vadd.f32 v24, v17;
	v52 =	vld [tilespmem:s21+$0xF9C0]  }
0x18e: {  	v53 =	vld [tilespmem:s21+$0xF9D0]  }
0x18f: {  	v19 =	vadd.f32 v19, v22;
	v17 =	vadd.f32 v17, v18;
	v54 =	vld [tilespmem:s21+$0xF9E0];
	v56, _, _ =	vpop (xrf2)  }
0x190: {  	v55 =	vld [tilespmem:s21+$0xF9F0];
	[tilespmem:v51+s15+$0x0] =	vst.idx.msk vm0, v56  }
0x191: {  	v17 =	vadd.f32 v17, v19;
	v19 =	vmul.f32 v0, v21;
	v18 =	vld [tilespmem:s21+$0xAA00]  }
0x192: {  	v57 =	vld [tilespmem:s21+$0xAA10]  }
0x193: {  	v17 =	vsub.f32 v19, v17;
	v58 =	vld [tilespmem:s21+$0xAA20]  }
0x194: {  	v30 =	vld [tilespmem:s21+$0xAA30]  }
0x195: {  	v19 =	vld [tilespmem:s21+$0xAA40];
	(xrf2) =	vadd.scan.msk.f32 $0xffff, v17  }
0x196: {  	v31 =	vld [tilespmem:s21+$0xAA50]  }
0x197: {  	v35 =	vld [tilespmem:s21+$0xAA70]  }
0x198: {  	v59 =	vld [tilespmem:s21+$0xFA00];
	v23 =	vmul.f32 v47, v23;
	v26 =	vmul.f32 v48, v61  }
0x199: {  	v60 =	vld [tilespmem:s21+$0xFA10];
	v28 =	vmul.f32 v49, v28;
	v62 =	vmul.f32 v50, v63  }
0x19a: {  	v44 =	vld [tilespmem:s21+$0xFA40];
	v25 =	vmul.f32 v52, v25;
	v27 =	vmul.f32 v53, v36  }
0x19b: {  	v43 =	vor.u32 s22, v3;
	v17 =	vld [tilespmem:s21+$0xAA60];
	v20 =	vmul.f32 v54, v45;
	v24 =	vmul.f32 v55, v46  }
0x19c: {  	v61 =	vld [tilespmem:s21+$0xFA20];
	v26 =	vadd.f32 v26, v23;
	v28 =	vadd.f32 v62, v28  }
0x19d: {  	v63 =	vld [tilespmem:s21+$0xFA30];
	v25 =	vadd.f32 v27, v25;
	v20 =	vadd.f32 v24, v20  }
0x19e: {  	v45 =	vld [tilespmem:s21+$0xFA50]  }
0x19f: {  	v46 =	vld [tilespmem:s21+$0xFA60];
	v26 =	vadd.f32 v28, v26;
	v20 =	vadd.f32 v20, v25;
	v48, _, _ =	vpop (xrf2)  }
0x1a0: {  	v47 =	vld [tilespmem:s21+$0xFA70];
	[tilespmem:v43+s15+$0x0] =	vst.idx.msk vm0, v48  }
0x1a1: {  	v23 =	vmul.f32 v0, v23;
	v20 =	vadd.f32 v20, v26;
	v49 =	vld [tilespmem:s21+$0xAA80]  }
0x1a2: {  	v27 =	vld [tilespmem:s21+$0xAA90]  }
0x1a3: {  	v20 =	vsub.f32 v23, v20;
	v50 =	vld [tilespmem:s21+$0xAAA0]  }
0x1a4: {  	v51 =	vld [tilespmem:s21+$0xAAB0]  }
0x1a5: {  	v52 =	vld [tilespmem:s21+$0xAAC0];
	(xrf2) =	vadd.scan.msk.f32 $0xffff, v20  }
0x1a6: {  	v34 =	vld [tilespmem:s21+$0xAAD0]  }
0x1a7: {  	v53 =	vld [tilespmem:s21+$0xAAE0]  }
0x1a8: {  	v18 =	vmul.f32 v59, v18;
	v22 =	vmul.f32 v60, v57;
	v54 =	vld [tilespmem:s21+$0xAAF0]  }
0x1a9: {  	v19 =	vmul.f32 v44, v19;
	v21 =	vmul.f32 v61, v58;
	v55 =	vld [tilespmem:s21+$0xFA80]  }
0x1aa: {  	v30 =	vmul.f32 v63, v30;
	v29 =	vmul.f32 v45, v31;
	v56 =	vld [tilespmem:s21+$0xFA90]  }
0x1ab: {  	v59 =	vor.u32 s22, v4;
	v17 =	vmul.f32 v46, v17;
	v24 =	vmul.f32 v47, v35;
	v57 =	vld [tilespmem:s21+$0xFAA0]  }
0x1ac: {  	v22 =	vadd.f32 v22, v18;
	v21 =	vadd.f32 v30, v21;
	v58 =	vld [tilespmem:s21+$0xFAB0]  }
0x1ad: {  	v19 =	vadd.f32 v29, v19;
	v17 =	vadd.f32 v24, v17;
	v60 =	vld [tilespmem:s21+$0xFAC0]  }
0x1ae: {  	v61 =	vld [tilespmem:s21+$0xFAD0]  }
0x1af: {  	v21 =	vadd.f32 v21, v22;
	v17 =	vadd.f32 v17, v19;
	v62 =	vld [tilespmem:s21+$0xFAE0];
	v44, _, _ =	vpop (xrf2)  }
0x1b0: {  	v63 =	vld [tilespmem:s21+$0xFAF0];
	[tilespmem:v59+s15+$0x0] =	vst.idx.msk vm0, v44  }
0x1b1: {  	v18 =	vmul.f32 v0, v18;
	v17 =	vadd.f32 v17, v21;
	v19 =	vld [tilespmem:s21+$0xAB00]  }
0x1b2: {  	v45 =	vld [tilespmem:s21+$0xAB10]  }
0x1b3: {  	v17 =	vsub.f32 v18, v17;
	v46 =	vld [tilespmem:s21+$0xAB20]  }
0x1b4: {  	v29 =	vld [tilespmem:s21+$0xAB30]  }
0x1b5: {  	(xrf2) =	vadd.scan.msk.f32 $0xffff, v17;
	v18 =	vld [tilespmem:s21+$0xAB40]  }
0x1b6: {  	v35 =	vld [tilespmem:s21+$0xAB50]  }
0x1b7: {  	v17 =	vld [tilespmem:s21+$0xAB60]  }
0x1b8: {  	v25 =	vmul.f32 v55, v49;
	v27 =	vmul.f32 v56, v27;
	v36 =	vld [tilespmem:s21+$0xAB70]  }
0x1b9: {  	v26 =	vmul.f32 v57, v50;
	v28 =	vmul.f32 v58, v51;
	v40 =	vld [tilespmem:s21+$0xFB00]  }
0x1ba: {  	v23 =	vmul.f32 v60, v52;
	v51 =	vmul.f32 v61, v34;
	v47 =	vld [tilespmem:s21+$0xFB10]  }
0x1bb: {  	v50 =	vor.u32 s22, v5;
	v20 =	vmul.f32 v62, v53;
	v24 =	vmul.f32 v63, v54;
	v48 =	vld [tilespmem:s21+$0xFB20]  }
0x1bc: {  	v27 =	vadd.f32 v27, v25;
	v26 =	vadd.f32 v28, v26;
	v49 =	vld [tilespmem:s21+$0xFB30]  }
0x1bd: {  	v23 =	vadd.f32 v51, v23;
	v20 =	vadd.f32 v24, v20;
	v52 =	vld [tilespmem:s21+$0xFB40]  }
0x1be: {  	v53 =	vld [tilespmem:s21+$0xFB50]  }
0x1bf: {  	v26 =	vadd.f32 v26, v27;
	v20 =	vadd.f32 v20, v23;
	v54 =	vld [tilespmem:s21+$0xFB60];
	v56, _, _ =	vpop (xrf2)  }
0x1c0: {  	v55 =	vld [tilespmem:s21+$0xFB70];
	[tilespmem:v50+s15+$0x0] =	vst.idx.msk vm0, v56  }
0x1c1: {  	v25 =	vmul.f32 v0, v25;
	v20 =	vadd.f32 v20, v26;
	v57 =	vld [tilespmem:s21+$0xAB80]  }
0x1c2: {  	v58 =	vld [tilespmem:s21+$0xAB90]  }
0x1c3: {  	v20 =	vsub.f32 v25, v20;
	v59 =	vld [tilespmem:s21+$0xABA0]  }
0x1c4: {  	v31 =	vld [tilespmem:s21+$0xABB0]  }
0x1c5: {  	(xrf2) =	vadd.scan.msk.f32 $0xffff, v20;
	v25 =	vld [tilespmem:s21+$0xABC0]  }
0x1c6: {  	v60 =	vld [tilespmem:s21+$0xABD0]  }
0x1c7: {  	v61 =	vld [tilespmem:s21+$0xABE0]  }
0x1c8: {  	v62 =	vld [tilespmem:s21+$0xABF0];
	v19 =	vmul.f32 v40, v19;
	v22 =	vmul.f32 v47, v45  }
0x1c9: {  	v38 =	vld [tilespmem:s21+$0xFB80];
	v21 =	vmul.f32 v48, v46;
	v29 =	vmul.f32 v49, v29  }
0x1ca: {  	v63 =	vld [tilespmem:s21+$0xFB90];
	v18 =	vmul.f32 v52, v18;
	v30 =	vmul.f32 v53, v35  }
0x1cb: {  	v45 =	vld [tilespmem:s21+$0xFBA0];
	v47 =	vor.u32 s22, v6;
	v17 =	vmul.f32 v54, v17;
	v24 =	vmul.f32 v55, v36  }
0x1cc: {  	v46 =	vld [tilespmem:s21+$0xFBB0];
	v22 =	vadd.f32 v22, v19;
	v21 =	vadd.f32 v29, v21  }
0x1cd: {  	v48 =	vld [tilespmem:s21+$0xFBC0];
	v18 =	vadd.f32 v30, v18;
	v17 =	vadd.f32 v24, v17  }
0x1ce: {  	v49 =	vld [tilespmem:s21+$0xFBD0]  }
0x1cf: {  	v50 =	vld [tilespmem:s21+$0xFBE0];
	v21 =	vadd.f32 v21, v22;
	v17 =	vadd.f32 v17, v18;
	v52, _, _ =	vpop (xrf2)  }
0x1d0: {  	v51 =	vld [tilespmem:s21+$0xFBF0];
	[tilespmem:v47+s15+$0x0] =	vst.idx.msk vm0, v52  }
0x1d1: {  	v19 =	vmul.f32 v0, v19;
	v17 =	vadd.f32 v17, v21;
	v18 =	vld [tilespmem:s21+$0xAC00]  }
0x1d2: {  	v53 =	vld [tilespmem:s21+$0xAC10]  }
0x1d3: {  	v17 =	vsub.f32 v19, v17;
	v54 =	vld [tilespmem:s21+$0xAC20]  }
0x1d4: {  	v30 =	vld [tilespmem:s21+$0xAC30]  }
0x1d5: {  	v19 =	vld [tilespmem:s21+$0xAC40];
	(xrf2) =	vadd.scan.msk.f32 $0xffff, v17  }
0x1d6: {  	v55 =	vld [tilespmem:s21+$0xAC50]  }
0x1d7: {  	v17 =	vld [tilespmem:s21+$0xAC60]  }
0x1d8: {  	v23 =	vmul.f32 v38, v57;
	v27 =	vmul.f32 v63, v58;
	v36 =	vld [tilespmem:s21+$0xAC70]  }
0x1d9: {  	v26 =	vmul.f32 v45, v59;
	v31 =	vmul.f32 v46, v31;
	v39 =	vld [tilespmem:s21+$0xFC00]  }
0x1da: {  	v25 =	vmul.f32 v48, v25;
	v28 =	vmul.f32 v49, v60;
	v56 =	vld [tilespmem:s21+$0xFC10]  }
0x1db: {  	v59 =	vor.u32 s22, v7;
	v20 =	vmul.f32 v50, v61;
	v24 =	vmul.f32 v51, v62;
	v57 =	vld [tilespmem:s21+$0xFC20]  }
0x1dc: {  	v27 =	vadd.f32 v27, v23;
	v26 =	vadd.f32 v31, v26;
	v58 =	vld [tilespmem:s21+$0xFC30]  }
0x1dd: {  	v25 =	vadd.f32 v28, v25;
	v20 =	vadd.f32 v24, v20;
	v60 =	vld [tilespmem:s21+$0xFC40]  }
0x1de: {  	v61 =	vld [tilespmem:s21+$0xFC50]  }
0x1df: {  	v26 =	vadd.f32 v26, v27;
	v20 =	vadd.f32 v20, v25;
	v62 =	vld [tilespmem:s21+$0xFC60];
	v44, _, _ =	vpop (xrf2)  }
0x1e0: {  	v63 =	vld [tilespmem:s21+$0xFC70];
	[tilespmem:v59+s15+$0x0] =	vst.idx.msk vm0, v44  }
0x1e1: {  	v23 =	vmul.f32 v0, v23;
	v20 =	vadd.f32 v20, v26;
	v45 =	vld [tilespmem:s21+$0xAC80]  }
0x1e2: {  	v46 =	vld [tilespmem:s21+$0xAC90]  }
0x1e3: {  	v20 =	vsub.f32 v23, v20;
	v47 =	vld [tilespmem:s21+$0xACA0]  }
0x1e4: {  	v28 =	vld [tilespmem:s21+$0xACB0]  }
0x1e5: {  	(xrf2) =	vadd.scan.msk.f32 $0xffff, v20;
	v23 =	vld [tilespmem:s21+$0xACC0]  }
0x1e6: {  	v48 =	vld [tilespmem:s21+$0xACD0]  }
0x1e7: {  	v49 =	vld [tilespmem:s21+$0xACE0]  }
0x1e8: {  	v18 =	vmul.f32 v39, v18;
	v22 =	vmul.f32 v56, v53;
	v50 =	vld [tilespmem:s21+$0xACF0]  }
0x1e9: {  	v21 =	vmul.f32 v57, v54;
	v30 =	vmul.f32 v58, v30;
	v40 =	vld [tilespmem:s21+$0xFC80]  }
0x1ea: {  	v19 =	vmul.f32 v60, v19;
	v29 =	vmul.f32 v61, v55;
	v51 =	vld [tilespmem:s21+$0xFC90]  }
0x1eb: {  	v54 =	vor.u32 s22, v8;
	v17 =	vmul.f32 v62, v17;
	v24 =	vmul.f32 v63, v36;
	v52 =	vld [tilespmem:s21+$0xFCA0]  }
0x1ec: {  	v22 =	vadd.f32 v22, v18;
	v21 =	vadd.f32 v30, v21;
	v53 =	vld [tilespmem:s21+$0xFCB0]  }
0x1ed: {  	v19 =	vadd.f32 v29, v19;
	v17 =	vadd.f32 v24, v17;
	v55 =	vld [tilespmem:s21+$0xFCC0]  }
0x1ee: {  	v56 =	vld [tilespmem:s21+$0xFCD0]  }
0x1ef: {  	v21 =	vadd.f32 v21, v22;
	v17 =	vadd.f32 v17, v19;
	v57 =	vld [tilespmem:s21+$0xFCE0];
	v59, _, _ =	vpop (xrf2)  }
0x1f0: {  	v58 =	vld [tilespmem:s21+$0xFCF0];
	[tilespmem:v54+s15+$0x0] =	vst.idx.msk vm0, v59  }
0x1f1: {  	v18 =	vmul.f32 v0, v18;
	v17 =	vadd.f32 v17, v21;
	v19 =	vld [tilespmem:s21+$0xAD00]  }
0x1f2: {  	v60 =	vld [tilespmem:s21+$0xAD10]  }
0x1f3: {  	v17 =	vsub.f32 v18, v17;
	v61 =	vld [tilespmem:s21+$0xAD20]  }
0x1f4: {  	v29 =	vld [tilespmem:s21+$0xAD30]  }
0x1f5: {  	(xrf2) =	vadd.scan.msk.f32 $0xffff, v17;
	v18 =	vld [tilespmem:s21+$0xAD40]  }
0x1f6: {  	v62 =	vld [tilespmem:s21+$0xAD50]  }
0x1f7: {  	v17 =	vld [tilespmem:s21+$0xAD60]  }
0x1f8: {  	v36 =	vld [tilespmem:s21+$0xAD70];
	v25 =	vmul.f32 v40, v45;
	v27 =	vmul.f32 v51, v46  }
0x1f9: {  	v38 =	vld [tilespmem:s21+$0xFD00];
	v26 =	vmul.f32 v52, v47;
	v28 =	vmul.f32 v53, v28  }
0x1fa: {  	v63 =	vld [tilespmem:s21+$0xFD10];
	v23 =	vmul.f32 v55, v23;
	v31 =	vmul.f32 v56, v48  }
0x1fb: {  	v45 =	vld [tilespmem:s21+$0xFD20];
	v47 =	vor.u32 s22, v9;
	v20 =	vmul.f32 v57, v49;
	v24 =	vmul.f32 v58, v50  }
0x1fc: {  	v46 =	vld [tilespmem:s21+$0xFD30];
	v27 =	vadd.f32 v27, v25;
	v26 =	vadd.f32 v28, v26  }
0x1fd: {  	v48 =	vld [tilespmem:s21+$0xFD40];
	v23 =	vadd.f32 v31, v23;
	v20 =	vadd.f32 v24, v20  }
0x1fe: {  	v49 =	vld [tilespmem:s21+$0xFD50]  }
0x1ff: {  	v50 =	vld [tilespmem:s21+$0xFD60];
	v26 =	vadd.f32 v26, v27;
	v20 =	vadd.f32 v20, v23;
	v52, _, _ =	vpop (xrf2)  }
0x200: {  	v51 =	vld [tilespmem:s21+$0xFD70];
	[tilespmem:v47+s15+$0x0] =	vst.idx.msk vm0, v52  }
0x201: {  	v25 =	vmul.f32 v0, v25;
	v20 =	vadd.f32 v20, v26;
	v53 =	vld [tilespmem:s21+$0xAD80]  }
0x202: {  	v54 =	vld [tilespmem:s21+$0xAD90]  }
0x203: {  	v20 =	vsub.f32 v25, v20;
	v55 =	vld [tilespmem:s21+$0xADA0]  }
0x204: {  	v31 =	vld [tilespmem:s21+$0xADB0]  }
0x205: {  	v25 =	vld [tilespmem:s21+$0xADC0];
	(xrf2) =	vadd.scan.msk.f32 $0xffff, v20  }
0x206: {  	v56 =	vld [tilespmem:s21+$0xADD0]  }
0x207: {  	v20 =	vld [tilespmem:s21+$0xADE0]  }
0x208: {  	v19 =	vmul.f32 v38, v19;
	v22 =	vmul.f32 v63, v60;
	v57 =	vld [tilespmem:s21+$0xADF0]  }
0x209: {  	v21 =	vmul.f32 v45, v61;
	v29 =	vmul.f32 v46, v29;
	v39 =	vld [tilespmem:s21+$0xFD80]  }
0x20a: {  	v18 =	vmul.f32 v48, v18;
	v30 =	vmul.f32 v49, v62;
	v58 =	vld [tilespmem:s21+$0xFD90]  }
0x20b: {  	v61 =	vor.u32 s22, v10;
	v17 =	vmul.f32 v50, v17;
	v24 =	vmul.f32 v51, v36;
	v59 =	vld [tilespmem:s21+$0xFDA0]  }
0x20c: {  	v22 =	vadd.f32 v22, v19;
	v21 =	vadd.f32 v29, v21;
	v60 =	vld [tilespmem:s21+$0xFDB0]  }
0x20d: {  	v18 =	vadd.f32 v30, v18;
	v17 =	vadd.f32 v24, v17;
	v62 =	vld [tilespmem:s21+$0xFDC0]  }
0x20e: {  	v63 =	vld [tilespmem:s21+$0xFDD0]  }
0x20f: {  	v21 =	vadd.f32 v21, v22;
	v17 =	vadd.f32 v17, v18;
	v45 =	vld [tilespmem:s21+$0xFDE0];
	v47, _, _ =	vpop (xrf2)  }
0x210: {  	v46 =	vld [tilespmem:s21+$0xFDF0];
	[tilespmem:v61+s15+$0x0] =	vst.idx.msk vm0, v47  }
0x211: {  	v19 =	vmul.f32 v0, v19;
	v17 =	vadd.f32 v17, v21;
	v18 =	vld [tilespmem:s21+$0xAE00]  }
0x212: {  	v48 =	vld [tilespmem:s21+$0xAE10]  }
0x213: {  	v17 =	vsub.f32 v19, v17;
	v49 =	vld [tilespmem:s21+$0xAE20]  }
0x214: {  	v30 =	vld [tilespmem:s21+$0xAE30]  }
0x215: {  	(xrf2) =	vadd.scan.msk.f32 $0xffff, v17;
	v19 =	vld [tilespmem:s21+$0xAE40]  }
0x216: {  	v50 =	vld [tilespmem:s21+$0xAE50]  }
0x217: {  	v17 =	vld [tilespmem:s21+$0xAE60]  }
0x218: {  	v23 =	vmul.f32 v39, v53;
	v27 =	vmul.f32 v58, v54;
	v51 =	vld [tilespmem:s21+$0xAE70]  }
0x219: {  	v26 =	vmul.f32 v59, v55;
	v31 =	vmul.f32 v60, v31;
	v40 =	vld [tilespmem:s21+$0xFE00]  }
0x21a: {  	v25 =	vmul.f32 v62, v25;
	v28 =	vmul.f32 v63, v56;
	v52 =	vld [tilespmem:s21+$0xFE10]  }
0x21b: {  	v55 =	vor.u32 s22, v11;
	v20 =	vmul.f32 v45, v20;
	v24 =	vmul.f32 v46, v57;
	v53 =	vld [tilespmem:s21+$0xFE20]  }
0x21c: {  	v27 =	vadd.f32 v27, v23;
	v26 =	vadd.f32 v31, v26;
	v54 =	vld [tilespmem:s21+$0xFE30]  }
0x21d: {  	v25 =	vadd.f32 v28, v25;
	v20 =	vadd.f32 v24, v20;
	v56 =	vld [tilespmem:s21+$0xFE40]  }
0x21e: {  	v57 =	vld [tilespmem:s21+$0xFE50]  }
0x21f: {  	v26 =	vadd.f32 v26, v27;
	v20 =	vadd.f32 v20, v25;
	v58 =	vld [tilespmem:s21+$0xFE60];
	v60, _, _ =	vpop (xrf2)  }
0x220: {  	v59 =	vld [tilespmem:s21+$0xFE70];
	[tilespmem:v55+s15+$0x0] =	vst.idx.msk vm0, v60  }
0x221: {  	v23 =	vmul.f32 v0, v23;
	v20 =	vadd.f32 v20, v26;
	v25 =	vld [tilespmem:s21+$0xAE80]  }
0x222: {  	v27 =	vld [tilespmem:s21+$0xAE90]  }
0x223: {  	v20 =	vsub.f32 v23, v20;
	v26 =	vld [tilespmem:s21+$0xAEA0]  }
0x224: {  	v28 =	vld [tilespmem:s21+$0xAEB0]  }
0x225: {  	(xrf2) =	vadd.scan.msk.f32 $0xffff, v20;
	v23 =	vld [tilespmem:s21+$0xAEC0]  }
0x226: {  	v34 =	vld [tilespmem:s21+$0xAED0]  }
0x227: {  	v20 =	vld [tilespmem:s21+$0xAEE0]  }
0x228: {  	v37 =	vld [tilespmem:s21+$0xAEF0];
	v18 =	vmul.f32 v40, v18;
	v22 =	vmul.f32 v52, v48  }
0x229: {  	v38 =	vld [tilespmem:s21+$0xFE80];
	v21 =	vmul.f32 v53, v49;
	v30 =	vmul.f32 v54, v30  }
0x22a: {  	v61 =	vld [tilespmem:s21+$0xFE90];
	v19 =	vmul.f32 v56, v19;
	v29 =	vmul.f32 v57, v50  }
0x22b: {  	v62 =	vor.u32 s22, v12;
	v40 =	vld [tilespmem:s21+$0xFEA0];
	v17 =	vmul.f32 v58, v17;
	v24 =	vmul.f32 v59, v51  }
0x22c: {  	v33 =	vld [tilespmem:s21+$0xFEB0];
	v22 =	vadd.f32 v22, v18;
	v21 =	vadd.f32 v30, v21  }
0x22d: {  	v32 =	vld [tilespmem:s21+$0xFEC0];
	v19 =	vadd.f32 v29, v19;
	v17 =	vadd.f32 v24, v17  }
0x22e: {  	v63 =	vld [tilespmem:s21+$0xFED0]  }
0x22f: {  	v30 =	vld [tilespmem:s21+$0xFEE0];
	v21 =	vadd.f32 v21, v22;
	v17 =	vadd.f32 v17, v19;
	v56, _, _ =	vpop (xrf2)  }
0x230: {  	v24 =	vld [tilespmem:s21+$0xFEF0];
	[tilespmem:v62+s15+$0x0] =	vst.idx.msk vm0, v56  }
0x231: {  	v18 =	vmul.f32 v0, v18;
	v17 =	vadd.f32 v17, v21;
	v19 =	vld [tilespmem:s21+$0xAF00]  }
0x232: {  	v22 =	vld [tilespmem:s21+$0xAF10]  }
0x233: {  	v17 =	vsub.f32 v18, v17;
	v57 =	vld [tilespmem:s21+$0xAF20]  }
0x234: {  	v29 =	vld [tilespmem:s21+$0xAF30]  }
0x235: {  	v18 =	vld [tilespmem:s21+$0xAF40];
	(xrf2) =	vadd.scan.msk.f32 $0xffff, v17  }
0x236: {  	v58 =	vld [tilespmem:s21+$0xAF50]  }
0x237: {  	v17 =	vld [tilespmem:s21+$0xAF60]  }
0x238: {  	v59 =	vld [tilespmem:s21+$0xAF70]  }
0x239: {  	v39 =	vld [tilespmem:s21+$0xFF00]  }
0x23a: {  	v60 =	vld [tilespmem:s21+$0xFF10]  }
0x23b: {  	v45 =	vor.u32 s22, v13;
	v43 =	vld [tilespmem:s21+$0xFF20]  }
0x23c: {  	v44 =	vld [tilespmem:s21+$0xFF30]  }
0x23d: {  	v46 =	vld [tilespmem:s21+$0xFF40]  }
0x23e: {  	v47 =	vld [tilespmem:s21+$0xFF50]  }
0x23f: {  	v48 =	vld [tilespmem:s21+$0xFF60];
	v50, _, _ =	vpop (xrf2)  }
0x240: {  	v49 =	vld [tilespmem:s21+$0xFF70];
	[tilespmem:v45+s15+$0x0] =	vst.idx.msk vm0, v50  }
0x241: {  	v45 =	vld [tilespmem:s21+$0xAF80]  }
0x242: {  	v50 =	vld [tilespmem:s21+$0xAF90]  }
0x243: {  	v51 =	vld [tilespmem:s21+$0xAFA0]  }
0x244: {  	v52 =	vld [tilespmem:s21+$0xAFB0]  }
0x245: {  	v53 =	vld [tilespmem:s21+$0xAFC0]  }
0x246: {  	v54 =	vld [tilespmem:s21+$0xAFD0]  }
0x247: {  	v55 =	vld [tilespmem:s21+$0xAFE0]  }
0x248: {  	v25 =	vmul.f32 v38, v25;
	v27 =	vmul.f32 v61, v27;
	v61 =	vld [tilespmem:s21+$0xAFF0]  }
0x249: {  	v26 =	vmul.f32 v40, v26;
	v28 =	vmul.f32 v33, v28;
	v62 =	vld [tilespmem:s21+$0xFF80]  }
0x24a: {  	v23 =	vmul.f32 v32, v23;
	v31 =	vmul.f32 v63, v34;
	v63 =	vld [tilespmem:s21+$0xFF90]  }
0x24b: {  	v20 =	vmul.f32 v30, v20;
	v24 =	vmul.f32 v24, v37;
	v37 =	vld [tilespmem:s21+$0xFFA0]  }
0x24c: {  	v26 =	vadd.f32 v28, v26;
	v27 =	vadd.f32 v27, v25;
	v40 =	vld [tilespmem:s21+$0xFFB0]  }
0x24d: {  	v23 =	vadd.f32 v31, v23;
	v20 =	vadd.f32 v24, v20;
	v41 =	vld [tilespmem:s21+$0xFFC0]  }
0x24e: {  	v26 =	vadd.f32 v26, v27;
	v19 =	vmul.f32 v39, v19;
	v22 =	vmul.f32 v60, v22;
	v42 =	vld [tilespmem:s21+$0xFFD0]  }
0x24f: {  	v20 =	vadd.f32 v20, v23;
	v21 =	vmul.f32 v43, v57;
	v43 =	vmul.f32 v44, v29;
	v44 =	vld [tilespmem:s21+$0xFFE0]  }
0x250: {  	v18 =	vmul.f32 v46, v18;
	v46 =	vmul.f32 v47, v58;
	v47 =	vld [tilespmem:s21+$0xFFF0]  }
0x251: {  	v20 =	vadd.f32 v20, v26;
	v17 =	vmul.f32 v48, v17;
	v48 =	vmul.f32 v49, v59  }
0x252: {  	v21 =	vadd.f32 v43, v21;
	v49 =	vmul.f32 v62, v45;
	v32 =	vmul.f32 v63, v50  }
0x253: {  	v18 =	vadd.f32 v46, v18;
	v30 =	vmul.f32 v37, v51;
	v28 =	vmul.f32 v40, v52  }
0x254: {  	v17 =	vadd.f32 v48, v17;
	v24 =	vmul.f32 v41, v53;
	v56 =	vmul.f32 v42, v54  }
0x255: {  	v22 =	vadd.f32 v22, v19;
	v57 =	vmul.f32 v44, v55;
	v58 =	vmul.f32 v47, v61  }
0x256: {  	v28 =	vadd.f32 v28, v30;
	v24 =	vadd.f32 v56, v24  }
0x257: {  	v59 =	vadd.f32 v58, v57;
	v60 =	vadd.f32 v32, v49  }
0x258: {  	v21 =	vadd.f32 v21, v22;
	v17 =	vadd.f32 v17, v18  }
0x259: {  	v62 =	vmul.f32 v0, v25;
	v18 =	vadd.f32 v28, v60;
	v61 =	vadd.f32 v59, v24  }
0x25a: {  	v19 =	vmul.f32 v0, v19;
	v17 =	vadd.f32 v17, v21  }
0x25b: {  	v20 =	vsub.f32 v62, v20;
	v63 =	vmul.f32 v0, v49;
	v18 =	vadd.f32 v61, v18  }
0x25c: {  	v17 =	vsub.f32 v19, v17  }
0x25d: {  	(xrf2) =	vadd.scan.msk.f32 $0xffff, v20;
	v18 =	vsub.f32 v63, v18  }
0x25e: {  	(xrf2) =	vadd.scan.msk.f32 $0xffff, v17  }
0x25f: {  	(xrf2) =	vadd.scan.msk.f32 $0xffff, v18;
	_ =	sdelay $0x3  }
0x260: {  	v17 =	vor.u32 s22, v14  }
0x261: {  	v18 =	vor.u32 s22, v15  }
0x262: {  	p0 =	sne.s32 s20, $0x4;
	v19 =	vor.u32 s22, v16  }
.Ltmp6:
0x263: {  	_ = 	snop;
	(pc) =	sbr.rel @p0 .LBB2_6-.Ltmp6, $4  }
0x264: {  	v20, _, _ =	vpop (xrf2)  }
0x265: {  	[tilespmem:v17+s15+$0x0] =	vst.idx.msk vm0, v20;
	v17, _, _ =	vpop (xrf2)  }
0x266: {  	[tilespmem:v18+s15+$0x0] =	vst.idx.msk vm0, v17;
	v17, _, _ =	vpop (xrf2)  }
0x267: {  	s20 =	sadd.s32 $0x1, s20;
	[tilespmem:v19+s15+$0x0] =	vst.idx.msk vm0, v17  }
.Ltmp7:
0x268: {  	_ = 	snop;
	(pc) =	sbr.rel .LBB2_7-.Ltmp7, $1  }
0x269: {  	_ =	sdelay $0x3  }
.LBB2_9:
0x26a: {  	_ =	sfence.sel $0x180000  }
0x26b: {  	[bflag:$0x0] =	sbarrier.arrive $0xFFFF  }
0x26c: {  	p0 =	sne.s32 s1, $0x0;
	_ =	strace $0x90000047  }
0x26d: {  	s0 =	sadd.s32 @!p0 $0x100000, s0;
	[bflag:$0x2] =	sbarrier.arrive $0xFFFF  }
0x26e: {  	[sflag:s0] =	ssyncadd.tile.s32 @!p0 $0x1;
	_ =	shalt  }
.Lfunc_end2:
_tile_overlayer_lowered:
.L_overlay_start_2:
0x26f: {  	(tag) =	ssettag $0x2  }
0x270: {  	s0 =	rddreg [dreg:$0x0];
	s2 =	stileid.u32  }
0x271: {  	s1 =	rddreg [dreg:$0x1];
	p0 =	sne.s32 s2, $0x0  }
0x272: {  	s3 =	rddreg [dreg:$0x2];
	[bflag:$0x3] =	sbarrier.arrive $0xFFFF;
	s2 =	simm.s32 @!p0 $0x1C05  }
0x273: {  	[timem:s3], [sflag:s2] =	dma.local @!p0 [hbm:s0], s1  }
0x274: {  	s0 =	simm.s32 @!p0 $0x5  }
0x275: {  	_ =	swait.ge @!p0 [sflag:s0], s1  }
0x276: {  	s1 =	ssub.s32 @!p0 $0x0, s1;
	[sflag:s0] =	ssyncset.done @!p0 $0x0  }
0x277: {  	[sflag:s0] =	ssyncadd.s32 @!p0 s1  }
0x278: {  	[bflag:$0x3] =	sbarrier.arrive $0xFFFF  }
0x279: {  	_ =	shalt  }

</sc_bundles>
